<compile_context>
chip_gen: v7x
topology: tpu7x:2x2x1
jax: 0.10.2.dev20260603
libtpu: 0.0.44.dev20260713+nightly
codegen_flags: <defaults>
</compile_context>

<pallas_src>
import functools

import jax
import jax.numpy as jnp
from jax import lax
from jax.experimental import pallas as pl
from jax.experimental.pallas import tpu as pltpu
from jax.experimental.pallas import tpu_sc as plsc

L = 2048
H = 12
DM = 768
DT = 64
NUM = 100
BL = 64


def _proj_body(x_ref, w_ref, b_ref, o_ref):
    o_ref[...] = lax.dot_general(
        x_ref[...], w_ref[...], (((1,), (1,)), ((), ())),
        preferred_element_type=jnp.float32) + b_ref[...]


def _project(x, w, b):
    return pl.pallas_call(
        _proj_body,
        out_shape=jax.ShapeDtypeStruct((L, DM), jnp.float32),
    )(x, w, b)


_CR = 8
_CL = 8


def _masks(shape, j, k, asc_parity):
    lane = lax.broadcasted_iota(jnp.int32, shape, 2)
    low = lane & j
    is_lower = low == 0
    if k is None:
        if asc_parity is None:
            take_max = jnp.logical_not(is_lower)
        else:
            blk = lax.broadcasted_iota(jnp.int32, shape, 1)
            take_max = jnp.logical_xor(is_lower, (blk & 1) == 1)
    else:
        blk = lax.broadcasted_iota(jnp.int32, shape, 1)
        asc = jnp.logical_xor((lane & k) != 0, (blk & 1) == 1)
        take_max = jnp.logical_xor(is_lower, asc)
    return is_lower, take_max


def _cx(v, ix, j, is_lower, take_max):
    w = jnp.where(is_lower, jnp.roll(v, -j, axis=-1), jnp.roll(v, j, axis=-1))
    nv = jnp.where(take_max, jnp.maximum(v, w), jnp.minimum(v, w))
    pix = jnp.where(is_lower, jnp.roll(ix, -j, axis=-1), jnp.roll(ix, j, axis=-1))
    nix = jnp.where(nv == v, ix, pix)
    return nv, nix


def _topk100_asc_idx(p):
    r = p.shape[0]
    nb = 16
    v = p.reshape(r, nb, 128)
    lane = lax.broadcasted_iota(jnp.int32, (r, nb, 128), 2)
    blk = lax.broadcasted_iota(jnp.int32, (r, nb, 128), 1)
    ix = lane + 128 * blk
    k = 2
    while k <= 128:
        j = k // 2
        while j >= 1:
            is_lower, asc = _masks((r, nb, 128), j, k, 0)
            v, ix = _cx(v, ix, j, is_lower, asc)
            j //= 2
        k *= 2
    while nb > 1:
        v4 = v.reshape(r, nb // 2, 2, 128)
        ix4 = ix.reshape(r, nb // 2, 2, 128)
        t = v4[:, :, 0, :] >= v4[:, :, 1, :]
        v = jnp.where(t, v4[:, :, 0, :], v4[:, :, 1, :])
        ix = jnp.where(t, ix4[:, :, 0, :], ix4[:, :, 1, :])
        nb //= 2
        j = 64
        while j >= 1:
            is_lower, asc = _masks((r, nb, 128), j, None,
                                   0 if nb > 1 else None)
            v, ix = _cx(v, ix, j, is_lower, asc)
            j //= 2
    return ix[:, 0, 128 - NUM:]


def _score_topk_body(q_ref, k_ref, o_ref, p_ref):
    for h in range(H):
        p_ref[h] = lax.dot_general(
            q_ref[h], k_ref[h], (((1,), (0,)), ((), ())),
            preferred_element_type=jnp.float32) * 0.125

    def softmax_step(c, _):
        s = p_ref[:, pl.ds(c * _CL, _CL), :]
        m = jnp.max(s, axis=0, keepdims=True)
        e = jnp.exp(s - m)
        p_ref[:, pl.ds(c * _CL, _CL), :] = e / jnp.sum(e, axis=0, keepdims=True)
        return ()

    lax.fori_loop(0, BL // _CL, softmax_step, (), unroll=False)

    chunks_per_h = BL // _CR

    def topk_step(c, _):
        h = c // chunks_per_h
        l0 = (c % chunks_per_h) * _CR
        pc = p_ref[h, pl.ds(l0, _CR), :]
        idx = _topk100_asc_idx(pc)
        o_ref[h, pl.ds(l0, _CR), :] = idx + 2048 * h
        return ()

    lax.fori_loop(0, H * chunks_per_h, topk_step, (), unroll=False)


def _score_topk(qh, kt):
    return pl.pallas_call(
        _score_topk_body,
        grid=(L // BL,),
        in_specs=[
            pl.BlockSpec((H, BL, DT), lambda i: (0, i, 0)),
            pl.BlockSpec((H, DT, L), lambda i: (0, 0, 0)),
        ],
        out_specs=pl.BlockSpec((H, BL, NUM), lambda i: (0, i, 0)),
        out_shape=jax.ShapeDtypeStruct((H, L, NUM), jnp.int32),
        scratch_shapes=[pltpu.VMEM((H, BL, L), jnp.float32)],
    )(qh, kt)


_NROW = H * L * NUM
_NCHUNK = _NROW // 128
_FIRE = 4


def _pad_body(x_ref, o_ref):
    o_ref[:, :DT] = x_ref[...]
    o_ref[:, DT:] = jnp.zeros_like(o_ref[:, DT:])


def _pad_table(v2):
    return pl.pallas_call(
        _pad_body,
        out_shape=jax.ShapeDtypeStruct((H * L, 128), jnp.float32),
    )(v2)


_NC = 2
_NS = 16


def _make_gather():
    nw = _NC * _NS
    chunks_per_w = _NCHUNK // nw
    iters = chunks_per_w // _FIRE
    mesh = plsc.VectorSubcoreMesh(core_axis_name="c", subcore_axis_name="s")

    @functools.partial(
        pl.kernel, mesh=mesh,
        out_type=jax.ShapeDtypeStruct((_NCHUNK, 128, 128), jnp.float32),
        scratch_types=[
            pltpu.VMEM((_FIRE, 128), jnp.int32),
            pltpu.VMEM((_FIRE, 128, 128), jnp.float32),
            pltpu.SemaphoreType.DMA,
        ],
    )
    def gather(table_hbm, idx_hbm, out_hbm, idx_v, rows_v, sem):
        wid = lax.axis_index("s") * _NC + lax.axis_index("c")
        base = wid * chunks_per_w

        def step(t, _):
            row0 = base + t * _FIRE
            pltpu.sync_copy(idx_hbm.at[pl.ds(row0, _FIRE)], idx_v)
            cps = [
                pltpu.async_copy(table_hbm.at[idx_v.at[c]], rows_v.at[c], sem)
                for c in range(_FIRE)
            ]
            for cp in cps:
                cp.wait()
            pltpu.sync_copy(rows_v, out_hbm.at[pl.ds(row0, _FIRE)])
            return ()

        lax.fori_loop(0, iters, step, (), unroll=False)

    return gather


_gather_fn = None


def _gather(table, idx2d):
    global _gather_fn
    if _gather_fn is None:
        _gather_fn = _make_gather()
    return _gather_fn(table, idx2d)


_BM = 1024


def _out_body(g_ref, w_ref, b_ref, o_ref):
    gv = g_ref[...]
    acc = jnp.broadcast_to(b_ref[...], (_BM, DM))
    for j in range(H):
        acc = acc + lax.dot_general(
            gv[:, j, :DT], w_ref[j], (((1,), (0,)), ((), ())),
            preferred_element_type=jnp.float32)
    o_ref[...] = acc


def _out_matmul(g3, wstack, b):
    m = g3.shape[0]
    return pl.pallas_call(
        _out_body,
        grid=(m // _BM,),
        in_specs=[
            pl.BlockSpec((_BM, H, 128), lambda i: (i, 0, 0)),
            pl.BlockSpec((H, DT, DM), lambda i: (0, 0, 0)),
            pl.BlockSpec((1, DM), lambda i: (0, 0)),
        ],
        out_specs=pl.BlockSpec((_BM, DM), lambda i: (i, 0)),
        out_shape=jax.ShapeDtypeStruct((m, DM), jnp.float32),
    )(g3, wstack, b)


def kernel(q, k, v, W_q, b_q, W_k, b_k, W_v, b_v, W_c, b_c):
    q2, k2, v2 = q[:, 0, :], k[:, 0, :], v[:, 0, :]
    qp = _project(q2, W_q, b_q.reshape(1, DM))
    kp = _project(k2, W_k, b_k.reshape(1, DM))
    vp = _project(v2, W_v, b_v.reshape(1, DM))
    g_idx = _score_topk(qp.reshape(H, L, DT), kp.reshape(H, DT, L))
    table = _pad_table(vp.reshape(H * L, DT))
    g3 = _gather(table, g_idx.reshape(_NCHUNK, 128))
    wstack = W_c.T.reshape(H, DT, DM)
    out2d = _out_matmul(g3.reshape(L * NUM, H, 128), wstack,
                        b_c.reshape(1, DM))
    return out2d.reshape(1, L, NUM, DM)

# --- scband reference (transcript-rebuilt; emitter-appended) ---
"""Pipeline reference for scband-multi-head-attention-75419625717957 (READ-ONLY COPY).

The authoritative reference and input builder live on the scoring server;
editing this copy changes nothing except your own understanding.
"""

import jax, jax.numpy as jnp
import numpy as np

D_MODEL = 768
N_HEAD = 12
NUM = 100
L = 2048
B = 1


def setup_inputs(seed: int = 0) -> dict:
    key = jax.random.key(seed)
    ks = jax.random.split(key, 11)
    s = 1.0 / np.sqrt(D_MODEL)
    inp = {
        "q": jax.random.normal(ks[0], (L, B, D_MODEL), dtype=jnp.float32),
        "k": jax.random.normal(ks[1], (L, B, D_MODEL), dtype=jnp.float32),
        "v": jax.random.normal(ks[2], (L, B, D_MODEL), dtype=jnp.float32),
        "W_q": jax.random.normal(ks[3], (D_MODEL, D_MODEL), dtype=jnp.float32) * s,
        "b_q": jnp.zeros((D_MODEL,), dtype=jnp.float32),
        "W_k": jax.random.normal(ks[4], (D_MODEL, D_MODEL), dtype=jnp.float32) * s,
        "b_k": jnp.zeros((D_MODEL,), dtype=jnp.float32),
        "W_v": jax.random.normal(ks[5], (D_MODEL, D_MODEL), dtype=jnp.float32) * s,
        "b_v": jnp.zeros((D_MODEL,), dtype=jnp.float32),
        "W_c": jax.random.normal(ks[6], (D_MODEL, D_MODEL), dtype=jnp.float32) * s,
        "b_c": jnp.zeros((D_MODEL,), dtype=jnp.float32),
    }
    return inp


def reference(q, k, v, W_q, b_q, W_k, b_k, W_v, b_v, W_c, b_c):
    # permute (1,0,2): [L, B, D] -> [B, L, D]
    q = jnp.transpose(q, (1, 0, 2))
    k = jnp.transpose(k, (1, 0, 2))
    v = jnp.transpose(v, (1, 0, 2))
    # torch Linear: y = x @ W.T + b
    q = q @ W_q.T + b_q
    k = k @ W_k.T + b_k
    v = v @ W_v.T + b_v
    batch, length, d_model = q.shape
    d_tensor = d_model // N_HEAD
    # split: plain view/reshape (NOT a transpose), faithful to the torch code
    q = q.reshape(batch, N_HEAD, length, d_tensor)
    k = k.reshape(batch, N_HEAD, length, d_tensor)
    v = v.reshape(batch, N_HEAD, length, d_tensor)
    # k_t: plain view to [B, H, d_tensor, L] (NOT a transpose), faithful
    k_t = k.reshape(batch, N_HEAD, d_tensor, length)
    score = (q @ k_t) / np.sqrt(d_tensor)
    # torch nn.Softmax() with implicit dim: for 4D input torch picks dim=1
    score = jax.nn.softmax(score, axis=1)
    # threshold: indices of the NUM largest entries per row (ascending by value),
    # equivalent to item.sort()[1][-NUM:]
    idx = jnp.argsort(score, axis=-1)[..., -NUM:]  # [B, H, L, NUM] int
    # extract: gather rows of v per index -> [B, H, L, NUM, d_tensor]
    gathered = jnp.take_along_axis(v[:, :, None, :, :], idx[:, :, :, :, None], axis=3)
    # concat: plain view of [B, H, L, NUM, d_t] to [B, L, NUM, H*d_t]
    out = gathered.reshape(batch, length, NUM, N_HEAD * d_tensor)
    out = out @ W_c.T + b_c
    return out

if __name__ == "__main__":
    import jax
    _d = setup_inputs()
    print(jax.jit(kernel)(*tuple(_d.values())))

</pallas_src>

<mosaic_0001>
#map = affine_map<(d0, d1) -> (0, 0)>
#map1 = affine_map<(d0, d1) -> (0, 0, 0)>
module attributes {stable_mosaic.version = 14 : i64} {
  func.func @gather(%arg0: i32, %arg1: i32, %arg2: memref<24576x128xf32, #tpu.memory_space<hbm>>, %arg3: memref<19200x128xi32, #tpu.memory_space<hbm>>, %arg4: memref<19200x128x128xf32, #tpu.memory_space<hbm>>, %arg5: memref<4x128xi32, #tpu.memory_space<vmem>>, %arg6: memref<4x128x128xf32, #tpu.memory_space<vmem>>, %arg7: memref<!tpu.dma_semaphore, #tpu.memory_space<semaphore_mem>>) attributes {dimension_semantics = [#tpu.dimension_semantics<core_parallel>, #tpu.dimension_semantics<subcore_parallel>], iteration_bounds = array<i64: 2, 16>, scalar_prefetch = 0 : i64, scratch_operands = 3 : i64, tpu.core_type = #tpu.core_type<sc_vector_subcore>, window_params = [{transform_indices = #map}, {transform_indices = #map}, {transform_indices = #map1}]} {
    %mul3A = arith.constant 2 : i32
    %mul3A_0 = arith.muli %arg1, %mul3A : i32
    %add3A = arith.addi %mul3A_0, %arg0 : i32
    %mul3A_1 = arith.constant 600 : i32
    %mul3A_2 = arith.muli %add3A, %mul3A_1 : i32
    %scan3A = arith.constant 0 : i32
    %scan3A_3 = arith.constant 150 : i32
    %scan3A_4 = arith.addi %scan3A, %scan3A_3 : i32
    %scan3A_5 = arith.constant 1 : i32
    scf.for %scan3A_7 = %scan3A to %scan3A_4 step %scan3A_5  : i32 {
      %mul3A_8 = arith.constant 4 : i32
      %mul3A_9 = arith.muli %scan3A_7, %mul3A_8 : i32
      %add3A_10 = arith.addi %mul3A_2, %mul3A_9 : i32
      "tpu.region"() ({
        %run_scoped3A = tpu.sem_alloc : memref<!tpu.dma_semaphore, #tpu.memory_space<semaphore_mem>>
        %dma_start3A_105 = arith.constant 0 : i32
        %dma_start3A_106 = tpu.memref_slice %arg3[%add3A_10, %dma_start3A_105] : memref<19200x128xi32, #tpu.memory_space<hbm>> -> memref<4x128xi32, #tpu.memory_space<hbm>>
        %dma_start3A_107 = arith.constant 0 : i32
        %dma_start3A_108 = tpu.memref_slice %arg3[%add3A_10, %dma_start3A_107] : memref<19200x128xi32, #tpu.memory_space<hbm>> -> memref<4x128xi32, #tpu.memory_space<hbm>>
        tpu.enqueue_dma source(%dma_start3A_108 : memref<4x128xi32, #tpu.memory_space<hbm>>) target(%arg5 : memref<4x128xi32, #tpu.memory_space<vmem>>) target_semaphore(%run_scoped3A : memref<!tpu.dma_semaphore, #tpu.memory_space<semaphore_mem>>)
        %dma_wait3A_109 = arith.constant 0 : i32
        %dma_wait3A_110 = tpu.memref_slice %arg3[%add3A_10, %dma_wait3A_109] : memref<19200x128xi32, #tpu.memory_space<hbm>> -> memref<4x128xi32, #tpu.memory_space<hbm>>
        %dma_wait3A_111 = arith.constant 0 : i32
        %dma_wait3A_112 = tpu.memref_slice %arg3[%add3A_10, %dma_wait3A_111] : memref<19200x128xi32, #tpu.memory_space<hbm>> -> memref<4x128xi32, #tpu.memory_space<hbm>>
        tpu.wait_dma2 semaphore(%run_scoped3A : memref<!tpu.dma_semaphore, #tpu.memory_space<semaphore_mem>>) src(%dma_wait3A_112 : memref<4x128xi32, #tpu.memory_space<hbm>>) dst(%arg5 : memref<4x128xi32, #tpu.memory_space<vmem>>)
        tpu.yield
      }) : () -> ()
      %dma_start3A = arith.constant 0 : i32
      %dma_start3A_11 = arith.constant 0 : i32
      %dma_start3A_12 = arith.constant 0 : i32
      %dma_start3A_13 = arith.constant 0 : i32
      %dma_start3A_14 = tpu.memref_slice %arg6[%dma_start3A_11, %dma_start3A_12, %dma_start3A_13] : memref<4x128x128xf32, #tpu.memory_space<vmem>> -> memref<1x128x128xf32, #tpu.memory_space<vmem>>
      %dma_start3A_15 = tpu.memref_squeeze %dma_start3A_14 : memref<1x128x128xf32, #tpu.memory_space<vmem>> -> memref<128x128xf32, #tpu.memory_space<vmem>>
      %dma_start3A_16 = arith.constant 0 : i32
      %dma_start3A_17 = tpu.memref_slice %arg5[%dma_start3A, %dma_start3A_16] : memref<4x128xi32, #tpu.memory_space<vmem>> -> memref<1x128xi32, #tpu.memory_space<vmem>>
      %dma_start3A_18 = tpu.memref_squeeze %dma_start3A_17 : memref<1x128xi32, #tpu.memory_space<vmem>> -> memref<128xi32, #tpu.memory_space<vmem>>
      %dma_start3A_19 = arith.constant 0 : i32
      %dma_start3A_20 = arith.constant 0 : i32
      %dma_start3A_21 = tpu.memref_slice %arg2[%dma_start3A_19, %dma_start3A_20] : memref<24576x128xf32, #tpu.memory_space<hbm>> -> memref<24576x128xf32, #tpu.memory_space<hbm>>
      tpu.enqueue_indirect_dma source(%dma_start3A_21 : memref<24576x128xf32, #tpu.memory_space<hbm>>) target(%dma_start3A_15 : memref<128x128xf32, #tpu.memory_space<vmem>>) offsets(%dma_start3A_18 : memref<128xi32, #tpu.memory_space<vmem>>) semaphore(%arg7 : memref<!tpu.dma_semaphore, #tpu.memory_space<semaphore_mem>>)
      %dma_start3A_22 = arith.constant 1 : i32
      %dma_start3A_23 = arith.constant 1 : i32
      %dma_start3A_24 = arith.constant 0 : i32
      %dma_start3A_25 = arith.constant 0 : i32
      %dma_start3A_26 = tpu.memref_slice %arg6[%dma_start3A_23, %dma_start3A_24, %dma_start3A_25] : memref<4x128x128xf32, #tpu.memory_space<vmem>> -> memref<1x128x128xf32, #tpu.memory_space<vmem>>
      %dma_start3A_27 = tpu.memref_squeeze %dma_start3A_26 : memref<1x128x128xf32, #tpu.memory_space<vmem>> -> memref<128x128xf32, #tpu.memory_space<vmem>>
      %dma_start3A_28 = arith.constant 0 : i32
      %dma_start3A_29 = tpu.memref_slice %arg5[%dma_start3A_22, %dma_start3A_28] : memref<4x128xi32, #tpu.memory_space<vmem>> -> memref<1x128xi32, #tpu.memory_space<vmem>>
      %dma_start3A_30 = tpu.memref_squeeze %dma_start3A_29 : memref<1x128xi32, #tpu.memory_space<vmem>> -> memref<128xi32, #tpu.memory_space<vmem>>
      %dma_start3A_31 = arith.constant 0 : i32
      %dma_start3A_32 = arith.constant 0 : i32
      %dma_start3A_33 = tpu.memref_slice %arg2[%dma_start3A_31, %dma_start3A_32] : memref<24576x128xf32, #tpu.memory_space<hbm>> -> memref<24576x128xf32, #tpu.memory_space<hbm>>
      tpu.enqueue_indirect_dma source(%dma_start3A_33 : memref<24576x128xf32, #tpu.memory_space<hbm>>) target(%dma_start3A_27 : memref<128x128xf32, #tpu.memory_space<vmem>>) offsets(%dma_start3A_30 : memref<128xi32, #tpu.memory_space<vmem>>) semaphore(%arg7 : memref<!tpu.dma_semaphore, #tpu.memory_space<semaphore_mem>>)
      %dma_start3A_34 = arith.constant 2 : i32
      %dma_start3A_35 = arith.constant 2 : i32
      %dma_start3A_36 = arith.constant 0 : i32
      %dma_start3A_37 = arith.constant 0 : i32
      %dma_start3A_38 = tpu.memref_slice %arg6[%dma_start3A_35, %dma_start3A_36, %dma_start3A_37] : memref<4x128x128xf32, #tpu.memory_space<vmem>> -> memref<1x128x128xf32, #tpu.memory_space<vmem>>
      %dma_start3A_39 = tpu.memref_squeeze %dma_start3A_38 : memref<1x128x128xf32, #tpu.memory_space<vmem>> -> memref<128x128xf32, #tpu.memory_space<vmem>>
      %dma_start3A_40 = arith.constant 0 : i32
      %dma_start3A_41 = tpu.memref_slice %arg5[%dma_start3A_34, %dma_start3A_40] : memref<4x128xi32, #tpu.memory_space<vmem>> -> memref<1x128xi32, #tpu.memory_space<vmem>>
      %dma_start3A_42 = tpu.memref_squeeze %dma_start3A_41 : memref<1x128xi32, #tpu.memory_space<vmem>> -> memref<128xi32, #tpu.memory_space<vmem>>
      %dma_start3A_43 = arith.constant 0 : i32
      %dma_start3A_44 = arith.constant 0 : i32
      %dma_start3A_45 = tpu.memref_slice %arg2[%dma_start3A_43, %dma_start3A_44] : memref<24576x128xf32, #tpu.memory_space<hbm>> -> memref<24576x128xf32, #tpu.memory_space<hbm>>
      tpu.enqueue_indirect_dma source(%dma_start3A_45 : memref<24576x128xf32, #tpu.memory_space<hbm>>) target(%dma_start3A_39 : memref<128x128xf32, #tpu.memory_space<vmem>>) offsets(%dma_start3A_42 : memref<128xi32, #tpu.memory_space<vmem>>) semaphore(%arg7 : memref<!tpu.dma_semaphore, #tpu.memory_space<semaphore_mem>>)
      %dma_start3A_46 = arith.constant 3 : i32
      %dma_start3A_47 = arith.constant 3 : i32
      %dma_start3A_48 = arith.constant 0 : i32
      %dma_start3A_49 = arith.constant 0 : i32
      %dma_start3A_50 = tpu.memref_slice %arg6[%dma_start3A_47, %dma_start3A_48, %dma_start3A_49] : memref<4x128x128xf32, #tpu.memory_space<vmem>> -> memref<1x128x128xf32, #tpu.memory_space<vmem>>
      %dma_start3A_51 = tpu.memref_squeeze %dma_start3A_50 : memref<1x128x128xf32, #tpu.memory_space<vmem>> -> memref<128x128xf32, #tpu.memory_space<vmem>>
      %dma_start3A_52 = arith.constant 0 : i32
      %dma_start3A_53 = tpu.memref_slice %arg5[%dma_start3A_46, %dma_start3A_52] : memref<4x128xi32, #tpu.memory_space<vmem>> -> memref<1x128xi32, #tpu.memory_space<vmem>>
      %dma_start3A_54 = tpu.memref_squeeze %dma_start3A_53 : memref<1x128xi32, #tpu.memory_space<vmem>> -> memref<128xi32, #tpu.memory_space<vmem>>
      %dma_start3A_55 = arith.constant 0 : i32
      %dma_start3A_56 = arith.constant 0 : i32
      %dma_start3A_57 = tpu.memref_slice %arg2[%dma_start3A_55, %dma_start3A_56] : memref<24576x128xf32, #tpu.memory_space<hbm>> -> memref<24576x128xf32, #tpu.memory_space<hbm>>
      tpu.enqueue_indirect_dma source(%dma_start3A_57 : memref<24576x128xf32, #tpu.memory_space<hbm>>) target(%dma_start3A_51 : memref<128x128xf32, #tpu.memory_space<vmem>>) offsets(%dma_start3A_54 : memref<128xi32, #tpu.memory_space<vmem>>) semaphore(%arg7 : memref<!tpu.dma_semaphore, #tpu.memory_space<semaphore_mem>>)
      %dma_wait3A = arith.constant 0 : i32
      %dma_wait3A_58 = arith.constant 0 : i32
      %dma_wait3A_59 = arith.constant 0 : i32
      %dma_wait3A_60 = arith.constant 0 : i32
      %dma_wait3A_61 = tpu.memref_slice %arg6[%dma_wait3A_58, %dma_wait3A_59, %dma_wait3A_60] : memref<4x128x128xf32, #tpu.memory_space<vmem>> -> memref<1x128x128xf32, #tpu.memory_space<vmem>>
      %dma_wait3A_62 = tpu.memref_squeeze %dma_wait3A_61 : memref<1x128x128xf32, #tpu.memory_space<vmem>> -> memref<128x128xf32, #tpu.memory_space<vmem>>
      %dma_wait3A_63 = arith.constant 0 : i32
      %dma_wait3A_64 = tpu.memref_slice %arg5[%dma_wait3A, %dma_wait3A_63] : memref<4x128xi32, #tpu.memory_space<vmem>> -> memref<1x128xi32, #tpu.memory_space<vmem>>
      %dma_wait3A_65 = tpu.memref_squeeze %dma_wait3A_64 : memref<1x128xi32, #tpu.memory_space<vmem>> -> memref<128xi32, #tpu.memory_space<vmem>>
      %dma_wait3A_66 = arith.constant 0 : i32
      %dma_wait3A_67 = arith.constant 0 : i32
      %dma_wait3A_68 = tpu.memref_slice %arg2[%dma_wait3A_66, %dma_wait3A_67] : memref<24576x128xf32, #tpu.memory_space<hbm>> -> memref<24576x128xf32, #tpu.memory_space<hbm>>
      tpu.wait_indirect_dma semaphore(%arg7 : memref<!tpu.dma_semaphore, #tpu.memory_space<semaphore_mem>>) src(%dma_wait3A_68 : memref<24576x128xf32, #tpu.memory_space<hbm>>) dst(%dma_wait3A_62 : memref<128x128xf32, #tpu.memory_space<vmem>>)
      %dma_wait3A_69 = arith.constant 1 : i32
      %dma_wait3A_70 = arith.constant 1 : i32
      %dma_wait3A_71 = arith.constant 0 : i32
      %dma_wait3A_72 = arith.constant 0 : i32
      %dma_wait3A_73 = tpu.memref_slice %arg6[%dma_wait3A_70, %dma_wait3A_71, %dma_wait3A_72] : memref<4x128x128xf32, #tpu.memory_space<vmem>> -> memref<1x128x128xf32, #tpu.memory_space<vmem>>
      %dma_wait3A_74 = tpu.memref_squeeze %dma_wait3A_73 : memref<1x128x128xf32, #tpu.memory_space<vmem>> -> memref<128x128xf32, #tpu.memory_space<vmem>>
      %dma_wait3A_75 = arith.constant 0 : i32
      %dma_wait3A_76 = tpu.memref_slice %arg5[%dma_wait3A_69, %dma_wait3A_75] : memref<4x128xi32, #tpu.memory_space<vmem>> -> memref<1x128xi32, #tpu.memory_space<vmem>>
      %dma_wait3A_77 = tpu.memref_squeeze %dma_wait3A_76 : memref<1x128xi32, #tpu.memory_space<vmem>> -> memref<128xi32, #tpu.memory_space<vmem>>
      %dma_wait3A_78 = arith.constant 0 : i32
      %dma_wait3A_79 = arith.constant 0 : i32
      %dma_wait3A_80 = tpu.memref_slice %arg2[%dma_wait3A_78, %dma_wait3A_79] : memref<24576x128xf32, #tpu.memory_space<hbm>> -> memref<24576x128xf32, #tpu.memory_space<hbm>>
      tpu.wait_indirect_dma semaphore(%arg7 : memref<!tpu.dma_semaphore, #tpu.memory_space<semaphore_mem>>) src(%dma_wait3A_80 : memref<24576x128xf32, #tpu.memory_space<hbm>>) dst(%dma_wait3A_74 : memref<128x128xf32, #tpu.memory_space<vmem>>)
      %dma_wait3A_81 = arith.constant 2 : i32
      %dma_wait3A_82 = arith.constant 2 : i32
      %dma_wait3A_83 = arith.constant 0 : i32
      %dma_wait3A_84 = arith.constant 0 : i32
      %dma_wait3A_85 = tpu.memref_slice %arg6[%dma_wait3A_82, %dma_wait3A_83, %dma_wait3A_84] : memref<4x128x128xf32, #tpu.memory_space<vmem>> -> memref<1x128x128xf32, #tpu.memory_space<vmem>>
      %dma_wait3A_86 = tpu.memref_squeeze %dma_wait3A_85 : memref<1x128x128xf32, #tpu.memory_space<vmem>> -> memref<128x128xf32, #tpu.memory_space<vmem>>
      %dma_wait3A_87 = arith.constant 0 : i32
      %dma_wait3A_88 = tpu.memref_slice %arg5[%dma_wait3A_81, %dma_wait3A_87] : memref<4x128xi32, #tpu.memory_space<vmem>> -> memref<1x128xi32, #tpu.memory_space<vmem>>
      %dma_wait3A_89 = tpu.memref_squeeze %dma_wait3A_88 : memref<1x128xi32, #tpu.memory_space<vmem>> -> memref<128xi32, #tpu.memory_space<vmem>>
      %dma_wait3A_90 = arith.constant 0 : i32
      %dma_wait3A_91 = arith.constant 0 : i32
      %dma_wait3A_92 = tpu.memref_slice %arg2[%dma_wait3A_90, %dma_wait3A_91] : memref<24576x128xf32, #tpu.memory_space<hbm>> -> memref<24576x128xf32, #tpu.memory_space<hbm>>
      tpu.wait_indirect_dma semaphore(%arg7 : memref<!tpu.dma_semaphore, #tpu.memory_space<semaphore_mem>>) src(%dma_wait3A_92 : memref<24576x128xf32, #tpu.memory_space<hbm>>) dst(%dma_wait3A_86 : memref<128x128xf32, #tpu.memory_space<vmem>>)
      %dma_wait3A_93 = arith.constant 3 : i32
      %dma_wait3A_94 = arith.constant 3 : i32
      %dma_wait3A_95 = arith.constant 0 : i32
      %dma_wait3A_96 = arith.constant 0 : i32
      %dma_wait3A_97 = tpu.memref_slice %arg6[%dma_wait3A_94, %dma_wait3A_95, %dma_wait3A_96] : memref<4x128x128xf32, #tpu.memory_space<vmem>> -> memref<1x128x128xf32, #tpu.memory_space<vmem>>
      %dma_wait3A_98 = tpu.memref_squeeze %dma_wait3A_97 : memref<1x128x128xf32, #tpu.memory_space<vmem>> -> memref<128x128xf32, #tpu.memory_space<vmem>>
      %dma_wait3A_99 = arith.constant 0 : i32
      %dma_wait3A_100 = tpu.memref_slice %arg5[%dma_wait3A_93, %dma_wait3A_99] : memref<4x128xi32, #tpu.memory_space<vmem>> -> memref<1x128xi32, #tpu.memory_space<vmem>>
      %dma_wait3A_101 = tpu.memref_squeeze %dma_wait3A_100 : memref<1x128xi32, #tpu.memory_space<vmem>> -> memref<128xi32, #tpu.memory_space<vmem>>
      %dma_wait3A_102 = arith.constant 0 : i32
      %dma_wait3A_103 = arith.constant 0 : i32
      %dma_wait3A_104 = tpu.memref_slice %arg2[%dma_wait3A_102, %dma_wait3A_103] : memref<24576x128xf32, #tpu.memory_space<hbm>> -> memref<24576x128xf32, #tpu.memory_space<hbm>>
      tpu.wait_indirect_dma semaphore(%arg7 : memref<!tpu.dma_semaphore, #tpu.memory_space<semaphore_mem>>) src(%dma_wait3A_104 : memref<24576x128xf32, #tpu.memory_space<hbm>>) dst(%dma_wait3A_98 : memref<128x128xf32, #tpu.memory_space<vmem>>)
      "tpu.region"() ({
        %run_scoped3A = tpu.sem_alloc : memref<!tpu.dma_semaphore, #tpu.memory_space<semaphore_mem>>
        %dma_start3A_105 = arith.constant 0 : i32
        %dma_start3A_106 = arith.constant 0 : i32
        %dma_start3A_107 = tpu.memref_slice %arg4[%add3A_10, %dma_start3A_105, %dma_start3A_106] : memref<19200x128x128xf32, #tpu.memory_space<hbm>> -> memref<4x128x128xf32, #tpu.memory_space<hbm>>
        %dma_start3A_108 = arith.constant 0 : i32
        %dma_start3A_109 = arith.constant 0 : i32
        %dma_start3A_110 = tpu.memref_slice %arg4[%add3A_10, %dma_start3A_108, %dma_start3A_109] : memref<19200x128x128xf32, #tpu.memory_space<hbm>> -> memref<4x128x128xf32, #tpu.memory_space<hbm>>
        tpu.enqueue_dma source(%arg6 : memref<4x128x128xf32, #tpu.memory_space<vmem>>) target(%dma_start3A_110 : memref<4x128x128xf32, #tpu.memory_space<hbm>>) target_semaphore(%run_scoped3A : memref<!tpu.dma_semaphore, #tpu.memory_space<semaphore_mem>>)
        %dma_wait3A_111 = arith.constant 0 : i32
        %dma_wait3A_112 = arith.constant 0 : i32
        %dma_wait3A_113 = tpu.memref_slice %arg4[%add3A_10, %dma_wait3A_111, %dma_wait3A_112] : memref<19200x128x128xf32, #tpu.memory_space<hbm>> -> memref<4x128x128xf32, #tpu.memory_space<hbm>>
        %dma_wait3A_114 = arith.constant 0 : i32
        %dma_wait3A_115 = arith.constant 0 : i32
        %dma_wait3A_116 = tpu.memref_slice %arg4[%add3A_10, %dma_wait3A_114, %dma_wait3A_115] : memref<19200x128x128xf32, #tpu.memory_space<hbm>> -> memref<4x128x128xf32, #tpu.memory_space<hbm>>
        tpu.wait_dma2 semaphore(%run_scoped3A : memref<!tpu.dma_semaphore, #tpu.memory_space<semaphore_mem>>) src(%arg6 : memref<4x128x128xf32, #tpu.memory_space<vmem>>) dst(%dma_wait3A_116 : memref<4x128x128xf32, #tpu.memory_space<hbm>>)
        tpu.yield
      }) : () -> ()
    }
    %scan3A_6 = arith.constant 150 : i32
    return
  }
}

module attributes {stable_mosaic.version = 14 : i64} {
  func.func @_proj_body(%arg0: memref<2048x768xf32, #tpu.memory_space<vmem>>, %arg1: memref<768x768xf32, #tpu.memory_space<vmem>>, %arg2: memref<1x768xf32, #tpu.memory_space<vmem>>, %arg3: memref<2048x768xf32, #tpu.memory_space<vmem>>) attributes {dimension_semantics = [], scalar_prefetch = 0 : i64, scratch_operands = 0 : i64, tpu.core_type = #tpu.core_type<tc>} {
    %get3A = arith.constant 0 : index
    %get3A_0 = arith.constant 0 : index
    %get3A_1 = vector.load %arg0[%get3A, %get3A_0] : memref<2048x768xf32, #tpu.memory_space<vmem>>, vector<2048x768xf32>
    %get3A_2 = arith.constant 0 : index
    %get3A_3 = arith.constant 0 : index
    %get3A_4 = vector.load %arg1[%get3A_2, %get3A_3] : memref<768x768xf32, #tpu.memory_space<vmem>>, vector<768x768xf32>
    %dot_general3A = arith.constant dense<0.000000e+00> : vector<2048x768xf32>
    %dot_general3A_5 = tpu.matmul %get3A_1, %get3A_4, %dot_general3A {dimension_numbers = #tpu.dot_dimension_numbers<[1], [1], [0], [0], [0, 0, 1, 0], [], []>, transpose_lhs_hint = false} : vector<2048x768xf32>, vector<768x768xf32>, vector<2048x768xf32> -> vector<2048x768xf32>
    %get3A_6 = arith.constant 0 : index
    %get3A_7 = arith.constant 0 : index
    %get3A_8 = vector.load %arg2[%get3A_6, %get3A_7] : memref<1x768xf32, #tpu.memory_space<vmem>>, vector<1x768xf32>
    %add3A = vector.broadcast %get3A_8 : vector<1x768xf32> to vector<2048x768xf32>
    %add3A_9 = arith.addf %dot_general3A_5, %add3A : vector<2048x768xf32>
    %swap3A = arith.constant 0 : index
    %swap3A_10 = arith.constant 0 : index
    %swap3A_11 = vector.load %arg3[%swap3A, %swap3A_10] : memref<2048x768xf32, #tpu.memory_space<vmem>>, vector<2048x768xf32>
    tpu.vector_store %arg3[%swap3A, %swap3A_10], %add3A_9 {strides = array<i32>} : memref<2048x768xf32, #tpu.memory_space<vmem>>, vector<2048x768xf32>,
    return
  }
}

module attributes {stable_mosaic.version = 14 : i64} {
  func.func @_score_topk_body(%arg0: i32, %arg1: memref<12x64x64xf32, #tpu.memory_space<vmem>>, %arg2: memref<12x64x2048xf32, #tpu.memory_space<vmem>>, %arg3: memref<12x64x100xi32, #tpu.memory_space<vmem>>, %arg4: memref<12x64x2048xf32, #tpu.memory_space<vmem>>) attributes {dimension_semantics = [#tpu.dimension_semantics<arbitrary>], iteration_bounds = array<i64: 32>, scalar_prefetch = 0 : i64, scratch_operands = 1 : i64, tpu.core_type = #tpu.core_type<tc>, window_params = [{transform_indices = @transform_0, window_bounds = array<i64: 12, 64, 64>}, {pipeline_mode = #tpu.pipeline_mode<synchronous>, transform_indices = @transform_1, window_bounds = array<i64: 12, 64, 2048>}, {transform_indices = @transform_2, window_bounds = array<i64: 12, 64, 100>}]} {
    %get3A = arith.constant 0 : index
    %get3A_0 = arith.constant 0 : index
    %get3A_1 = arith.constant 0 : index
    %get3A_2 = vector.load %arg1[%get3A, %get3A_0, %get3A_1] : memref<12x64x64xf32, #tpu.memory_space<vmem>>, vector<1x64x64xf32>
    %get3A_3 = vector.shape_cast %get3A_2 : vector<1x64x64xf32> to vector<64x64xf32>
    %get3A_4 = arith.constant 0 : index
    %get3A_5 = arith.constant 0 : index
    %get3A_6 = arith.constant 0 : index
    %get3A_7 = vector.load %arg2[%get3A_4, %get3A_5, %get3A_6] : memref<12x64x2048xf32, #tpu.memory_space<vmem>>, vector<1x64x2048xf32>
    %get3A_8 = vector.shape_cast %get3A_7 : vector<1x64x2048xf32> to vector<64x2048xf32>
    %dot_general3A = arith.constant dense<0.000000e+00> : vector<64x2048xf32>
    %dot_general3A_9 = tpu.matmul %get3A_3, %get3A_8, %dot_general3A {dimension_numbers = #tpu.dot_dimension_numbers<[1], [0], [0], [1], [0, 0, 1, 1], [], []>, transpose_lhs_hint = false} : vector<64x64xf32>, vector<64x2048xf32>, vector<64x2048xf32> -> vector<64x2048xf32>
    %mul3A = arith.constant 1.250000e-01 : f32
    %mul3A_10 = vector.broadcast %mul3A : f32 to vector<64x2048xf32>
    %mul3A_11 = arith.mulf %dot_general3A_9, %mul3A_10 : vector<64x2048xf32>
    %swap3A = arith.constant 0 : index
    %swap3A_12 = arith.constant 0 : index
    %swap3A_13 = arith.constant 0 : index
    %swap3A_14 = vector.load %arg4[%swap3A, %swap3A_12, %swap3A_13] : memref<12x64x2048xf32, #tpu.memory_space<vmem>>, vector<1x64x2048xf32>
    %swap3A_15 = vector.shape_cast %swap3A_14 : vector<1x64x2048xf32> to vector<64x2048xf32>
    %swap3A_16 = vector.shape_cast %mul3A_11 : vector<64x2048xf32> to vector<1x64x2048xf32>
    tpu.vector_store %arg4[%swap3A, %swap3A_12, %swap3A_13], %swap3A_16 {strides = array<i32>} : memref<12x64x2048xf32, #tpu.memory_space<vmem>>, vector<1x64x2048xf32>,
    %get3A_17 = arith.constant 1 : index
    %get3A_18 = arith.constant 0 : index
    %get3A_19 = arith.constant 0 : index
    %get3A_20 = vector.load %arg1[%get3A_17, %get3A_18, %get3A_19] : memref<12x64x64xf32, #tpu.memory_space<vmem>>, vector<1x64x64xf32>
    %get3A_21 = vector.shape_cast %get3A_20 : vector<1x64x64xf32> to vector<64x64xf32>
    %get3A_22 = arith.constant 1 : index
    %get3A_23 = arith.constant 0 : index
    %get3A_24 = arith.constant 0 : index
    %get3A_25 = vector.load %arg2[%get3A_22, %get3A_23, %get3A_24] : memref<12x64x2048xf32, #tpu.memory_space<vmem>>, vector<1x64x2048xf32>
    %get3A_26 = vector.shape_cast %get3A_25 : vector<1x64x2048xf32> to vector<64x2048xf32>
    %dot_general3A_27 = arith.constant dense<0.000000e+00> : vector<64x2048xf32>
    %dot_general3A_28 = tpu.matmul %get3A_21, %get3A_26, %dot_general3A_27 {dimension_numbers = #tpu.dot_dimension_numbers<[1], [0], [0], [1], [0, 0, 1, 1], [], []>, transpose_lhs_hint = false} : vector<64x64xf32>, vector<64x2048xf32>, vector<64x2048xf32> -> vector<64x2048xf32>
    %mul3A_29 = arith.constant 1.250000e-01 : f32
    %mul3A_30 = vector.broadcast %mul3A_29 : f32 to vector<64x2048xf32>
    %mul3A_31 = arith.mulf %dot_general3A_28, %mul3A_30 : vector<64x2048xf32>
    %swap3A_32 = arith.constant 1 : index
    %swap3A_33 = arith.constant 0 : index
    %swap3A_34 = arith.constant 0 : index
    %swap3A_35 = vector.load %arg4[%swap3A_32, %swap3A_33, %swap3A_34] : memref<12x64x2048xf32, #tpu.memory_space<vmem>>, vector<1x64x2048xf32>
    %swap3A_36 = vector.shape_cast %swap3A_35 : vector<1x64x2048xf32> to vector<64x2048xf32>
    %swap3A_37 = vector.shape_cast %mul3A_31 : vector<64x2048xf32> to vector<1x64x2048xf32>
    tpu.vector_store %arg4[%swap3A_32, %swap3A_33, %swap3A_34], %swap3A_37 {strides = array<i32>} : memref<12x64x2048xf32, #tpu.memory_space<vmem>>, vector<1x64x2048xf32>,
    %get3A_38 = arith.constant 2 : index
    %get3A_39 = arith.constant 0 : index
    %get3A_40 = arith.constant 0 : index
    %get3A_41 = vector.load %arg1[%get3A_38, %get3A_39, %get3A_40] : memref<12x64x64xf32, #tpu.memory_space<vmem>>, vector<1x64x64xf32>
    %get3A_42 = vector.shape_cast %get3A_41 : vector<1x64x64xf32> to vector<64x64xf32>
    %get3A_43 = arith.constant 2 : index
    %get3A_44 = arith.constant 0 : index
    %get3A_45 = arith.constant 0 : index
    %get3A_46 = vector.load %arg2[%get3A_43, %get3A_44, %get3A_45] : memref<12x64x2048xf32, #tpu.memory_space<vmem>>, vector<1x64x2048xf32>
    %get3A_47 = vector.shape_cast %get3A_46 : vector<1x64x2048xf32> to vector<64x2048xf32>
    %dot_general3A_48 = arith.constant dense<0.000000e+00> : vector<64x2048xf32>
    %dot_general3A_49 = tpu.matmul %get3A_42, %get3A_47, %dot_general3A_48 {dimension_numbers = #tpu.dot_dimension_numbers<[1], [0], [0], [1], [0, 0, 1, 1], [], []>, transpose_lhs_hint = false} : vector<64x64xf32>, vector<64x2048xf32>, vector<64x2048xf32> -> vector<64x2048xf32>
    %mul3A_50 = arith.constant 1.250000e-01 : f32
    %mul3A_51 = vector.broadcast %mul3A_50 : f32 to vector<64x2048xf32>
    %mul3A_52 = arith.mulf %dot_general3A_49, %mul3A_51 : vector<64x2048xf32>
    %swap3A_53 = arith.constant 2 : index
    %swap3A_54 = arith.constant 0 : index
    %swap3A_55 = arith.constant 0 : index
    %swap3A_56 = vector.load %arg4[%swap3A_53, %swap3A_54, %swap3A_55] : memref<12x64x2048xf32, #tpu.memory_space<vmem>>, vector<1x64x2048xf32>
    %swap3A_57 = vector.shape_cast %swap3A_56 : vector<1x64x2048xf32> to vector<64x2048xf32>
    %swap3A_58 = vector.shape_cast %mul3A_52 : vector<64x2048xf32> to vector<1x64x2048xf32>
    tpu.vector_store %arg4[%swap3A_53, %swap3A_54, %swap3A_55], %swap3A_58 {strides = array<i32>} : memref<12x64x2048xf32, #tpu.memory_space<vmem>>, vector<1x64x2048xf32>,
    %get3A_59 = arith.constant 3 : index
    %get3A_60 = arith.constant 0 : index
    %get3A_61 = arith.constant 0 : index
    %get3A_62 = vector.load %arg1[%get3A_59, %get3A_60, %get3A_61] : memref<12x64x64xf32, #tpu.memory_space<vmem>>, vector<1x64x64xf32>
    %get3A_63 = vector.shape_cast %get3A_62 : vector<1x64x64xf32> to vector<64x64xf32>
    %get3A_64 = arith.constant 3 : index
    %get3A_65 = arith.constant 0 : index
    %get3A_66 = arith.constant 0 : index
    %get3A_67 = vector.load %arg2[%get3A_64, %get3A_65, %get3A_66] : memref<12x64x2048xf32, #tpu.memory_space<vmem>>, vector<1x64x2048xf32>
    %get3A_68 = vector.shape_cast %get3A_67 : vector<1x64x2048xf32> to vector<64x2048xf32>
    %dot_general3A_69 = arith.constant dense<0.000000e+00> : vector<64x2048xf32>
    %dot_general3A_70 = tpu.matmul %get3A_63, %get3A_68, %dot_general3A_69 {dimension_numbers = #tpu.dot_dimension_numbers<[1], [0], [0], [1], [0, 0, 1, 1], [], []>, transpose_lhs_hint = false} : vector<64x64xf32>, vector<64x2048xf32>, vector<64x2048xf32> -> vector<64x2048xf32>
    %mul3A_71 = arith.constant 1.250000e-01 : f32
    %mul3A_72 = vector.broadcast %mul3A_71 : f32 to vector<64x2048xf32>
    %mul3A_73 = arith.mulf %dot_general3A_70, %mul3A_72 : vector<64x2048xf32>
    %swap3A_74 = arith.constant 3 : index
    %swap3A_75 = arith.constant 0 : index
    %swap3A_76 = arith.constant 0 : index
    %swap3A_77 = vector.load %arg4[%swap3A_74, %swap3A_75, %swap3A_76] : memref<12x64x2048xf32, #tpu.memory_space<vmem>>, vector<1x64x2048xf32>
    %swap3A_78 = vector.shape_cast %swap3A_77 : vector<1x64x2048xf32> to vector<64x2048xf32>
    %swap3A_79 = vector.shape_cast %mul3A_73 : vector<64x2048xf32> to vector<1x64x2048xf32>
    tpu.vector_store %arg4[%swap3A_74, %swap3A_75, %swap3A_76], %swap3A_79 {strides = array<i32>} : memref<12x64x2048xf32, #tpu.memory_space<vmem>>, vector<1x64x2048xf32>,
    %get3A_80 = arith.constant 4 : index
    %get3A_81 = arith.constant 0 : index
    %get3A_82 = arith.constant 0 : index
    %get3A_83 = vector.load %arg1[%get3A_80, %get3A_81, %get3A_82] : memref<12x64x64xf32, #tpu.memory_space<vmem>>, vector<1x64x64xf32>
    %get3A_84 = vector.shape_cast %get3A_83 : vector<1x64x64xf32> to vector<64x64xf32>
    %get3A_85 = arith.constant 4 : index
    %get3A_86 = arith.constant 0 : index
    %get3A_87 = arith.constant 0 : index
    %get3A_88 = vector.load %arg2[%get3A_85, %get3A_86, %get3A_87] : memref<12x64x2048xf32, #tpu.memory_space<vmem>>, vector<1x64x2048xf32>
    %get3A_89 = vector.shape_cast %get3A_88 : vector<1x64x2048xf32> to vector<64x2048xf32>
    %dot_general3A_90 = arith.constant dense<0.000000e+00> : vector<64x2048xf32>
    %dot_general3A_91 = tpu.matmul %get3A_84, %get3A_89, %dot_general3A_90 {dimension_numbers = #tpu.dot_dimension_numbers<[1], [0], [0], [1], [0, 0, 1, 1], [], []>, transpose_lhs_hint = false} : vector<64x64xf32>, vector<64x2048xf32>, vector<64x2048xf32> -> vector<64x2048xf32>
    %mul3A_92 = arith.constant 1.250000e-01 : f32
    %mul3A_93 = vector.broadcast %mul3A_92 : f32 to vector<64x2048xf32>
    %mul3A_94 = arith.mulf %dot_general3A_91, %mul3A_93 : vector<64x2048xf32>
    %swap3A_95 = arith.constant 4 : index
    %swap3A_96 = arith.constant 0 : index
    %swap3A_97 = arith.constant 0 : index
    %swap3A_98 = vector.load %arg4[%swap3A_95, %swap3A_96, %swap3A_97] : memref<12x64x2048xf32, #tpu.memory_space<vmem>>, vector<1x64x2048xf32>
    %swap3A_99 = vector.shape_cast %swap3A_98 : vector<1x64x2048xf32> to vector<64x2048xf32>
    %swap3A_100 = vector.shape_cast %mul3A_94 : vector<64x2048xf32> to vector<1x64x2048xf32>
    tpu.vector_store %arg4[%swap3A_95, %swap3A_96, %swap3A_97], %swap3A_100 {strides = array<i32>} : memref<12x64x2048xf32, #tpu.memory_space<vmem>>, vector<1x64x2048xf32>,
    %get3A_101 = arith.constant 5 : index
    %get3A_102 = arith.constant 0 : index
    %get3A_103 = arith.constant 0 : index
    %get3A_104 = vector.load %arg1[%get3A_101, %get3A_102, %get3A_103] : memref<12x64x64xf32, #tpu.memory_space<vmem>>, vector<1x64x64xf32>
    %get3A_105 = vector.shape_cast %get3A_104 : vector<1x64x64xf32> to vector<64x64xf32>
    %get3A_106 = arith.constant 5 : index
    %get3A_107 = arith.constant 0 : index
    %get3A_108 = arith.constant 0 : index
    %get3A_109 = vector.load %arg2[%get3A_106, %get3A_107, %get3A_108] : memref<12x64x2048xf32, #tpu.memory_space<vmem>>, vector<1x64x2048xf32>
    %get3A_110 = vector.shape_cast %get3A_109 : vector<1x64x2048xf32> to vector<64x2048xf32>
    %dot_general3A_111 = arith.constant dense<0.000000e+00> : vector<64x2048xf32>
    %dot_general3A_112 = tpu.matmul %get3A_105, %get3A_110, %dot_general3A_111 {dimension_numbers = #tpu.dot_dimension_numbers<[1], [0], [0], [1], [0, 0, 1, 1], [], []>, transpose_lhs_hint = false} : vector<64x64xf32>, vector<64x2048xf32>, vector<64x2048xf32> -> vector<64x2048xf32>
    %mul3A_113 = arith.constant 1.250000e-01 : f32
    %mul3A_114 = vector.broadcast %mul3A_113 : f32 to vector<64x2048xf32>
    %mul3A_115 = arith.mulf %dot_general3A_112, %mul3A_114 : vector<64x2048xf32>
    %swap3A_116 = arith.constant 5 : index
    %swap3A_117 = arith.constant 0 : index
    %swap3A_118 = arith.constant 0 : index
    %swap3A_119 = vector.load %arg4[%swap3A_116, %swap3A_117, %swap3A_118] : memref<12x64x2048xf32, #tpu.memory_space<vmem>>, vector<1x64x2048xf32>
    %swap3A_120 = vector.shape_cast %swap3A_119 : vector<1x64x2048xf32> to vector<64x2048xf32>
    %swap3A_121 = vector.shape_cast %mul3A_115 : vector<64x2048xf32> to vector<1x64x2048xf32>
    tpu.vector_store %arg4[%swap3A_116, %swap3A_117, %swap3A_118], %swap3A_121 {strides = array<i32>} : memref<12x64x2048xf32, #tpu.memory_space<vmem>>, vector<1x64x2048xf32>,
    %get3A_122 = arith.constant 6 : index
    %get3A_123 = arith.constant 0 : index
    %get3A_124 = arith.constant 0 : index
    %get3A_125 = vector.load %arg1[%get3A_122, %get3A_123, %get3A_124] : memref<12x64x64xf32, #tpu.memory_space<vmem>>, vector<1x64x64xf32>
    %get3A_126 = vector.shape_cast %get3A_125 : vector<1x64x64xf32> to vector<64x64xf32>
    %get3A_127 = arith.constant 6 : index
    %get3A_128 = arith.constant 0 : index
    %get3A_129 = arith.constant 0 : index
    %get3A_130 = vector.load %arg2[%get3A_127, %get3A_128, %get3A_129] : memref<12x64x2048xf32, #tpu.memory_space<vmem>>, vector<1x64x2048xf32>
    %get3A_131 = vector.shape_cast %get3A_130 : vector<1x64x2048xf32> to vector<64x2048xf32>
    %dot_general3A_132 = arith.constant dense<0.000000e+00> : vector<64x2048xf32>
    %dot_general3A_133 = tpu.matmul %get3A_126, %get3A_131, %dot_general3A_132 {dimension_numbers = #tpu.dot_dimension_numbers<[1], [0], [0], [1], [0, 0, 1, 1], [], []>, transpose_lhs_hint = false} : vector<64x64xf32>, vector<64x2048xf32>, vector<64x2048xf32> -> vector<64x2048xf32>
    %mul3A_134 = arith.constant 1.250000e-01 : f32
    %mul3A_135 = vector.broadcast %mul3A_134 : f32 to vector<64x2048xf32>
    %mul3A_136 = arith.mulf %dot_general3A_133, %mul3A_135 : vector<64x2048xf32>
    %swap3A_137 = arith.constant 6 : index
    %swap3A_138 = arith.constant 0 : index
    %swap3A_139 = arith.constant 0 : index
    %swap3A_140 = vector.load %arg4[%swap3A_137, %swap3A_138, %swap3A_139] : memref<12x64x2048xf32, #tpu.memory_space<vmem>>, vector<1x64x2048xf32>
    %swap3A_141 = vector.shape_cast %swap3A_140 : vector<1x64x2048xf32> to vector<64x2048xf32>
    %swap3A_142 = vector.shape_cast %mul3A_136 : vector<64x2048xf32> to vector<1x64x2048xf32>
    tpu.vector_store %arg4[%swap3A_137, %swap3A_138, %swap3A_139], %swap3A_142 {strides = array<i32>} : memref<12x64x2048xf32, #tpu.memory_space<vmem>>, vector<1x64x2048xf32>,
    %get3A_143 = arith.constant 7 : index
    %get3A_144 = arith.constant 0 : index
    %get3A_145 = arith.constant 0 : index
    %get3A_146 = vector.load %arg1[%get3A_143, %get3A_144, %get3A_145] : memref<12x64x64xf32, #tpu.memory_space<vmem>>, vector<1x64x64xf32>
    %get3A_147 = vector.shape_cast %get3A_146 : vector<1x64x64xf32> to vector<64x64xf32>
    %get3A_148 = arith.constant 7 : index
    %get3A_149 = arith.constant 0 : index
    %get3A_150 = arith.constant 0 : index
    %get3A_151 = vector.load %arg2[%get3A_148, %get3A_149, %get3A_150] : memref<12x64x2048xf32, #tpu.memory_space<vmem>>, vector<1x64x2048xf32>
    %get3A_152 = vector.shape_cast %get3A_151 : vector<1x64x2048xf32> to vector<64x2048xf32>
    %dot_general3A_153 = arith.constant dense<0.000000e+00> : vector<64x2048xf32>
    %dot_general3A_154 = tpu.matmul %get3A_147, %get3A_152, %dot_general3A_153 {dimension_numbers = #tpu.dot_dimension_numbers<[1], [0], [0], [1], [0, 0, 1, 1], [], []>, transpose_lhs_hint = false} : vector<64x64xf32>, vector<64x2048xf32>, vector<64x2048xf32> -> vector<64x2048xf32>
    %mul3A_155 = arith.constant 1.250000e-01 : f32
    %mul3A_156 = vector.broadcast %mul3A_155 : f32 to vector<64x2048xf32>
    %mul3A_157 = arith.mulf %dot_general3A_154, %mul3A_156 : vector<64x2048xf32>
    %swap3A_158 = arith.constant 7 : index
    %swap3A_159 = arith.constant 0 : index
    %swap3A_160 = arith.constant 0 : index
    %swap3A_161 = vector.load %arg4[%swap3A_158, %swap3A_159, %swap3A_160] : memref<12x64x2048xf32, #tpu.memory_space<vmem>>, vector<1x64x2048xf32>
    %swap3A_162 = vector.shape_cast %swap3A_161 : vector<1x64x2048xf32> to vector<64x2048xf32>
    %swap3A_163 = vector.shape_cast %mul3A_157 : vector<64x2048xf32> to vector<1x64x2048xf32>
    tpu.vector_store %arg4[%swap3A_158, %swap3A_159, %swap3A_160], %swap3A_163 {strides = array<i32>} : memref<12x64x2048xf32, #tpu.memory_space<vmem>>, vector<1x64x2048xf32>,
    %get3A_164 = arith.constant 8 : index
    %get3A_165 = arith.constant 0 : index
    %get3A_166 = arith.constant 0 : index
    %get3A_167 = vector.load %arg1[%get3A_164, %get3A_165, %get3A_166] : memref<12x64x64xf32, #tpu.memory_space<vmem>>, vector<1x64x64xf32>
    %get3A_168 = vector.shape_cast %get3A_167 : vector<1x64x64xf32> to vector<64x64xf32>
    %get3A_169 = arith.constant 8 : index
    %get3A_170 = arith.constant 0 : index
    %get3A_171 = arith.constant 0 : index
    %get3A_172 = vector.load %arg2[%get3A_169, %get3A_170, %get3A_171] : memref<12x64x2048xf32, #tpu.memory_space<vmem>>, vector<1x64x2048xf32>
    %get3A_173 = vector.shape_cast %get3A_172 : vector<1x64x2048xf32> to vector<64x2048xf32>
    %dot_general3A_174 = arith.constant dense<0.000000e+00> : vector<64x2048xf32>
    %dot_general3A_175 = tpu.matmul %get3A_168, %get3A_173, %dot_general3A_174 {dimension_numbers = #tpu.dot_dimension_numbers<[1], [0], [0], [1], [0, 0, 1, 1], [], []>, transpose_lhs_hint = false} : vector<64x64xf32>, vector<64x2048xf32>, vector<64x2048xf32> -> vector<64x2048xf32>
    %mul3A_176 = arith.constant 1.250000e-01 : f32
    %mul3A_177 = vector.broadcast %mul3A_176 : f32 to vector<64x2048xf32>
    %mul3A_178 = arith.mulf %dot_general3A_175, %mul3A_177 : vector<64x2048xf32>
    %swap3A_179 = arith.constant 8 : index
    %swap3A_180 = arith.constant 0 : index
    %swap3A_181 = arith.constant 0 : index
    %swap3A_182 = vector.load %arg4[%swap3A_179, %swap3A_180, %swap3A_181] : memref<12x64x2048xf32, #tpu.memory_space<vmem>>, vector<1x64x2048xf32>
    %swap3A_183 = vector.shape_cast %swap3A_182 : vector<1x64x2048xf32> to vector<64x2048xf32>
    %swap3A_184 = vector.shape_cast %mul3A_178 : vector<64x2048xf32> to vector<1x64x2048xf32>
    tpu.vector_store %arg4[%swap3A_179, %swap3A_180, %swap3A_181], %swap3A_184 {strides = array<i32>} : memref<12x64x2048xf32, #tpu.memory_space<vmem>>, vector<1x64x2048xf32>,
    %get3A_185 = arith.constant 9 : index
    %get3A_186 = arith.constant 0 : index
    %get3A_187 = arith.constant 0 : index
    %get3A_188 = vector.load %arg1[%get3A_185, %get3A_186, %get3A_187] : memref<12x64x64xf32, #tpu.memory_space<vmem>>, vector<1x64x64xf32>
    %get3A_189 = vector.shape_cast %get3A_188 : vector<1x64x64xf32> to vector<64x64xf32>
    %get3A_190 = arith.constant 9 : index
    %get3A_191 = arith.constant 0 : index
    %get3A_192 = arith.constant 0 : index
    %get3A_193 = vector.load %arg2[%get3A_190, %get3A_191, %get3A_192] : memref<12x64x2048xf32, #tpu.memory_space<vmem>>, vector<1x64x2048xf32>
    %get3A_194 = vector.shape_cast %get3A_193 : vector<1x64x2048xf32> to vector<64x2048xf32>
    %dot_general3A_195 = arith.constant dense<0.000000e+00> : vector<64x2048xf32>
    %dot_general3A_196 = tpu.matmul %get3A_189, %get3A_194, %dot_general3A_195 {dimension_numbers = #tpu.dot_dimension_numbers<[1], [0], [0], [1], [0, 0, 1, 1], [], []>, transpose_lhs_hint = false} : vector<64x64xf32>, vector<64x2048xf32>, vector<64x2048xf32> -> vector<64x2048xf32>
    %mul3A_197 = arith.constant 1.250000e-01 : f32
    %mul3A_198 = vector.broadcast %mul3A_197 : f32 to vector<64x2048xf32>
    %mul3A_199 = arith.mulf %dot_general3A_196, %mul3A_198 : vector<64x2048xf32>
    %swap3A_200 = arith.constant 9 : index
    %swap3A_201 = arith.constant 0 : index
    %swap3A_202 = arith.constant 0 : index
    %swap3A_203 = vector.load %arg4[%swap3A_200, %swap3A_201, %swap3A_202] : memref<12x64x2048xf32, #tpu.memory_space<vmem>>, vector<1x64x2048xf32>
    %swap3A_204 = vector.shape_cast %swap3A_203 : vector<1x64x2048xf32> to vector<64x2048xf32>
    %swap3A_205 = vector.shape_cast %mul3A_199 : vector<64x2048xf32> to vector<1x64x2048xf32>
    tpu.vector_store %arg4[%swap3A_200, %swap3A_201, %swap3A_202], %swap3A_205 {strides = array<i32>} : memref<12x64x2048xf32, #tpu.memory_space<vmem>>, vector<1x64x2048xf32>,
    %get3A_206 = arith.constant 10 : index
    %get3A_207 = arith.constant 0 : index
    %get3A_208 = arith.constant 0 : index
    %get3A_209 = vector.load %arg1[%get3A_206, %get3A_207, %get3A_208] : memref<12x64x64xf32, #tpu.memory_space<vmem>>, vector<1x64x64xf32>
    %get3A_210 = vector.shape_cast %get3A_209 : vector<1x64x64xf32> to vector<64x64xf32>
    %get3A_211 = arith.constant 10 : index
    %get3A_212 = arith.constant 0 : index
    %get3A_213 = arith.constant 0 : index
    %get3A_214 = vector.load %arg2[%get3A_211, %get3A_212, %get3A_213] : memref<12x64x2048xf32, #tpu.memory_space<vmem>>, vector<1x64x2048xf32>
    %get3A_215 = vector.shape_cast %get3A_214 : vector<1x64x2048xf32> to vector<64x2048xf32>
    %dot_general3A_216 = arith.constant dense<0.000000e+00> : vector<64x2048xf32>
    %dot_general3A_217 = tpu.matmul %get3A_210, %get3A_215, %dot_general3A_216 {dimension_numbers = #tpu.dot_dimension_numbers<[1], [0], [0], [1], [0, 0, 1, 1], [], []>, transpose_lhs_hint = false} : vector<64x64xf32>, vector<64x2048xf32>, vector<64x2048xf32> -> vector<64x2048xf32>
    %mul3A_218 = arith.constant 1.250000e-01 : f32
    %mul3A_219 = vector.broadcast %mul3A_218 : f32 to vector<64x2048xf32>
    %mul3A_220 = arith.mulf %dot_general3A_217, %mul3A_219 : vector<64x2048xf32>
    %swap3A_221 = arith.constant 10 : index
    %swap3A_222 = arith.constant 0 : index
    %swap3A_223 = arith.constant 0 : index
    %swap3A_224 = vector.load %arg4[%swap3A_221, %swap3A_222, %swap3A_223] : memref<12x64x2048xf32, #tpu.memory_space<vmem>>, vector<1x64x2048xf32>
    %swap3A_225 = vector.shape_cast %swap3A_224 : vector<1x64x2048xf32> to vector<64x2048xf32>
    %swap3A_226 = vector.shape_cast %mul3A_220 : vector<64x2048xf32> to vector<1x64x2048xf32>
    tpu.vector_store %arg4[%swap3A_221, %swap3A_222, %swap3A_223], %swap3A_226 {strides = array<i32>} : memref<12x64x2048xf32, #tpu.memory_space<vmem>>, vector<1x64x2048xf32>,
    %get3A_227 = arith.constant 11 : index
    %get3A_228 = arith.constant 0 : index
    %get3A_229 = arith.constant 0 : index
    %get3A_230 = vector.load %arg1[%get3A_227, %get3A_228, %get3A_229] : memref<12x64x64xf32, #tpu.memory_space<vmem>>, vector<1x64x64xf32>
    %get3A_231 = vector.shape_cast %get3A_230 : vector<1x64x64xf32> to vector<64x64xf32>
    %get3A_232 = arith.constant 11 : index
    %get3A_233 = arith.constant 0 : index
    %get3A_234 = arith.constant 0 : index
    %get3A_235 = vector.load %arg2[%get3A_232, %get3A_233, %get3A_234] : memref<12x64x2048xf32, #tpu.memory_space<vmem>>, vector<1x64x2048xf32>
    %get3A_236 = vector.shape_cast %get3A_235 : vector<1x64x2048xf32> to vector<64x2048xf32>
    %dot_general3A_237 = arith.constant dense<0.000000e+00> : vector<64x2048xf32>
    %dot_general3A_238 = tpu.matmul %get3A_231, %get3A_236, %dot_general3A_237 {dimension_numbers = #tpu.dot_dimension_numbers<[1], [0], [0], [1], [0, 0, 1, 1], [], []>, transpose_lhs_hint = false} : vector<64x64xf32>, vector<64x2048xf32>, vector<64x2048xf32> -> vector<64x2048xf32>
    %mul3A_239 = arith.constant 1.250000e-01 : f32
    %mul3A_240 = vector.broadcast %mul3A_239 : f32 to vector<64x2048xf32>
    %mul3A_241 = arith.mulf %dot_general3A_238, %mul3A_240 : vector<64x2048xf32>
    %swap3A_242 = arith.constant 11 : index
    %swap3A_243 = arith.constant 0 : index
    %swap3A_244 = arith.constant 0 : index
    %swap3A_245 = vector.load %arg4[%swap3A_242, %swap3A_243, %swap3A_244] : memref<12x64x2048xf32, #tpu.memory_space<vmem>>, vector<1x64x2048xf32>
    %swap3A_246 = vector.shape_cast %swap3A_245 : vector<1x64x2048xf32> to vector<64x2048xf32>
    %swap3A_247 = vector.shape_cast %mul3A_241 : vector<64x2048xf32> to vector<1x64x2048xf32>
    tpu.vector_store %arg4[%swap3A_242, %swap3A_243, %swap3A_244], %swap3A_247 {strides = array<i32>} : memref<12x64x2048xf32, #tpu.memory_space<vmem>>, vector<1x64x2048xf32>,
    %scan3A = arith.constant 0 : i32
    %scan3A_248 = arith.constant 8 : i32
    %scan3A_249 = arith.addi %scan3A, %scan3A_248 : i32
    %scan3A_250 = arith.constant 1 : i32
    scf.for %scan3A_257 = %scan3A to %scan3A_249 step %scan3A_250  : i32 {
      %mul3A_258 = arith.constant 8 : i32
      %mul3A_259 = arith.muli %scan3A_257, %mul3A_258 : i32
      %get3A_260 = arith.constant 0 : index
      %get3A_261 = arith.index_cast %mul3A_259 : i32 to index
      %get3A_262 = arith.constant 0 : index
      %get3A_263 = vector.load %arg4[%get3A_260, %get3A_261, %get3A_262] : memref<12x64x2048xf32, #tpu.memory_space<vmem>>, vector<12x8x2048xf32>
      %reduce_max3A = arith.constant dense<0xFF800000> : vector<8x2048xf32>
      %reduce_max3A_264 = vector.multi_reduction <maximumf>, %get3A_263, %reduce_max3A [0] : vector<12x8x2048xf32> to vector<8x2048xf32>
      %broadcast_in_dim3A = vector.shape_cast %reduce_max3A_264 : vector<8x2048xf32> to vector<1x8x2048xf32>
      %sub3A = vector.broadcast %broadcast_in_dim3A : vector<1x8x2048xf32> to vector<12x8x2048xf32>
      %sub3A_265 = arith.subf %get3A_263, %sub3A : vector<12x8x2048xf32>
      %exp3A = math.exp %sub3A_265 : vector<12x8x2048xf32>
      %reduce_sum3A = arith.constant dense<0.000000e+00> : vector<8x2048xf32>
      %reduce_sum3A_266 = vector.multi_reduction <add>, %exp3A, %reduce_sum3A [0] : vector<12x8x2048xf32> to vector<8x2048xf32>
      %broadcast_in_dim3A_267 = vector.shape_cast %reduce_sum3A_266 : vector<8x2048xf32> to vector<1x8x2048xf32>
      %div3A = vector.broadcast %broadcast_in_dim3A_267 : vector<1x8x2048xf32> to vector<12x8x2048xf32>
      %div3A_268 = arith.divf %exp3A, %div3A : vector<12x8x2048xf32>
      %mul3A_269 = arith.constant 8 : i32
      %mul3A_270 = arith.muli %scan3A_257, %mul3A_269 : i32
      %swap3A_271 = arith.constant 0 : index
      %swap3A_272 = arith.index_cast %mul3A_270 : i32 to index
      %swap3A_273 = arith.constant 0 : index
      %swap3A_274 = vector.load %arg4[%swap3A_271, %swap3A_272, %swap3A_273] : memref<12x64x2048xf32, #tpu.memory_space<vmem>>, vector<12x8x2048xf32>
      tpu.vector_store %arg4[%swap3A_271, %swap3A_272, %swap3A_273], %div3A_268 {strides = array<i32>} : memref<12x64x2048xf32, #tpu.memory_space<vmem>>, vector<12x8x2048xf32>,
    }
    %scan3A_251 = arith.constant 8 : i32
    %scan3A_252 = arith.constant 0 : i32
    %scan3A_253 = arith.constant 96 : i32
    %scan3A_254 = arith.addi %scan3A_252, %scan3A_253 : i32
    %scan3A_255 = arith.constant 1 : i32
    scf.for %scan3A_257 = %scan3A_252 to %scan3A_254 step %scan3A_255  : i32 {
      %jit3A = arith.constant 8 : i32
      %div3A = arith.divsi %scan3A_257, %jit3A : i32
      %sign3A = arith.constant 0 : i32
      %sign3A_258 = arith.cmpi sgt, %scan3A_257, %sign3A : i32
      %sign3A_259 = arith.extui %sign3A_258 : i1 to i32
      %sign3A_260 = arith.constant 0 : i32
      %sign3A_261 = arith.cmpi slt, %scan3A_257, %sign3A_260 : i32
      %sign3A_262 = arith.extui %sign3A_261 : i1 to i32
      %sign3A_263 = arith.subi %sign3A_259, %sign3A_262 : i32
      %sign3A_264 = arith.constant 0 : i32
      %sign3A_265 = arith.cmpi sgt, %jit3A, %sign3A_264 : i32
      %sign3A_266 = arith.extui %sign3A_265 : i1 to i32
      %sign3A_267 = arith.constant 0 : i32
      %sign3A_268 = arith.cmpi slt, %jit3A, %sign3A_267 : i32
      %sign3A_269 = arith.extui %sign3A_268 : i1 to i32
      %sign3A_270 = arith.subi %sign3A_266, %sign3A_269 : i32
      %ne3A = arith.cmpi ne, %sign3A_263, %sign3A_270 : i32
      %rem3A = arith.remsi %scan3A_257, %jit3A : i32
      %ne3A_271 = arith.constant 0 : i32
      %ne3A_272 = arith.cmpi ne, %rem3A, %ne3A_271 : i32
      %and3A = arith.andi %ne3A, %ne3A_272 : i1
      %sub3A = arith.constant 1 : i32
      %sub3A_273 = arith.subi %div3A, %sub3A : i32
      %select_n3A = arith.select %and3A, %sub3A_273, %div3A : i32
      %jit3A_274 = arith.constant 8 : i32
      %eq3A = arith.constant 0 : i32
      %eq3A_275 = arith.cmpi eq, %jit3A_274, %eq3A : i32
      %jit3A_276 = arith.constant 1 : i32
      %select_n3A_277 = arith.select %eq3A_275, %jit3A_276, %jit3A_274 : i32
      %rem3A_278 = arith.remsi %scan3A_257, %select_n3A_277 : i32
      %ne3A_279 = arith.constant 0 : i32
      %ne3A_280 = arith.cmpi ne, %rem3A_278, %ne3A_279 : i32
      %lt3A = arith.constant 0 : i32
      %lt3A_281 = arith.cmpi slt, %rem3A_278, %lt3A : i32
      %lt3A_282 = arith.constant 0 : i32
      %lt3A_283 = arith.cmpi slt, %select_n3A_277, %lt3A_282 : i32
      %ne3A_284 = arith.xori %lt3A_281, %lt3A_283 : i1
      %and3A_285 = arith.andi %ne3A_284, %ne3A_280 : i1
      %add3A = arith.addi %rem3A_278, %select_n3A_277 : i32
      %select_n3A_286 = arith.select %and3A_285, %add3A, %rem3A_278 : i32
      %mul3A_287 = arith.constant 8 : i32
      %mul3A_288 = arith.muli %select_n3A_286, %mul3A_287 : i32
      %get3A_289 = arith.index_cast %select_n3A : i32 to index
      %get3A_290 = arith.index_cast %mul3A_288 : i32 to index
      %get3A_291 = arith.constant 0 : index
      %get3A_292 = vector.load %arg4[%get3A_289, %get3A_290, %get3A_291] : memref<12x64x2048xf32, #tpu.memory_space<vmem>>, vector<1x8x2048xf32>
      %get3A_293 = vector.shape_cast %get3A_292 : vector<1x8x2048xf32> to vector<8x2048xf32>
      %reshape3A = vector.shape_cast %get3A_293 : vector<8x2048xf32> to vector<8x16x128xf32>
      %iota3A = tpu.iota {dimensions = array<i32: 2>} : vector<8x16x128xi32>
      %iota3A_294 = tpu.iota {dimensions = array<i32: 1>} : vector<8x16x128xi32>
      %mul3A_295 = arith.constant 128 : i32
      %mul3A_296 = vector.broadcast %mul3A_295 : i32 to vector<8x16x128xi32>
      %mul3A_297 = arith.muli %mul3A_296, %iota3A_294 : vector<8x16x128xi32>
      %add3A_298 = arith.addi %iota3A, %mul3A_297 : vector<8x16x128xi32>
      %iota3A_299 = tpu.iota {dimensions = array<i32: 2>} : vector<8x16x128xi32>
      %and3A_300 = arith.constant 1 : i32
      %and3A_301 = vector.broadcast %and3A_300 : i32 to vector<8x16x128xi32>
      %and3A_302 = arith.andi %iota3A_299, %and3A_301 : vector<8x16x128xi32>
      %eq3A_303 = arith.constant 0 : i32
      %eq3A_304 = vector.broadcast %eq3A_303 : i32 to vector<8x16x128xi32>
      %eq3A_305 = arith.cmpi eq, %and3A_302, %eq3A_304 : vector<8x16x128xi32>
      %iota3A_306 = tpu.iota {dimensions = array<i32: 1>} : vector<8x16x128xi32>
      %and3A_307 = arith.constant 2 : i32
      %and3A_308 = vector.broadcast %and3A_307 : i32 to vector<8x16x128xi32>
      %and3A_309 = arith.andi %iota3A_299, %and3A_308 : vector<8x16x128xi32>
      %ne3A_310 = arith.constant 0 : i32
      %ne3A_311 = vector.broadcast %ne3A_310 : i32 to vector<8x16x128xi32>
      %ne3A_312 = arith.cmpi ne, %and3A_309, %ne3A_311 : vector<8x16x128xi32>
      %and3A_313 = arith.constant 1 : i32
      %and3A_314 = vector.broadcast %and3A_313 : i32 to vector<8x16x128xi32>
      %and3A_315 = arith.andi %iota3A_306, %and3A_314 : vector<8x16x128xi32>
      %eq3A_316 = arith.constant 1 : i32
      %eq3A_317 = vector.broadcast %eq3A_316 : i32 to vector<8x16x128xi32>
      %eq3A_318 = arith.cmpi eq, %and3A_315, %eq3A_317 : vector<8x16x128xi32>
      %xor3A = arith.xori %ne3A_312, %eq3A_318 : vector<8x16x128xi1>
      %xor3A_319 = arith.xori %eq3A_305, %xor3A : vector<8x16x128xi1>
      %slice3A = vector.extract_strided_slice %reshape3A {offsets = [0, 0, 1], sizes = [8, 16, 127], strides = [1, 1, 1]} : vector<8x16x128xf32> to vector<8x16x127xf32>
      %slice3A_320 = vector.extract_strided_slice %reshape3A {offsets = [0, 0, 0], sizes = [8, 16, 1], strides = [1, 1, 1]} : vector<8x16x128xf32> to vector<8x16x1xf32>
      %concatenate3A = tpu.concatenate %slice3A, %slice3A_320 in 2 : vector<8x16x127xf32>, vector<8x16x1xf32> -> vector<8x16x128xf32>
      %slice3A_321 = vector.extract_strided_slice %reshape3A {offsets = [0, 0, 127], sizes = [8, 16, 1], strides = [1, 1, 1]} : vector<8x16x128xf32> to vector<8x16x1xf32>
      %slice3A_322 = vector.extract_strided_slice %reshape3A {offsets = [0, 0, 0], sizes = [8, 16, 127], strides = [1, 1, 1]} : vector<8x16x128xf32> to vector<8x16x127xf32>
      %concatenate3A_323 = tpu.concatenate %slice3A_321, %slice3A_322 in 2 : vector<8x16x1xf32>, vector<8x16x127xf32> -> vector<8x16x128xf32>
      %select_n3A_324 = arith.select %eq3A_305, %concatenate3A, %concatenate3A_323 : vector<8x16x128xi1>, vector<8x16x128xf32>
      %max3A = arith.maximumf %reshape3A, %select_n3A_324 : vector<8x16x128xf32>
      %min3A = arith.minimumf %reshape3A, %select_n3A_324 : vector<8x16x128xf32>
      %select_n3A_325 = arith.select %xor3A_319, %max3A, %min3A : vector<8x16x128xi1>, vector<8x16x128xf32>
      %slice3A_326 = vector.extract_strided_slice %add3A_298 {offsets = [0, 0, 1], sizes = [8, 16, 127], strides = [1, 1, 1]} : vector<8x16x128xi32> to vector<8x16x127xi32>
      %slice3A_327 = vector.extract_strided_slice %add3A_298 {offsets = [0, 0, 0], sizes = [8, 16, 1], strides = [1, 1, 1]} : vector<8x16x128xi32> to vector<8x16x1xi32>
      %concatenate3A_328 = tpu.concatenate %slice3A_326, %slice3A_327 in 2 : vector<8x16x127xi32>, vector<8x16x1xi32> -> vector<8x16x128xi32>
      %slice3A_329 = vector.extract_strided_slice %add3A_298 {offsets = [0, 0, 127], sizes = [8, 16, 1], strides = [1, 1, 1]} : vector<8x16x128xi32> to vector<8x16x1xi32>
      %slice3A_330 = vector.extract_strided_slice %add3A_298 {offsets = [0, 0, 0], sizes = [8, 16, 127], strides = [1, 1, 1]} : vector<8x16x128xi32> to vector<8x16x127xi32>
      %concatenate3A_331 = tpu.concatenate %slice3A_329, %slice3A_330 in 2 : vector<8x16x1xi32>, vector<8x16x127xi32> -> vector<8x16x128xi32>
      %select_n3A_332 = arith.select %eq3A_305, %concatenate3A_328, %concatenate3A_331 : vector<8x16x128xi1>, vector<8x16x128xi32>
      %eq3A_333 = arith.cmpf oeq, %select_n3A_325, %reshape3A : vector<8x16x128xf32>
      %select_n3A_334 = arith.select %eq3A_333, %add3A_298, %select_n3A_332 : vector<8x16x128xi1>, vector<8x16x128xi32>
      %iota3A_335 = tpu.iota {dimensions = array<i32: 2>} : vector<8x16x128xi32>
      %and3A_336 = arith.constant 2 : i32
      %and3A_337 = vector.broadcast %and3A_336 : i32 to vector<8x16x128xi32>
      %and3A_338 = arith.andi %iota3A_335, %and3A_337 : vector<8x16x128xi32>
      %eq3A_339 = arith.constant 0 : i32
      %eq3A_340 = vector.broadcast %eq3A_339 : i32 to vector<8x16x128xi32>
      %eq3A_341 = arith.cmpi eq, %and3A_338, %eq3A_340 : vector<8x16x128xi32>
      %iota3A_342 = tpu.iota {dimensions = array<i32: 1>} : vector<8x16x128xi32>
      %and3A_343 = arith.constant 4 : i32
      %and3A_344 = vector.broadcast %and3A_343 : i32 to vector<8x16x128xi32>
      %and3A_345 = arith.andi %iota3A_335, %and3A_344 : vector<8x16x128xi32>
      %ne3A_346 = arith.constant 0 : i32
      %ne3A_347 = vector.broadcast %ne3A_346 : i32 to vector<8x16x128xi32>
      %ne3A_348 = arith.cmpi ne, %and3A_345, %ne3A_347 : vector<8x16x128xi32>
      %and3A_349 = arith.constant 1 : i32
      %and3A_350 = vector.broadcast %and3A_349 : i32 to vector<8x16x128xi32>
      %and3A_351 = arith.andi %iota3A_342, %and3A_350 : vector<8x16x128xi32>
      %eq3A_352 = arith.constant 1 : i32
      %eq3A_353 = vector.broadcast %eq3A_352 : i32 to vector<8x16x128xi32>
      %eq3A_354 = arith.cmpi eq, %and3A_351, %eq3A_353 : vector<8x16x128xi32>
      %xor3A_355 = arith.xori %ne3A_348, %eq3A_354 : vector<8x16x128xi1>
      %xor3A_356 = arith.xori %eq3A_341, %xor3A_355 : vector<8x16x128xi1>
      %slice3A_357 = vector.extract_strided_slice %select_n3A_325 {offsets = [0, 0, 2], sizes = [8, 16, 126], strides = [1, 1, 1]} : vector<8x16x128xf32> to vector<8x16x126xf32>
      %slice3A_358 = vector.extract_strided_slice %select_n3A_325 {offsets = [0, 0, 0], sizes = [8, 16, 2], strides = [1, 1, 1]} : vector<8x16x128xf32> to vector<8x16x2xf32>
      %concatenate3A_359 = tpu.concatenate %slice3A_357, %slice3A_358 in 2 : vector<8x16x126xf32>, vector<8x16x2xf32> -> vector<8x16x128xf32>
      %slice3A_360 = vector.extract_strided_slice %select_n3A_325 {offsets = [0, 0, 126], sizes = [8, 16, 2], strides = [1, 1, 1]} : vector<8x16x128xf32> to vector<8x16x2xf32>
      %slice3A_361 = vector.extract_strided_slice %select_n3A_325 {offsets = [0, 0, 0], sizes = [8, 16, 126], strides = [1, 1, 1]} : vector<8x16x128xf32> to vector<8x16x126xf32>
      %concatenate3A_362 = tpu.concatenate %slice3A_360, %slice3A_361 in 2 : vector<8x16x2xf32>, vector<8x16x126xf32> -> vector<8x16x128xf32>
      %select_n3A_363 = arith.select %eq3A_341, %concatenate3A_359, %concatenate3A_362 : vector<8x16x128xi1>, vector<8x16x128xf32>
      %max3A_364 = arith.maximumf %select_n3A_325, %select_n3A_363 : vector<8x16x128xf32>
      %min3A_365 = arith.minimumf %select_n3A_325, %select_n3A_363 : vector<8x16x128xf32>
      %select_n3A_366 = arith.select %xor3A_356, %max3A_364, %min3A_365 : vector<8x16x128xi1>, vector<8x16x128xf32>
      %slice3A_367 = vector.extract_strided_slice %select_n3A_334 {offsets = [0, 0, 2], sizes = [8, 16, 126], strides = [1, 1, 1]} : vector<8x16x128xi32> to vector<8x16x126xi32>
      %slice3A_368 = vector.extract_strided_slice %select_n3A_334 {offsets = [0, 0, 0], sizes = [8, 16, 2], strides = [1, 1, 1]} : vector<8x16x128xi32> to vector<8x16x2xi32>
      %concatenate3A_369 = tpu.concatenate %slice3A_367, %slice3A_368 in 2 : vector<8x16x126xi32>, vector<8x16x2xi32> -> vector<8x16x128xi32>
      %slice3A_370 = vector.extract_strided_slice %select_n3A_334 {offsets = [0, 0, 126], sizes = [8, 16, 2], strides = [1, 1, 1]} : vector<8x16x128xi32> to vector<8x16x2xi32>
      %slice3A_371 = vector.extract_strided_slice %select_n3A_334 {offsets = [0, 0, 0], sizes = [8, 16, 126], strides = [1, 1, 1]} : vector<8x16x128xi32> to vector<8x16x126xi32>
      %concatenate3A_372 = tpu.concatenate %slice3A_370, %slice3A_371 in 2 : vector<8x16x2xi32>, vector<8x16x126xi32> -> vector<8x16x128xi32>
      %select_n3A_373 = arith.select %eq3A_341, %concatenate3A_369, %concatenate3A_372 : vector<8x16x128xi1>, vector<8x16x128xi32>
      %eq3A_374 = arith.cmpf oeq, %select_n3A_366, %select_n3A_325 : vector<8x16x128xf32>
      %select_n3A_375 = arith.select %eq3A_374, %select_n3A_334, %select_n3A_373 : vector<8x16x128xi1>, vector<8x16x128xi32>
      %iota3A_376 = tpu.iota {dimensions = array<i32: 2>} : vector<8x16x128xi32>
      %and3A_377 = arith.constant 1 : i32
      %and3A_378 = vector.broadcast %and3A_377 : i32 to vector<8x16x128xi32>
      %and3A_379 = arith.andi %iota3A_376, %and3A_378 : vector<8x16x128xi32>
      %eq3A_380 = arith.constant 0 : i32
      %eq3A_381 = vector.broadcast %eq3A_380 : i32 to vector<8x16x128xi32>
      %eq3A_382 = arith.cmpi eq, %and3A_379, %eq3A_381 : vector<8x16x128xi32>
      %iota3A_383 = tpu.iota {dimensions = array<i32: 1>} : vector<8x16x128xi32>
      %and3A_384 = arith.constant 4 : i32
      %and3A_385 = vector.broadcast %and3A_384 : i32 to vector<8x16x128xi32>
      %and3A_386 = arith.andi %iota3A_376, %and3A_385 : vector<8x16x128xi32>
      %ne3A_387 = arith.constant 0 : i32
      %ne3A_388 = vector.broadcast %ne3A_387 : i32 to vector<8x16x128xi32>
      %ne3A_389 = arith.cmpi ne, %and3A_386, %ne3A_388 : vector<8x16x128xi32>
      %and3A_390 = arith.constant 1 : i32
      %and3A_391 = vector.broadcast %and3A_390 : i32 to vector<8x16x128xi32>
      %and3A_392 = arith.andi %iota3A_383, %and3A_391 : vector<8x16x128xi32>
      %eq3A_393 = arith.constant 1 : i32
      %eq3A_394 = vector.broadcast %eq3A_393 : i32 to vector<8x16x128xi32>
      %eq3A_395 = arith.cmpi eq, %and3A_392, %eq3A_394 : vector<8x16x128xi32>
      %xor3A_396 = arith.xori %ne3A_389, %eq3A_395 : vector<8x16x128xi1>
      %xor3A_397 = arith.xori %eq3A_382, %xor3A_396 : vector<8x16x128xi1>
      %slice3A_398 = vector.extract_strided_slice %select_n3A_366 {offsets = [0, 0, 1], sizes = [8, 16, 127], strides = [1, 1, 1]} : vector<8x16x128xf32> to vector<8x16x127xf32>
      %slice3A_399 = vector.extract_strided_slice %select_n3A_366 {offsets = [0, 0, 0], sizes = [8, 16, 1], strides = [1, 1, 1]} : vector<8x16x128xf32> to vector<8x16x1xf32>
      %concatenate3A_400 = tpu.concatenate %slice3A_398, %slice3A_399 in 2 : vector<8x16x127xf32>, vector<8x16x1xf32> -> vector<8x16x128xf32>
      %slice3A_401 = vector.extract_strided_slice %select_n3A_366 {offsets = [0, 0, 127], sizes = [8, 16, 1], strides = [1, 1, 1]} : vector<8x16x128xf32> to vector<8x16x1xf32>
      %slice3A_402 = vector.extract_strided_slice %select_n3A_366 {offsets = [0, 0, 0], sizes = [8, 16, 127], strides = [1, 1, 1]} : vector<8x16x128xf32> to vector<8x16x127xf32>
      %concatenate3A_403 = tpu.concatenate %slice3A_401, %slice3A_402 in 2 : vector<8x16x1xf32>, vector<8x16x127xf32> -> vector<8x16x128xf32>
      %select_n3A_404 = arith.select %eq3A_382, %concatenate3A_400, %concatenate3A_403 : vector<8x16x128xi1>, vector<8x16x128xf32>
      %max3A_405 = arith.maximumf %select_n3A_366, %select_n3A_404 : vector<8x16x128xf32>
      %min3A_406 = arith.minimumf %select_n3A_366, %select_n3A_404 : vector<8x16x128xf32>
      %select_n3A_407 = arith.select %xor3A_397, %max3A_405, %min3A_406 : vector<8x16x128xi1>, vector<8x16x128xf32>
      %slice3A_408 = vector.extract_strided_slice %select_n3A_375 {offsets = [0, 0, 1], sizes = [8, 16, 127], strides = [1, 1, 1]} : vector<8x16x128xi32> to vector<8x16x127xi32>
      %slice3A_409 = vector.extract_strided_slice %select_n3A_375 {offsets = [0, 0, 0], sizes = [8, 16, 1], strides = [1, 1, 1]} : vector<8x16x128xi32> to vector<8x16x1xi32>
      %concatenate3A_410 = tpu.concatenate %slice3A_408, %slice3A_409 in 2 : vector<8x16x127xi32>, vector<8x16x1xi32> -> vector<8x16x128xi32>
      %slice3A_411 = vector.extract_strided_slice %select_n3A_375 {offsets = [0, 0, 127], sizes = [8, 16, 1], strides = [1, 1, 1]} : vector<8x16x128xi32> to vector<8x16x1xi32>
      %slice3A_412 = vector.extract_strided_slice %select_n3A_375 {offsets = [0, 0, 0], sizes = [8, 16, 127], strides = [1, 1, 1]} : vector<8x16x128xi32> to vector<8x16x127xi32>
      %concatenate3A_413 = tpu.concatenate %slice3A_411, %slice3A_412 in 2 : vector<8x16x1xi32>, vector<8x16x127xi32> -> vector<8x16x128xi32>
      %select_n3A_414 = arith.select %eq3A_382, %concatenate3A_410, %concatenate3A_413 : vector<8x16x128xi1>, vector<8x16x128xi32>
      %eq3A_415 = arith.cmpf oeq, %select_n3A_407, %select_n3A_366 : vector<8x16x128xf32>
      %select_n3A_416 = arith.select %eq3A_415, %select_n3A_375, %select_n3A_414 : vector<8x16x128xi1>, vector<8x16x128xi32>
      %iota3A_417 = tpu.iota {dimensions = array<i32: 2>} : vector<8x16x128xi32>
      %and3A_418 = arith.constant 4 : i32
      %and3A_419 = vector.broadcast %and3A_418 : i32 to vector<8x16x128xi32>
      %and3A_420 = arith.andi %iota3A_417, %and3A_419 : vector<8x16x128xi32>
      %eq3A_421 = arith.constant 0 : i32
      %eq3A_422 = vector.broadcast %eq3A_421 : i32 to vector<8x16x128xi32>
      %eq3A_423 = arith.cmpi eq, %and3A_420, %eq3A_422 : vector<8x16x128xi32>
      %iota3A_424 = tpu.iota {dimensions = array<i32: 1>} : vector<8x16x128xi32>
      %and3A_425 = arith.constant 8 : i32
      %and3A_426 = vector.broadcast %and3A_425 : i32 to vector<8x16x128xi32>
      %and3A_427 = arith.andi %iota3A_417, %and3A_426 : vector<8x16x128xi32>
      %ne3A_428 = arith.constant 0 : i32
      %ne3A_429 = vector.broadcast %ne3A_428 : i32 to vector<8x16x128xi32>
      %ne3A_430 = arith.cmpi ne, %and3A_427, %ne3A_429 : vector<8x16x128xi32>
      %and3A_431 = arith.constant 1 : i32
      %and3A_432 = vector.broadcast %and3A_431 : i32 to vector<8x16x128xi32>
      %and3A_433 = arith.andi %iota3A_424, %and3A_432 : vector<8x16x128xi32>
      %eq3A_434 = arith.constant 1 : i32
      %eq3A_435 = vector.broadcast %eq3A_434 : i32 to vector<8x16x128xi32>
      %eq3A_436 = arith.cmpi eq, %and3A_433, %eq3A_435 : vector<8x16x128xi32>
      %xor3A_437 = arith.xori %ne3A_430, %eq3A_436 : vector<8x16x128xi1>
      %xor3A_438 = arith.xori %eq3A_423, %xor3A_437 : vector<8x16x128xi1>
      %slice3A_439 = vector.extract_strided_slice %select_n3A_407 {offsets = [0, 0, 4], sizes = [8, 16, 124], strides = [1, 1, 1]} : vector<8x16x128xf32> to vector<8x16x124xf32>
      %slice3A_440 = vector.extract_strided_slice %select_n3A_407 {offsets = [0, 0, 0], sizes = [8, 16, 4], strides = [1, 1, 1]} : vector<8x16x128xf32> to vector<8x16x4xf32>
      %concatenate3A_441 = tpu.concatenate %slice3A_439, %slice3A_440 in 2 : vector<8x16x124xf32>, vector<8x16x4xf32> -> vector<8x16x128xf32>
      %slice3A_442 = vector.extract_strided_slice %select_n3A_407 {offsets = [0, 0, 124], sizes = [8, 16, 4], strides = [1, 1, 1]} : vector<8x16x128xf32> to vector<8x16x4xf32>
      %slice3A_443 = vector.extract_strided_slice %select_n3A_407 {offsets = [0, 0, 0], sizes = [8, 16, 124], strides = [1, 1, 1]} : vector<8x16x128xf32> to vector<8x16x124xf32>
      %concatenate3A_444 = tpu.concatenate %slice3A_442, %slice3A_443 in 2 : vector<8x16x4xf32>, vector<8x16x124xf32> -> vector<8x16x128xf32>
      %select_n3A_445 = arith.select %eq3A_423, %concatenate3A_441, %concatenate3A_444 : vector<8x16x128xi1>, vector<8x16x128xf32>
      %max3A_446 = arith.maximumf %select_n3A_407, %select_n3A_445 : vector<8x16x128xf32>
      %min3A_447 = arith.minimumf %select_n3A_407, %select_n3A_445 : vector<8x16x128xf32>
      %select_n3A_448 = arith.select %xor3A_438, %max3A_446, %min3A_447 : vector<8x16x128xi1>, vector<8x16x128xf32>
      %slice3A_449 = vector.extract_strided_slice %select_n3A_416 {offsets = [0, 0, 4], sizes = [8, 16, 124], strides = [1, 1, 1]} : vector<8x16x128xi32> to vector<8x16x124xi32>
      %slice3A_450 = vector.extract_strided_slice %select_n3A_416 {offsets = [0, 0, 0], sizes = [8, 16, 4], strides = [1, 1, 1]} : vector<8x16x128xi32> to vector<8x16x4xi32>
      %concatenate3A_451 = tpu.concatenate %slice3A_449, %slice3A_450 in 2 : vector<8x16x124xi32>, vector<8x16x4xi32> -> vector<8x16x128xi32>
      %slice3A_452 = vector.extract_strided_slice %select_n3A_416 {offsets = [0, 0, 124], sizes = [8, 16, 4], strides = [1, 1, 1]} : vector<8x16x128xi32> to vector<8x16x4xi32>
      %slice3A_453 = vector.extract_strided_slice %select_n3A_416 {offsets = [0, 0, 0], sizes = [8, 16, 124], strides = [1, 1, 1]} : vector<8x16x128xi32> to vector<8x16x124xi32>
      %concatenate3A_454 = tpu.concatenate %slice3A_452, %slice3A_453 in 2 : vector<8x16x4xi32>, vector<8x16x124xi32> -> vector<8x16x128xi32>
      %select_n3A_455 = arith.select %eq3A_423, %concatenate3A_451, %concatenate3A_454 : vector<8x16x128xi1>, vector<8x16x128xi32>
      %eq3A_456 = arith.cmpf oeq, %select_n3A_448, %select_n3A_407 : vector<8x16x128xf32>
      %select_n3A_457 = arith.select %eq3A_456, %select_n3A_416, %select_n3A_455 : vector<8x16x128xi1>, vector<8x16x128xi32>
      %iota3A_458 = tpu.iota {dimensions = array<i32: 2>} : vector<8x16x128xi32>
      %and3A_459 = arith.constant 2 : i32
      %and3A_460 = vector.broadcast %and3A_459 : i32 to vector<8x16x128xi32>
      %and3A_461 = arith.andi %iota3A_458, %and3A_460 : vector<8x16x128xi32>
      %eq3A_462 = arith.constant 0 : i32
      %eq3A_463 = vector.broadcast %eq3A_462 : i32 to vector<8x16x128xi32>
      %eq3A_464 = arith.cmpi eq, %and3A_461, %eq3A_463 : vector<8x16x128xi32>
      %iota3A_465 = tpu.iota {dimensions = array<i32: 1>} : vector<8x16x128xi32>
      %and3A_466 = arith.constant 8 : i32
      %and3A_467 = vector.broadcast %and3A_466 : i32 to vector<8x16x128xi32>
      %and3A_468 = arith.andi %iota3A_458, %and3A_467 : vector<8x16x128xi32>
      %ne3A_469 = arith.constant 0 : i32
      %ne3A_470 = vector.broadcast %ne3A_469 : i32 to vector<8x16x128xi32>
      %ne3A_471 = arith.cmpi ne, %and3A_468, %ne3A_470 : vector<8x16x128xi32>
      %and3A_472 = arith.constant 1 : i32
      %and3A_473 = vector.broadcast %and3A_472 : i32 to vector<8x16x128xi32>
      %and3A_474 = arith.andi %iota3A_465, %and3A_473 : vector<8x16x128xi32>
      %eq3A_475 = arith.constant 1 : i32
      %eq3A_476 = vector.broadcast %eq3A_475 : i32 to vector<8x16x128xi32>
      %eq3A_477 = arith.cmpi eq, %and3A_474, %eq3A_476 : vector<8x16x128xi32>
      %xor3A_478 = arith.xori %ne3A_471, %eq3A_477 : vector<8x16x128xi1>
      %xor3A_479 = arith.xori %eq3A_464, %xor3A_478 : vector<8x16x128xi1>
      %slice3A_480 = vector.extract_strided_slice %select_n3A_448 {offsets = [0, 0, 2], sizes = [8, 16, 126], strides = [1, 1, 1]} : vector<8x16x128xf32> to vector<8x16x126xf32>
      %slice3A_481 = vector.extract_strided_slice %select_n3A_448 {offsets = [0, 0, 0], sizes = [8, 16, 2], strides = [1, 1, 1]} : vector<8x16x128xf32> to vector<8x16x2xf32>
      %concatenate3A_482 = tpu.concatenate %slice3A_480, %slice3A_481 in 2 : vector<8x16x126xf32>, vector<8x16x2xf32> -> vector<8x16x128xf32>
      %slice3A_483 = vector.extract_strided_slice %select_n3A_448 {offsets = [0, 0, 126], sizes = [8, 16, 2], strides = [1, 1, 1]} : vector<8x16x128xf32> to vector<8x16x2xf32>
      %slice3A_484 = vector.extract_strided_slice %select_n3A_448 {offsets = [0, 0, 0], sizes = [8, 16, 126], strides = [1, 1, 1]} : vector<8x16x128xf32> to vector<8x16x126xf32>
      %concatenate3A_485 = tpu.concatenate %slice3A_483, %slice3A_484 in 2 : vector<8x16x2xf32>, vector<8x16x126xf32> -> vector<8x16x128xf32>
      %select_n3A_486 = arith.select %eq3A_464, %concatenate3A_482, %concatenate3A_485 : vector<8x16x128xi1>, vector<8x16x128xf32>
      %max3A_487 = arith.maximumf %select_n3A_448, %select_n3A_486 : vector<8x16x128xf32>
      %min3A_488 = arith.minimumf %select_n3A_448, %select_n3A_486 : vector<8x16x128xf32>
      %select_n3A_489 = arith.select %xor3A_479, %max3A_487, %min3A_488 : vector<8x16x128xi1>, vector<8x16x128xf32>
      %slice3A_490 = vector.extract_strided_slice %select_n3A_457 {offsets = [0, 0, 2], sizes = [8, 16, 126], strides = [1, 1, 1]} : vector<8x16x128xi32> to vector<8x16x126xi32>
      %slice3A_491 = vector.extract_strided_slice %select_n3A_457 {offsets = [0, 0, 0], sizes = [8, 16, 2], strides = [1, 1, 1]} : vector<8x16x128xi32> to vector<8x16x2xi32>
      %concatenate3A_492 = tpu.concatenate %slice3A_490, %slice3A_491 in 2 : vector<8x16x126xi32>, vector<8x16x2xi32> -> vector<8x16x128xi32>
      %slice3A_493 = vector.extract_strided_slice %select_n3A_457 {offsets = [0, 0, 126], sizes = [8, 16, 2], strides = [1, 1, 1]} : vector<8x16x128xi32> to vector<8x16x2xi32>
      %slice3A_494 = vector.extract_strided_slice %select_n3A_457 {offsets = [0, 0, 0], sizes = [8, 16, 126], strides = [1, 1, 1]} : vector<8x16x128xi32> to vector<8x16x126xi32>
      %concatenate3A_495 = tpu.concatenate %slice3A_493, %slice3A_494 in 2 : vector<8x16x2xi32>, vector<8x16x126xi32> -> vector<8x16x128xi32>
      %select_n3A_496 = arith.select %eq3A_464, %concatenate3A_492, %concatenate3A_495 : vector<8x16x128xi1>, vector<8x16x128xi32>
      %eq3A_497 = arith.cmpf oeq, %select_n3A_489, %select_n3A_448 : vector<8x16x128xf32>
      %select_n3A_498 = arith.select %eq3A_497, %select_n3A_457, %select_n3A_496 : vector<8x16x128xi1>, vector<8x16x128xi32>
      %iota3A_499 = tpu.iota {dimensions = array<i32: 2>} : vector<8x16x128xi32>
      %and3A_500 = arith.constant 1 : i32
      %and3A_501 = vector.broadcast %and3A_500 : i32 to vector<8x16x128xi32>
      %and3A_502 = arith.andi %iota3A_499, %and3A_501 : vector<8x16x128xi32>
      %eq3A_503 = arith.constant 0 : i32
      %eq3A_504 = vector.broadcast %eq3A_503 : i32 to vector<8x16x128xi32>
      %eq3A_505 = arith.cmpi eq, %and3A_502, %eq3A_504 : vector<8x16x128xi32>
      %iota3A_506 = tpu.iota {dimensions = array<i32: 1>} : vector<8x16x128xi32>
      %and3A_507 = arith.constant 8 : i32
      %and3A_508 = vector.broadcast %and3A_507 : i32 to vector<8x16x128xi32>
      %and3A_509 = arith.andi %iota3A_499, %and3A_508 : vector<8x16x128xi32>
      %ne3A_510 = arith.constant 0 : i32
      %ne3A_511 = vector.broadcast %ne3A_510 : i32 to vector<8x16x128xi32>
      %ne3A_512 = arith.cmpi ne, %and3A_509, %ne3A_511 : vector<8x16x128xi32>
      %and3A_513 = arith.constant 1 : i32
      %and3A_514 = vector.broadcast %and3A_513 : i32 to vector<8x16x128xi32>
      %and3A_515 = arith.andi %iota3A_506, %and3A_514 : vector<8x16x128xi32>
      %eq3A_516 = arith.constant 1 : i32
      %eq3A_517 = vector.broadcast %eq3A_516 : i32 to vector<8x16x128xi32>
      %eq3A_518 = arith.cmpi eq, %and3A_515, %eq3A_517 : vector<8x16x128xi32>
      %xor3A_519 = arith.xori %ne3A_512, %eq3A_518 : vector<8x16x128xi1>
      %xor3A_520 = arith.xori %eq3A_505, %xor3A_519 : vector<8x16x128xi1>
      %slice3A_521 = vector.extract_strided_slice %select_n3A_489 {offsets = [0, 0, 1], sizes = [8, 16, 127], strides = [1, 1, 1]} : vector<8x16x128xf32> to vector<8x16x127xf32>
      %slice3A_522 = vector.extract_strided_slice %select_n3A_489 {offsets = [0, 0, 0], sizes = [8, 16, 1], strides = [1, 1, 1]} : vector<8x16x128xf32> to vector<8x16x1xf32>
      %concatenate3A_523 = tpu.concatenate %slice3A_521, %slice3A_522 in 2 : vector<8x16x127xf32>, vector<8x16x1xf32> -> vector<8x16x128xf32>
      %slice3A_524 = vector.extract_strided_slice %select_n3A_489 {offsets = [0, 0, 127], sizes = [8, 16, 1], strides = [1, 1, 1]} : vector<8x16x128xf32> to vector<8x16x1xf32>
      %slice3A_525 = vector.extract_strided_slice %select_n3A_489 {offsets = [0, 0, 0], sizes = [8, 16, 127], strides = [1, 1, 1]} : vector<8x16x128xf32> to vector<8x16x127xf32>
      %concatenate3A_526 = tpu.concatenate %slice3A_524, %slice3A_525 in 2 : vector<8x16x1xf32>, vector<8x16x127xf32> -> vector<8x16x128xf32>
      %select_n3A_527 = arith.select %eq3A_505, %concatenate3A_523, %concatenate3A_526 : vector<8x16x128xi1>, vector<8x16x128xf32>
      %max3A_528 = arith.maximumf %select_n3A_489, %select_n3A_527 : vector<8x16x128xf32>
      %min3A_529 = arith.minimumf %select_n3A_489, %select_n3A_527 : vector<8x16x128xf32>
      %select_n3A_530 = arith.select %xor3A_520, %max3A_528, %min3A_529 : vector<8x16x128xi1>, vector<8x16x128xf32>
      %slice3A_531 = vector.extract_strided_slice %select_n3A_498 {offsets = [0, 0, 1], sizes = [8, 16, 127], strides = [1, 1, 1]} : vector<8x16x128xi32> to vector<8x16x127xi32>
      %slice3A_532 = vector.extract_strided_slice %select_n3A_498 {offsets = [0, 0, 0], sizes = [8, 16, 1], strides = [1, 1, 1]} : vector<8x16x128xi32> to vector<8x16x1xi32>
      %concatenate3A_533 = tpu.concatenate %slice3A_531, %slice3A_532 in 2 : vector<8x16x127xi32>, vector<8x16x1xi32> -> vector<8x16x128xi32>
      %slice3A_534 = vector.extract_strided_slice %select_n3A_498 {offsets = [0, 0, 127], sizes = [8, 16, 1], strides = [1, 1, 1]} : vector<8x16x128xi32> to vector<8x16x1xi32>
      %slice3A_535 = vector.extract_strided_slice %select_n3A_498 {offsets = [0, 0, 0], sizes = [8, 16, 127], strides = [1, 1, 1]} : vector<8x16x128xi32> to vector<8x16x127xi32>
      %concatenate3A_536 = tpu.concatenate %slice3A_534, %slice3A_535 in 2 : vector<8x16x1xi32>, vector<8x16x127xi32> -> vector<8x16x128xi32>
      %select_n3A_537 = arith.select %eq3A_505, %concatenate3A_533, %concatenate3A_536 : vector<8x16x128xi1>, vector<8x16x128xi32>
      %eq3A_538 = arith.cmpf oeq, %select_n3A_530, %select_n3A_489 : vector<8x16x128xf32>
      %select_n3A_539 = arith.select %eq3A_538, %select_n3A_498, %select_n3A_537 : vector<8x16x128xi1>, vector<8x16x128xi32>
      %iota3A_540 = tpu.iota {dimensions = array<i32: 2>} : vector<8x16x128xi32>
      %and3A_541 = arith.constant 8 : i32
      %and3A_542 = vector.broadcast %and3A_541 : i32 to vector<8x16x128xi32>
      %and3A_543 = arith.andi %iota3A_540, %and3A_542 : vector<8x16x128xi32>
      %eq3A_544 = arith.constant 0 : i32
      %eq3A_545 = vector.broadcast %eq3A_544 : i32 to vector<8x16x128xi32>
      %eq3A_546 = arith.cmpi eq, %and3A_543, %eq3A_545 : vector<8x16x128xi32>
      %iota3A_547 = tpu.iota {dimensions = array<i32: 1>} : vector<8x16x128xi32>
      %and3A_548 = arith.constant 16 : i32
      %and3A_549 = vector.broadcast %and3A_548 : i32 to vector<8x16x128xi32>
      %and3A_550 = arith.andi %iota3A_540, %and3A_549 : vector<8x16x128xi32>
      %ne3A_551 = arith.constant 0 : i32
      %ne3A_552 = vector.broadcast %ne3A_551 : i32 to vector<8x16x128xi32>
      %ne3A_553 = arith.cmpi ne, %and3A_550, %ne3A_552 : vector<8x16x128xi32>
      %and3A_554 = arith.constant 1 : i32
      %and3A_555 = vector.broadcast %and3A_554 : i32 to vector<8x16x128xi32>
      %and3A_556 = arith.andi %iota3A_547, %and3A_555 : vector<8x16x128xi32>
      %eq3A_557 = arith.constant 1 : i32
      %eq3A_558 = vector.broadcast %eq3A_557 : i32 to vector<8x16x128xi32>
      %eq3A_559 = arith.cmpi eq, %and3A_556, %eq3A_558 : vector<8x16x128xi32>
      %xor3A_560 = arith.xori %ne3A_553, %eq3A_559 : vector<8x16x128xi1>
      %xor3A_561 = arith.xori %eq3A_546, %xor3A_560 : vector<8x16x128xi1>
      %slice3A_562 = vector.extract_strided_slice %select_n3A_530 {offsets = [0, 0, 8], sizes = [8, 16, 120], strides = [1, 1, 1]} : vector<8x16x128xf32> to vector<8x16x120xf32>
      %slice3A_563 = vector.extract_strided_slice %select_n3A_530 {offsets = [0, 0, 0], sizes = [8, 16, 8], strides = [1, 1, 1]} : vector<8x16x128xf32> to vector<8x16x8xf32>
      %concatenate3A_564 = tpu.concatenate %slice3A_562, %slice3A_563 in 2 : vector<8x16x120xf32>, vector<8x16x8xf32> -> vector<8x16x128xf32>
      %slice3A_565 = vector.extract_strided_slice %select_n3A_530 {offsets = [0, 0, 120], sizes = [8, 16, 8], strides = [1, 1, 1]} : vector<8x16x128xf32> to vector<8x16x8xf32>
      %slice3A_566 = vector.extract_strided_slice %select_n3A_530 {offsets = [0, 0, 0], sizes = [8, 16, 120], strides = [1, 1, 1]} : vector<8x16x128xf32> to vector<8x16x120xf32>
      %concatenate3A_567 = tpu.concatenate %slice3A_565, %slice3A_566 in 2 : vector<8x16x8xf32>, vector<8x16x120xf32> -> vector<8x16x128xf32>
      %select_n3A_568 = arith.select %eq3A_546, %concatenate3A_564, %concatenate3A_567 : vector<8x16x128xi1>, vector<8x16x128xf32>
      %max3A_569 = arith.maximumf %select_n3A_530, %select_n3A_568 : vector<8x16x128xf32>
      %min3A_570 = arith.minimumf %select_n3A_530, %select_n3A_568 : vector<8x16x128xf32>
      %select_n3A_571 = arith.select %xor3A_561, %max3A_569, %min3A_570 : vector<8x16x128xi1>, vector<8x16x128xf32>
      %slice3A_572 = vector.extract_strided_slice %select_n3A_539 {offsets = [0, 0, 8], sizes = [8, 16, 120], strides = [1, 1, 1]} : vector<8x16x128xi32> to vector<8x16x120xi32>
      %slice3A_573 = vector.extract_strided_slice %select_n3A_539 {offsets = [0, 0, 0], sizes = [8, 16, 8], strides = [1, 1, 1]} : vector<8x16x128xi32> to vector<8x16x8xi32>
      %concatenate3A_574 = tpu.concatenate %slice3A_572, %slice3A_573 in 2 : vector<8x16x120xi32>, vector<8x16x8xi32> -> vector<8x16x128xi32>
      %slice3A_575 = vector.extract_strided_slice %select_n3A_539 {offsets = [0, 0, 120], sizes = [8, 16, 8], strides = [1, 1, 1]} : vector<8x16x128xi32> to vector<8x16x8xi32>
      %slice3A_576 = vector.extract_strided_slice %select_n3A_539 {offsets = [0, 0, 0], sizes = [8, 16, 120], strides = [1, 1, 1]} : vector<8x16x128xi32> to vector<8x16x120xi32>
      %concatenate3A_577 = tpu.concatenate %slice3A_575, %slice3A_576 in 2 : vector<8x16x8xi32>, vector<8x16x120xi32> -> vector<8x16x128xi32>
      %select_n3A_578 = arith.select %eq3A_546, %concatenate3A_574, %concatenate3A_577 : vector<8x16x128xi1>, vector<8x16x128xi32>
      %eq3A_579 = arith.cmpf oeq, %select_n3A_571, %select_n3A_530 : vector<8x16x128xf32>
      %select_n3A_580 = arith.select %eq3A_579, %select_n3A_539, %select_n3A_578 : vector<8x16x128xi1>, vector<8x16x128xi32>
      %iota3A_581 = tpu.iota {dimensions = array<i32: 2>} : vector<8x16x128xi32>
      %and3A_582 = arith.constant 4 : i32
      %and3A_583 = vector.broadcast %and3A_582 : i32 to vector<8x16x128xi32>
      %and3A_584 = arith.andi %iota3A_581, %and3A_583 : vector<8x16x128xi32>
      %eq3A_585 = arith.constant 0 : i32
      %eq3A_586 = vector.broadcast %eq3A_585 : i32 to vector<8x16x128xi32>
      %eq3A_587 = arith.cmpi eq, %and3A_584, %eq3A_586 : vector<8x16x128xi32>
      %iota3A_588 = tpu.iota {dimensions = array<i32: 1>} : vector<8x16x128xi32>
      %and3A_589 = arith.constant 16 : i32
      %and3A_590 = vector.broadcast %and3A_589 : i32 to vector<8x16x128xi32>
      %and3A_591 = arith.andi %iota3A_581, %and3A_590 : vector<8x16x128xi32>
      %ne3A_592 = arith.constant 0 : i32
      %ne3A_593 = vector.broadcast %ne3A_592 : i32 to vector<8x16x128xi32>
      %ne3A_594 = arith.cmpi ne, %and3A_591, %ne3A_593 : vector<8x16x128xi32>
      %and3A_595 = arith.constant 1 : i32
      %and3A_596 = vector.broadcast %and3A_595 : i32 to vector<8x16x128xi32>
      %and3A_597 = arith.andi %iota3A_588, %and3A_596 : vector<8x16x128xi32>
      %eq3A_598 = arith.constant 1 : i32
      %eq3A_599 = vector.broadcast %eq3A_598 : i32 to vector<8x16x128xi32>
      %eq3A_600 = arith.cmpi eq, %and3A_597, %eq3A_599 : vector<8x16x128xi32>
      %xor3A_601 = arith.xori %ne3A_594, %eq3A_600 : vector<8x16x128xi1>
      %xor3A_602 = arith.xori %eq3A_587, %xor3A_601 : vector<8x16x128xi1>
      %slice3A_603 = vector.extract_strided_slice %select_n3A_571 {offsets = [0, 0, 4], sizes = [8, 16, 124], strides = [1, 1, 1]} : vector<8x16x128xf32> to vector<8x16x124xf32>
      %slice3A_604 = vector.extract_strided_slice %select_n3A_571 {offsets = [0, 0, 0], sizes = [8, 16, 4], strides = [1, 1, 1]} : vector<8x16x128xf32> to vector<8x16x4xf32>
      %concatenate3A_605 = tpu.concatenate %slice3A_603, %slice3A_604 in 2 : vector<8x16x124xf32>, vector<8x16x4xf32> -> vector<8x16x128xf32>
      %slice3A_606 = vector.extract_strided_slice %select_n3A_571 {offsets = [0, 0, 124], sizes = [8, 16, 4], strides = [1, 1, 1]} : vector<8x16x128xf32> to vector<8x16x4xf32>
      %slice3A_607 = vector.extract_strided_slice %select_n3A_571 {offsets = [0, 0, 0], sizes = [8, 16, 124], strides = [1, 1, 1]} : vector<8x16x128xf32> to vector<8x16x124xf32>
      %concatenate3A_608 = tpu.concatenate %slice3A_606, %slice3A_607 in 2 : vector<8x16x4xf32>, vector<8x16x124xf32> -> vector<8x16x128xf32>
      %select_n3A_609 = arith.select %eq3A_587, %concatenate3A_605, %concatenate3A_608 : vector<8x16x128xi1>, vector<8x16x128xf32>
      %max3A_610 = arith.maximumf %select_n3A_571, %select_n3A_609 : vector<8x16x128xf32>
      %min3A_611 = arith.minimumf %select_n3A_571, %select_n3A_609 : vector<8x16x128xf32>
      %select_n3A_612 = arith.select %xor3A_602, %max3A_610, %min3A_611 : vector<8x16x128xi1>, vector<8x16x128xf32>
      %slice3A_613 = vector.extract_strided_slice %select_n3A_580 {offsets = [0, 0, 4], sizes = [8, 16, 124], strides = [1, 1, 1]} : vector<8x16x128xi32> to vector<8x16x124xi32>
      %slice3A_614 = vector.extract_strided_slice %select_n3A_580 {offsets = [0, 0, 0], sizes = [8, 16, 4], strides = [1, 1, 1]} : vector<8x16x128xi32> to vector<8x16x4xi32>
      %concatenate3A_615 = tpu.concatenate %slice3A_613, %slice3A_614 in 2 : vector<8x16x124xi32>, vector<8x16x4xi32> -> vector<8x16x128xi32>
      %slice3A_616 = vector.extract_strided_slice %select_n3A_580 {offsets = [0, 0, 124], sizes = [8, 16, 4], strides = [1, 1, 1]} : vector<8x16x128xi32> to vector<8x16x4xi32>
      %slice3A_617 = vector.extract_strided_slice %select_n3A_580 {offsets = [0, 0, 0], sizes = [8, 16, 124], strides = [1, 1, 1]} : vector<8x16x128xi32> to vector<8x16x124xi32>
      %concatenate3A_618 = tpu.concatenate %slice3A_616, %slice3A_617 in 2 : vector<8x16x4xi32>, vector<8x16x124xi32> -> vector<8x16x128xi32>
      %select_n3A_619 = arith.select %eq3A_587, %concatenate3A_615, %concatenate3A_618 : vector<8x16x128xi1>, vector<8x16x128xi32>
      %eq3A_620 = arith.cmpf oeq, %select_n3A_612, %select_n3A_571 : vector<8x16x128xf32>
      %select_n3A_621 = arith.select %eq3A_620, %select_n3A_580, %select_n3A_619 : vector<8x16x128xi1>, vector<8x16x128xi32>
      %iota3A_622 = tpu.iota {dimensions = array<i32: 2>} : vector<8x16x128xi32>
      %and3A_623 = arith.constant 2 : i32
      %and3A_624 = vector.broadcast %and3A_623 : i32 to vector<8x16x128xi32>
      %and3A_625 = arith.andi %iota3A_622, %and3A_624 : vector<8x16x128xi32>
      %eq3A_626 = arith.constant 0 : i32
      %eq3A_627 = vector.broadcast %eq3A_626 : i32 to vector<8x16x128xi32>
      %eq3A_628 = arith.cmpi eq, %and3A_625, %eq3A_627 : vector<8x16x128xi32>
      %iota3A_629 = tpu.iota {dimensions = array<i32: 1>} : vector<8x16x128xi32>
      %and3A_630 = arith.constant 16 : i32
      %and3A_631 = vector.broadcast %and3A_630 : i32 to vector<8x16x128xi32>
      %and3A_632 = arith.andi %iota3A_622, %and3A_631 : vector<8x16x128xi32>
      %ne3A_633 = arith.constant 0 : i32
      %ne3A_634 = vector.broadcast %ne3A_633 : i32 to vector<8x16x128xi32>
      %ne3A_635 = arith.cmpi ne, %and3A_632, %ne3A_634 : vector<8x16x128xi32>
      %and3A_636 = arith.constant 1 : i32
      %and3A_637 = vector.broadcast %and3A_636 : i32 to vector<8x16x128xi32>
      %and3A_638 = arith.andi %iota3A_629, %and3A_637 : vector<8x16x128xi32>
      %eq3A_639 = arith.constant 1 : i32
      %eq3A_640 = vector.broadcast %eq3A_639 : i32 to vector<8x16x128xi32>
      %eq3A_641 = arith.cmpi eq, %and3A_638, %eq3A_640 : vector<8x16x128xi32>
      %xor3A_642 = arith.xori %ne3A_635, %eq3A_641 : vector<8x16x128xi1>
      %xor3A_643 = arith.xori %eq3A_628, %xor3A_642 : vector<8x16x128xi1>
      %slice3A_644 = vector.extract_strided_slice %select_n3A_612 {offsets = [0, 0, 2], sizes = [8, 16, 126], strides = [1, 1, 1]} : vector<8x16x128xf32> to vector<8x16x126xf32>
      %slice3A_645 = vector.extract_strided_slice %select_n3A_612 {offsets = [0, 0, 0], sizes = [8, 16, 2], strides = [1, 1, 1]} : vector<8x16x128xf32> to vector<8x16x2xf32>
      %concatenate3A_646 = tpu.concatenate %slice3A_644, %slice3A_645 in 2 : vector<8x16x126xf32>, vector<8x16x2xf32> -> vector<8x16x128xf32>
      %slice3A_647 = vector.extract_strided_slice %select_n3A_612 {offsets = [0, 0, 126], sizes = [8, 16, 2], strides = [1, 1, 1]} : vector<8x16x128xf32> to vector<8x16x2xf32>
      %slice3A_648 = vector.extract_strided_slice %select_n3A_612 {offsets = [0, 0, 0], sizes = [8, 16, 126], strides = [1, 1, 1]} : vector<8x16x128xf32> to vector<8x16x126xf32>
      %concatenate3A_649 = tpu.concatenate %slice3A_647, %slice3A_648 in 2 : vector<8x16x2xf32>, vector<8x16x126xf32> -> vector<8x16x128xf32>
      %select_n3A_650 = arith.select %eq3A_628, %concatenate3A_646, %concatenate3A_649 : vector<8x16x128xi1>, vector<8x16x128xf32>
      %max3A_651 = arith.maximumf %select_n3A_612, %select_n3A_650 : vector<8x16x128xf32>
      %min3A_652 = arith.minimumf %select_n3A_612, %select_n3A_650 : vector<8x16x128xf32>
      %select_n3A_653 = arith.select %xor3A_643, %max3A_651, %min3A_652 : vector<8x16x128xi1>, vector<8x16x128xf32>
      %slice3A_654 = vector.extract_strided_slice %select_n3A_621 {offsets = [0, 0, 2], sizes = [8, 16, 126], strides = [1, 1, 1]} : vector<8x16x128xi32> to vector<8x16x126xi32>
      %slice3A_655 = vector.extract_strided_slice %select_n3A_621 {offsets = [0, 0, 0], sizes = [8, 16, 2], strides = [1, 1, 1]} : vector<8x16x128xi32> to vector<8x16x2xi32>
      %concatenate3A_656 = tpu.concatenate %slice3A_654, %slice3A_655 in 2 : vector<8x16x126xi32>, vector<8x16x2xi32> -> vector<8x16x128xi32>
      %slice3A_657 = vector.extract_strided_slice %select_n3A_621 {offsets = [0, 0, 126], sizes = [8, 16, 2], strides = [1, 1, 1]} : vector<8x16x128xi32> to vector<8x16x2xi32>
      %slice3A_658 = vector.extract_strided_slice %select_n3A_621 {offsets = [0, 0, 0], sizes = [8, 16, 126], strides = [1, 1, 1]} : vector<8x16x128xi32> to vector<8x16x126xi32>
      %concatenate3A_659 = tpu.concatenate %slice3A_657, %slice3A_658 in 2 : vector<8x16x2xi32>, vector<8x16x126xi32> -> vector<8x16x128xi32>
      %select_n3A_660 = arith.select %eq3A_628, %concatenate3A_656, %concatenate3A_659 : vector<8x16x128xi1>, vector<8x16x128xi32>
      %eq3A_661 = arith.cmpf oeq, %select_n3A_653, %select_n3A_612 : vector<8x16x128xf32>
      %select_n3A_662 = arith.select %eq3A_661, %select_n3A_621, %select_n3A_660 : vector<8x16x128xi1>, vector<8x16x128xi32>
      %iota3A_663 = tpu.iota {dimensions = array<i32: 2>} : vector<8x16x128xi32>
      %and3A_664 = arith.constant 1 : i32
      %and3A_665 = vector.broadcast %and3A_664 : i32 to vector<8x16x128xi32>
      %and3A_666 = arith.andi %iota3A_663, %and3A_665 : vector<8x16x128xi32>
      %eq3A_667 = arith.constant 0 : i32
      %eq3A_668 = vector.broadcast %eq3A_667 : i32 to vector<8x16x128xi32>
      %eq3A_669 = arith.cmpi eq, %and3A_666, %eq3A_668 : vector<8x16x128xi32>
      %iota3A_670 = tpu.iota {dimensions = array<i32: 1>} : vector<8x16x128xi32>
      %and3A_671 = arith.constant 16 : i32
      %and3A_672 = vector.broadcast %and3A_671 : i32 to vector<8x16x128xi32>
      %and3A_673 = arith.andi %iota3A_663, %and3A_672 : vector<8x16x128xi32>
      %ne3A_674 = arith.constant 0 : i32
      %ne3A_675 = vector.broadcast %ne3A_674 : i32 to vector<8x16x128xi32>
      %ne3A_676 = arith.cmpi ne, %and3A_673, %ne3A_675 : vector<8x16x128xi32>
      %and3A_677 = arith.constant 1 : i32
      %and3A_678 = vector.broadcast %and3A_677 : i32 to vector<8x16x128xi32>
      %and3A_679 = arith.andi %iota3A_670, %and3A_678 : vector<8x16x128xi32>
      %eq3A_680 = arith.constant 1 : i32
      %eq3A_681 = vector.broadcast %eq3A_680 : i32 to vector<8x16x128xi32>
      %eq3A_682 = arith.cmpi eq, %and3A_679, %eq3A_681 : vector<8x16x128xi32>
      %xor3A_683 = arith.xori %ne3A_676, %eq3A_682 : vector<8x16x128xi1>
      %xor3A_684 = arith.xori %eq3A_669, %xor3A_683 : vector<8x16x128xi1>
      %slice3A_685 = vector.extract_strided_slice %select_n3A_653 {offsets = [0, 0, 1], sizes = [8, 16, 127], strides = [1, 1, 1]} : vector<8x16x128xf32> to vector<8x16x127xf32>
      %slice3A_686 = vector.extract_strided_slice %select_n3A_653 {offsets = [0, 0, 0], sizes = [8, 16, 1], strides = [1, 1, 1]} : vector<8x16x128xf32> to vector<8x16x1xf32>
      %concatenate3A_687 = tpu.concatenate %slice3A_685, %slice3A_686 in 2 : vector<8x16x127xf32>, vector<8x16x1xf32> -> vector<8x16x128xf32>
      %slice3A_688 = vector.extract_strided_slice %select_n3A_653 {offsets = [0, 0, 127], sizes = [8, 16, 1], strides = [1, 1, 1]} : vector<8x16x128xf32> to vector<8x16x1xf32>
      %slice3A_689 = vector.extract_strided_slice %select_n3A_653 {offsets = [0, 0, 0], sizes = [8, 16, 127], strides = [1, 1, 1]} : vector<8x16x128xf32> to vector<8x16x127xf32>
      %concatenate3A_690 = tpu.concatenate %slice3A_688, %slice3A_689 in 2 : vector<8x16x1xf32>, vector<8x16x127xf32> -> vector<8x16x128xf32>
      %select_n3A_691 = arith.select %eq3A_669, %concatenate3A_687, %concatenate3A_690 : vector<8x16x128xi1>, vector<8x16x128xf32>
      %max3A_692 = arith.maximumf %select_n3A_653, %select_n3A_691 : vector<8x16x128xf32>
      %min3A_693 = arith.minimumf %select_n3A_653, %select_n3A_691 : vector<8x16x128xf32>
      %select_n3A_694 = arith.select %xor3A_684, %max3A_692, %min3A_693 : vector<8x16x128xi1>, vector<8x16x128xf32>
      %slice3A_695 = vector.extract_strided_slice %select_n3A_662 {offsets = [0, 0, 1], sizes = [8, 16, 127], strides = [1, 1, 1]} : vector<8x16x128xi32> to vector<8x16x127xi32>
      %slice3A_696 = vector.extract_strided_slice %select_n3A_662 {offsets = [0, 0, 0], sizes = [8, 16, 1], strides = [1, 1, 1]} : vector<8x16x128xi32> to vector<8x16x1xi32>
      %concatenate3A_697 = tpu.concatenate %slice3A_695, %slice3A_696 in 2 : vector<8x16x127xi32>, vector<8x16x1xi32> -> vector<8x16x128xi32>
      %slice3A_698 = vector.extract_strided_slice %select_n3A_662 {offsets = [0, 0, 127], sizes = [8, 16, 1], strides = [1, 1, 1]} : vector<8x16x128xi32> to vector<8x16x1xi32>
      %slice3A_699 = vector.extract_strided_slice %select_n3A_662 {offsets = [0, 0, 0], sizes = [8, 16, 127], strides = [1, 1, 1]} : vector<8x16x128xi32> to vector<8x16x127xi32>
      %concatenate3A_700 = tpu.concatenate %slice3A_698, %slice3A_699 in 2 : vector<8x16x1xi32>, vector<8x16x127xi32> -> vector<8x16x128xi32>
      %select_n3A_701 = arith.select %eq3A_669, %concatenate3A_697, %concatenate3A_700 : vector<8x16x128xi1>, vector<8x16x128xi32>
      %eq3A_702 = arith.cmpf oeq, %select_n3A_694, %select_n3A_653 : vector<8x16x128xf32>
      %select_n3A_703 = arith.select %eq3A_702, %select_n3A_662, %select_n3A_701 : vector<8x16x128xi1>, vector<8x16x128xi32>
      %iota3A_704 = tpu.iota {dimensions = array<i32: 2>} : vector<8x16x128xi32>
      %and3A_705 = arith.constant 16 : i32
      %and3A_706 = vector.broadcast %and3A_705 : i32 to vector<8x16x128xi32>
      %and3A_707 = arith.andi %iota3A_704, %and3A_706 : vector<8x16x128xi32>
      %eq3A_708 = arith.constant 0 : i32
      %eq3A_709 = vector.broadcast %eq3A_708 : i32 to vector<8x16x128xi32>
      %eq3A_710 = arith.cmpi eq, %and3A_707, %eq3A_709 : vector<8x16x128xi32>
      %iota3A_711 = tpu.iota {dimensions = array<i32: 1>} : vector<8x16x128xi32>
      %and3A_712 = arith.constant 32 : i32
      %and3A_713 = vector.broadcast %and3A_712 : i32 to vector<8x16x128xi32>
      %and3A_714 = arith.andi %iota3A_704, %and3A_713 : vector<8x16x128xi32>
      %ne3A_715 = arith.constant 0 : i32
      %ne3A_716 = vector.broadcast %ne3A_715 : i32 to vector<8x16x128xi32>
      %ne3A_717 = arith.cmpi ne, %and3A_714, %ne3A_716 : vector<8x16x128xi32>
      %and3A_718 = arith.constant 1 : i32
      %and3A_719 = vector.broadcast %and3A_718 : i32 to vector<8x16x128xi32>
      %and3A_720 = arith.andi %iota3A_711, %and3A_719 : vector<8x16x128xi32>
      %eq3A_721 = arith.constant 1 : i32
      %eq3A_722 = vector.broadcast %eq3A_721 : i32 to vector<8x16x128xi32>
      %eq3A_723 = arith.cmpi eq, %and3A_720, %eq3A_722 : vector<8x16x128xi32>
      %xor3A_724 = arith.xori %ne3A_717, %eq3A_723 : vector<8x16x128xi1>
      %xor3A_725 = arith.xori %eq3A_710, %xor3A_724 : vector<8x16x128xi1>
      %slice3A_726 = vector.extract_strided_slice %select_n3A_694 {offsets = [0, 0, 16], sizes = [8, 16, 112], strides = [1, 1, 1]} : vector<8x16x128xf32> to vector<8x16x112xf32>
      %slice3A_727 = vector.extract_strided_slice %select_n3A_694 {offsets = [0, 0, 0], sizes = [8, 16, 16], strides = [1, 1, 1]} : vector<8x16x128xf32> to vector<8x16x16xf32>
      %concatenate3A_728 = tpu.concatenate %slice3A_726, %slice3A_727 in 2 : vector<8x16x112xf32>, vector<8x16x16xf32> -> vector<8x16x128xf32>
      %slice3A_729 = vector.extract_strided_slice %select_n3A_694 {offsets = [0, 0, 112], sizes = [8, 16, 16], strides = [1, 1, 1]} : vector<8x16x128xf32> to vector<8x16x16xf32>
      %slice3A_730 = vector.extract_strided_slice %select_n3A_694 {offsets = [0, 0, 0], sizes = [8, 16, 112], strides = [1, 1, 1]} : vector<8x16x128xf32> to vector<8x16x112xf32>
      %concatenate3A_731 = tpu.concatenate %slice3A_729, %slice3A_730 in 2 : vector<8x16x16xf32>, vector<8x16x112xf32> -> vector<8x16x128xf32>
      %select_n3A_732 = arith.select %eq3A_710, %concatenate3A_728, %concatenate3A_731 : vector<8x16x128xi1>, vector<8x16x128xf32>
      %max3A_733 = arith.maximumf %select_n3A_694, %select_n3A_732 : vector<8x16x128xf32>
      %min3A_734 = arith.minimumf %select_n3A_694, %select_n3A_732 : vector<8x16x128xf32>
      %select_n3A_735 = arith.select %xor3A_725, %max3A_733, %min3A_734 : vector<8x16x128xi1>, vector<8x16x128xf32>
      %slice3A_736 = vector.extract_strided_slice %select_n3A_703 {offsets = [0, 0, 16], sizes = [8, 16, 112], strides = [1, 1, 1]} : vector<8x16x128xi32> to vector<8x16x112xi32>
      %slice3A_737 = vector.extract_strided_slice %select_n3A_703 {offsets = [0, 0, 0], sizes = [8, 16, 16], strides = [1, 1, 1]} : vector<8x16x128xi32> to vector<8x16x16xi32>
      %concatenate3A_738 = tpu.concatenate %slice3A_736, %slice3A_737 in 2 : vector<8x16x112xi32>, vector<8x16x16xi32> -> vector<8x16x128xi32>
      %slice3A_739 = vector.extract_strided_slice %select_n3A_703 {offsets = [0, 0, 112], sizes = [8, 16, 16], strides = [1, 1, 1]} : vector<8x16x128xi32> to vector<8x16x16xi32>
      %slice3A_740 = vector.extract_strided_slice %select_n3A_703 {offsets = [0, 0, 0], sizes = [8, 16, 112], strides = [1, 1, 1]} : vector<8x16x128xi32> to vector<8x16x112xi32>
      %concatenate3A_741 = tpu.concatenate %slice3A_739, %slice3A_740 in 2 : vector<8x16x16xi32>, vector<8x16x112xi32> -> vector<8x16x128xi32>
      %select_n3A_742 = arith.select %eq3A_710, %concatenate3A_738, %concatenate3A_741 : vector<8x16x128xi1>, vector<8x16x128xi32>
      %eq3A_743 = arith.cmpf oeq, %select_n3A_735, %select_n3A_694 : vector<8x16x128xf32>
      %select_n3A_744 = arith.select %eq3A_743, %select_n3A_703, %select_n3A_742 : vector<8x16x128xi1>, vector<8x16x128xi32>
      %iota3A_745 = tpu.iota {dimensions = array<i32: 2>} : vector<8x16x128xi32>
      %and3A_746 = arith.constant 8 : i32
      %and3A_747 = vector.broadcast %and3A_746 : i32 to vector<8x16x128xi32>
      %and3A_748 = arith.andi %iota3A_745, %and3A_747 : vector<8x16x128xi32>
      %eq3A_749 = arith.constant 0 : i32
      %eq3A_750 = vector.broadcast %eq3A_749 : i32 to vector<8x16x128xi32>
      %eq3A_751 = arith.cmpi eq, %and3A_748, %eq3A_750 : vector<8x16x128xi32>
      %iota3A_752 = tpu.iota {dimensions = array<i32: 1>} : vector<8x16x128xi32>
      %and3A_753 = arith.constant 32 : i32
      %and3A_754 = vector.broadcast %and3A_753 : i32 to vector<8x16x128xi32>
      %and3A_755 = arith.andi %iota3A_745, %and3A_754 : vector<8x16x128xi32>
      %ne3A_756 = arith.constant 0 : i32
      %ne3A_757 = vector.broadcast %ne3A_756 : i32 to vector<8x16x128xi32>
      %ne3A_758 = arith.cmpi ne, %and3A_755, %ne3A_757 : vector<8x16x128xi32>
      %and3A_759 = arith.constant 1 : i32
      %and3A_760 = vector.broadcast %and3A_759 : i32 to vector<8x16x128xi32>
      %and3A_761 = arith.andi %iota3A_752, %and3A_760 : vector<8x16x128xi32>
      %eq3A_762 = arith.constant 1 : i32
      %eq3A_763 = vector.broadcast %eq3A_762 : i32 to vector<8x16x128xi32>
      %eq3A_764 = arith.cmpi eq, %and3A_761, %eq3A_763 : vector<8x16x128xi32>
      %xor3A_765 = arith.xori %ne3A_758, %eq3A_764 : vector<8x16x128xi1>
      %xor3A_766 = arith.xori %eq3A_751, %xor3A_765 : vector<8x16x128xi1>
      %slice3A_767 = vector.extract_strided_slice %select_n3A_735 {offsets = [0, 0, 8], sizes = [8, 16, 120], strides = [1, 1, 1]} : vector<8x16x128xf32> to vector<8x16x120xf32>
      %slice3A_768 = vector.extract_strided_slice %select_n3A_735 {offsets = [0, 0, 0], sizes = [8, 16, 8], strides = [1, 1, 1]} : vector<8x16x128xf32> to vector<8x16x8xf32>
      %concatenate3A_769 = tpu.concatenate %slice3A_767, %slice3A_768 in 2 : vector<8x16x120xf32>, vector<8x16x8xf32> -> vector<8x16x128xf32>
      %slice3A_770 = vector.extract_strided_slice %select_n3A_735 {offsets = [0, 0, 120], sizes = [8, 16, 8], strides = [1, 1, 1]} : vector<8x16x128xf32> to vector<8x16x8xf32>
      %slice3A_771 = vector.extract_strided_slice %select_n3A_735 {offsets = [0, 0, 0], sizes = [8, 16, 120], strides = [1, 1, 1]} : vector<8x16x128xf32> to vector<8x16x120xf32>
      %concatenate3A_772 = tpu.concatenate %slice3A_770, %slice3A_771 in 2 : vector<8x16x8xf32>, vector<8x16x120xf32> -> vector<8x16x128xf32>
      %select_n3A_773 = arith.select %eq3A_751, %concatenate3A_769, %concatenate3A_772 : vector<8x16x128xi1>, vector<8x16x128xf32>
      %max3A_774 = arith.maximumf %select_n3A_735, %select_n3A_773 : vector<8x16x128xf32>
      %min3A_775 = arith.minimumf %select_n3A_735, %select_n3A_773 : vector<8x16x128xf32>
      %select_n3A_776 = arith.select %xor3A_766, %max3A_774, %min3A_775 : vector<8x16x128xi1>, vector<8x16x128xf32>
      %slice3A_777 = vector.extract_strided_slice %select_n3A_744 {offsets = [0, 0, 8], sizes = [8, 16, 120], strides = [1, 1, 1]} : vector<8x16x128xi32> to vector<8x16x120xi32>
      %slice3A_778 = vector.extract_strided_slice %select_n3A_744 {offsets = [0, 0, 0], sizes = [8, 16, 8], strides = [1, 1, 1]} : vector<8x16x128xi32> to vector<8x16x8xi32>
      %concatenate3A_779 = tpu.concatenate %slice3A_777, %slice3A_778 in 2 : vector<8x16x120xi32>, vector<8x16x8xi32> -> vector<8x16x128xi32>
      %slice3A_780 = vector.extract_strided_slice %select_n3A_744 {offsets = [0, 0, 120], sizes = [8, 16, 8], strides = [1, 1, 1]} : vector<8x16x128xi32> to vector<8x16x8xi32>
      %slice3A_781 = vector.extract_strided_slice %select_n3A_744 {offsets = [0, 0, 0], sizes = [8, 16, 120], strides = [1, 1, 1]} : vector<8x16x128xi32> to vector<8x16x120xi32>
      %concatenate3A_782 = tpu.concatenate %slice3A_780, %slice3A_781 in 2 : vector<8x16x8xi32>, vector<8x16x120xi32> -> vector<8x16x128xi32>
      %select_n3A_783 = arith.select %eq3A_751, %concatenate3A_779, %concatenate3A_782 : vector<8x16x128xi1>, vector<8x16x128xi32>
      %eq3A_784 = arith.cmpf oeq, %select_n3A_776, %select_n3A_735 : vector<8x16x128xf32>
      %select_n3A_785 = arith.select %eq3A_784, %select_n3A_744, %select_n3A_783 : vector<8x16x128xi1>, vector<8x16x128xi32>
      %iota3A_786 = tpu.iota {dimensions = array<i32: 2>} : vector<8x16x128xi32>
      %and3A_787 = arith.constant 4 : i32
      %and3A_788 = vector.broadcast %and3A_787 : i32 to vector<8x16x128xi32>
      %and3A_789 = arith.andi %iota3A_786, %and3A_788 : vector<8x16x128xi32>
      %eq3A_790 = arith.constant 0 : i32
      %eq3A_791 = vector.broadcast %eq3A_790 : i32 to vector<8x16x128xi32>
      %eq3A_792 = arith.cmpi eq, %and3A_789, %eq3A_791 : vector<8x16x128xi32>
      %iota3A_793 = tpu.iota {dimensions = array<i32: 1>} : vector<8x16x128xi32>
      %and3A_794 = arith.constant 32 : i32
      %and3A_795 = vector.broadcast %and3A_794 : i32 to vector<8x16x128xi32>
      %and3A_796 = arith.andi %iota3A_786, %and3A_795 : vector<8x16x128xi32>
      %ne3A_797 = arith.constant 0 : i32
      %ne3A_798 = vector.broadcast %ne3A_797 : i32 to vector<8x16x128xi32>
      %ne3A_799 = arith.cmpi ne, %and3A_796, %ne3A_798 : vector<8x16x128xi32>
      %and3A_800 = arith.constant 1 : i32
      %and3A_801 = vector.broadcast %and3A_800 : i32 to vector<8x16x128xi32>
      %and3A_802 = arith.andi %iota3A_793, %and3A_801 : vector<8x16x128xi32>
      %eq3A_803 = arith.constant 1 : i32
      %eq3A_804 = vector.broadcast %eq3A_803 : i32 to vector<8x16x128xi32>
      %eq3A_805 = arith.cmpi eq, %and3A_802, %eq3A_804 : vector<8x16x128xi32>
      %xor3A_806 = arith.xori %ne3A_799, %eq3A_805 : vector<8x16x128xi1>
      %xor3A_807 = arith.xori %eq3A_792, %xor3A_806 : vector<8x16x128xi1>
      %slice3A_808 = vector.extract_strided_slice %select_n3A_776 {offsets = [0, 0, 4], sizes = [8, 16, 124], strides = [1, 1, 1]} : vector<8x16x128xf32> to vector<8x16x124xf32>
      %slice3A_809 = vector.extract_strided_slice %select_n3A_776 {offsets = [0, 0, 0], sizes = [8, 16, 4], strides = [1, 1, 1]} : vector<8x16x128xf32> to vector<8x16x4xf32>
      %concatenate3A_810 = tpu.concatenate %slice3A_808, %slice3A_809 in 2 : vector<8x16x124xf32>, vector<8x16x4xf32> -> vector<8x16x128xf32>
      %slice3A_811 = vector.extract_strided_slice %select_n3A_776 {offsets = [0, 0, 124], sizes = [8, 16, 4], strides = [1, 1, 1]} : vector<8x16x128xf32> to vector<8x16x4xf32>
      %slice3A_812 = vector.extract_strided_slice %select_n3A_776 {offsets = [0, 0, 0], sizes = [8, 16, 124], strides = [1, 1, 1]} : vector<8x16x128xf32> to vector<8x16x124xf32>
      %concatenate3A_813 = tpu.concatenate %slice3A_811, %slice3A_812 in 2 : vector<8x16x4xf32>, vector<8x16x124xf32> -> vector<8x16x128xf32>
      %select_n3A_814 = arith.select %eq3A_792, %concatenate3A_810, %concatenate3A_813 : vector<8x16x128xi1>, vector<8x16x128xf32>
      %max3A_815 = arith.maximumf %select_n3A_776, %select_n3A_814 : vector<8x16x128xf32>
      %min3A_816 = arith.minimumf %select_n3A_776, %select_n3A_814 : vector<8x16x128xf32>
      %select_n3A_817 = arith.select %xor3A_807, %max3A_815, %min3A_816 : vector<8x16x128xi1>, vector<8x16x128xf32>
      %slice3A_818 = vector.extract_strided_slice %select_n3A_785 {offsets = [0, 0, 4], sizes = [8, 16, 124], strides = [1, 1, 1]} : vector<8x16x128xi32> to vector<8x16x124xi32>
      %slice3A_819 = vector.extract_strided_slice %select_n3A_785 {offsets = [0, 0, 0], sizes = [8, 16, 4], strides = [1, 1, 1]} : vector<8x16x128xi32> to vector<8x16x4xi32>
      %concatenate3A_820 = tpu.concatenate %slice3A_818, %slice3A_819 in 2 : vector<8x16x124xi32>, vector<8x16x4xi32> -> vector<8x16x128xi32>
      %slice3A_821 = vector.extract_strided_slice %select_n3A_785 {offsets = [0, 0, 124], sizes = [8, 16, 4], strides = [1, 1, 1]} : vector<8x16x128xi32> to vector<8x16x4xi32>
      %slice3A_822 = vector.extract_strided_slice %select_n3A_785 {offsets = [0, 0, 0], sizes = [8, 16, 124], strides = [1, 1, 1]} : vector<8x16x128xi32> to vector<8x16x124xi32>
      %concatenate3A_823 = tpu.concatenate %slice3A_821, %slice3A_822 in 2 : vector<8x16x4xi32>, vector<8x16x124xi32> -> vector<8x16x128xi32>
      %select_n3A_824 = arith.select %eq3A_792, %concatenate3A_820, %concatenate3A_823 : vector<8x16x128xi1>, vector<8x16x128xi32>
      %eq3A_825 = arith.cmpf oeq, %select_n3A_817, %select_n3A_776 : vector<8x16x128xf32>
      %select_n3A_826 = arith.select %eq3A_825, %select_n3A_785, %select_n3A_824 : vector<8x16x128xi1>, vector<8x16x128xi32>
      %iota3A_827 = tpu.iota {dimensions = array<i32: 2>} : vector<8x16x128xi32>
      %and3A_828 = arith.constant 2 : i32
      %and3A_829 = vector.broadcast %and3A_828 : i32 to vector<8x16x128xi32>
      %and3A_830 = arith.andi %iota3A_827, %and3A_829 : vector<8x16x128xi32>
      %eq3A_831 = arith.constant 0 : i32
      %eq3A_832 = vector.broadcast %eq3A_831 : i32 to vector<8x16x128xi32>
      %eq3A_833 = arith.cmpi eq, %and3A_830, %eq3A_832 : vector<8x16x128xi32>
      %iota3A_834 = tpu.iota {dimensions = array<i32: 1>} : vector<8x16x128xi32>
      %and3A_835 = arith.constant 32 : i32
      %and3A_836 = vector.broadcast %and3A_835 : i32 to vector<8x16x128xi32>
      %and3A_837 = arith.andi %iota3A_827, %and3A_836 : vector<8x16x128xi32>
      %ne3A_838 = arith.constant 0 : i32
      %ne3A_839 = vector.broadcast %ne3A_838 : i32 to vector<8x16x128xi32>
      %ne3A_840 = arith.cmpi ne, %and3A_837, %ne3A_839 : vector<8x16x128xi32>
      %and3A_841 = arith.constant 1 : i32
      %and3A_842 = vector.broadcast %and3A_841 : i32 to vector<8x16x128xi32>
      %and3A_843 = arith.andi %iota3A_834, %and3A_842 : vector<8x16x128xi32>
      %eq3A_844 = arith.constant 1 : i32
      %eq3A_845 = vector.broadcast %eq3A_844 : i32 to vector<8x16x128xi32>
      %eq3A_846 = arith.cmpi eq, %and3A_843, %eq3A_845 : vector<8x16x128xi32>
      %xor3A_847 = arith.xori %ne3A_840, %eq3A_846 : vector<8x16x128xi1>
      %xor3A_848 = arith.xori %eq3A_833, %xor3A_847 : vector<8x16x128xi1>
      %slice3A_849 = vector.extract_strided_slice %select_n3A_817 {offsets = [0, 0, 2], sizes = [8, 16, 126], strides = [1, 1, 1]} : vector<8x16x128xf32> to vector<8x16x126xf32>
      %slice3A_850 = vector.extract_strided_slice %select_n3A_817 {offsets = [0, 0, 0], sizes = [8, 16, 2], strides = [1, 1, 1]} : vector<8x16x128xf32> to vector<8x16x2xf32>
      %concatenate3A_851 = tpu.concatenate %slice3A_849, %slice3A_850 in 2 : vector<8x16x126xf32>, vector<8x16x2xf32> -> vector<8x16x128xf32>
      %slice3A_852 = vector.extract_strided_slice %select_n3A_817 {offsets = [0, 0, 126], sizes = [8, 16, 2], strides = [1, 1, 1]} : vector<8x16x128xf32> to vector<8x16x2xf32>
      %slice3A_853 = vector.extract_strided_slice %select_n3A_817 {offsets = [0, 0, 0], sizes = [8, 16, 126], strides = [1, 1, 1]} : vector<8x16x128xf32> to vector<8x16x126xf32>
      %concatenate3A_854 = tpu.concatenate %slice3A_852, %slice3A_853 in 2 : vector<8x16x2xf32>, vector<8x16x126xf32> -> vector<8x16x128xf32>
      %select_n3A_855 = arith.select %eq3A_833, %concatenate3A_851, %concatenate3A_854 : vector<8x16x128xi1>, vector<8x16x128xf32>
      %max3A_856 = arith.maximumf %select_n3A_817, %select_n3A_855 : vector<8x16x128xf32>
      %min3A_857 = arith.minimumf %select_n3A_817, %select_n3A_855 : vector<8x16x128xf32>
      %select_n3A_858 = arith.select %xor3A_848, %max3A_856, %min3A_857 : vector<8x16x128xi1>, vector<8x16x128xf32>
      %slice3A_859 = vector.extract_strided_slice %select_n3A_826 {offsets = [0, 0, 2], sizes = [8, 16, 126], strides = [1, 1, 1]} : vector<8x16x128xi32> to vector<8x16x126xi32>
      %slice3A_860 = vector.extract_strided_slice %select_n3A_826 {offsets = [0, 0, 0], sizes = [8, 16, 2], strides = [1, 1, 1]} : vector<8x16x128xi32> to vector<8x16x2xi32>
      %concatenate3A_861 = tpu.concatenate %slice3A_859, %slice3A_860 in 2 : vector<8x16x126xi32>, vector<8x16x2xi32> -> vector<8x16x128xi32>
      %slice3A_862 = vector.extract_strided_slice %select_n3A_826 {offsets = [0, 0, 126], sizes = [8, 16, 2], strides = [1, 1, 1]} : vector<8x16x128xi32> to vector<8x16x2xi32>
      %slice3A_863 = vector.extract_strided_slice %select_n3A_826 {offsets = [0, 0, 0], sizes = [8, 16, 126], strides = [1, 1, 1]} : vector<8x16x128xi32> to vector<8x16x126xi32>
      %concatenate3A_864 = tpu.concatenate %slice3A_862, %slice3A_863 in 2 : vector<8x16x2xi32>, vector<8x16x126xi32> -> vector<8x16x128xi32>
      %select_n3A_865 = arith.select %eq3A_833, %concatenate3A_861, %concatenate3A_864 : vector<8x16x128xi1>, vector<8x16x128xi32>
      %eq3A_866 = arith.cmpf oeq, %select_n3A_858, %select_n3A_817 : vector<8x16x128xf32>
      %select_n3A_867 = arith.select %eq3A_866, %select_n3A_826, %select_n3A_865 : vector<8x16x128xi1>, vector<8x16x128xi32>
      %iota3A_868 = tpu.iota {dimensions = array<i32: 2>} : vector<8x16x128xi32>
      %and3A_869 = arith.constant 1 : i32
      %and3A_870 = vector.broadcast %and3A_869 : i32 to vector<8x16x128xi32>
      %and3A_871 = arith.andi %iota3A_868, %and3A_870 : vector<8x16x128xi32>
      %eq3A_872 = arith.constant 0 : i32
      %eq3A_873 = vector.broadcast %eq3A_872 : i32 to vector<8x16x128xi32>
      %eq3A_874 = arith.cmpi eq, %and3A_871, %eq3A_873 : vector<8x16x128xi32>
      %iota3A_875 = tpu.iota {dimensions = array<i32: 1>} : vector<8x16x128xi32>
      %and3A_876 = arith.constant 32 : i32
      %and3A_877 = vector.broadcast %and3A_876 : i32 to vector<8x16x128xi32>
      %and3A_878 = arith.andi %iota3A_868, %and3A_877 : vector<8x16x128xi32>
      %ne3A_879 = arith.constant 0 : i32
      %ne3A_880 = vector.broadcast %ne3A_879 : i32 to vector<8x16x128xi32>
      %ne3A_881 = arith.cmpi ne, %and3A_878, %ne3A_880 : vector<8x16x128xi32>
      %and3A_882 = arith.constant 1 : i32
      %and3A_883 = vector.broadcast %and3A_882 : i32 to vector<8x16x128xi32>
      %and3A_884 = arith.andi %iota3A_875, %and3A_883 : vector<8x16x128xi32>
      %eq3A_885 = arith.constant 1 : i32
      %eq3A_886 = vector.broadcast %eq3A_885 : i32 to vector<8x16x128xi32>
      %eq3A_887 = arith.cmpi eq, %and3A_884, %eq3A_886 : vector<8x16x128xi32>
      %xor3A_888 = arith.xori %ne3A_881, %eq3A_887 : vector<8x16x128xi1>
      %xor3A_889 = arith.xori %eq3A_874, %xor3A_888 : vector<8x16x128xi1>
      %slice3A_890 = vector.extract_strided_slice %select_n3A_858 {offsets = [0, 0, 1], sizes = [8, 16, 127], strides = [1, 1, 1]} : vector<8x16x128xf32> to vector<8x16x127xf32>
      %slice3A_891 = vector.extract_strided_slice %select_n3A_858 {offsets = [0, 0, 0], sizes = [8, 16, 1], strides = [1, 1, 1]} : vector<8x16x128xf32> to vector<8x16x1xf32>
      %concatenate3A_892 = tpu.concatenate %slice3A_890, %slice3A_891 in 2 : vector<8x16x127xf32>, vector<8x16x1xf32> -> vector<8x16x128xf32>
      %slice3A_893 = vector.extract_strided_slice %select_n3A_858 {offsets = [0, 0, 127], sizes = [8, 16, 1], strides = [1, 1, 1]} : vector<8x16x128xf32> to vector<8x16x1xf32>
      %slice3A_894 = vector.extract_strided_slice %select_n3A_858 {offsets = [0, 0, 0], sizes = [8, 16, 127], strides = [1, 1, 1]} : vector<8x16x128xf32> to vector<8x16x127xf32>
      %concatenate3A_895 = tpu.concatenate %slice3A_893, %slice3A_894 in 2 : vector<8x16x1xf32>, vector<8x16x127xf32> -> vector<8x16x128xf32>
      %select_n3A_896 = arith.select %eq3A_874, %concatenate3A_892, %concatenate3A_895 : vector<8x16x128xi1>, vector<8x16x128xf32>
      %max3A_897 = arith.maximumf %select_n3A_858, %select_n3A_896 : vector<8x16x128xf32>
      %min3A_898 = arith.minimumf %select_n3A_858, %select_n3A_896 : vector<8x16x128xf32>
      %select_n3A_899 = arith.select %xor3A_889, %max3A_897, %min3A_898 : vector<8x16x128xi1>, vector<8x16x128xf32>
      %slice3A_900 = vector.extract_strided_slice %select_n3A_867 {offsets = [0, 0, 1], sizes = [8, 16, 127], strides = [1, 1, 1]} : vector<8x16x128xi32> to vector<8x16x127xi32>
      %slice3A_901 = vector.extract_strided_slice %select_n3A_867 {offsets = [0, 0, 0], sizes = [8, 16, 1], strides = [1, 1, 1]} : vector<8x16x128xi32> to vector<8x16x1xi32>
      %concatenate3A_902 = tpu.concatenate %slice3A_900, %slice3A_901 in 2 : vector<8x16x127xi32>, vector<8x16x1xi32> -> vector<8x16x128xi32>
      %slice3A_903 = vector.extract_strided_slice %select_n3A_867 {offsets = [0, 0, 127], sizes = [8, 16, 1], strides = [1, 1, 1]} : vector<8x16x128xi32> to vector<8x16x1xi32>
      %slice3A_904 = vector.extract_strided_slice %select_n3A_867 {offsets = [0, 0, 0], sizes = [8, 16, 127], strides = [1, 1, 1]} : vector<8x16x128xi32> to vector<8x16x127xi32>
      %concatenate3A_905 = tpu.concatenate %slice3A_903, %slice3A_904 in 2 : vector<8x16x1xi32>, vector<8x16x127xi32> -> vector<8x16x128xi32>
      %select_n3A_906 = arith.select %eq3A_874, %concatenate3A_902, %concatenate3A_905 : vector<8x16x128xi1>, vector<8x16x128xi32>
      %eq3A_907 = arith.cmpf oeq, %select_n3A_899, %select_n3A_858 : vector<8x16x128xf32>
      %select_n3A_908 = arith.select %eq3A_907, %select_n3A_867, %select_n3A_906 : vector<8x16x128xi1>, vector<8x16x128xi32>
      %iota3A_909 = tpu.iota {dimensions = array<i32: 2>} : vector<8x16x128xi32>
      %and3A_910 = arith.constant 32 : i32
      %and3A_911 = vector.broadcast %and3A_910 : i32 to vector<8x16x128xi32>
      %and3A_912 = arith.andi %iota3A_909, %and3A_911 : vector<8x16x128xi32>
      %eq3A_913 = arith.constant 0 : i32
      %eq3A_914 = vector.broadcast %eq3A_913 : i32 to vector<8x16x128xi32>
      %eq3A_915 = arith.cmpi eq, %and3A_912, %eq3A_914 : vector<8x16x128xi32>
      %iota3A_916 = tpu.iota {dimensions = array<i32: 1>} : vector<8x16x128xi32>
      %and3A_917 = arith.constant 64 : i32
      %and3A_918 = vector.broadcast %and3A_917 : i32 to vector<8x16x128xi32>
      %and3A_919 = arith.andi %iota3A_909, %and3A_918 : vector<8x16x128xi32>
      %ne3A_920 = arith.constant 0 : i32
      %ne3A_921 = vector.broadcast %ne3A_920 : i32 to vector<8x16x128xi32>
      %ne3A_922 = arith.cmpi ne, %and3A_919, %ne3A_921 : vector<8x16x128xi32>
      %and3A_923 = arith.constant 1 : i32
      %and3A_924 = vector.broadcast %and3A_923 : i32 to vector<8x16x128xi32>
      %and3A_925 = arith.andi %iota3A_916, %and3A_924 : vector<8x16x128xi32>
      %eq3A_926 = arith.constant 1 : i32
      %eq3A_927 = vector.broadcast %eq3A_926 : i32 to vector<8x16x128xi32>
      %eq3A_928 = arith.cmpi eq, %and3A_925, %eq3A_927 : vector<8x16x128xi32>
      %xor3A_929 = arith.xori %ne3A_922, %eq3A_928 : vector<8x16x128xi1>
      %xor3A_930 = arith.xori %eq3A_915, %xor3A_929 : vector<8x16x128xi1>
      %slice3A_931 = vector.extract_strided_slice %select_n3A_899 {offsets = [0, 0, 32], sizes = [8, 16, 96], strides = [1, 1, 1]} : vector<8x16x128xf32> to vector<8x16x96xf32>
      %slice3A_932 = vector.extract_strided_slice %select_n3A_899 {offsets = [0, 0, 0], sizes = [8, 16, 32], strides = [1, 1, 1]} : vector<8x16x128xf32> to vector<8x16x32xf32>
      %concatenate3A_933 = tpu.concatenate %slice3A_931, %slice3A_932 in 2 : vector<8x16x96xf32>, vector<8x16x32xf32> -> vector<8x16x128xf32>
      %slice3A_934 = vector.extract_strided_slice %select_n3A_899 {offsets = [0, 0, 96], sizes = [8, 16, 32], strides = [1, 1, 1]} : vector<8x16x128xf32> to vector<8x16x32xf32>
      %slice3A_935 = vector.extract_strided_slice %select_n3A_899 {offsets = [0, 0, 0], sizes = [8, 16, 96], strides = [1, 1, 1]} : vector<8x16x128xf32> to vector<8x16x96xf32>
      %concatenate3A_936 = tpu.concatenate %slice3A_934, %slice3A_935 in 2 : vector<8x16x32xf32>, vector<8x16x96xf32> -> vector<8x16x128xf32>
      %select_n3A_937 = arith.select %eq3A_915, %concatenate3A_933, %concatenate3A_936 : vector<8x16x128xi1>, vector<8x16x128xf32>
      %max3A_938 = arith.maximumf %select_n3A_899, %select_n3A_937 : vector<8x16x128xf32>
      %min3A_939 = arith.minimumf %select_n3A_899, %select_n3A_937 : vector<8x16x128xf32>
      %select_n3A_940 = arith.select %xor3A_930, %max3A_938, %min3A_939 : vector<8x16x128xi1>, vector<8x16x128xf32>
      %slice3A_941 = vector.extract_strided_slice %select_n3A_908 {offsets = [0, 0, 32], sizes = [8, 16, 96], strides = [1, 1, 1]} : vector<8x16x128xi32> to vector<8x16x96xi32>
      %slice3A_942 = vector.extract_strided_slice %select_n3A_908 {offsets = [0, 0, 0], sizes = [8, 16, 32], strides = [1, 1, 1]} : vector<8x16x128xi32> to vector<8x16x32xi32>
      %concatenate3A_943 = tpu.concatenate %slice3A_941, %slice3A_942 in 2 : vector<8x16x96xi32>, vector<8x16x32xi32> -> vector<8x16x128xi32>
      %slice3A_944 = vector.extract_strided_slice %select_n3A_908 {offsets = [0, 0, 96], sizes = [8, 16, 32], strides = [1, 1, 1]} : vector<8x16x128xi32> to vector<8x16x32xi32>
      %slice3A_945 = vector.extract_strided_slice %select_n3A_908 {offsets = [0, 0, 0], sizes = [8, 16, 96], strides = [1, 1, 1]} : vector<8x16x128xi32> to vector<8x16x96xi32>
      %concatenate3A_946 = tpu.concatenate %slice3A_944, %slice3A_945 in 2 : vector<8x16x32xi32>, vector<8x16x96xi32> -> vector<8x16x128xi32>
      %select_n3A_947 = arith.select %eq3A_915, %concatenate3A_943, %concatenate3A_946 : vector<8x16x128xi1>, vector<8x16x128xi32>
      %eq3A_948 = arith.cmpf oeq, %select_n3A_940, %select_n3A_899 : vector<8x16x128xf32>
      %select_n3A_949 = arith.select %eq3A_948, %select_n3A_908, %select_n3A_947 : vector<8x16x128xi1>, vector<8x16x128xi32>
      %iota3A_950 = tpu.iota {dimensions = array<i32: 2>} : vector<8x16x128xi32>
      %and3A_951 = arith.constant 16 : i32
      %and3A_952 = vector.broadcast %and3A_951 : i32 to vector<8x16x128xi32>
      %and3A_953 = arith.andi %iota3A_950, %and3A_952 : vector<8x16x128xi32>
      %eq3A_954 = arith.constant 0 : i32
      %eq3A_955 = vector.broadcast %eq3A_954 : i32 to vector<8x16x128xi32>
      %eq3A_956 = arith.cmpi eq, %and3A_953, %eq3A_955 : vector<8x16x128xi32>
      %iota3A_957 = tpu.iota {dimensions = array<i32: 1>} : vector<8x16x128xi32>
      %and3A_958 = arith.constant 64 : i32
      %and3A_959 = vector.broadcast %and3A_958 : i32 to vector<8x16x128xi32>
      %and3A_960 = arith.andi %iota3A_950, %and3A_959 : vector<8x16x128xi32>
      %ne3A_961 = arith.constant 0 : i32
      %ne3A_962 = vector.broadcast %ne3A_961 : i32 to vector<8x16x128xi32>
      %ne3A_963 = arith.cmpi ne, %and3A_960, %ne3A_962 : vector<8x16x128xi32>
      %and3A_964 = arith.constant 1 : i32
      %and3A_965 = vector.broadcast %and3A_964 : i32 to vector<8x16x128xi32>
      %and3A_966 = arith.andi %iota3A_957, %and3A_965 : vector<8x16x128xi32>
      %eq3A_967 = arith.constant 1 : i32
      %eq3A_968 = vector.broadcast %eq3A_967 : i32 to vector<8x16x128xi32>
      %eq3A_969 = arith.cmpi eq, %and3A_966, %eq3A_968 : vector<8x16x128xi32>
      %xor3A_970 = arith.xori %ne3A_963, %eq3A_969 : vector<8x16x128xi1>
      %xor3A_971 = arith.xori %eq3A_956, %xor3A_970 : vector<8x16x128xi1>
      %slice3A_972 = vector.extract_strided_slice %select_n3A_940 {offsets = [0, 0, 16], sizes = [8, 16, 112], strides = [1, 1, 1]} : vector<8x16x128xf32> to vector<8x16x112xf32>
      %slice3A_973 = vector.extract_strided_slice %select_n3A_940 {offsets = [0, 0, 0], sizes = [8, 16, 16], strides = [1, 1, 1]} : vector<8x16x128xf32> to vector<8x16x16xf32>
      %concatenate3A_974 = tpu.concatenate %slice3A_972, %slice3A_973 in 2 : vector<8x16x112xf32>, vector<8x16x16xf32> -> vector<8x16x128xf32>
      %slice3A_975 = vector.extract_strided_slice %select_n3A_940 {offsets = [0, 0, 112], sizes = [8, 16, 16], strides = [1, 1, 1]} : vector<8x16x128xf32> to vector<8x16x16xf32>
      %slice3A_976 = vector.extract_strided_slice %select_n3A_940 {offsets = [0, 0, 0], sizes = [8, 16, 112], strides = [1, 1, 1]} : vector<8x16x128xf32> to vector<8x16x112xf32>
      %concatenate3A_977 = tpu.concatenate %slice3A_975, %slice3A_976 in 2 : vector<8x16x16xf32>, vector<8x16x112xf32> -> vector<8x16x128xf32>
      %select_n3A_978 = arith.select %eq3A_956, %concatenate3A_974, %concatenate3A_977 : vector<8x16x128xi1>, vector<8x16x128xf32>
      %max3A_979 = arith.maximumf %select_n3A_940, %select_n3A_978 : vector<8x16x128xf32>
      %min3A_980 = arith.minimumf %select_n3A_940, %select_n3A_978 : vector<8x16x128xf32>
      %select_n3A_981 = arith.select %xor3A_971, %max3A_979, %min3A_980 : vector<8x16x128xi1>, vector<8x16x128xf32>
      %slice3A_982 = vector.extract_strided_slice %select_n3A_949 {offsets = [0, 0, 16], sizes = [8, 16, 112], strides = [1, 1, 1]} : vector<8x16x128xi32> to vector<8x16x112xi32>
      %slice3A_983 = vector.extract_strided_slice %select_n3A_949 {offsets = [0, 0, 0], sizes = [8, 16, 16], strides = [1, 1, 1]} : vector<8x16x128xi32> to vector<8x16x16xi32>
      %concatenate3A_984 = tpu.concatenate %slice3A_982, %slice3A_983 in 2 : vector<8x16x112xi32>, vector<8x16x16xi32> -> vector<8x16x128xi32>
      %slice3A_985 = vector.extract_strided_slice %select_n3A_949 {offsets = [0, 0, 112], sizes = [8, 16, 16], strides = [1, 1, 1]} : vector<8x16x128xi32> to vector<8x16x16xi32>
      %slice3A_986 = vector.extract_strided_slice %select_n3A_949 {offsets = [0, 0, 0], sizes = [8, 16, 112], strides = [1, 1, 1]} : vector<8x16x128xi32> to vector<8x16x112xi32>
      %concatenate3A_987 = tpu.concatenate %slice3A_985, %slice3A_986 in 2 : vector<8x16x16xi32>, vector<8x16x112xi32> -> vector<8x16x128xi32>
      %select_n3A_988 = arith.select %eq3A_956, %concatenate3A_984, %concatenate3A_987 : vector<8x16x128xi1>, vector<8x16x128xi32>
      %eq3A_989 = arith.cmpf oeq, %select_n3A_981, %select_n3A_940 : vector<8x16x128xf32>
      %select_n3A_990 = arith.select %eq3A_989, %select_n3A_949, %select_n3A_988 : vector<8x16x128xi1>, vector<8x16x128xi32>
      %iota3A_991 = tpu.iota {dimensions = array<i32: 2>} : vector<8x16x128xi32>
      %and3A_992 = arith.constant 8 : i32
      %and3A_993 = vector.broadcast %and3A_992 : i32 to vector<8x16x128xi32>
      %and3A_994 = arith.andi %iota3A_991, %and3A_993 : vector<8x16x128xi32>
      %eq3A_995 = arith.constant 0 : i32
      %eq3A_996 = vector.broadcast %eq3A_995 : i32 to vector<8x16x128xi32>
      %eq3A_997 = arith.cmpi eq, %and3A_994, %eq3A_996 : vector<8x16x128xi32>
      %iota3A_998 = tpu.iota {dimensions = array<i32: 1>} : vector<8x16x128xi32>
      %and3A_999 = arith.constant 64 : i32
      %and3A_1000 = vector.broadcast %and3A_999 : i32 to vector<8x16x128xi32>
      %and3A_1001 = arith.andi %iota3A_991, %and3A_1000 : vector<8x16x128xi32>
      %ne3A_1002 = arith.constant 0 : i32
      %ne3A_1003 = vector.broadcast %ne3A_1002 : i32 to vector<8x16x128xi32>
      %ne3A_1004 = arith.cmpi ne, %and3A_1001, %ne3A_1003 : vector<8x16x128xi32>
      %and3A_1005 = arith.constant 1 : i32
      %and3A_1006 = vector.broadcast %and3A_1005 : i32 to vector<8x16x128xi32>
      %and3A_1007 = arith.andi %iota3A_998, %and3A_1006 : vector<8x16x128xi32>
      %eq3A_1008 = arith.constant 1 : i32
      %eq3A_1009 = vector.broadcast %eq3A_1008 : i32 to vector<8x16x128xi32>
      %eq3A_1010 = arith.cmpi eq, %and3A_1007, %eq3A_1009 : vector<8x16x128xi32>
      %xor3A_1011 = arith.xori %ne3A_1004, %eq3A_1010 : vector<8x16x128xi1>
      %xor3A_1012 = arith.xori %eq3A_997, %xor3A_1011 : vector<8x16x128xi1>
      %slice3A_1013 = vector.extract_strided_slice %select_n3A_981 {offsets = [0, 0, 8], sizes = [8, 16, 120], strides = [1, 1, 1]} : vector<8x16x128xf32> to vector<8x16x120xf32>
      %slice3A_1014 = vector.extract_strided_slice %select_n3A_981 {offsets = [0, 0, 0], sizes = [8, 16, 8], strides = [1, 1, 1]} : vector<8x16x128xf32> to vector<8x16x8xf32>
      %concatenate3A_1015 = tpu.concatenate %slice3A_1013, %slice3A_1014 in 2 : vector<8x16x120xf32>, vector<8x16x8xf32> -> vector<8x16x128xf32>
      %slice3A_1016 = vector.extract_strided_slice %select_n3A_981 {offsets = [0, 0, 120], sizes = [8, 16, 8], strides = [1, 1, 1]} : vector<8x16x128xf32> to vector<8x16x8xf32>
      %slice3A_1017 = vector.extract_strided_slice %select_n3A_981 {offsets = [0, 0, 0], sizes = [8, 16, 120], strides = [1, 1, 1]} : vector<8x16x128xf32> to vector<8x16x120xf32>
      %concatenate3A_1018 = tpu.concatenate %slice3A_1016, %slice3A_1017 in 2 : vector<8x16x8xf32>, vector<8x16x120xf32> -> vector<8x16x128xf32>
      %select_n3A_1019 = arith.select %eq3A_997, %concatenate3A_1015, %concatenate3A_1018 : vector<8x16x128xi1>, vector<8x16x128xf32>
      %max3A_1020 = arith.maximumf %select_n3A_981, %select_n3A_1019 : vector<8x16x128xf32>
      %min3A_1021 = arith.minimumf %select_n3A_981, %select_n3A_1019 : vector<8x16x128xf32>
      %select_n3A_1022 = arith.select %xor3A_1012, %max3A_1020, %min3A_1021 : vector<8x16x128xi1>, vector<8x16x128xf32>
      %slice3A_1023 = vector.extract_strided_slice %select_n3A_990 {offsets = [0, 0, 8], sizes = [8, 16, 120], strides = [1, 1, 1]} : vector<8x16x128xi32> to vector<8x16x120xi32>
      %slice3A_1024 = vector.extract_strided_slice %select_n3A_990 {offsets = [0, 0, 0], sizes = [8, 16, 8], strides = [1, 1, 1]} : vector<8x16x128xi32> to vector<8x16x8xi32>
      %concatenate3A_1025 = tpu.concatenate %slice3A_1023, %slice3A_1024 in 2 : vector<8x16x120xi32>, vector<8x16x8xi32> -> vector<8x16x128xi32>
      %slice3A_1026 = vector.extract_strided_slice %select_n3A_990 {offsets = [0, 0, 120], sizes = [8, 16, 8], strides = [1, 1, 1]} : vector<8x16x128xi32> to vector<8x16x8xi32>
      %slice3A_1027 = vector.extract_strided_slice %select_n3A_990 {offsets = [0, 0, 0], sizes = [8, 16, 120], strides = [1, 1, 1]} : vector<8x16x128xi32> to vector<8x16x120xi32>
      %concatenate3A_1028 = tpu.concatenate %slice3A_1026, %slice3A_1027 in 2 : vector<8x16x8xi32>, vector<8x16x120xi32> -> vector<8x16x128xi32>
      %select_n3A_1029 = arith.select %eq3A_997, %concatenate3A_1025, %concatenate3A_1028 : vector<8x16x128xi1>, vector<8x16x128xi32>
      %eq3A_1030 = arith.cmpf oeq, %select_n3A_1022, %select_n3A_981 : vector<8x16x128xf32>
      %select_n3A_1031 = arith.select %eq3A_1030, %select_n3A_990, %select_n3A_1029 : vector<8x16x128xi1>, vector<8x16x128xi32>
      %iota3A_1032 = tpu.iota {dimensions = array<i32: 2>} : vector<8x16x128xi32>
      %and3A_1033 = arith.constant 4 : i32
      %and3A_1034 = vector.broadcast %and3A_1033 : i32 to vector<8x16x128xi32>
      %and3A_1035 = arith.andi %iota3A_1032, %and3A_1034 : vector<8x16x128xi32>
      %eq3A_1036 = arith.constant 0 : i32
      %eq3A_1037 = vector.broadcast %eq3A_1036 : i32 to vector<8x16x128xi32>
      %eq3A_1038 = arith.cmpi eq, %and3A_1035, %eq3A_1037 : vector<8x16x128xi32>
      %iota3A_1039 = tpu.iota {dimensions = array<i32: 1>} : vector<8x16x128xi32>
      %and3A_1040 = arith.constant 64 : i32
      %and3A_1041 = vector.broadcast %and3A_1040 : i32 to vector<8x16x128xi32>
      %and3A_1042 = arith.andi %iota3A_1032, %and3A_1041 : vector<8x16x128xi32>
      %ne3A_1043 = arith.constant 0 : i32
      %ne3A_1044 = vector.broadcast %ne3A_1043 : i32 to vector<8x16x128xi32>
      %ne3A_1045 = arith.cmpi ne, %and3A_1042, %ne3A_1044 : vector<8x16x128xi32>
      %and3A_1046 = arith.constant 1 : i32
      %and3A_1047 = vector.broadcast %and3A_1046 : i32 to vector<8x16x128xi32>
      %and3A_1048 = arith.andi %iota3A_1039, %and3A_1047 : vector<8x16x128xi32>
      %eq3A_1049 = arith.constant 1 : i32
      %eq3A_1050 = vector.broadcast %eq3A_1049 : i32 to vector<8x16x128xi32>
      %eq3A_1051 = arith.cmpi eq, %and3A_1048, %eq3A_1050 : vector<8x16x128xi32>
      %xor3A_1052 = arith.xori %ne3A_1045, %eq3A_1051 : vector<8x16x128xi1>
      %xor3A_1053 = arith.xori %eq3A_1038, %xor3A_1052 : vector<8x16x128xi1>
      %slice3A_1054 = vector.extract_strided_slice %select_n3A_1022 {offsets = [0, 0, 4], sizes = [8, 16, 124], strides = [1, 1, 1]} : vector<8x16x128xf32> to vector<8x16x124xf32>
      %slice3A_1055 = vector.extract_strided_slice %select_n3A_1022 {offsets = [0, 0, 0], sizes = [8, 16, 4], strides = [1, 1, 1]} : vector<8x16x128xf32> to vector<8x16x4xf32>
      %concatenate3A_1056 = tpu.concatenate %slice3A_1054, %slice3A_1055 in 2 : vector<8x16x124xf32>, vector<8x16x4xf32> -> vector<8x16x128xf32>
      %slice3A_1057 = vector.extract_strided_slice %select_n3A_1022 {offsets = [0, 0, 124], sizes = [8, 16, 4], strides = [1, 1, 1]} : vector<8x16x128xf32> to vector<8x16x4xf32>
      %slice3A_1058 = vector.extract_strided_slice %select_n3A_1022 {offsets = [0, 0, 0], sizes = [8, 16, 124], strides = [1, 1, 1]} : vector<8x16x128xf32> to vector<8x16x124xf32>
      %concatenate3A_1059 = tpu.concatenate %slice3A_1057, %slice3A_1058 in 2 : vector<8x16x4xf32>, vector<8x16x124xf32> -> vector<8x16x128xf32>
      %select_n3A_1060 = arith.select %eq3A_1038, %concatenate3A_1056, %concatenate3A_1059 : vector<8x16x128xi1>, vector<8x16x128xf32>
      %max3A_1061 = arith.maximumf %select_n3A_1022, %select_n3A_1060 : vector<8x16x128xf32>
      %min3A_1062 = arith.minimumf %select_n3A_1022, %select_n3A_1060 : vector<8x16x128xf32>
      %select_n3A_1063 = arith.select %xor3A_1053, %max3A_1061, %min3A_1062 : vector<8x16x128xi1>, vector<8x16x128xf32>
      %slice3A_1064 = vector.extract_strided_slice %select_n3A_1031 {offsets = [0, 0, 4], sizes = [8, 16, 124], strides = [1, 1, 1]} : vector<8x16x128xi32> to vector<8x16x124xi32>
      %slice3A_1065 = vector.extract_strided_slice %select_n3A_1031 {offsets = [0, 0, 0], sizes = [8, 16, 4], strides = [1, 1, 1]} : vector<8x16x128xi32> to vector<8x16x4xi32>
      %concatenate3A_1066 = tpu.concatenate %slice3A_1064, %slice3A_1065 in 2 : vector<8x16x124xi32>, vector<8x16x4xi32> -> vector<8x16x128xi32>
      %slice3A_1067 = vector.extract_strided_slice %select_n3A_1031 {offsets = [0, 0, 124], sizes = [8, 16, 4], strides = [1, 1, 1]} : vector<8x16x128xi32> to vector<8x16x4xi32>
      %slice3A_1068 = vector.extract_strided_slice %select_n3A_1031 {offsets = [0, 0, 0], sizes = [8, 16, 124], strides = [1, 1, 1]} : vector<8x16x128xi32> to vector<8x16x124xi32>
      %concatenate3A_1069 = tpu.concatenate %slice3A_1067, %slice3A_1068 in 2 : vector<8x16x4xi32>, vector<8x16x124xi32> -> vector<8x16x128xi32>
      %select_n3A_1070 = arith.select %eq3A_1038, %concatenate3A_1066, %concatenate3A_1069 : vector<8x16x128xi1>, vector<8x16x128xi32>
      %eq3A_1071 = arith.cmpf oeq, %select_n3A_1063, %select_n3A_1022 : vector<8x16x128xf32>
      %select_n3A_1072 = arith.select %eq3A_1071, %select_n3A_1031, %select_n3A_1070 : vector<8x16x128xi1>, vector<8x16x128xi32>
      %iota3A_1073 = tpu.iota {dimensions = array<i32: 2>} : vector<8x16x128xi32>
      %and3A_1074 = arith.constant 2 : i32
      %and3A_1075 = vector.broadcast %and3A_1074 : i32 to vector<8x16x128xi32>
      %and3A_1076 = arith.andi %iota3A_1073, %and3A_1075 : vector<8x16x128xi32>
      %eq3A_1077 = arith.constant 0 : i32
      %eq3A_1078 = vector.broadcast %eq3A_1077 : i32 to vector<8x16x128xi32>
      %eq3A_1079 = arith.cmpi eq, %and3A_1076, %eq3A_1078 : vector<8x16x128xi32>
      %iota3A_1080 = tpu.iota {dimensions = array<i32: 1>} : vector<8x16x128xi32>
      %and3A_1081 = arith.constant 64 : i32
      %and3A_1082 = vector.broadcast %and3A_1081 : i32 to vector<8x16x128xi32>
      %and3A_1083 = arith.andi %iota3A_1073, %and3A_1082 : vector<8x16x128xi32>
      %ne3A_1084 = arith.constant 0 : i32
      %ne3A_1085 = vector.broadcast %ne3A_1084 : i32 to vector<8x16x128xi32>
      %ne3A_1086 = arith.cmpi ne, %and3A_1083, %ne3A_1085 : vector<8x16x128xi32>
      %and3A_1087 = arith.constant 1 : i32
      %and3A_1088 = vector.broadcast %and3A_1087 : i32 to vector<8x16x128xi32>
      %and3A_1089 = arith.andi %iota3A_1080, %and3A_1088 : vector<8x16x128xi32>
      %eq3A_1090 = arith.constant 1 : i32
      %eq3A_1091 = vector.broadcast %eq3A_1090 : i32 to vector<8x16x128xi32>
      %eq3A_1092 = arith.cmpi eq, %and3A_1089, %eq3A_1091 : vector<8x16x128xi32>
      %xor3A_1093 = arith.xori %ne3A_1086, %eq3A_1092 : vector<8x16x128xi1>
      %xor3A_1094 = arith.xori %eq3A_1079, %xor3A_1093 : vector<8x16x128xi1>
      %slice3A_1095 = vector.extract_strided_slice %select_n3A_1063 {offsets = [0, 0, 2], sizes = [8, 16, 126], strides = [1, 1, 1]} : vector<8x16x128xf32> to vector<8x16x126xf32>
      %slice3A_1096 = vector.extract_strided_slice %select_n3A_1063 {offsets = [0, 0, 0], sizes = [8, 16, 2], strides = [1, 1, 1]} : vector<8x16x128xf32> to vector<8x16x2xf32>
      %concatenate3A_1097 = tpu.concatenate %slice3A_1095, %slice3A_1096 in 2 : vector<8x16x126xf32>, vector<8x16x2xf32> -> vector<8x16x128xf32>
      %slice3A_1098 = vector.extract_strided_slice %select_n3A_1063 {offsets = [0, 0, 126], sizes = [8, 16, 2], strides = [1, 1, 1]} : vector<8x16x128xf32> to vector<8x16x2xf32>
      %slice3A_1099 = vector.extract_strided_slice %select_n3A_1063 {offsets = [0, 0, 0], sizes = [8, 16, 126], strides = [1, 1, 1]} : vector<8x16x128xf32> to vector<8x16x126xf32>
      %concatenate3A_1100 = tpu.concatenate %slice3A_1098, %slice3A_1099 in 2 : vector<8x16x2xf32>, vector<8x16x126xf32> -> vector<8x16x128xf32>
      %select_n3A_1101 = arith.select %eq3A_1079, %concatenate3A_1097, %concatenate3A_1100 : vector<8x16x128xi1>, vector<8x16x128xf32>
      %max3A_1102 = arith.maximumf %select_n3A_1063, %select_n3A_1101 : vector<8x16x128xf32>
      %min3A_1103 = arith.minimumf %select_n3A_1063, %select_n3A_1101 : vector<8x16x128xf32>
      %select_n3A_1104 = arith.select %xor3A_1094, %max3A_1102, %min3A_1103 : vector<8x16x128xi1>, vector<8x16x128xf32>
      %slice3A_1105 = vector.extract_strided_slice %select_n3A_1072 {offsets = [0, 0, 2], sizes = [8, 16, 126], strides = [1, 1, 1]} : vector<8x16x128xi32> to vector<8x16x126xi32>
      %slice3A_1106 = vector.extract_strided_slice %select_n3A_1072 {offsets = [0, 0, 0], sizes = [8, 16, 2], strides = [1, 1, 1]} : vector<8x16x128xi32> to vector<8x16x2xi32>
      %concatenate3A_1107 = tpu.concatenate %slice3A_1105, %slice3A_1106 in 2 : vector<8x16x126xi32>, vector<8x16x2xi32> -> vector<8x16x128xi32>
      %slice3A_1108 = vector.extract_strided_slice %select_n3A_1072 {offsets = [0, 0, 126], sizes = [8, 16, 2], strides = [1, 1, 1]} : vector<8x16x128xi32> to vector<8x16x2xi32>
      %slice3A_1109 = vector.extract_strided_slice %select_n3A_1072 {offsets = [0, 0, 0], sizes = [8, 16, 126], strides = [1, 1, 1]} : vector<8x16x128xi32> to vector<8x16x126xi32>
      %concatenate3A_1110 = tpu.concatenate %slice3A_1108, %slice3A_1109 in 2 : vector<8x16x2xi32>, vector<8x16x126xi32> -> vector<8x16x128xi32>
      %select_n3A_1111 = arith.select %eq3A_1079, %concatenate3A_1107, %concatenate3A_1110 : vector<8x16x128xi1>, vector<8x16x128xi32>
      %eq3A_1112 = arith.cmpf oeq, %select_n3A_1104, %select_n3A_1063 : vector<8x16x128xf32>
      %select_n3A_1113 = arith.select %eq3A_1112, %select_n3A_1072, %select_n3A_1111 : vector<8x16x128xi1>, vector<8x16x128xi32>
      %iota3A_1114 = tpu.iota {dimensions = array<i32: 2>} : vector<8x16x128xi32>
      %and3A_1115 = arith.constant 1 : i32
      %and3A_1116 = vector.broadcast %and3A_1115 : i32 to vector<8x16x128xi32>
      %and3A_1117 = arith.andi %iota3A_1114, %and3A_1116 : vector<8x16x128xi32>
      %eq3A_1118 = arith.constant 0 : i32
      %eq3A_1119 = vector.broadcast %eq3A_1118 : i32 to vector<8x16x128xi32>
      %eq3A_1120 = arith.cmpi eq, %and3A_1117, %eq3A_1119 : vector<8x16x128xi32>
      %iota3A_1121 = tpu.iota {dimensions = array<i32: 1>} : vector<8x16x128xi32>
      %and3A_1122 = arith.constant 64 : i32
      %and3A_1123 = vector.broadcast %and3A_1122 : i32 to vector<8x16x128xi32>
      %and3A_1124 = arith.andi %iota3A_1114, %and3A_1123 : vector<8x16x128xi32>
      %ne3A_1125 = arith.constant 0 : i32
      %ne3A_1126 = vector.broadcast %ne3A_1125 : i32 to vector<8x16x128xi32>
      %ne3A_1127 = arith.cmpi ne, %and3A_1124, %ne3A_1126 : vector<8x16x128xi32>
      %and3A_1128 = arith.constant 1 : i32
      %and3A_1129 = vector.broadcast %and3A_1128 : i32 to vector<8x16x128xi32>
      %and3A_1130 = arith.andi %iota3A_1121, %and3A_1129 : vector<8x16x128xi32>
      %eq3A_1131 = arith.constant 1 : i32
      %eq3A_1132 = vector.broadcast %eq3A_1131 : i32 to vector<8x16x128xi32>
      %eq3A_1133 = arith.cmpi eq, %and3A_1130, %eq3A_1132 : vector<8x16x128xi32>
      %xor3A_1134 = arith.xori %ne3A_1127, %eq3A_1133 : vector<8x16x128xi1>
      %xor3A_1135 = arith.xori %eq3A_1120, %xor3A_1134 : vector<8x16x128xi1>
      %slice3A_1136 = vector.extract_strided_slice %select_n3A_1104 {offsets = [0, 0, 1], sizes = [8, 16, 127], strides = [1, 1, 1]} : vector<8x16x128xf32> to vector<8x16x127xf32>
      %slice3A_1137 = vector.extract_strided_slice %select_n3A_1104 {offsets = [0, 0, 0], sizes = [8, 16, 1], strides = [1, 1, 1]} : vector<8x16x128xf32> to vector<8x16x1xf32>
      %concatenate3A_1138 = tpu.concatenate %slice3A_1136, %slice3A_1137 in 2 : vector<8x16x127xf32>, vector<8x16x1xf32> -> vector<8x16x128xf32>
      %slice3A_1139 = vector.extract_strided_slice %select_n3A_1104 {offsets = [0, 0, 127], sizes = [8, 16, 1], strides = [1, 1, 1]} : vector<8x16x128xf32> to vector<8x16x1xf32>
      %slice3A_1140 = vector.extract_strided_slice %select_n3A_1104 {offsets = [0, 0, 0], sizes = [8, 16, 127], strides = [1, 1, 1]} : vector<8x16x128xf32> to vector<8x16x127xf32>
      %concatenate3A_1141 = tpu.concatenate %slice3A_1139, %slice3A_1140 in 2 : vector<8x16x1xf32>, vector<8x16x127xf32> -> vector<8x16x128xf32>
      %select_n3A_1142 = arith.select %eq3A_1120, %concatenate3A_1138, %concatenate3A_1141 : vector<8x16x128xi1>, vector<8x16x128xf32>
      %max3A_1143 = arith.maximumf %select_n3A_1104, %select_n3A_1142 : vector<8x16x128xf32>
      %min3A_1144 = arith.minimumf %select_n3A_1104, %select_n3A_1142 : vector<8x16x128xf32>
      %select_n3A_1145 = arith.select %xor3A_1135, %max3A_1143, %min3A_1144 : vector<8x16x128xi1>, vector<8x16x128xf32>
      %slice3A_1146 = vector.extract_strided_slice %select_n3A_1113 {offsets = [0, 0, 1], sizes = [8, 16, 127], strides = [1, 1, 1]} : vector<8x16x128xi32> to vector<8x16x127xi32>
      %slice3A_1147 = vector.extract_strided_slice %select_n3A_1113 {offsets = [0, 0, 0], sizes = [8, 16, 1], strides = [1, 1, 1]} : vector<8x16x128xi32> to vector<8x16x1xi32>
      %concatenate3A_1148 = tpu.concatenate %slice3A_1146, %slice3A_1147 in 2 : vector<8x16x127xi32>, vector<8x16x1xi32> -> vector<8x16x128xi32>
      %slice3A_1149 = vector.extract_strided_slice %select_n3A_1113 {offsets = [0, 0, 127], sizes = [8, 16, 1], strides = [1, 1, 1]} : vector<8x16x128xi32> to vector<8x16x1xi32>
      %slice3A_1150 = vector.extract_strided_slice %select_n3A_1113 {offsets = [0, 0, 0], sizes = [8, 16, 127], strides = [1, 1, 1]} : vector<8x16x128xi32> to vector<8x16x127xi32>
      %concatenate3A_1151 = tpu.concatenate %slice3A_1149, %slice3A_1150 in 2 : vector<8x16x1xi32>, vector<8x16x127xi32> -> vector<8x16x128xi32>
      %select_n3A_1152 = arith.select %eq3A_1120, %concatenate3A_1148, %concatenate3A_1151 : vector<8x16x128xi1>, vector<8x16x128xi32>
      %eq3A_1153 = arith.cmpf oeq, %select_n3A_1145, %select_n3A_1104 : vector<8x16x128xf32>
      %select_n3A_1154 = arith.select %eq3A_1153, %select_n3A_1113, %select_n3A_1152 : vector<8x16x128xi1>, vector<8x16x128xi32>
      %iota3A_1155 = tpu.iota {dimensions = array<i32: 2>} : vector<8x16x128xi32>
      %and3A_1156 = arith.constant 64 : i32
      %and3A_1157 = vector.broadcast %and3A_1156 : i32 to vector<8x16x128xi32>
      %and3A_1158 = arith.andi %iota3A_1155, %and3A_1157 : vector<8x16x128xi32>
      %eq3A_1159 = arith.constant 0 : i32
      %eq3A_1160 = vector.broadcast %eq3A_1159 : i32 to vector<8x16x128xi32>
      %eq3A_1161 = arith.cmpi eq, %and3A_1158, %eq3A_1160 : vector<8x16x128xi32>
      %iota3A_1162 = tpu.iota {dimensions = array<i32: 1>} : vector<8x16x128xi32>
      %and3A_1163 = arith.constant 128 : i32
      %and3A_1164 = vector.broadcast %and3A_1163 : i32 to vector<8x16x128xi32>
      %and3A_1165 = arith.andi %iota3A_1155, %and3A_1164 : vector<8x16x128xi32>
      %ne3A_1166 = arith.constant 0 : i32
      %ne3A_1167 = vector.broadcast %ne3A_1166 : i32 to vector<8x16x128xi32>
      %ne3A_1168 = arith.cmpi ne, %and3A_1165, %ne3A_1167 : vector<8x16x128xi32>
      %and3A_1169 = arith.constant 1 : i32
      %and3A_1170 = vector.broadcast %and3A_1169 : i32 to vector<8x16x128xi32>
      %and3A_1171 = arith.andi %iota3A_1162, %and3A_1170 : vector<8x16x128xi32>
      %eq3A_1172 = arith.constant 1 : i32
      %eq3A_1173 = vector.broadcast %eq3A_1172 : i32 to vector<8x16x128xi32>
      %eq3A_1174 = arith.cmpi eq, %and3A_1171, %eq3A_1173 : vector<8x16x128xi32>
      %xor3A_1175 = arith.xori %ne3A_1168, %eq3A_1174 : vector<8x16x128xi1>
      %xor3A_1176 = arith.xori %eq3A_1161, %xor3A_1175 : vector<8x16x128xi1>
      %slice3A_1177 = vector.extract_strided_slice %select_n3A_1145 {offsets = [0, 0, 64], sizes = [8, 16, 64], strides = [1, 1, 1]} : vector<8x16x128xf32> to vector<8x16x64xf32>
      %slice3A_1178 = vector.extract_strided_slice %select_n3A_1145 {offsets = [0, 0, 0], sizes = [8, 16, 64], strides = [1, 1, 1]} : vector<8x16x128xf32> to vector<8x16x64xf32>
      %concatenate3A_1179 = tpu.concatenate %slice3A_1177, %slice3A_1178 in 2 : vector<8x16x64xf32>, vector<8x16x64xf32> -> vector<8x16x128xf32>
      %slice3A_1180 = vector.extract_strided_slice %select_n3A_1145 {offsets = [0, 0, 64], sizes = [8, 16, 64], strides = [1, 1, 1]} : vector<8x16x128xf32> to vector<8x16x64xf32>
      %slice3A_1181 = vector.extract_strided_slice %select_n3A_1145 {offsets = [0, 0, 0], sizes = [8, 16, 64], strides = [1, 1, 1]} : vector<8x16x128xf32> to vector<8x16x64xf32>
      %concatenate3A_1182 = tpu.concatenate %slice3A_1180, %slice3A_1181 in 2 : vector<8x16x64xf32>, vector<8x16x64xf32> -> vector<8x16x128xf32>
      %select_n3A_1183 = arith.select %eq3A_1161, %concatenate3A_1179, %concatenate3A_1182 : vector<8x16x128xi1>, vector<8x16x128xf32>
      %max3A_1184 = arith.maximumf %select_n3A_1145, %select_n3A_1183 : vector<8x16x128xf32>
      %min3A_1185 = arith.minimumf %select_n3A_1145, %select_n3A_1183 : vector<8x16x128xf32>
      %select_n3A_1186 = arith.select %xor3A_1176, %max3A_1184, %min3A_1185 : vector<8x16x128xi1>, vector<8x16x128xf32>
      %slice3A_1187 = vector.extract_strided_slice %select_n3A_1154 {offsets = [0, 0, 64], sizes = [8, 16, 64], strides = [1, 1, 1]} : vector<8x16x128xi32> to vector<8x16x64xi32>
      %slice3A_1188 = vector.extract_strided_slice %select_n3A_1154 {offsets = [0, 0, 0], sizes = [8, 16, 64], strides = [1, 1, 1]} : vector<8x16x128xi32> to vector<8x16x64xi32>
      %concatenate3A_1189 = tpu.concatenate %slice3A_1187, %slice3A_1188 in 2 : vector<8x16x64xi32>, vector<8x16x64xi32> -> vector<8x16x128xi32>
      %slice3A_1190 = vector.extract_strided_slice %select_n3A_1154 {offsets = [0, 0, 64], sizes = [8, 16, 64], strides = [1, 1, 1]} : vector<8x16x128xi32> to vector<8x16x64xi32>
      %slice3A_1191 = vector.extract_strided_slice %select_n3A_1154 {offsets = [0, 0, 0], sizes = [8, 16, 64], strides = [1, 1, 1]} : vector<8x16x128xi32> to vector<8x16x64xi32>
      %concatenate3A_1192 = tpu.concatenate %slice3A_1190, %slice3A_1191 in 2 : vector<8x16x64xi32>, vector<8x16x64xi32> -> vector<8x16x128xi32>
      %select_n3A_1193 = arith.select %eq3A_1161, %concatenate3A_1189, %concatenate3A_1192 : vector<8x16x128xi1>, vector<8x16x128xi32>
      %eq3A_1194 = arith.cmpf oeq, %select_n3A_1186, %select_n3A_1145 : vector<8x16x128xf32>
      %select_n3A_1195 = arith.select %eq3A_1194, %select_n3A_1154, %select_n3A_1193 : vector<8x16x128xi1>, vector<8x16x128xi32>
      %iota3A_1196 = tpu.iota {dimensions = array<i32: 2>} : vector<8x16x128xi32>
      %and3A_1197 = arith.constant 32 : i32
      %and3A_1198 = vector.broadcast %and3A_1197 : i32 to vector<8x16x128xi32>
      %and3A_1199 = arith.andi %iota3A_1196, %and3A_1198 : vector<8x16x128xi32>
      %eq3A_1200 = arith.constant 0 : i32
      %eq3A_1201 = vector.broadcast %eq3A_1200 : i32 to vector<8x16x128xi32>
      %eq3A_1202 = arith.cmpi eq, %and3A_1199, %eq3A_1201 : vector<8x16x128xi32>
      %iota3A_1203 = tpu.iota {dimensions = array<i32: 1>} : vector<8x16x128xi32>
      %and3A_1204 = arith.constant 128 : i32
      %and3A_1205 = vector.broadcast %and3A_1204 : i32 to vector<8x16x128xi32>
      %and3A_1206 = arith.andi %iota3A_1196, %and3A_1205 : vector<8x16x128xi32>
      %ne3A_1207 = arith.constant 0 : i32
      %ne3A_1208 = vector.broadcast %ne3A_1207 : i32 to vector<8x16x128xi32>
      %ne3A_1209 = arith.cmpi ne, %and3A_1206, %ne3A_1208 : vector<8x16x128xi32>
      %and3A_1210 = arith.constant 1 : i32
      %and3A_1211 = vector.broadcast %and3A_1210 : i32 to vector<8x16x128xi32>
      %and3A_1212 = arith.andi %iota3A_1203, %and3A_1211 : vector<8x16x128xi32>
      %eq3A_1213 = arith.constant 1 : i32
      %eq3A_1214 = vector.broadcast %eq3A_1213 : i32 to vector<8x16x128xi32>
      %eq3A_1215 = arith.cmpi eq, %and3A_1212, %eq3A_1214 : vector<8x16x128xi32>
      %xor3A_1216 = arith.xori %ne3A_1209, %eq3A_1215 : vector<8x16x128xi1>
      %xor3A_1217 = arith.xori %eq3A_1202, %xor3A_1216 : vector<8x16x128xi1>
      %slice3A_1218 = vector.extract_strided_slice %select_n3A_1186 {offsets = [0, 0, 32], sizes = [8, 16, 96], strides = [1, 1, 1]} : vector<8x16x128xf32> to vector<8x16x96xf32>
      %slice3A_1219 = vector.extract_strided_slice %select_n3A_1186 {offsets = [0, 0, 0], sizes = [8, 16, 32], strides = [1, 1, 1]} : vector<8x16x128xf32> to vector<8x16x32xf32>
      %concatenate3A_1220 = tpu.concatenate %slice3A_1218, %slice3A_1219 in 2 : vector<8x16x96xf32>, vector<8x16x32xf32> -> vector<8x16x128xf32>
      %slice3A_1221 = vector.extract_strided_slice %select_n3A_1186 {offsets = [0, 0, 96], sizes = [8, 16, 32], strides = [1, 1, 1]} : vector<8x16x128xf32> to vector<8x16x32xf32>
      %slice3A_1222 = vector.extract_strided_slice %select_n3A_1186 {offsets = [0, 0, 0], sizes = [8, 16, 96], strides = [1, 1, 1]} : vector<8x16x128xf32> to vector<8x16x96xf32>
      %concatenate3A_1223 = tpu.concatenate %slice3A_1221, %slice3A_1222 in 2 : vector<8x16x32xf32>, vector<8x16x96xf32> -> vector<8x16x128xf32>
      %select_n3A_1224 = arith.select %eq3A_1202, %concatenate3A_1220, %concatenate3A_1223 : vector<8x16x128xi1>, vector<8x16x128xf32>
      %max3A_1225 = arith.maximumf %select_n3A_1186, %select_n3A_1224 : vector<8x16x128xf32>
      %min3A_1226 = arith.minimumf %select_n3A_1186, %select_n3A_1224 : vector<8x16x128xf32>
      %select_n3A_1227 = arith.select %xor3A_1217, %max3A_1225, %min3A_1226 : vector<8x16x128xi1>, vector<8x16x128xf32>
      %slice3A_1228 = vector.extract_strided_slice %select_n3A_1195 {offsets = [0, 0, 32], sizes = [8, 16, 96], strides = [1, 1, 1]} : vector<8x16x128xi32> to vector<8x16x96xi32>
      %slice3A_1229 = vector.extract_strided_slice %select_n3A_1195 {offsets = [0, 0, 0], sizes = [8, 16, 32], strides = [1, 1, 1]} : vector<8x16x128xi32> to vector<8x16x32xi32>
      %concatenate3A_1230 = tpu.concatenate %slice3A_1228, %slice3A_1229 in 2 : vector<8x16x96xi32>, vector<8x16x32xi32> -> vector<8x16x128xi32>
      %slice3A_1231 = vector.extract_strided_slice %select_n3A_1195 {offsets = [0, 0, 96], sizes = [8, 16, 32], strides = [1, 1, 1]} : vector<8x16x128xi32> to vector<8x16x32xi32>
      %slice3A_1232 = vector.extract_strided_slice %select_n3A_1195 {offsets = [0, 0, 0], sizes = [8, 16, 96], strides = [1, 1, 1]} : vector<8x16x128xi32> to vector<8x16x96xi32>
      %concatenate3A_1233 = tpu.concatenate %slice3A_1231, %slice3A_1232 in 2 : vector<8x16x32xi32>, vector<8x16x96xi32> -> vector<8x16x128xi32>
      %select_n3A_1234 = arith.select %eq3A_1202, %concatenate3A_1230, %concatenate3A_1233 : vector<8x16x128xi1>, vector<8x16x128xi32>
      %eq3A_1235 = arith.cmpf oeq, %select_n3A_1227, %select_n3A_1186 : vector<8x16x128xf32>
      %select_n3A_1236 = arith.select %eq3A_1235, %select_n3A_1195, %select_n3A_1234 : vector<8x16x128xi1>, vector<8x16x128xi32>
      %iota3A_1237 = tpu.iota {dimensions = array<i32: 2>} : vector<8x16x128xi32>
      %and3A_1238 = arith.constant 16 : i32
      %and3A_1239 = vector.broadcast %and3A_1238 : i32 to vector<8x16x128xi32>
      %and3A_1240 = arith.andi %iota3A_1237, %and3A_1239 : vector<8x16x128xi32>
      %eq3A_1241 = arith.constant 0 : i32
      %eq3A_1242 = vector.broadcast %eq3A_1241 : i32 to vector<8x16x128xi32>
      %eq3A_1243 = arith.cmpi eq, %and3A_1240, %eq3A_1242 : vector<8x16x128xi32>
      %iota3A_1244 = tpu.iota {dimensions = array<i32: 1>} : vector<8x16x128xi32>
      %and3A_1245 = arith.constant 128 : i32
      %and3A_1246 = vector.broadcast %and3A_1245 : i32 to vector<8x16x128xi32>
      %and3A_1247 = arith.andi %iota3A_1237, %and3A_1246 : vector<8x16x128xi32>
      %ne3A_1248 = arith.constant 0 : i32
      %ne3A_1249 = vector.broadcast %ne3A_1248 : i32 to vector<8x16x128xi32>
      %ne3A_1250 = arith.cmpi ne, %and3A_1247, %ne3A_1249 : vector<8x16x128xi32>
      %and3A_1251 = arith.constant 1 : i32
      %and3A_1252 = vector.broadcast %and3A_1251 : i32 to vector<8x16x128xi32>
      %and3A_1253 = arith.andi %iota3A_1244, %and3A_1252 : vector<8x16x128xi32>
      %eq3A_1254 = arith.constant 1 : i32
      %eq3A_1255 = vector.broadcast %eq3A_1254 : i32 to vector<8x16x128xi32>
      %eq3A_1256 = arith.cmpi eq, %and3A_1253, %eq3A_1255 : vector<8x16x128xi32>
      %xor3A_1257 = arith.xori %ne3A_1250, %eq3A_1256 : vector<8x16x128xi1>
      %xor3A_1258 = arith.xori %eq3A_1243, %xor3A_1257 : vector<8x16x128xi1>
      %slice3A_1259 = vector.extract_strided_slice %select_n3A_1227 {offsets = [0, 0, 16], sizes = [8, 16, 112], strides = [1, 1, 1]} : vector<8x16x128xf32> to vector<8x16x112xf32>
      %slice3A_1260 = vector.extract_strided_slice %select_n3A_1227 {offsets = [0, 0, 0], sizes = [8, 16, 16], strides = [1, 1, 1]} : vector<8x16x128xf32> to vector<8x16x16xf32>
      %concatenate3A_1261 = tpu.concatenate %slice3A_1259, %slice3A_1260 in 2 : vector<8x16x112xf32>, vector<8x16x16xf32> -> vector<8x16x128xf32>
      %slice3A_1262 = vector.extract_strided_slice %select_n3A_1227 {offsets = [0, 0, 112], sizes = [8, 16, 16], strides = [1, 1, 1]} : vector<8x16x128xf32> to vector<8x16x16xf32>
      %slice3A_1263 = vector.extract_strided_slice %select_n3A_1227 {offsets = [0, 0, 0], sizes = [8, 16, 112], strides = [1, 1, 1]} : vector<8x16x128xf32> to vector<8x16x112xf32>
      %concatenate3A_1264 = tpu.concatenate %slice3A_1262, %slice3A_1263 in 2 : vector<8x16x16xf32>, vector<8x16x112xf32> -> vector<8x16x128xf32>
      %select_n3A_1265 = arith.select %eq3A_1243, %concatenate3A_1261, %concatenate3A_1264 : vector<8x16x128xi1>, vector<8x16x128xf32>
      %max3A_1266 = arith.maximumf %select_n3A_1227, %select_n3A_1265 : vector<8x16x128xf32>
      %min3A_1267 = arith.minimumf %select_n3A_1227, %select_n3A_1265 : vector<8x16x128xf32>
      %select_n3A_1268 = arith.select %xor3A_1258, %max3A_1266, %min3A_1267 : vector<8x16x128xi1>, vector<8x16x128xf32>
      %slice3A_1269 = vector.extract_strided_slice %select_n3A_1236 {offsets = [0, 0, 16], sizes = [8, 16, 112], strides = [1, 1, 1]} : vector<8x16x128xi32> to vector<8x16x112xi32>
      %slice3A_1270 = vector.extract_strided_slice %select_n3A_1236 {offsets = [0, 0, 0], sizes = [8, 16, 16], strides = [1, 1, 1]} : vector<8x16x128xi32> to vector<8x16x16xi32>
      %concatenate3A_1271 = tpu.concatenate %slice3A_1269, %slice3A_1270 in 2 : vector<8x16x112xi32>, vector<8x16x16xi32> -> vector<8x16x128xi32>
      %slice3A_1272 = vector.extract_strided_slice %select_n3A_1236 {offsets = [0, 0, 112], sizes = [8, 16, 16], strides = [1, 1, 1]} : vector<8x16x128xi32> to vector<8x16x16xi32>
      %slice3A_1273 = vector.extract_strided_slice %select_n3A_1236 {offsets = [0, 0, 0], sizes = [8, 16, 112], strides = [1, 1, 1]} : vector<8x16x128xi32> to vector<8x16x112xi32>
      %concatenate3A_1274 = tpu.concatenate %slice3A_1272, %slice3A_1273 in 2 : vector<8x16x16xi32>, vector<8x16x112xi32> -> vector<8x16x128xi32>
      %select_n3A_1275 = arith.select %eq3A_1243, %concatenate3A_1271, %concatenate3A_1274 : vector<8x16x128xi1>, vector<8x16x128xi32>
      %eq3A_1276 = arith.cmpf oeq, %select_n3A_1268, %select_n3A_1227 : vector<8x16x128xf32>
      %select_n3A_1277 = arith.select %eq3A_1276, %select_n3A_1236, %select_n3A_1275 : vector<8x16x128xi1>, vector<8x16x128xi32>
      %iota3A_1278 = tpu.iota {dimensions = array<i32: 2>} : vector<8x16x128xi32>
      %and3A_1279 = arith.constant 8 : i32
      %and3A_1280 = vector.broadcast %and3A_1279 : i32 to vector<8x16x128xi32>
      %and3A_1281 = arith.andi %iota3A_1278, %and3A_1280 : vector<8x16x128xi32>
      %eq3A_1282 = arith.constant 0 : i32
      %eq3A_1283 = vector.broadcast %eq3A_1282 : i32 to vector<8x16x128xi32>
      %eq3A_1284 = arith.cmpi eq, %and3A_1281, %eq3A_1283 : vector<8x16x128xi32>
      %iota3A_1285 = tpu.iota {dimensions = array<i32: 1>} : vector<8x16x128xi32>
      %and3A_1286 = arith.constant 128 : i32
      %and3A_1287 = vector.broadcast %and3A_1286 : i32 to vector<8x16x128xi32>
      %and3A_1288 = arith.andi %iota3A_1278, %and3A_1287 : vector<8x16x128xi32>
      %ne3A_1289 = arith.constant 0 : i32
      %ne3A_1290 = vector.broadcast %ne3A_1289 : i32 to vector<8x16x128xi32>
      %ne3A_1291 = arith.cmpi ne, %and3A_1288, %ne3A_1290 : vector<8x16x128xi32>
      %and3A_1292 = arith.constant 1 : i32
      %and3A_1293 = vector.broadcast %and3A_1292 : i32 to vector<8x16x128xi32>
      %and3A_1294 = arith.andi %iota3A_1285, %and3A_1293 : vector<8x16x128xi32>
      %eq3A_1295 = arith.constant 1 : i32
      %eq3A_1296 = vector.broadcast %eq3A_1295 : i32 to vector<8x16x128xi32>
      %eq3A_1297 = arith.cmpi eq, %and3A_1294, %eq3A_1296 : vector<8x16x128xi32>
      %xor3A_1298 = arith.xori %ne3A_1291, %eq3A_1297 : vector<8x16x128xi1>
      %xor3A_1299 = arith.xori %eq3A_1284, %xor3A_1298 : vector<8x16x128xi1>
      %slice3A_1300 = vector.extract_strided_slice %select_n3A_1268 {offsets = [0, 0, 8], sizes = [8, 16, 120], strides = [1, 1, 1]} : vector<8x16x128xf32> to vector<8x16x120xf32>
      %slice3A_1301 = vector.extract_strided_slice %select_n3A_1268 {offsets = [0, 0, 0], sizes = [8, 16, 8], strides = [1, 1, 1]} : vector<8x16x128xf32> to vector<8x16x8xf32>
      %concatenate3A_1302 = tpu.concatenate %slice3A_1300, %slice3A_1301 in 2 : vector<8x16x120xf32>, vector<8x16x8xf32> -> vector<8x16x128xf32>
      %slice3A_1303 = vector.extract_strided_slice %select_n3A_1268 {offsets = [0, 0, 120], sizes = [8, 16, 8], strides = [1, 1, 1]} : vector<8x16x128xf32> to vector<8x16x8xf32>
      %slice3A_1304 = vector.extract_strided_slice %select_n3A_1268 {offsets = [0, 0, 0], sizes = [8, 16, 120], strides = [1, 1, 1]} : vector<8x16x128xf32> to vector<8x16x120xf32>
      %concatenate3A_1305 = tpu.concatenate %slice3A_1303, %slice3A_1304 in 2 : vector<8x16x8xf32>, vector<8x16x120xf32> -> vector<8x16x128xf32>
      %select_n3A_1306 = arith.select %eq3A_1284, %concatenate3A_1302, %concatenate3A_1305 : vector<8x16x128xi1>, vector<8x16x128xf32>
      %max3A_1307 = arith.maximumf %select_n3A_1268, %select_n3A_1306 : vector<8x16x128xf32>
      %min3A_1308 = arith.minimumf %select_n3A_1268, %select_n3A_1306 : vector<8x16x128xf32>
      %select_n3A_1309 = arith.select %xor3A_1299, %max3A_1307, %min3A_1308 : vector<8x16x128xi1>, vector<8x16x128xf32>
      %slice3A_1310 = vector.extract_strided_slice %select_n3A_1277 {offsets = [0, 0, 8], sizes = [8, 16, 120], strides = [1, 1, 1]} : vector<8x16x128xi32> to vector<8x16x120xi32>
      %slice3A_1311 = vector.extract_strided_slice %select_n3A_1277 {offsets = [0, 0, 0], sizes = [8, 16, 8], strides = [1, 1, 1]} : vector<8x16x128xi32> to vector<8x16x8xi32>
      %concatenate3A_1312 = tpu.concatenate %slice3A_1310, %slice3A_1311 in 2 : vector<8x16x120xi32>, vector<8x16x8xi32> -> vector<8x16x128xi32>
      %slice3A_1313 = vector.extract_strided_slice %select_n3A_1277 {offsets = [0, 0, 120], sizes = [8, 16, 8], strides = [1, 1, 1]} : vector<8x16x128xi32> to vector<8x16x8xi32>
      %slice3A_1314 = vector.extract_strided_slice %select_n3A_1277 {offsets = [0, 0, 0], sizes = [8, 16, 120], strides = [1, 1, 1]} : vector<8x16x128xi32> to vector<8x16x120xi32>
      %concatenate3A_1315 = tpu.concatenate %slice3A_1313, %slice3A_1314 in 2 : vector<8x16x8xi32>, vector<8x16x120xi32> -> vector<8x16x128xi32>
      %select_n3A_1316 = arith.select %eq3A_1284, %concatenate3A_1312, %concatenate3A_1315 : vector<8x16x128xi1>, vector<8x16x128xi32>
      %eq3A_1317 = arith.cmpf oeq, %select_n3A_1309, %select_n3A_1268 : vector<8x16x128xf32>
      %select_n3A_1318 = arith.select %eq3A_1317, %select_n3A_1277, %select_n3A_1316 : vector<8x16x128xi1>, vector<8x16x128xi32>
      %iota3A_1319 = tpu.iota {dimensions = array<i32: 2>} : vector<8x16x128xi32>
      %and3A_1320 = arith.constant 4 : i32
      %and3A_1321 = vector.broadcast %and3A_1320 : i32 to vector<8x16x128xi32>
      %and3A_1322 = arith.andi %iota3A_1319, %and3A_1321 : vector<8x16x128xi32>
      %eq3A_1323 = arith.constant 0 : i32
      %eq3A_1324 = vector.broadcast %eq3A_1323 : i32 to vector<8x16x128xi32>
      %eq3A_1325 = arith.cmpi eq, %and3A_1322, %eq3A_1324 : vector<8x16x128xi32>
      %iota3A_1326 = tpu.iota {dimensions = array<i32: 1>} : vector<8x16x128xi32>
      %and3A_1327 = arith.constant 128 : i32
      %and3A_1328 = vector.broadcast %and3A_1327 : i32 to vector<8x16x128xi32>
      %and3A_1329 = arith.andi %iota3A_1319, %and3A_1328 : vector<8x16x128xi32>
      %ne3A_1330 = arith.constant 0 : i32
      %ne3A_1331 = vector.broadcast %ne3A_1330 : i32 to vector<8x16x128xi32>
      %ne3A_1332 = arith.cmpi ne, %and3A_1329, %ne3A_1331 : vector<8x16x128xi32>
      %and3A_1333 = arith.constant 1 : i32
      %and3A_1334 = vector.broadcast %and3A_1333 : i32 to vector<8x16x128xi32>
      %and3A_1335 = arith.andi %iota3A_1326, %and3A_1334 : vector<8x16x128xi32>
      %eq3A_1336 = arith.constant 1 : i32
      %eq3A_1337 = vector.broadcast %eq3A_1336 : i32 to vector<8x16x128xi32>
      %eq3A_1338 = arith.cmpi eq, %and3A_1335, %eq3A_1337 : vector<8x16x128xi32>
      %xor3A_1339 = arith.xori %ne3A_1332, %eq3A_1338 : vector<8x16x128xi1>
      %xor3A_1340 = arith.xori %eq3A_1325, %xor3A_1339 : vector<8x16x128xi1>
      %slice3A_1341 = vector.extract_strided_slice %select_n3A_1309 {offsets = [0, 0, 4], sizes = [8, 16, 124], strides = [1, 1, 1]} : vector<8x16x128xf32> to vector<8x16x124xf32>
      %slice3A_1342 = vector.extract_strided_slice %select_n3A_1309 {offsets = [0, 0, 0], sizes = [8, 16, 4], strides = [1, 1, 1]} : vector<8x16x128xf32> to vector<8x16x4xf32>
      %concatenate3A_1343 = tpu.concatenate %slice3A_1341, %slice3A_1342 in 2 : vector<8x16x124xf32>, vector<8x16x4xf32> -> vector<8x16x128xf32>
      %slice3A_1344 = vector.extract_strided_slice %select_n3A_1309 {offsets = [0, 0, 124], sizes = [8, 16, 4], strides = [1, 1, 1]} : vector<8x16x128xf32> to vector<8x16x4xf32>
      %slice3A_1345 = vector.extract_strided_slice %select_n3A_1309 {offsets = [0, 0, 0], sizes = [8, 16, 124], strides = [1, 1, 1]} : vector<8x16x128xf32> to vector<8x16x124xf32>
      %concatenate3A_1346 = tpu.concatenate %slice3A_1344, %slice3A_1345 in 2 : vector<8x16x4xf32>, vector<8x16x124xf32> -> vector<8x16x128xf32>
      %select_n3A_1347 = arith.select %eq3A_1325, %concatenate3A_1343, %concatenate3A_1346 : vector<8x16x128xi1>, vector<8x16x128xf32>
      %max3A_1348 = arith.maximumf %select_n3A_1309, %select_n3A_1347 : vector<8x16x128xf32>
      %min3A_1349 = arith.minimumf %select_n3A_1309, %select_n3A_1347 : vector<8x16x128xf32>
      %select_n3A_1350 = arith.select %xor3A_1340, %max3A_1348, %min3A_1349 : vector<8x16x128xi1>, vector<8x16x128xf32>
      %slice3A_1351 = vector.extract_strided_slice %select_n3A_1318 {offsets = [0, 0, 4], sizes = [8, 16, 124], strides = [1, 1, 1]} : vector<8x16x128xi32> to vector<8x16x124xi32>
      %slice3A_1352 = vector.extract_strided_slice %select_n3A_1318 {offsets = [0, 0, 0], sizes = [8, 16, 4], strides = [1, 1, 1]} : vector<8x16x128xi32> to vector<8x16x4xi32>
      %concatenate3A_1353 = tpu.concatenate %slice3A_1351, %slice3A_1352 in 2 : vector<8x16x124xi32>, vector<8x16x4xi32> -> vector<8x16x128xi32>
      %slice3A_1354 = vector.extract_strided_slice %select_n3A_1318 {offsets = [0, 0, 124], sizes = [8, 16, 4], strides = [1, 1, 1]} : vector<8x16x128xi32> to vector<8x16x4xi32>
      %slice3A_1355 = vector.extract_strided_slice %select_n3A_1318 {offsets = [0, 0, 0], sizes = [8, 16, 124], strides = [1, 1, 1]} : vector<8x16x128xi32> to vector<8x16x124xi32>
      %concatenate3A_1356 = tpu.concatenate %slice3A_1354, %slice3A_1355 in 2 : vector<8x16x4xi32>, vector<8x16x124xi32> -> vector<8x16x128xi32>
      %select_n3A_1357 = arith.select %eq3A_1325, %concatenate3A_1353, %concatenate3A_1356 : vector<8x16x128xi1>, vector<8x16x128xi32>
      %eq3A_1358 = arith.cmpf oeq, %select_n3A_1350, %select_n3A_1309 : vector<8x16x128xf32>
      %select_n3A_1359 = arith.select %eq3A_1358, %select_n3A_1318, %select_n3A_1357 : vector<8x16x128xi1>, vector<8x16x128xi32>
      %iota3A_1360 = tpu.iota {dimensions = array<i32: 2>} : vector<8x16x128xi32>
      %and3A_1361 = arith.constant 2 : i32
      %and3A_1362 = vector.broadcast %and3A_1361 : i32 to vector<8x16x128xi32>
      %and3A_1363 = arith.andi %iota3A_1360, %and3A_1362 : vector<8x16x128xi32>
      %eq3A_1364 = arith.constant 0 : i32
      %eq3A_1365 = vector.broadcast %eq3A_1364 : i32 to vector<8x16x128xi32>
      %eq3A_1366 = arith.cmpi eq, %and3A_1363, %eq3A_1365 : vector<8x16x128xi32>
      %iota3A_1367 = tpu.iota {dimensions = array<i32: 1>} : vector<8x16x128xi32>
      %and3A_1368 = arith.constant 128 : i32
      %and3A_1369 = vector.broadcast %and3A_1368 : i32 to vector<8x16x128xi32>
      %and3A_1370 = arith.andi %iota3A_1360, %and3A_1369 : vector<8x16x128xi32>
      %ne3A_1371 = arith.constant 0 : i32
      %ne3A_1372 = vector.broadcast %ne3A_1371 : i32 to vector<8x16x128xi32>
      %ne3A_1373 = arith.cmpi ne, %and3A_1370, %ne3A_1372 : vector<8x16x128xi32>
      %and3A_1374 = arith.constant 1 : i32
      %and3A_1375 = vector.broadcast %and3A_1374 : i32 to vector<8x16x128xi32>
      %and3A_1376 = arith.andi %iota3A_1367, %and3A_1375 : vector<8x16x128xi32>
      %eq3A_1377 = arith.constant 1 : i32
      %eq3A_1378 = vector.broadcast %eq3A_1377 : i32 to vector<8x16x128xi32>
      %eq3A_1379 = arith.cmpi eq, %and3A_1376, %eq3A_1378 : vector<8x16x128xi32>
      %xor3A_1380 = arith.xori %ne3A_1373, %eq3A_1379 : vector<8x16x128xi1>
      %xor3A_1381 = arith.xori %eq3A_1366, %xor3A_1380 : vector<8x16x128xi1>
      %slice3A_1382 = vector.extract_strided_slice %select_n3A_1350 {offsets = [0, 0, 2], sizes = [8, 16, 126], strides = [1, 1, 1]} : vector<8x16x128xf32> to vector<8x16x126xf32>
      %slice3A_1383 = vector.extract_strided_slice %select_n3A_1350 {offsets = [0, 0, 0], sizes = [8, 16, 2], strides = [1, 1, 1]} : vector<8x16x128xf32> to vector<8x16x2xf32>
      %concatenate3A_1384 = tpu.concatenate %slice3A_1382, %slice3A_1383 in 2 : vector<8x16x126xf32>, vector<8x16x2xf32> -> vector<8x16x128xf32>
      %slice3A_1385 = vector.extract_strided_slice %select_n3A_1350 {offsets = [0, 0, 126], sizes = [8, 16, 2], strides = [1, 1, 1]} : vector<8x16x128xf32> to vector<8x16x2xf32>
      %slice3A_1386 = vector.extract_strided_slice %select_n3A_1350 {offsets = [0, 0, 0], sizes = [8, 16, 126], strides = [1, 1, 1]} : vector<8x16x128xf32> to vector<8x16x126xf32>
      %concatenate3A_1387 = tpu.concatenate %slice3A_1385, %slice3A_1386 in 2 : vector<8x16x2xf32>, vector<8x16x126xf32> -> vector<8x16x128xf32>
      %select_n3A_1388 = arith.select %eq3A_1366, %concatenate3A_1384, %concatenate3A_1387 : vector<8x16x128xi1>, vector<8x16x128xf32>
      %max3A_1389 = arith.maximumf %select_n3A_1350, %select_n3A_1388 : vector<8x16x128xf32>
      %min3A_1390 = arith.minimumf %select_n3A_1350, %select_n3A_1388 : vector<8x16x128xf32>
      %select_n3A_1391 = arith.select %xor3A_1381, %max3A_1389, %min3A_1390 : vector<8x16x128xi1>, vector<8x16x128xf32>
      %slice3A_1392 = vector.extract_strided_slice %select_n3A_1359 {offsets = [0, 0, 2], sizes = [8, 16, 126], strides = [1, 1, 1]} : vector<8x16x128xi32> to vector<8x16x126xi32>
      %slice3A_1393 = vector.extract_strided_slice %select_n3A_1359 {offsets = [0, 0, 0], sizes = [8, 16, 2], strides = [1, 1, 1]} : vector<8x16x128xi32> to vector<8x16x2xi32>
      %concatenate3A_1394 = tpu.concatenate %slice3A_1392, %slice3A_1393 in 2 : vector<8x16x126xi32>, vector<8x16x2xi32> -> vector<8x16x128xi32>
      %slice3A_1395 = vector.extract_strided_slice %select_n3A_1359 {offsets = [0, 0, 126], sizes = [8, 16, 2], strides = [1, 1, 1]} : vector<8x16x128xi32> to vector<8x16x2xi32>
      %slice3A_1396 = vector.extract_strided_slice %select_n3A_1359 {offsets = [0, 0, 0], sizes = [8, 16, 126], strides = [1, 1, 1]} : vector<8x16x128xi32> to vector<8x16x126xi32>
      %concatenate3A_1397 = tpu.concatenate %slice3A_1395, %slice3A_1396 in 2 : vector<8x16x2xi32>, vector<8x16x126xi32> -> vector<8x16x128xi32>
      %select_n3A_1398 = arith.select %eq3A_1366, %concatenate3A_1394, %concatenate3A_1397 : vector<8x16x128xi1>, vector<8x16x128xi32>
      %eq3A_1399 = arith.cmpf oeq, %select_n3A_1391, %select_n3A_1350 : vector<8x16x128xf32>
      %select_n3A_1400 = arith.select %eq3A_1399, %select_n3A_1359, %select_n3A_1398 : vector<8x16x128xi1>, vector<8x16x128xi32>
      %iota3A_1401 = tpu.iota {dimensions = array<i32: 2>} : vector<8x16x128xi32>
      %and3A_1402 = arith.constant 1 : i32
      %and3A_1403 = vector.broadcast %and3A_1402 : i32 to vector<8x16x128xi32>
      %and3A_1404 = arith.andi %iota3A_1401, %and3A_1403 : vector<8x16x128xi32>
      %eq3A_1405 = arith.constant 0 : i32
      %eq3A_1406 = vector.broadcast %eq3A_1405 : i32 to vector<8x16x128xi32>
      %eq3A_1407 = arith.cmpi eq, %and3A_1404, %eq3A_1406 : vector<8x16x128xi32>
      %iota3A_1408 = tpu.iota {dimensions = array<i32: 1>} : vector<8x16x128xi32>
      %and3A_1409 = arith.constant 128 : i32
      %and3A_1410 = vector.broadcast %and3A_1409 : i32 to vector<8x16x128xi32>
      %and3A_1411 = arith.andi %iota3A_1401, %and3A_1410 : vector<8x16x128xi32>
      %ne3A_1412 = arith.constant 0 : i32
      %ne3A_1413 = vector.broadcast %ne3A_1412 : i32 to vector<8x16x128xi32>
      %ne3A_1414 = arith.cmpi ne, %and3A_1411, %ne3A_1413 : vector<8x16x128xi32>
      %and3A_1415 = arith.constant 1 : i32
      %and3A_1416 = vector.broadcast %and3A_1415 : i32 to vector<8x16x128xi32>
      %and3A_1417 = arith.andi %iota3A_1408, %and3A_1416 : vector<8x16x128xi32>
      %eq3A_1418 = arith.constant 1 : i32
      %eq3A_1419 = vector.broadcast %eq3A_1418 : i32 to vector<8x16x128xi32>
      %eq3A_1420 = arith.cmpi eq, %and3A_1417, %eq3A_1419 : vector<8x16x128xi32>
      %xor3A_1421 = arith.xori %ne3A_1414, %eq3A_1420 : vector<8x16x128xi1>
      %xor3A_1422 = arith.xori %eq3A_1407, %xor3A_1421 : vector<8x16x128xi1>
      %slice3A_1423 = vector.extract_strided_slice %select_n3A_1391 {offsets = [0, 0, 1], sizes = [8, 16, 127], strides = [1, 1, 1]} : vector<8x16x128xf32> to vector<8x16x127xf32>
      %slice3A_1424 = vector.extract_strided_slice %select_n3A_1391 {offsets = [0, 0, 0], sizes = [8, 16, 1], strides = [1, 1, 1]} : vector<8x16x128xf32> to vector<8x16x1xf32>
      %concatenate3A_1425 = tpu.concatenate %slice3A_1423, %slice3A_1424 in 2 : vector<8x16x127xf32>, vector<8x16x1xf32> -> vector<8x16x128xf32>
      %slice3A_1426 = vector.extract_strided_slice %select_n3A_1391 {offsets = [0, 0, 127], sizes = [8, 16, 1], strides = [1, 1, 1]} : vector<8x16x128xf32> to vector<8x16x1xf32>
      %slice3A_1427 = vector.extract_strided_slice %select_n3A_1391 {offsets = [0, 0, 0], sizes = [8, 16, 127], strides = [1, 1, 1]} : vector<8x16x128xf32> to vector<8x16x127xf32>
      %concatenate3A_1428 = tpu.concatenate %slice3A_1426, %slice3A_1427 in 2 : vector<8x16x1xf32>, vector<8x16x127xf32> -> vector<8x16x128xf32>
      %select_n3A_1429 = arith.select %eq3A_1407, %concatenate3A_1425, %concatenate3A_1428 : vector<8x16x128xi1>, vector<8x16x128xf32>
      %max3A_1430 = arith.maximumf %select_n3A_1391, %select_n3A_1429 : vector<8x16x128xf32>
      %min3A_1431 = arith.minimumf %select_n3A_1391, %select_n3A_1429 : vector<8x16x128xf32>
      %select_n3A_1432 = arith.select %xor3A_1422, %max3A_1430, %min3A_1431 : vector<8x16x128xi1>, vector<8x16x128xf32>
      %slice3A_1433 = vector.extract_strided_slice %select_n3A_1400 {offsets = [0, 0, 1], sizes = [8, 16, 127], strides = [1, 1, 1]} : vector<8x16x128xi32> to vector<8x16x127xi32>
      %slice3A_1434 = vector.extract_strided_slice %select_n3A_1400 {offsets = [0, 0, 0], sizes = [8, 16, 1], strides = [1, 1, 1]} : vector<8x16x128xi32> to vector<8x16x1xi32>
      %concatenate3A_1435 = tpu.concatenate %slice3A_1433, %slice3A_1434 in 2 : vector<8x16x127xi32>, vector<8x16x1xi32> -> vector<8x16x128xi32>
      %slice3A_1436 = vector.extract_strided_slice %select_n3A_1400 {offsets = [0, 0, 127], sizes = [8, 16, 1], strides = [1, 1, 1]} : vector<8x16x128xi32> to vector<8x16x1xi32>
      %slice3A_1437 = vector.extract_strided_slice %select_n3A_1400 {offsets = [0, 0, 0], sizes = [8, 16, 127], strides = [1, 1, 1]} : vector<8x16x128xi32> to vector<8x16x127xi32>
      %concatenate3A_1438 = tpu.concatenate %slice3A_1436, %slice3A_1437 in 2 : vector<8x16x1xi32>, vector<8x16x127xi32> -> vector<8x16x128xi32>
      %select_n3A_1439 = arith.select %eq3A_1407, %concatenate3A_1435, %concatenate3A_1438 : vector<8x16x128xi1>, vector<8x16x128xi32>
      %eq3A_1440 = arith.cmpf oeq, %select_n3A_1432, %select_n3A_1391 : vector<8x16x128xf32>
      %select_n3A_1441 = arith.select %eq3A_1440, %select_n3A_1400, %select_n3A_1439 : vector<8x16x128xi1>, vector<8x16x128xi32>
      %reshape3A_1442 = vector.shape_cast %select_n3A_1432 : vector<8x16x128xf32> to vector<8x8x2x128xf32>
      %reshape3A_1443 = vector.shape_cast %select_n3A_1441 : vector<8x16x128xi32> to vector<8x8x2x128xi32>
      %slice3A_1444 = vector.extract_strided_slice %reshape3A_1442 {offsets = [0, 0, 0, 0], sizes = [8, 8, 1, 128], strides = [1, 1, 1, 1]} : vector<8x8x2x128xf32> to vector<8x8x1x128xf32>
      %squeeze3A = vector.shape_cast %slice3A_1444 : vector<8x8x1x128xf32> to vector<8x8x128xf32>
      %slice3A_1445 = vector.extract_strided_slice %reshape3A_1442 {offsets = [0, 0, 1, 0], sizes = [8, 8, 1, 128], strides = [1, 1, 1, 1]} : vector<8x8x2x128xf32> to vector<8x8x1x128xf32>
      %squeeze3A_1446 = vector.shape_cast %slice3A_1445 : vector<8x8x1x128xf32> to vector<8x8x128xf32>
      %ge3A = arith.cmpf oge, %squeeze3A, %squeeze3A_1446 : vector<8x8x128xf32>
      %slice3A_1447 = vector.extract_strided_slice %reshape3A_1442 {offsets = [0, 0, 0, 0], sizes = [8, 8, 1, 128], strides = [1, 1, 1, 1]} : vector<8x8x2x128xf32> to vector<8x8x1x128xf32>
      %squeeze3A_1448 = vector.shape_cast %slice3A_1447 : vector<8x8x1x128xf32> to vector<8x8x128xf32>
      %slice3A_1449 = vector.extract_strided_slice %reshape3A_1442 {offsets = [0, 0, 1, 0], sizes = [8, 8, 1, 128], strides = [1, 1, 1, 1]} : vector<8x8x2x128xf32> to vector<8x8x1x128xf32>
      %squeeze3A_1450 = vector.shape_cast %slice3A_1449 : vector<8x8x1x128xf32> to vector<8x8x128xf32>
      %select_n3A_1451 = arith.select %ge3A, %squeeze3A_1448, %squeeze3A_1450 : vector<8x8x128xi1>, vector<8x8x128xf32>
      %slice3A_1452 = vector.extract_strided_slice %reshape3A_1443 {offsets = [0, 0, 0, 0], sizes = [8, 8, 1, 128], strides = [1, 1, 1, 1]} : vector<8x8x2x128xi32> to vector<8x8x1x128xi32>
      %squeeze3A_1453 = vector.shape_cast %slice3A_1452 : vector<8x8x1x128xi32> to vector<8x8x128xi32>
      %slice3A_1454 = vector.extract_strided_slice %reshape3A_1443 {offsets = [0, 0, 1, 0], sizes = [8, 8, 1, 128], strides = [1, 1, 1, 1]} : vector<8x8x2x128xi32> to vector<8x8x1x128xi32>
      %squeeze3A_1455 = vector.shape_cast %slice3A_1454 : vector<8x8x1x128xi32> to vector<8x8x128xi32>
      %select_n3A_1456 = arith.select %ge3A, %squeeze3A_1453, %squeeze3A_1455 : vector<8x8x128xi1>, vector<8x8x128xi32>
      %iota3A_1457 = tpu.iota {dimensions = array<i32: 2>} : vector<8x8x128xi32>
      %and3A_1458 = arith.constant 64 : i32
      %and3A_1459 = vector.broadcast %and3A_1458 : i32 to vector<8x8x128xi32>
      %and3A_1460 = arith.andi %iota3A_1457, %and3A_1459 : vector<8x8x128xi32>
      %eq3A_1461 = arith.constant 0 : i32
      %eq3A_1462 = vector.broadcast %eq3A_1461 : i32 to vector<8x8x128xi32>
      %eq3A_1463 = arith.cmpi eq, %and3A_1460, %eq3A_1462 : vector<8x8x128xi32>
      %iota3A_1464 = tpu.iota {dimensions = array<i32: 1>} : vector<8x8x128xi32>
      %and3A_1465 = arith.constant 1 : i32
      %and3A_1466 = vector.broadcast %and3A_1465 : i32 to vector<8x8x128xi32>
      %and3A_1467 = arith.andi %iota3A_1464, %and3A_1466 : vector<8x8x128xi32>
      %eq3A_1468 = arith.constant 1 : i32
      %eq3A_1469 = vector.broadcast %eq3A_1468 : i32 to vector<8x8x128xi32>
      %eq3A_1470 = arith.cmpi eq, %and3A_1467, %eq3A_1469 : vector<8x8x128xi32>
      %xor3A_1471 = arith.xori %eq3A_1463, %eq3A_1470 : vector<8x8x128xi1>
      %slice3A_1472 = vector.extract_strided_slice %select_n3A_1451 {offsets = [0, 0, 64], sizes = [8, 8, 64], strides = [1, 1, 1]} : vector<8x8x128xf32> to vector<8x8x64xf32>
      %slice3A_1473 = vector.extract_strided_slice %select_n3A_1451 {offsets = [0, 0, 0], sizes = [8, 8, 64], strides = [1, 1, 1]} : vector<8x8x128xf32> to vector<8x8x64xf32>
      %concatenate3A_1474 = tpu.concatenate %slice3A_1472, %slice3A_1473 in 2 : vector<8x8x64xf32>, vector<8x8x64xf32> -> vector<8x8x128xf32>
      %slice3A_1475 = vector.extract_strided_slice %select_n3A_1451 {offsets = [0, 0, 64], sizes = [8, 8, 64], strides = [1, 1, 1]} : vector<8x8x128xf32> to vector<8x8x64xf32>
      %slice3A_1476 = vector.extract_strided_slice %select_n3A_1451 {offsets = [0, 0, 0], sizes = [8, 8, 64], strides = [1, 1, 1]} : vector<8x8x128xf32> to vector<8x8x64xf32>
      %concatenate3A_1477 = tpu.concatenate %slice3A_1475, %slice3A_1476 in 2 : vector<8x8x64xf32>, vector<8x8x64xf32> -> vector<8x8x128xf32>
      %select_n3A_1478 = arith.select %eq3A_1463, %concatenate3A_1474, %concatenate3A_1477 : vector<8x8x128xi1>, vector<8x8x128xf32>
      %max3A_1479 = arith.maximumf %select_n3A_1451, %select_n3A_1478 : vector<8x8x128xf32>
      %min3A_1480 = arith.minimumf %select_n3A_1451, %select_n3A_1478 : vector<8x8x128xf32>
      %select_n3A_1481 = arith.select %xor3A_1471, %max3A_1479, %min3A_1480 : vector<8x8x128xi1>, vector<8x8x128xf32>
      %slice3A_1482 = vector.extract_strided_slice %select_n3A_1456 {offsets = [0, 0, 64], sizes = [8, 8, 64], strides = [1, 1, 1]} : vector<8x8x128xi32> to vector<8x8x64xi32>
      %slice3A_1483 = vector.extract_strided_slice %select_n3A_1456 {offsets = [0, 0, 0], sizes = [8, 8, 64], strides = [1, 1, 1]} : vector<8x8x128xi32> to vector<8x8x64xi32>
      %concatenate3A_1484 = tpu.concatenate %slice3A_1482, %slice3A_1483 in 2 : vector<8x8x64xi32>, vector<8x8x64xi32> -> vector<8x8x128xi32>
      %slice3A_1485 = vector.extract_strided_slice %select_n3A_1456 {offsets = [0, 0, 64], sizes = [8, 8, 64], strides = [1, 1, 1]} : vector<8x8x128xi32> to vector<8x8x64xi32>
      %slice3A_1486 = vector.extract_strided_slice %select_n3A_1456 {offsets = [0, 0, 0], sizes = [8, 8, 64], strides = [1, 1, 1]} : vector<8x8x128xi32> to vector<8x8x64xi32>
      %concatenate3A_1487 = tpu.concatenate %slice3A_1485, %slice3A_1486 in 2 : vector<8x8x64xi32>, vector<8x8x64xi32> -> vector<8x8x128xi32>
      %select_n3A_1488 = arith.select %eq3A_1463, %concatenate3A_1484, %concatenate3A_1487 : vector<8x8x128xi1>, vector<8x8x128xi32>
      %eq3A_1489 = arith.cmpf oeq, %select_n3A_1481, %select_n3A_1451 : vector<8x8x128xf32>
      %select_n3A_1490 = arith.select %eq3A_1489, %select_n3A_1456, %select_n3A_1488 : vector<8x8x128xi1>, vector<8x8x128xi32>
      %iota3A_1491 = tpu.iota {dimensions = array<i32: 2>} : vector<8x8x128xi32>
      %and3A_1492 = arith.constant 32 : i32
      %and3A_1493 = vector.broadcast %and3A_1492 : i32 to vector<8x8x128xi32>
      %and3A_1494 = arith.andi %iota3A_1491, %and3A_1493 : vector<8x8x128xi32>
      %eq3A_1495 = arith.constant 0 : i32
      %eq3A_1496 = vector.broadcast %eq3A_1495 : i32 to vector<8x8x128xi32>
      %eq3A_1497 = arith.cmpi eq, %and3A_1494, %eq3A_1496 : vector<8x8x128xi32>
      %iota3A_1498 = tpu.iota {dimensions = array<i32: 1>} : vector<8x8x128xi32>
      %and3A_1499 = arith.constant 1 : i32
      %and3A_1500 = vector.broadcast %and3A_1499 : i32 to vector<8x8x128xi32>
      %and3A_1501 = arith.andi %iota3A_1498, %and3A_1500 : vector<8x8x128xi32>
      %eq3A_1502 = arith.constant 1 : i32
      %eq3A_1503 = vector.broadcast %eq3A_1502 : i32 to vector<8x8x128xi32>
      %eq3A_1504 = arith.cmpi eq, %and3A_1501, %eq3A_1503 : vector<8x8x128xi32>
      %xor3A_1505 = arith.xori %eq3A_1497, %eq3A_1504 : vector<8x8x128xi1>
      %slice3A_1506 = vector.extract_strided_slice %select_n3A_1481 {offsets = [0, 0, 32], sizes = [8, 8, 96], strides = [1, 1, 1]} : vector<8x8x128xf32> to vector<8x8x96xf32>
      %slice3A_1507 = vector.extract_strided_slice %select_n3A_1481 {offsets = [0, 0, 0], sizes = [8, 8, 32], strides = [1, 1, 1]} : vector<8x8x128xf32> to vector<8x8x32xf32>
      %concatenate3A_1508 = tpu.concatenate %slice3A_1506, %slice3A_1507 in 2 : vector<8x8x96xf32>, vector<8x8x32xf32> -> vector<8x8x128xf32>
      %slice3A_1509 = vector.extract_strided_slice %select_n3A_1481 {offsets = [0, 0, 96], sizes = [8, 8, 32], strides = [1, 1, 1]} : vector<8x8x128xf32> to vector<8x8x32xf32>
      %slice3A_1510 = vector.extract_strided_slice %select_n3A_1481 {offsets = [0, 0, 0], sizes = [8, 8, 96], strides = [1, 1, 1]} : vector<8x8x128xf32> to vector<8x8x96xf32>
      %concatenate3A_1511 = tpu.concatenate %slice3A_1509, %slice3A_1510 in 2 : vector<8x8x32xf32>, vector<8x8x96xf32> -> vector<8x8x128xf32>
      %select_n3A_1512 = arith.select %eq3A_1497, %concatenate3A_1508, %concatenate3A_1511 : vector<8x8x128xi1>, vector<8x8x128xf32>
      %max3A_1513 = arith.maximumf %select_n3A_1481, %select_n3A_1512 : vector<8x8x128xf32>
      %min3A_1514 = arith.minimumf %select_n3A_1481, %select_n3A_1512 : vector<8x8x128xf32>
      %select_n3A_1515 = arith.select %xor3A_1505, %max3A_1513, %min3A_1514 : vector<8x8x128xi1>, vector<8x8x128xf32>
      %slice3A_1516 = vector.extract_strided_slice %select_n3A_1490 {offsets = [0, 0, 32], sizes = [8, 8, 96], strides = [1, 1, 1]} : vector<8x8x128xi32> to vector<8x8x96xi32>
      %slice3A_1517 = vector.extract_strided_slice %select_n3A_1490 {offsets = [0, 0, 0], sizes = [8, 8, 32], strides = [1, 1, 1]} : vector<8x8x128xi32> to vector<8x8x32xi32>
      %concatenate3A_1518 = tpu.concatenate %slice3A_1516, %slice3A_1517 in 2 : vector<8x8x96xi32>, vector<8x8x32xi32> -> vector<8x8x128xi32>
      %slice3A_1519 = vector.extract_strided_slice %select_n3A_1490 {offsets = [0, 0, 96], sizes = [8, 8, 32], strides = [1, 1, 1]} : vector<8x8x128xi32> to vector<8x8x32xi32>
      %slice3A_1520 = vector.extract_strided_slice %select_n3A_1490 {offsets = [0, 0, 0], sizes = [8, 8, 96], strides = [1, 1, 1]} : vector<8x8x128xi32> to vector<8x8x96xi32>
      %concatenate3A_1521 = tpu.concatenate %slice3A_1519, %slice3A_1520 in 2 : vector<8x8x32xi32>, vector<8x8x96xi32> -> vector<8x8x128xi32>
      %select_n3A_1522 = arith.select %eq3A_1497, %concatenate3A_1518, %concatenate3A_1521 : vector<8x8x128xi1>, vector<8x8x128xi32>
      %eq3A_1523 = arith.cmpf oeq, %select_n3A_1515, %select_n3A_1481 : vector<8x8x128xf32>
      %select_n3A_1524 = arith.select %eq3A_1523, %select_n3A_1490, %select_n3A_1522 : vector<8x8x128xi1>, vector<8x8x128xi32>
      %iota3A_1525 = tpu.iota {dimensions = array<i32: 2>} : vector<8x8x128xi32>
      %and3A_1526 = arith.constant 16 : i32
      %and3A_1527 = vector.broadcast %and3A_1526 : i32 to vector<8x8x128xi32>
      %and3A_1528 = arith.andi %iota3A_1525, %and3A_1527 : vector<8x8x128xi32>
      %eq3A_1529 = arith.constant 0 : i32
      %eq3A_1530 = vector.broadcast %eq3A_1529 : i32 to vector<8x8x128xi32>
      %eq3A_1531 = arith.cmpi eq, %and3A_1528, %eq3A_1530 : vector<8x8x128xi32>
      %iota3A_1532 = tpu.iota {dimensions = array<i32: 1>} : vector<8x8x128xi32>
      %and3A_1533 = arith.constant 1 : i32
      %and3A_1534 = vector.broadcast %and3A_1533 : i32 to vector<8x8x128xi32>
      %and3A_1535 = arith.andi %iota3A_1532, %and3A_1534 : vector<8x8x128xi32>
      %eq3A_1536 = arith.constant 1 : i32
      %eq3A_1537 = vector.broadcast %eq3A_1536 : i32 to vector<8x8x128xi32>
      %eq3A_1538 = arith.cmpi eq, %and3A_1535, %eq3A_1537 : vector<8x8x128xi32>
      %xor3A_1539 = arith.xori %eq3A_1531, %eq3A_1538 : vector<8x8x128xi1>
      %slice3A_1540 = vector.extract_strided_slice %select_n3A_1515 {offsets = [0, 0, 16], sizes = [8, 8, 112], strides = [1, 1, 1]} : vector<8x8x128xf32> to vector<8x8x112xf32>
      %slice3A_1541 = vector.extract_strided_slice %select_n3A_1515 {offsets = [0, 0, 0], sizes = [8, 8, 16], strides = [1, 1, 1]} : vector<8x8x128xf32> to vector<8x8x16xf32>
      %concatenate3A_1542 = tpu.concatenate %slice3A_1540, %slice3A_1541 in 2 : vector<8x8x112xf32>, vector<8x8x16xf32> -> vector<8x8x128xf32>
      %slice3A_1543 = vector.extract_strided_slice %select_n3A_1515 {offsets = [0, 0, 112], sizes = [8, 8, 16], strides = [1, 1, 1]} : vector<8x8x128xf32> to vector<8x8x16xf32>
      %slice3A_1544 = vector.extract_strided_slice %select_n3A_1515 {offsets = [0, 0, 0], sizes = [8, 8, 112], strides = [1, 1, 1]} : vector<8x8x128xf32> to vector<8x8x112xf32>
      %concatenate3A_1545 = tpu.concatenate %slice3A_1543, %slice3A_1544 in 2 : vector<8x8x16xf32>, vector<8x8x112xf32> -> vector<8x8x128xf32>
      %select_n3A_1546 = arith.select %eq3A_1531, %concatenate3A_1542, %concatenate3A_1545 : vector<8x8x128xi1>, vector<8x8x128xf32>
      %max3A_1547 = arith.maximumf %select_n3A_1515, %select_n3A_1546 : vector<8x8x128xf32>
      %min3A_1548 = arith.minimumf %select_n3A_1515, %select_n3A_1546 : vector<8x8x128xf32>
      %select_n3A_1549 = arith.select %xor3A_1539, %max3A_1547, %min3A_1548 : vector<8x8x128xi1>, vector<8x8x128xf32>
      %slice3A_1550 = vector.extract_strided_slice %select_n3A_1524 {offsets = [0, 0, 16], sizes = [8, 8, 112], strides = [1, 1, 1]} : vector<8x8x128xi32> to vector<8x8x112xi32>
      %slice3A_1551 = vector.extract_strided_slice %select_n3A_1524 {offsets = [0, 0, 0], sizes = [8, 8, 16], strides = [1, 1, 1]} : vector<8x8x128xi32> to vector<8x8x16xi32>
      %concatenate3A_1552 = tpu.concatenate %slice3A_1550, %slice3A_1551 in 2 : vector<8x8x112xi32>, vector<8x8x16xi32> -> vector<8x8x128xi32>
      %slice3A_1553 = vector.extract_strided_slice %select_n3A_1524 {offsets = [0, 0, 112], sizes = [8, 8, 16], strides = [1, 1, 1]} : vector<8x8x128xi32> to vector<8x8x16xi32>
      %slice3A_1554 = vector.extract_strided_slice %select_n3A_1524 {offsets = [0, 0, 0], sizes = [8, 8, 112], strides = [1, 1, 1]} : vector<8x8x128xi32> to vector<8x8x112xi32>
      %concatenate3A_1555 = tpu.concatenate %slice3A_1553, %slice3A_1554 in 2 : vector<8x8x16xi32>, vector<8x8x112xi32> -> vector<8x8x128xi32>
      %select_n3A_1556 = arith.select %eq3A_1531, %concatenate3A_1552, %concatenate3A_1555 : vector<8x8x128xi1>, vector<8x8x128xi32>
      %eq3A_1557 = arith.cmpf oeq, %select_n3A_1549, %select_n3A_1515 : vector<8x8x128xf32>
      %select_n3A_1558 = arith.select %eq3A_1557, %select_n3A_1524, %select_n3A_1556 : vector<8x8x128xi1>, vector<8x8x128xi32>
      %iota3A_1559 = tpu.iota {dimensions = array<i32: 2>} : vector<8x8x128xi32>
      %and3A_1560 = arith.constant 8 : i32
      %and3A_1561 = vector.broadcast %and3A_1560 : i32 to vector<8x8x128xi32>
      %and3A_1562 = arith.andi %iota3A_1559, %and3A_1561 : vector<8x8x128xi32>
      %eq3A_1563 = arith.constant 0 : i32
      %eq3A_1564 = vector.broadcast %eq3A_1563 : i32 to vector<8x8x128xi32>
      %eq3A_1565 = arith.cmpi eq, %and3A_1562, %eq3A_1564 : vector<8x8x128xi32>
      %iota3A_1566 = tpu.iota {dimensions = array<i32: 1>} : vector<8x8x128xi32>
      %and3A_1567 = arith.constant 1 : i32
      %and3A_1568 = vector.broadcast %and3A_1567 : i32 to vector<8x8x128xi32>
      %and3A_1569 = arith.andi %iota3A_1566, %and3A_1568 : vector<8x8x128xi32>
      %eq3A_1570 = arith.constant 1 : i32
      %eq3A_1571 = vector.broadcast %eq3A_1570 : i32 to vector<8x8x128xi32>
      %eq3A_1572 = arith.cmpi eq, %and3A_1569, %eq3A_1571 : vector<8x8x128xi32>
      %xor3A_1573 = arith.xori %eq3A_1565, %eq3A_1572 : vector<8x8x128xi1>
      %slice3A_1574 = vector.extract_strided_slice %select_n3A_1549 {offsets = [0, 0, 8], sizes = [8, 8, 120], strides = [1, 1, 1]} : vector<8x8x128xf32> to vector<8x8x120xf32>
      %slice3A_1575 = vector.extract_strided_slice %select_n3A_1549 {offsets = [0, 0, 0], sizes = [8, 8, 8], strides = [1, 1, 1]} : vector<8x8x128xf32> to vector<8x8x8xf32>
      %concatenate3A_1576 = tpu.concatenate %slice3A_1574, %slice3A_1575 in 2 : vector<8x8x120xf32>, vector<8x8x8xf32> -> vector<8x8x128xf32>
      %slice3A_1577 = vector.extract_strided_slice %select_n3A_1549 {offsets = [0, 0, 120], sizes = [8, 8, 8], strides = [1, 1, 1]} : vector<8x8x128xf32> to vector<8x8x8xf32>
      %slice3A_1578 = vector.extract_strided_slice %select_n3A_1549 {offsets = [0, 0, 0], sizes = [8, 8, 120], strides = [1, 1, 1]} : vector<8x8x128xf32> to vector<8x8x120xf32>
      %concatenate3A_1579 = tpu.concatenate %slice3A_1577, %slice3A_1578 in 2 : vector<8x8x8xf32>, vector<8x8x120xf32> -> vector<8x8x128xf32>
      %select_n3A_1580 = arith.select %eq3A_1565, %concatenate3A_1576, %concatenate3A_1579 : vector<8x8x128xi1>, vector<8x8x128xf32>
      %max3A_1581 = arith.maximumf %select_n3A_1549, %select_n3A_1580 : vector<8x8x128xf32>
      %min3A_1582 = arith.minimumf %select_n3A_1549, %select_n3A_1580 : vector<8x8x128xf32>
      %select_n3A_1583 = arith.select %xor3A_1573, %max3A_1581, %min3A_1582 : vector<8x8x128xi1>, vector<8x8x128xf32>
      %slice3A_1584 = vector.extract_strided_slice %select_n3A_1558 {offsets = [0, 0, 8], sizes = [8, 8, 120], strides = [1, 1, 1]} : vector<8x8x128xi32> to vector<8x8x120xi32>
      %slice3A_1585 = vector.extract_strided_slice %select_n3A_1558 {offsets = [0, 0, 0], sizes = [8, 8, 8], strides = [1, 1, 1]} : vector<8x8x128xi32> to vector<8x8x8xi32>
      %concatenate3A_1586 = tpu.concatenate %slice3A_1584, %slice3A_1585 in 2 : vector<8x8x120xi32>, vector<8x8x8xi32> -> vector<8x8x128xi32>
      %slice3A_1587 = vector.extract_strided_slice %select_n3A_1558 {offsets = [0, 0, 120], sizes = [8, 8, 8], strides = [1, 1, 1]} : vector<8x8x128xi32> to vector<8x8x8xi32>
      %slice3A_1588 = vector.extract_strided_slice %select_n3A_1558 {offsets = [0, 0, 0], sizes = [8, 8, 120], strides = [1, 1, 1]} : vector<8x8x128xi32> to vector<8x8x120xi32>
      %concatenate3A_1589 = tpu.concatenate %slice3A_1587, %slice3A_1588 in 2 : vector<8x8x8xi32>, vector<8x8x120xi32> -> vector<8x8x128xi32>
      %select_n3A_1590 = arith.select %eq3A_1565, %concatenate3A_1586, %concatenate3A_1589 : vector<8x8x128xi1>, vector<8x8x128xi32>
      %eq3A_1591 = arith.cmpf oeq, %select_n3A_1583, %select_n3A_1549 : vector<8x8x128xf32>
      %select_n3A_1592 = arith.select %eq3A_1591, %select_n3A_1558, %select_n3A_1590 : vector<8x8x128xi1>, vector<8x8x128xi32>
      %iota3A_1593 = tpu.iota {dimensions = array<i32: 2>} : vector<8x8x128xi32>
      %and3A_1594 = arith.constant 4 : i32
      %and3A_1595 = vector.broadcast %and3A_1594 : i32 to vector<8x8x128xi32>
      %and3A_1596 = arith.andi %iota3A_1593, %and3A_1595 : vector<8x8x128xi32>
      %eq3A_1597 = arith.constant 0 : i32
      %eq3A_1598 = vector.broadcast %eq3A_1597 : i32 to vector<8x8x128xi32>
      %eq3A_1599 = arith.cmpi eq, %and3A_1596, %eq3A_1598 : vector<8x8x128xi32>
      %iota3A_1600 = tpu.iota {dimensions = array<i32: 1>} : vector<8x8x128xi32>
      %and3A_1601 = arith.constant 1 : i32
      %and3A_1602 = vector.broadcast %and3A_1601 : i32 to vector<8x8x128xi32>
      %and3A_1603 = arith.andi %iota3A_1600, %and3A_1602 : vector<8x8x128xi32>
      %eq3A_1604 = arith.constant 1 : i32
      %eq3A_1605 = vector.broadcast %eq3A_1604 : i32 to vector<8x8x128xi32>
      %eq3A_1606 = arith.cmpi eq, %and3A_1603, %eq3A_1605 : vector<8x8x128xi32>
      %xor3A_1607 = arith.xori %eq3A_1599, %eq3A_1606 : vector<8x8x128xi1>
      %slice3A_1608 = vector.extract_strided_slice %select_n3A_1583 {offsets = [0, 0, 4], sizes = [8, 8, 124], strides = [1, 1, 1]} : vector<8x8x128xf32> to vector<8x8x124xf32>
      %slice3A_1609 = vector.extract_strided_slice %select_n3A_1583 {offsets = [0, 0, 0], sizes = [8, 8, 4], strides = [1, 1, 1]} : vector<8x8x128xf32> to vector<8x8x4xf32>
      %concatenate3A_1610 = tpu.concatenate %slice3A_1608, %slice3A_1609 in 2 : vector<8x8x124xf32>, vector<8x8x4xf32> -> vector<8x8x128xf32>
      %slice3A_1611 = vector.extract_strided_slice %select_n3A_1583 {offsets = [0, 0, 124], sizes = [8, 8, 4], strides = [1, 1, 1]} : vector<8x8x128xf32> to vector<8x8x4xf32>
      %slice3A_1612 = vector.extract_strided_slice %select_n3A_1583 {offsets = [0, 0, 0], sizes = [8, 8, 124], strides = [1, 1, 1]} : vector<8x8x128xf32> to vector<8x8x124xf32>
      %concatenate3A_1613 = tpu.concatenate %slice3A_1611, %slice3A_1612 in 2 : vector<8x8x4xf32>, vector<8x8x124xf32> -> vector<8x8x128xf32>
      %select_n3A_1614 = arith.select %eq3A_1599, %concatenate3A_1610, %concatenate3A_1613 : vector<8x8x128xi1>, vector<8x8x128xf32>
      %max3A_1615 = arith.maximumf %select_n3A_1583, %select_n3A_1614 : vector<8x8x128xf32>
      %min3A_1616 = arith.minimumf %select_n3A_1583, %select_n3A_1614 : vector<8x8x128xf32>
      %select_n3A_1617 = arith.select %xor3A_1607, %max3A_1615, %min3A_1616 : vector<8x8x128xi1>, vector<8x8x128xf32>
      %slice3A_1618 = vector.extract_strided_slice %select_n3A_1592 {offsets = [0, 0, 4], sizes = [8, 8, 124], strides = [1, 1, 1]} : vector<8x8x128xi32> to vector<8x8x124xi32>
      %slice3A_1619 = vector.extract_strided_slice %select_n3A_1592 {offsets = [0, 0, 0], sizes = [8, 8, 4], strides = [1, 1, 1]} : vector<8x8x128xi32> to vector<8x8x4xi32>
      %concatenate3A_1620 = tpu.concatenate %slice3A_1618, %slice3A_1619 in 2 : vector<8x8x124xi32>, vector<8x8x4xi32> -> vector<8x8x128xi32>
      %slice3A_1621 = vector.extract_strided_slice %select_n3A_1592 {offsets = [0, 0, 124], sizes = [8, 8, 4], strides = [1, 1, 1]} : vector<8x8x128xi32> to vector<8x8x4xi32>
      %slice3A_1622 = vector.extract_strided_slice %select_n3A_1592 {offsets = [0, 0, 0], sizes = [8, 8, 124], strides = [1, 1, 1]} : vector<8x8x128xi32> to vector<8x8x124xi32>
      %concatenate3A_1623 = tpu.concatenate %slice3A_1621, %slice3A_1622 in 2 : vector<8x8x4xi32>, vector<8x8x124xi32> -> vector<8x8x128xi32>
      %select_n3A_1624 = arith.select %eq3A_1599, %concatenate3A_1620, %concatenate3A_1623 : vector<8x8x128xi1>, vector<8x8x128xi32>
      %eq3A_1625 = arith.cmpf oeq, %select_n3A_1617, %select_n3A_1583 : vector<8x8x128xf32>
      %select_n3A_1626 = arith.select %eq3A_1625, %select_n3A_1592, %select_n3A_1624 : vector<8x8x128xi1>, vector<8x8x128xi32>
      %iota3A_1627 = tpu.iota {dimensions = array<i32: 2>} : vector<8x8x128xi32>
      %and3A_1628 = arith.constant 2 : i32
      %and3A_1629 = vector.broadcast %and3A_1628 : i32 to vector<8x8x128xi32>
      %and3A_1630 = arith.andi %iota3A_1627, %and3A_1629 : vector<8x8x128xi32>
      %eq3A_1631 = arith.constant 0 : i32
      %eq3A_1632 = vector.broadcast %eq3A_1631 : i32 to vector<8x8x128xi32>
      %eq3A_1633 = arith.cmpi eq, %and3A_1630, %eq3A_1632 : vector<8x8x128xi32>
      %iota3A_1634 = tpu.iota {dimensions = array<i32: 1>} : vector<8x8x128xi32>
      %and3A_1635 = arith.constant 1 : i32
      %and3A_1636 = vector.broadcast %and3A_1635 : i32 to vector<8x8x128xi32>
      %and3A_1637 = arith.andi %iota3A_1634, %and3A_1636 : vector<8x8x128xi32>
      %eq3A_1638 = arith.constant 1 : i32
      %eq3A_1639 = vector.broadcast %eq3A_1638 : i32 to vector<8x8x128xi32>
      %eq3A_1640 = arith.cmpi eq, %and3A_1637, %eq3A_1639 : vector<8x8x128xi32>
      %xor3A_1641 = arith.xori %eq3A_1633, %eq3A_1640 : vector<8x8x128xi1>
      %slice3A_1642 = vector.extract_strided_slice %select_n3A_1617 {offsets = [0, 0, 2], sizes = [8, 8, 126], strides = [1, 1, 1]} : vector<8x8x128xf32> to vector<8x8x126xf32>
      %slice3A_1643 = vector.extract_strided_slice %select_n3A_1617 {offsets = [0, 0, 0], sizes = [8, 8, 2], strides = [1, 1, 1]} : vector<8x8x128xf32> to vector<8x8x2xf32>
      %concatenate3A_1644 = tpu.concatenate %slice3A_1642, %slice3A_1643 in 2 : vector<8x8x126xf32>, vector<8x8x2xf32> -> vector<8x8x128xf32>
      %slice3A_1645 = vector.extract_strided_slice %select_n3A_1617 {offsets = [0, 0, 126], sizes = [8, 8, 2], strides = [1, 1, 1]} : vector<8x8x128xf32> to vector<8x8x2xf32>
      %slice3A_1646 = vector.extract_strided_slice %select_n3A_1617 {offsets = [0, 0, 0], sizes = [8, 8, 126], strides = [1, 1, 1]} : vector<8x8x128xf32> to vector<8x8x126xf32>
      %concatenate3A_1647 = tpu.concatenate %slice3A_1645, %slice3A_1646 in 2 : vector<8x8x2xf32>, vector<8x8x126xf32> -> vector<8x8x128xf32>
      %select_n3A_1648 = arith.select %eq3A_1633, %concatenate3A_1644, %concatenate3A_1647 : vector<8x8x128xi1>, vector<8x8x128xf32>
      %max3A_1649 = arith.maximumf %select_n3A_1617, %select_n3A_1648 : vector<8x8x128xf32>
      %min3A_1650 = arith.minimumf %select_n3A_1617, %select_n3A_1648 : vector<8x8x128xf32>
      %select_n3A_1651 = arith.select %xor3A_1641, %max3A_1649, %min3A_1650 : vector<8x8x128xi1>, vector<8x8x128xf32>
      %slice3A_1652 = vector.extract_strided_slice %select_n3A_1626 {offsets = [0, 0, 2], sizes = [8, 8, 126], strides = [1, 1, 1]} : vector<8x8x128xi32> to vector<8x8x126xi32>
      %slice3A_1653 = vector.extract_strided_slice %select_n3A_1626 {offsets = [0, 0, 0], sizes = [8, 8, 2], strides = [1, 1, 1]} : vector<8x8x128xi32> to vector<8x8x2xi32>
      %concatenate3A_1654 = tpu.concatenate %slice3A_1652, %slice3A_1653 in 2 : vector<8x8x126xi32>, vector<8x8x2xi32> -> vector<8x8x128xi32>
      %slice3A_1655 = vector.extract_strided_slice %select_n3A_1626 {offsets = [0, 0, 126], sizes = [8, 8, 2], strides = [1, 1, 1]} : vector<8x8x128xi32> to vector<8x8x2xi32>
      %slice3A_1656 = vector.extract_strided_slice %select_n3A_1626 {offsets = [0, 0, 0], sizes = [8, 8, 126], strides = [1, 1, 1]} : vector<8x8x128xi32> to vector<8x8x126xi32>
      %concatenate3A_1657 = tpu.concatenate %slice3A_1655, %slice3A_1656 in 2 : vector<8x8x2xi32>, vector<8x8x126xi32> -> vector<8x8x128xi32>
      %select_n3A_1658 = arith.select %eq3A_1633, %concatenate3A_1654, %concatenate3A_1657 : vector<8x8x128xi1>, vector<8x8x128xi32>
      %eq3A_1659 = arith.cmpf oeq, %select_n3A_1651, %select_n3A_1617 : vector<8x8x128xf32>
      %select_n3A_1660 = arith.select %eq3A_1659, %select_n3A_1626, %select_n3A_1658 : vector<8x8x128xi1>, vector<8x8x128xi32>
      %iota3A_1661 = tpu.iota {dimensions = array<i32: 2>} : vector<8x8x128xi32>
      %and3A_1662 = arith.constant 1 : i32
      %and3A_1663 = vector.broadcast %and3A_1662 : i32 to vector<8x8x128xi32>
      %and3A_1664 = arith.andi %iota3A_1661, %and3A_1663 : vector<8x8x128xi32>
      %eq3A_1665 = arith.constant 0 : i32
      %eq3A_1666 = vector.broadcast %eq3A_1665 : i32 to vector<8x8x128xi32>
      %eq3A_1667 = arith.cmpi eq, %and3A_1664, %eq3A_1666 : vector<8x8x128xi32>
      %iota3A_1668 = tpu.iota {dimensions = array<i32: 1>} : vector<8x8x128xi32>
      %and3A_1669 = arith.constant 1 : i32
      %and3A_1670 = vector.broadcast %and3A_1669 : i32 to vector<8x8x128xi32>
      %and3A_1671 = arith.andi %iota3A_1668, %and3A_1670 : vector<8x8x128xi32>
      %eq3A_1672 = arith.constant 1 : i32
      %eq3A_1673 = vector.broadcast %eq3A_1672 : i32 to vector<8x8x128xi32>
      %eq3A_1674 = arith.cmpi eq, %and3A_1671, %eq3A_1673 : vector<8x8x128xi32>
      %xor3A_1675 = arith.xori %eq3A_1667, %eq3A_1674 : vector<8x8x128xi1>
      %slice3A_1676 = vector.extract_strided_slice %select_n3A_1651 {offsets = [0, 0, 1], sizes = [8, 8, 127], strides = [1, 1, 1]} : vector<8x8x128xf32> to vector<8x8x127xf32>
      %slice3A_1677 = vector.extract_strided_slice %select_n3A_1651 {offsets = [0, 0, 0], sizes = [8, 8, 1], strides = [1, 1, 1]} : vector<8x8x128xf32> to vector<8x8x1xf32>
      %concatenate3A_1678 = tpu.concatenate %slice3A_1676, %slice3A_1677 in 2 : vector<8x8x127xf32>, vector<8x8x1xf32> -> vector<8x8x128xf32>
      %slice3A_1679 = vector.extract_strided_slice %select_n3A_1651 {offsets = [0, 0, 127], sizes = [8, 8, 1], strides = [1, 1, 1]} : vector<8x8x128xf32> to vector<8x8x1xf32>
      %slice3A_1680 = vector.extract_strided_slice %select_n3A_1651 {offsets = [0, 0, 0], sizes = [8, 8, 127], strides = [1, 1, 1]} : vector<8x8x128xf32> to vector<8x8x127xf32>
      %concatenate3A_1681 = tpu.concatenate %slice3A_1679, %slice3A_1680 in 2 : vector<8x8x1xf32>, vector<8x8x127xf32> -> vector<8x8x128xf32>
      %select_n3A_1682 = arith.select %eq3A_1667, %concatenate3A_1678, %concatenate3A_1681 : vector<8x8x128xi1>, vector<8x8x128xf32>
      %max3A_1683 = arith.maximumf %select_n3A_1651, %select_n3A_1682 : vector<8x8x128xf32>
      %min3A_1684 = arith.minimumf %select_n3A_1651, %select_n3A_1682 : vector<8x8x128xf32>
      %select_n3A_1685 = arith.select %xor3A_1675, %max3A_1683, %min3A_1684 : vector<8x8x128xi1>, vector<8x8x128xf32>
      %slice3A_1686 = vector.extract_strided_slice %select_n3A_1660 {offsets = [0, 0, 1], sizes = [8, 8, 127], strides = [1, 1, 1]} : vector<8x8x128xi32> to vector<8x8x127xi32>
      %slice3A_1687 = vector.extract_strided_slice %select_n3A_1660 {offsets = [0, 0, 0], sizes = [8, 8, 1], strides = [1, 1, 1]} : vector<8x8x128xi32> to vector<8x8x1xi32>
      %concatenate3A_1688 = tpu.concatenate %slice3A_1686, %slice3A_1687 in 2 : vector<8x8x127xi32>, vector<8x8x1xi32> -> vector<8x8x128xi32>
      %slice3A_1689 = vector.extract_strided_slice %select_n3A_1660 {offsets = [0, 0, 127], sizes = [8, 8, 1], strides = [1, 1, 1]} : vector<8x8x128xi32> to vector<8x8x1xi32>
      %slice3A_1690 = vector.extract_strided_slice %select_n3A_1660 {offsets = [0, 0, 0], sizes = [8, 8, 127], strides = [1, 1, 1]} : vector<8x8x128xi32> to vector<8x8x127xi32>
      %concatenate3A_1691 = tpu.concatenate %slice3A_1689, %slice3A_1690 in 2 : vector<8x8x1xi32>, vector<8x8x127xi32> -> vector<8x8x128xi32>
      %select_n3A_1692 = arith.select %eq3A_1667, %concatenate3A_1688, %concatenate3A_1691 : vector<8x8x128xi1>, vector<8x8x128xi32>
      %eq3A_1693 = arith.cmpf oeq, %select_n3A_1685, %select_n3A_1651 : vector<8x8x128xf32>
      %select_n3A_1694 = arith.select %eq3A_1693, %select_n3A_1660, %select_n3A_1692 : vector<8x8x128xi1>, vector<8x8x128xi32>
      %reshape3A_1695 = vector.shape_cast %select_n3A_1685 : vector<8x8x128xf32> to vector<8x4x2x128xf32>
      %reshape3A_1696 = vector.shape_cast %select_n3A_1694 : vector<8x8x128xi32> to vector<8x4x2x128xi32>
      %slice3A_1697 = vector.extract_strided_slice %reshape3A_1695 {offsets = [0, 0, 0, 0], sizes = [8, 4, 1, 128], strides = [1, 1, 1, 1]} : vector<8x4x2x128xf32> to vector<8x4x1x128xf32>
      %squeeze3A_1698 = vector.shape_cast %slice3A_1697 : vector<8x4x1x128xf32> to vector<8x4x128xf32>
      %slice3A_1699 = vector.extract_strided_slice %reshape3A_1695 {offsets = [0, 0, 1, 0], sizes = [8, 4, 1, 128], strides = [1, 1, 1, 1]} : vector<8x4x2x128xf32> to vector<8x4x1x128xf32>
      %squeeze3A_1700 = vector.shape_cast %slice3A_1699 : vector<8x4x1x128xf32> to vector<8x4x128xf32>
      %ge3A_1701 = arith.cmpf oge, %squeeze3A_1698, %squeeze3A_1700 : vector<8x4x128xf32>
      %slice3A_1702 = vector.extract_strided_slice %reshape3A_1695 {offsets = [0, 0, 0, 0], sizes = [8, 4, 1, 128], strides = [1, 1, 1, 1]} : vector<8x4x2x128xf32> to vector<8x4x1x128xf32>
      %squeeze3A_1703 = vector.shape_cast %slice3A_1702 : vector<8x4x1x128xf32> to vector<8x4x128xf32>
      %slice3A_1704 = vector.extract_strided_slice %reshape3A_1695 {offsets = [0, 0, 1, 0], sizes = [8, 4, 1, 128], strides = [1, 1, 1, 1]} : vector<8x4x2x128xf32> to vector<8x4x1x128xf32>
      %squeeze3A_1705 = vector.shape_cast %slice3A_1704 : vector<8x4x1x128xf32> to vector<8x4x128xf32>
      %select_n3A_1706 = arith.select %ge3A_1701, %squeeze3A_1703, %squeeze3A_1705 : vector<8x4x128xi1>, vector<8x4x128xf32>
      %slice3A_1707 = vector.extract_strided_slice %reshape3A_1696 {offsets = [0, 0, 0, 0], sizes = [8, 4, 1, 128], strides = [1, 1, 1, 1]} : vector<8x4x2x128xi32> to vector<8x4x1x128xi32>
      %squeeze3A_1708 = vector.shape_cast %slice3A_1707 : vector<8x4x1x128xi32> to vector<8x4x128xi32>
      %slice3A_1709 = vector.extract_strided_slice %reshape3A_1696 {offsets = [0, 0, 1, 0], sizes = [8, 4, 1, 128], strides = [1, 1, 1, 1]} : vector<8x4x2x128xi32> to vector<8x4x1x128xi32>
      %squeeze3A_1710 = vector.shape_cast %slice3A_1709 : vector<8x4x1x128xi32> to vector<8x4x128xi32>
      %select_n3A_1711 = arith.select %ge3A_1701, %squeeze3A_1708, %squeeze3A_1710 : vector<8x4x128xi1>, vector<8x4x128xi32>
      %iota3A_1712 = tpu.iota {dimensions = array<i32: 2>} : vector<8x4x128xi32>
      %and3A_1713 = arith.constant 64 : i32
      %and3A_1714 = vector.broadcast %and3A_1713 : i32 to vector<8x4x128xi32>
      %and3A_1715 = arith.andi %iota3A_1712, %and3A_1714 : vector<8x4x128xi32>
      %eq3A_1716 = arith.constant 0 : i32
      %eq3A_1717 = vector.broadcast %eq3A_1716 : i32 to vector<8x4x128xi32>
      %eq3A_1718 = arith.cmpi eq, %and3A_1715, %eq3A_1717 : vector<8x4x128xi32>
      %iota3A_1719 = tpu.iota {dimensions = array<i32: 1>} : vector<8x4x128xi32>
      %and3A_1720 = arith.constant 1 : i32
      %and3A_1721 = vector.broadcast %and3A_1720 : i32 to vector<8x4x128xi32>
      %and3A_1722 = arith.andi %iota3A_1719, %and3A_1721 : vector<8x4x128xi32>
      %eq3A_1723 = arith.constant 1 : i32
      %eq3A_1724 = vector.broadcast %eq3A_1723 : i32 to vector<8x4x128xi32>
      %eq3A_1725 = arith.cmpi eq, %and3A_1722, %eq3A_1724 : vector<8x4x128xi32>
      %xor3A_1726 = arith.xori %eq3A_1718, %eq3A_1725 : vector<8x4x128xi1>
      %slice3A_1727 = vector.extract_strided_slice %select_n3A_1706 {offsets = [0, 0, 64], sizes = [8, 4, 64], strides = [1, 1, 1]} : vector<8x4x128xf32> to vector<8x4x64xf32>
      %slice3A_1728 = vector.extract_strided_slice %select_n3A_1706 {offsets = [0, 0, 0], sizes = [8, 4, 64], strides = [1, 1, 1]} : vector<8x4x128xf32> to vector<8x4x64xf32>
      %concatenate3A_1729 = tpu.concatenate %slice3A_1727, %slice3A_1728 in 2 : vector<8x4x64xf32>, vector<8x4x64xf32> -> vector<8x4x128xf32>
      %slice3A_1730 = vector.extract_strided_slice %select_n3A_1706 {offsets = [0, 0, 64], sizes = [8, 4, 64], strides = [1, 1, 1]} : vector<8x4x128xf32> to vector<8x4x64xf32>
      %slice3A_1731 = vector.extract_strided_slice %select_n3A_1706 {offsets = [0, 0, 0], sizes = [8, 4, 64], strides = [1, 1, 1]} : vector<8x4x128xf32> to vector<8x4x64xf32>
      %concatenate3A_1732 = tpu.concatenate %slice3A_1730, %slice3A_1731 in 2 : vector<8x4x64xf32>, vector<8x4x64xf32> -> vector<8x4x128xf32>
      %select_n3A_1733 = arith.select %eq3A_1718, %concatenate3A_1729, %concatenate3A_1732 : vector<8x4x128xi1>, vector<8x4x128xf32>
      %max3A_1734 = arith.maximumf %select_n3A_1706, %select_n3A_1733 : vector<8x4x128xf32>
      %min3A_1735 = arith.minimumf %select_n3A_1706, %select_n3A_1733 : vector<8x4x128xf32>
      %select_n3A_1736 = arith.select %xor3A_1726, %max3A_1734, %min3A_1735 : vector<8x4x128xi1>, vector<8x4x128xf32>
      %slice3A_1737 = vector.extract_strided_slice %select_n3A_1711 {offsets = [0, 0, 64], sizes = [8, 4, 64], strides = [1, 1, 1]} : vector<8x4x128xi32> to vector<8x4x64xi32>
      %slice3A_1738 = vector.extract_strided_slice %select_n3A_1711 {offsets = [0, 0, 0], sizes = [8, 4, 64], strides = [1, 1, 1]} : vector<8x4x128xi32> to vector<8x4x64xi32>
      %concatenate3A_1739 = tpu.concatenate %slice3A_1737, %slice3A_1738 in 2 : vector<8x4x64xi32>, vector<8x4x64xi32> -> vector<8x4x128xi32>
      %slice3A_1740 = vector.extract_strided_slice %select_n3A_1711 {offsets = [0, 0, 64], sizes = [8, 4, 64], strides = [1, 1, 1]} : vector<8x4x128xi32> to vector<8x4x64xi32>
      %slice3A_1741 = vector.extract_strided_slice %select_n3A_1711 {offsets = [0, 0, 0], sizes = [8, 4, 64], strides = [1, 1, 1]} : vector<8x4x128xi32> to vector<8x4x64xi32>
      %concatenate3A_1742 = tpu.concatenate %slice3A_1740, %slice3A_1741 in 2 : vector<8x4x64xi32>, vector<8x4x64xi32> -> vector<8x4x128xi32>
      %select_n3A_1743 = arith.select %eq3A_1718, %concatenate3A_1739, %concatenate3A_1742 : vector<8x4x128xi1>, vector<8x4x128xi32>
      %eq3A_1744 = arith.cmpf oeq, %select_n3A_1736, %select_n3A_1706 : vector<8x4x128xf32>
      %select_n3A_1745 = arith.select %eq3A_1744, %select_n3A_1711, %select_n3A_1743 : vector<8x4x128xi1>, vector<8x4x128xi32>
      %iota3A_1746 = tpu.iota {dimensions = array<i32: 2>} : vector<8x4x128xi32>
      %and3A_1747 = arith.constant 32 : i32
      %and3A_1748 = vector.broadcast %and3A_1747 : i32 to vector<8x4x128xi32>
      %and3A_1749 = arith.andi %iota3A_1746, %and3A_1748 : vector<8x4x128xi32>
      %eq3A_1750 = arith.constant 0 : i32
      %eq3A_1751 = vector.broadcast %eq3A_1750 : i32 to vector<8x4x128xi32>
      %eq3A_1752 = arith.cmpi eq, %and3A_1749, %eq3A_1751 : vector<8x4x128xi32>
      %iota3A_1753 = tpu.iota {dimensions = array<i32: 1>} : vector<8x4x128xi32>
      %and3A_1754 = arith.constant 1 : i32
      %and3A_1755 = vector.broadcast %and3A_1754 : i32 to vector<8x4x128xi32>
      %and3A_1756 = arith.andi %iota3A_1753, %and3A_1755 : vector<8x4x128xi32>
      %eq3A_1757 = arith.constant 1 : i32
      %eq3A_1758 = vector.broadcast %eq3A_1757 : i32 to vector<8x4x128xi32>
      %eq3A_1759 = arith.cmpi eq, %and3A_1756, %eq3A_1758 : vector<8x4x128xi32>
      %xor3A_1760 = arith.xori %eq3A_1752, %eq3A_1759 : vector<8x4x128xi1>
      %slice3A_1761 = vector.extract_strided_slice %select_n3A_1736 {offsets = [0, 0, 32], sizes = [8, 4, 96], strides = [1, 1, 1]} : vector<8x4x128xf32> to vector<8x4x96xf32>
      %slice3A_1762 = vector.extract_strided_slice %select_n3A_1736 {offsets = [0, 0, 0], sizes = [8, 4, 32], strides = [1, 1, 1]} : vector<8x4x128xf32> to vector<8x4x32xf32>
      %concatenate3A_1763 = tpu.concatenate %slice3A_1761, %slice3A_1762 in 2 : vector<8x4x96xf32>, vector<8x4x32xf32> -> vector<8x4x128xf32>
      %slice3A_1764 = vector.extract_strided_slice %select_n3A_1736 {offsets = [0, 0, 96], sizes = [8, 4, 32], strides = [1, 1, 1]} : vector<8x4x128xf32> to vector<8x4x32xf32>
      %slice3A_1765 = vector.extract_strided_slice %select_n3A_1736 {offsets = [0, 0, 0], sizes = [8, 4, 96], strides = [1, 1, 1]} : vector<8x4x128xf32> to vector<8x4x96xf32>
      %concatenate3A_1766 = tpu.concatenate %slice3A_1764, %slice3A_1765 in 2 : vector<8x4x32xf32>, vector<8x4x96xf32> -> vector<8x4x128xf32>
      %select_n3A_1767 = arith.select %eq3A_1752, %concatenate3A_1763, %concatenate3A_1766 : vector<8x4x128xi1>, vector<8x4x128xf32>
      %max3A_1768 = arith.maximumf %select_n3A_1736, %select_n3A_1767 : vector<8x4x128xf32>
      %min3A_1769 = arith.minimumf %select_n3A_1736, %select_n3A_1767 : vector<8x4x128xf32>
      %select_n3A_1770 = arith.select %xor3A_1760, %max3A_1768, %min3A_1769 : vector<8x4x128xi1>, vector<8x4x128xf32>
      %slice3A_1771 = vector.extract_strided_slice %select_n3A_1745 {offsets = [0, 0, 32], sizes = [8, 4, 96], strides = [1, 1, 1]} : vector<8x4x128xi32> to vector<8x4x96xi32>
      %slice3A_1772 = vector.extract_strided_slice %select_n3A_1745 {offsets = [0, 0, 0], sizes = [8, 4, 32], strides = [1, 1, 1]} : vector<8x4x128xi32> to vector<8x4x32xi32>
      %concatenate3A_1773 = tpu.concatenate %slice3A_1771, %slice3A_1772 in 2 : vector<8x4x96xi32>, vector<8x4x32xi32> -> vector<8x4x128xi32>
      %slice3A_1774 = vector.extract_strided_slice %select_n3A_1745 {offsets = [0, 0, 96], sizes = [8, 4, 32], strides = [1, 1, 1]} : vector<8x4x128xi32> to vector<8x4x32xi32>
      %slice3A_1775 = vector.extract_strided_slice %select_n3A_1745 {offsets = [0, 0, 0], sizes = [8, 4, 96], strides = [1, 1, 1]} : vector<8x4x128xi32> to vector<8x4x96xi32>
      %concatenate3A_1776 = tpu.concatenate %slice3A_1774, %slice3A_1775 in 2 : vector<8x4x32xi32>, vector<8x4x96xi32> -> vector<8x4x128xi32>
      %select_n3A_1777 = arith.select %eq3A_1752, %concatenate3A_1773, %concatenate3A_1776 : vector<8x4x128xi1>, vector<8x4x128xi32>
      %eq3A_1778 = arith.cmpf oeq, %select_n3A_1770, %select_n3A_1736 : vector<8x4x128xf32>
      %select_n3A_1779 = arith.select %eq3A_1778, %select_n3A_1745, %select_n3A_1777 : vector<8x4x128xi1>, vector<8x4x128xi32>
      %iota3A_1780 = tpu.iota {dimensions = array<i32: 2>} : vector<8x4x128xi32>
      %and3A_1781 = arith.constant 16 : i32
      %and3A_1782 = vector.broadcast %and3A_1781 : i32 to vector<8x4x128xi32>
      %and3A_1783 = arith.andi %iota3A_1780, %and3A_1782 : vector<8x4x128xi32>
      %eq3A_1784 = arith.constant 0 : i32
      %eq3A_1785 = vector.broadcast %eq3A_1784 : i32 to vector<8x4x128xi32>
      %eq3A_1786 = arith.cmpi eq, %and3A_1783, %eq3A_1785 : vector<8x4x128xi32>
      %iota3A_1787 = tpu.iota {dimensions = array<i32: 1>} : vector<8x4x128xi32>
      %and3A_1788 = arith.constant 1 : i32
      %and3A_1789 = vector.broadcast %and3A_1788 : i32 to vector<8x4x128xi32>
      %and3A_1790 = arith.andi %iota3A_1787, %and3A_1789 : vector<8x4x128xi32>
      %eq3A_1791 = arith.constant 1 : i32
      %eq3A_1792 = vector.broadcast %eq3A_1791 : i32 to vector<8x4x128xi32>
      %eq3A_1793 = arith.cmpi eq, %and3A_1790, %eq3A_1792 : vector<8x4x128xi32>
      %xor3A_1794 = arith.xori %eq3A_1786, %eq3A_1793 : vector<8x4x128xi1>
      %slice3A_1795 = vector.extract_strided_slice %select_n3A_1770 {offsets = [0, 0, 16], sizes = [8, 4, 112], strides = [1, 1, 1]} : vector<8x4x128xf32> to vector<8x4x112xf32>
      %slice3A_1796 = vector.extract_strided_slice %select_n3A_1770 {offsets = [0, 0, 0], sizes = [8, 4, 16], strides = [1, 1, 1]} : vector<8x4x128xf32> to vector<8x4x16xf32>
      %concatenate3A_1797 = tpu.concatenate %slice3A_1795, %slice3A_1796 in 2 : vector<8x4x112xf32>, vector<8x4x16xf32> -> vector<8x4x128xf32>
      %slice3A_1798 = vector.extract_strided_slice %select_n3A_1770 {offsets = [0, 0, 112], sizes = [8, 4, 16], strides = [1, 1, 1]} : vector<8x4x128xf32> to vector<8x4x16xf32>
      %slice3A_1799 = vector.extract_strided_slice %select_n3A_1770 {offsets = [0, 0, 0], sizes = [8, 4, 112], strides = [1, 1, 1]} : vector<8x4x128xf32> to vector<8x4x112xf32>
      %concatenate3A_1800 = tpu.concatenate %slice3A_1798, %slice3A_1799 in 2 : vector<8x4x16xf32>, vector<8x4x112xf32> -> vector<8x4x128xf32>
      %select_n3A_1801 = arith.select %eq3A_1786, %concatenate3A_1797, %concatenate3A_1800 : vector<8x4x128xi1>, vector<8x4x128xf32>
      %max3A_1802 = arith.maximumf %select_n3A_1770, %select_n3A_1801 : vector<8x4x128xf32>
      %min3A_1803 = arith.minimumf %select_n3A_1770, %select_n3A_1801 : vector<8x4x128xf32>
      %select_n3A_1804 = arith.select %xor3A_1794, %max3A_1802, %min3A_1803 : vector<8x4x128xi1>, vector<8x4x128xf32>
      %slice3A_1805 = vector.extract_strided_slice %select_n3A_1779 {offsets = [0, 0, 16], sizes = [8, 4, 112], strides = [1, 1, 1]} : vector<8x4x128xi32> to vector<8x4x112xi32>
      %slice3A_1806 = vector.extract_strided_slice %select_n3A_1779 {offsets = [0, 0, 0], sizes = [8, 4, 16], strides = [1, 1, 1]} : vector<8x4x128xi32> to vector<8x4x16xi32>
      %concatenate3A_1807 = tpu.concatenate %slice3A_1805, %slice3A_1806 in 2 : vector<8x4x112xi32>, vector<8x4x16xi32> -> vector<8x4x128xi32>
      %slice3A_1808 = vector.extract_strided_slice %select_n3A_1779 {offsets = [0, 0, 112], sizes = [8, 4, 16], strides = [1, 1, 1]} : vector<8x4x128xi32> to vector<8x4x16xi32>
      %slice3A_1809 = vector.extract_strided_slice %select_n3A_1779 {offsets = [0, 0, 0], sizes = [8, 4, 112], strides = [1, 1, 1]} : vector<8x4x128xi32> to vector<8x4x112xi32>
      %concatenate3A_1810 = tpu.concatenate %slice3A_1808, %slice3A_1809 in 2 : vector<8x4x16xi32>, vector<8x4x112xi32> -> vector<8x4x128xi32>
      %select_n3A_1811 = arith.select %eq3A_1786, %concatenate3A_1807, %concatenate3A_1810 : vector<8x4x128xi1>, vector<8x4x128xi32>
      %eq3A_1812 = arith.cmpf oeq, %select_n3A_1804, %select_n3A_1770 : vector<8x4x128xf32>
      %select_n3A_1813 = arith.select %eq3A_1812, %select_n3A_1779, %select_n3A_1811 : vector<8x4x128xi1>, vector<8x4x128xi32>
      %iota3A_1814 = tpu.iota {dimensions = array<i32: 2>} : vector<8x4x128xi32>
      %and3A_1815 = arith.constant 8 : i32
      %and3A_1816 = vector.broadcast %and3A_1815 : i32 to vector<8x4x128xi32>
      %and3A_1817 = arith.andi %iota3A_1814, %and3A_1816 : vector<8x4x128xi32>
      %eq3A_1818 = arith.constant 0 : i32
      %eq3A_1819 = vector.broadcast %eq3A_1818 : i32 to vector<8x4x128xi32>
      %eq3A_1820 = arith.cmpi eq, %and3A_1817, %eq3A_1819 : vector<8x4x128xi32>
      %iota3A_1821 = tpu.iota {dimensions = array<i32: 1>} : vector<8x4x128xi32>
      %and3A_1822 = arith.constant 1 : i32
      %and3A_1823 = vector.broadcast %and3A_1822 : i32 to vector<8x4x128xi32>
      %and3A_1824 = arith.andi %iota3A_1821, %and3A_1823 : vector<8x4x128xi32>
      %eq3A_1825 = arith.constant 1 : i32
      %eq3A_1826 = vector.broadcast %eq3A_1825 : i32 to vector<8x4x128xi32>
      %eq3A_1827 = arith.cmpi eq, %and3A_1824, %eq3A_1826 : vector<8x4x128xi32>
      %xor3A_1828 = arith.xori %eq3A_1820, %eq3A_1827 : vector<8x4x128xi1>
      %slice3A_1829 = vector.extract_strided_slice %select_n3A_1804 {offsets = [0, 0, 8], sizes = [8, 4, 120], strides = [1, 1, 1]} : vector<8x4x128xf32> to vector<8x4x120xf32>
      %slice3A_1830 = vector.extract_strided_slice %select_n3A_1804 {offsets = [0, 0, 0], sizes = [8, 4, 8], strides = [1, 1, 1]} : vector<8x4x128xf32> to vector<8x4x8xf32>
      %concatenate3A_1831 = tpu.concatenate %slice3A_1829, %slice3A_1830 in 2 : vector<8x4x120xf32>, vector<8x4x8xf32> -> vector<8x4x128xf32>
      %slice3A_1832 = vector.extract_strided_slice %select_n3A_1804 {offsets = [0, 0, 120], sizes = [8, 4, 8], strides = [1, 1, 1]} : vector<8x4x128xf32> to vector<8x4x8xf32>
      %slice3A_1833 = vector.extract_strided_slice %select_n3A_1804 {offsets = [0, 0, 0], sizes = [8, 4, 120], strides = [1, 1, 1]} : vector<8x4x128xf32> to vector<8x4x120xf32>
      %concatenate3A_1834 = tpu.concatenate %slice3A_1832, %slice3A_1833 in 2 : vector<8x4x8xf32>, vector<8x4x120xf32> -> vector<8x4x128xf32>
      %select_n3A_1835 = arith.select %eq3A_1820, %concatenate3A_1831, %concatenate3A_1834 : vector<8x4x128xi1>, vector<8x4x128xf32>
      %max3A_1836 = arith.maximumf %select_n3A_1804, %select_n3A_1835 : vector<8x4x128xf32>
      %min3A_1837 = arith.minimumf %select_n3A_1804, %select_n3A_1835 : vector<8x4x128xf32>
      %select_n3A_1838 = arith.select %xor3A_1828, %max3A_1836, %min3A_1837 : vector<8x4x128xi1>, vector<8x4x128xf32>
      %slice3A_1839 = vector.extract_strided_slice %select_n3A_1813 {offsets = [0, 0, 8], sizes = [8, 4, 120], strides = [1, 1, 1]} : vector<8x4x128xi32> to vector<8x4x120xi32>
      %slice3A_1840 = vector.extract_strided_slice %select_n3A_1813 {offsets = [0, 0, 0], sizes = [8, 4, 8], strides = [1, 1, 1]} : vector<8x4x128xi32> to vector<8x4x8xi32>
      %concatenate3A_1841 = tpu.concatenate %slice3A_1839, %slice3A_1840 in 2 : vector<8x4x120xi32>, vector<8x4x8xi32> -> vector<8x4x128xi32>
      %slice3A_1842 = vector.extract_strided_slice %select_n3A_1813 {offsets = [0, 0, 120], sizes = [8, 4, 8], strides = [1, 1, 1]} : vector<8x4x128xi32> to vector<8x4x8xi32>
      %slice3A_1843 = vector.extract_strided_slice %select_n3A_1813 {offsets = [0, 0, 0], sizes = [8, 4, 120], strides = [1, 1, 1]} : vector<8x4x128xi32> to vector<8x4x120xi32>
      %concatenate3A_1844 = tpu.concatenate %slice3A_1842, %slice3A_1843 in 2 : vector<8x4x8xi32>, vector<8x4x120xi32> -> vector<8x4x128xi32>
      %select_n3A_1845 = arith.select %eq3A_1820, %concatenate3A_1841, %concatenate3A_1844 : vector<8x4x128xi1>, vector<8x4x128xi32>
      %eq3A_1846 = arith.cmpf oeq, %select_n3A_1838, %select_n3A_1804 : vector<8x4x128xf32>
      %select_n3A_1847 = arith.select %eq3A_1846, %select_n3A_1813, %select_n3A_1845 : vector<8x4x128xi1>, vector<8x4x128xi32>
      %iota3A_1848 = tpu.iota {dimensions = array<i32: 2>} : vector<8x4x128xi32>
      %and3A_1849 = arith.constant 4 : i32
      %and3A_1850 = vector.broadcast %and3A_1849 : i32 to vector<8x4x128xi32>
      %and3A_1851 = arith.andi %iota3A_1848, %and3A_1850 : vector<8x4x128xi32>
      %eq3A_1852 = arith.constant 0 : i32
      %eq3A_1853 = vector.broadcast %eq3A_1852 : i32 to vector<8x4x128xi32>
      %eq3A_1854 = arith.cmpi eq, %and3A_1851, %eq3A_1853 : vector<8x4x128xi32>
      %iota3A_1855 = tpu.iota {dimensions = array<i32: 1>} : vector<8x4x128xi32>
      %and3A_1856 = arith.constant 1 : i32
      %and3A_1857 = vector.broadcast %and3A_1856 : i32 to vector<8x4x128xi32>
      %and3A_1858 = arith.andi %iota3A_1855, %and3A_1857 : vector<8x4x128xi32>
      %eq3A_1859 = arith.constant 1 : i32
      %eq3A_1860 = vector.broadcast %eq3A_1859 : i32 to vector<8x4x128xi32>
      %eq3A_1861 = arith.cmpi eq, %and3A_1858, %eq3A_1860 : vector<8x4x128xi32>
      %xor3A_1862 = arith.xori %eq3A_1854, %eq3A_1861 : vector<8x4x128xi1>
      %slice3A_1863 = vector.extract_strided_slice %select_n3A_1838 {offsets = [0, 0, 4], sizes = [8, 4, 124], strides = [1, 1, 1]} : vector<8x4x128xf32> to vector<8x4x124xf32>
      %slice3A_1864 = vector.extract_strided_slice %select_n3A_1838 {offsets = [0, 0, 0], sizes = [8, 4, 4], strides = [1, 1, 1]} : vector<8x4x128xf32> to vector<8x4x4xf32>
      %concatenate3A_1865 = tpu.concatenate %slice3A_1863, %slice3A_1864 in 2 : vector<8x4x124xf32>, vector<8x4x4xf32> -> vector<8x4x128xf32>
      %slice3A_1866 = vector.extract_strided_slice %select_n3A_1838 {offsets = [0, 0, 124], sizes = [8, 4, 4], strides = [1, 1, 1]} : vector<8x4x128xf32> to vector<8x4x4xf32>
      %slice3A_1867 = vector.extract_strided_slice %select_n3A_1838 {offsets = [0, 0, 0], sizes = [8, 4, 124], strides = [1, 1, 1]} : vector<8x4x128xf32> to vector<8x4x124xf32>
      %concatenate3A_1868 = tpu.concatenate %slice3A_1866, %slice3A_1867 in 2 : vector<8x4x4xf32>, vector<8x4x124xf32> -> vector<8x4x128xf32>
      %select_n3A_1869 = arith.select %eq3A_1854, %concatenate3A_1865, %concatenate3A_1868 : vector<8x4x128xi1>, vector<8x4x128xf32>
      %max3A_1870 = arith.maximumf %select_n3A_1838, %select_n3A_1869 : vector<8x4x128xf32>
      %min3A_1871 = arith.minimumf %select_n3A_1838, %select_n3A_1869 : vector<8x4x128xf32>
      %select_n3A_1872 = arith.select %xor3A_1862, %max3A_1870, %min3A_1871 : vector<8x4x128xi1>, vector<8x4x128xf32>
      %slice3A_1873 = vector.extract_strided_slice %select_n3A_1847 {offsets = [0, 0, 4], sizes = [8, 4, 124], strides = [1, 1, 1]} : vector<8x4x128xi32> to vector<8x4x124xi32>
      %slice3A_1874 = vector.extract_strided_slice %select_n3A_1847 {offsets = [0, 0, 0], sizes = [8, 4, 4], strides = [1, 1, 1]} : vector<8x4x128xi32> to vector<8x4x4xi32>
      %concatenate3A_1875 = tpu.concatenate %slice3A_1873, %slice3A_1874 in 2 : vector<8x4x124xi32>, vector<8x4x4xi32> -> vector<8x4x128xi32>
      %slice3A_1876 = vector.extract_strided_slice %select_n3A_1847 {offsets = [0, 0, 124], sizes = [8, 4, 4], strides = [1, 1, 1]} : vector<8x4x128xi32> to vector<8x4x4xi32>
      %slice3A_1877 = vector.extract_strided_slice %select_n3A_1847 {offsets = [0, 0, 0], sizes = [8, 4, 124], strides = [1, 1, 1]} : vector<8x4x128xi32> to vector<8x4x124xi32>
      %concatenate3A_1878 = tpu.concatenate %slice3A_1876, %slice3A_1877 in 2 : vector<8x4x4xi32>, vector<8x4x124xi32> -> vector<8x4x128xi32>
      %select_n3A_1879 = arith.select %eq3A_1854, %concatenate3A_1875, %concatenate3A_1878 : vector<8x4x128xi1>, vector<8x4x128xi32>
      %eq3A_1880 = arith.cmpf oeq, %select_n3A_1872, %select_n3A_1838 : vector<8x4x128xf32>
      %select_n3A_1881 = arith.select %eq3A_1880, %select_n3A_1847, %select_n3A_1879 : vector<8x4x128xi1>, vector<8x4x128xi32>
      %iota3A_1882 = tpu.iota {dimensions = array<i32: 2>} : vector<8x4x128xi32>
      %and3A_1883 = arith.constant 2 : i32
      %and3A_1884 = vector.broadcast %and3A_1883 : i32 to vector<8x4x128xi32>
      %and3A_1885 = arith.andi %iota3A_1882, %and3A_1884 : vector<8x4x128xi32>
      %eq3A_1886 = arith.constant 0 : i32
      %eq3A_1887 = vector.broadcast %eq3A_1886 : i32 to vector<8x4x128xi32>
      %eq3A_1888 = arith.cmpi eq, %and3A_1885, %eq3A_1887 : vector<8x4x128xi32>
      %iota3A_1889 = tpu.iota {dimensions = array<i32: 1>} : vector<8x4x128xi32>
      %and3A_1890 = arith.constant 1 : i32
      %and3A_1891 = vector.broadcast %and3A_1890 : i32 to vector<8x4x128xi32>
      %and3A_1892 = arith.andi %iota3A_1889, %and3A_1891 : vector<8x4x128xi32>
      %eq3A_1893 = arith.constant 1 : i32
      %eq3A_1894 = vector.broadcast %eq3A_1893 : i32 to vector<8x4x128xi32>
      %eq3A_1895 = arith.cmpi eq, %and3A_1892, %eq3A_1894 : vector<8x4x128xi32>
      %xor3A_1896 = arith.xori %eq3A_1888, %eq3A_1895 : vector<8x4x128xi1>
      %slice3A_1897 = vector.extract_strided_slice %select_n3A_1872 {offsets = [0, 0, 2], sizes = [8, 4, 126], strides = [1, 1, 1]} : vector<8x4x128xf32> to vector<8x4x126xf32>
      %slice3A_1898 = vector.extract_strided_slice %select_n3A_1872 {offsets = [0, 0, 0], sizes = [8, 4, 2], strides = [1, 1, 1]} : vector<8x4x128xf32> to vector<8x4x2xf32>
      %concatenate3A_1899 = tpu.concatenate %slice3A_1897, %slice3A_1898 in 2 : vector<8x4x126xf32>, vector<8x4x2xf32> -> vector<8x4x128xf32>
      %slice3A_1900 = vector.extract_strided_slice %select_n3A_1872 {offsets = [0, 0, 126], sizes = [8, 4, 2], strides = [1, 1, 1]} : vector<8x4x128xf32> to vector<8x4x2xf32>
      %slice3A_1901 = vector.extract_strided_slice %select_n3A_1872 {offsets = [0, 0, 0], sizes = [8, 4, 126], strides = [1, 1, 1]} : vector<8x4x128xf32> to vector<8x4x126xf32>
      %concatenate3A_1902 = tpu.concatenate %slice3A_1900, %slice3A_1901 in 2 : vector<8x4x2xf32>, vector<8x4x126xf32> -> vector<8x4x128xf32>
      %select_n3A_1903 = arith.select %eq3A_1888, %concatenate3A_1899, %concatenate3A_1902 : vector<8x4x128xi1>, vector<8x4x128xf32>
      %max3A_1904 = arith.maximumf %select_n3A_1872, %select_n3A_1903 : vector<8x4x128xf32>
      %min3A_1905 = arith.minimumf %select_n3A_1872, %select_n3A_1903 : vector<8x4x128xf32>
      %select_n3A_1906 = arith.select %xor3A_1896, %max3A_1904, %min3A_1905 : vector<8x4x128xi1>, vector<8x4x128xf32>
      %slice3A_1907 = vector.extract_strided_slice %select_n3A_1881 {offsets = [0, 0, 2], sizes = [8, 4, 126], strides = [1, 1, 1]} : vector<8x4x128xi32> to vector<8x4x126xi32>
      %slice3A_1908 = vector.extract_strided_slice %select_n3A_1881 {offsets = [0, 0, 0], sizes = [8, 4, 2], strides = [1, 1, 1]} : vector<8x4x128xi32> to vector<8x4x2xi32>
      %concatenate3A_1909 = tpu.concatenate %slice3A_1907, %slice3A_1908 in 2 : vector<8x4x126xi32>, vector<8x4x2xi32> -> vector<8x4x128xi32>
      %slice3A_1910 = vector.extract_strided_slice %select_n3A_1881 {offsets = [0, 0, 126], sizes = [8, 4, 2], strides = [1, 1, 1]} : vector<8x4x128xi32> to vector<8x4x2xi32>
      %slice3A_1911 = vector.extract_strided_slice %select_n3A_1881 {offsets = [0, 0, 0], sizes = [8, 4, 126], strides = [1, 1, 1]} : vector<8x4x128xi32> to vector<8x4x126xi32>
      %concatenate3A_1912 = tpu.concatenate %slice3A_1910, %slice3A_1911 in 2 : vector<8x4x2xi32>, vector<8x4x126xi32> -> vector<8x4x128xi32>
      %select_n3A_1913 = arith.select %eq3A_1888, %concatenate3A_1909, %concatenate3A_1912 : vector<8x4x128xi1>, vector<8x4x128xi32>
      %eq3A_1914 = arith.cmpf oeq, %select_n3A_1906, %select_n3A_1872 : vector<8x4x128xf32>
      %select_n3A_1915 = arith.select %eq3A_1914, %select_n3A_1881, %select_n3A_1913 : vector<8x4x128xi1>, vector<8x4x128xi32>
      %iota3A_1916 = tpu.iota {dimensions = array<i32: 2>} : vector<8x4x128xi32>
      %and3A_1917 = arith.constant 1 : i32
      %and3A_1918 = vector.broadcast %and3A_1917 : i32 to vector<8x4x128xi32>
      %and3A_1919 = arith.andi %iota3A_1916, %and3A_1918 : vector<8x4x128xi32>
      %eq3A_1920 = arith.constant 0 : i32
      %eq3A_1921 = vector.broadcast %eq3A_1920 : i32 to vector<8x4x128xi32>
      %eq3A_1922 = arith.cmpi eq, %and3A_1919, %eq3A_1921 : vector<8x4x128xi32>
      %iota3A_1923 = tpu.iota {dimensions = array<i32: 1>} : vector<8x4x128xi32>
      %and3A_1924 = arith.constant 1 : i32
      %and3A_1925 = vector.broadcast %and3A_1924 : i32 to vector<8x4x128xi32>
      %and3A_1926 = arith.andi %iota3A_1923, %and3A_1925 : vector<8x4x128xi32>
      %eq3A_1927 = arith.constant 1 : i32
      %eq3A_1928 = vector.broadcast %eq3A_1927 : i32 to vector<8x4x128xi32>
      %eq3A_1929 = arith.cmpi eq, %and3A_1926, %eq3A_1928 : vector<8x4x128xi32>
      %xor3A_1930 = arith.xori %eq3A_1922, %eq3A_1929 : vector<8x4x128xi1>
      %slice3A_1931 = vector.extract_strided_slice %select_n3A_1906 {offsets = [0, 0, 1], sizes = [8, 4, 127], strides = [1, 1, 1]} : vector<8x4x128xf32> to vector<8x4x127xf32>
      %slice3A_1932 = vector.extract_strided_slice %select_n3A_1906 {offsets = [0, 0, 0], sizes = [8, 4, 1], strides = [1, 1, 1]} : vector<8x4x128xf32> to vector<8x4x1xf32>
      %concatenate3A_1933 = tpu.concatenate %slice3A_1931, %slice3A_1932 in 2 : vector<8x4x127xf32>, vector<8x4x1xf32> -> vector<8x4x128xf32>
      %slice3A_1934 = vector.extract_strided_slice %select_n3A_1906 {offsets = [0, 0, 127], sizes = [8, 4, 1], strides = [1, 1, 1]} : vector<8x4x128xf32> to vector<8x4x1xf32>
      %slice3A_1935 = vector.extract_strided_slice %select_n3A_1906 {offsets = [0, 0, 0], sizes = [8, 4, 127], strides = [1, 1, 1]} : vector<8x4x128xf32> to vector<8x4x127xf32>
      %concatenate3A_1936 = tpu.concatenate %slice3A_1934, %slice3A_1935 in 2 : vector<8x4x1xf32>, vector<8x4x127xf32> -> vector<8x4x128xf32>
      %select_n3A_1937 = arith.select %eq3A_1922, %concatenate3A_1933, %concatenate3A_1936 : vector<8x4x128xi1>, vector<8x4x128xf32>
      %max3A_1938 = arith.maximumf %select_n3A_1906, %select_n3A_1937 : vector<8x4x128xf32>
      %min3A_1939 = arith.minimumf %select_n3A_1906, %select_n3A_1937 : vector<8x4x128xf32>
      %select_n3A_1940 = arith.select %xor3A_1930, %max3A_1938, %min3A_1939 : vector<8x4x128xi1>, vector<8x4x128xf32>
      %slice3A_1941 = vector.extract_strided_slice %select_n3A_1915 {offsets = [0, 0, 1], sizes = [8, 4, 127], strides = [1, 1, 1]} : vector<8x4x128xi32> to vector<8x4x127xi32>
      %slice3A_1942 = vector.extract_strided_slice %select_n3A_1915 {offsets = [0, 0, 0], sizes = [8, 4, 1], strides = [1, 1, 1]} : vector<8x4x128xi32> to vector<8x4x1xi32>
      %concatenate3A_1943 = tpu.concatenate %slice3A_1941, %slice3A_1942 in 2 : vector<8x4x127xi32>, vector<8x4x1xi32> -> vector<8x4x128xi32>
      %slice3A_1944 = vector.extract_strided_slice %select_n3A_1915 {offsets = [0, 0, 127], sizes = [8, 4, 1], strides = [1, 1, 1]} : vector<8x4x128xi32> to vector<8x4x1xi32>
      %slice3A_1945 = vector.extract_strided_slice %select_n3A_1915 {offsets = [0, 0, 0], sizes = [8, 4, 127], strides = [1, 1, 1]} : vector<8x4x128xi32> to vector<8x4x127xi32>
      %concatenate3A_1946 = tpu.concatenate %slice3A_1944, %slice3A_1945 in 2 : vector<8x4x1xi32>, vector<8x4x127xi32> -> vector<8x4x128xi32>
      %select_n3A_1947 = arith.select %eq3A_1922, %concatenate3A_1943, %concatenate3A_1946 : vector<8x4x128xi1>, vector<8x4x128xi32>
      %eq3A_1948 = arith.cmpf oeq, %select_n3A_1940, %select_n3A_1906 : vector<8x4x128xf32>
      %select_n3A_1949 = arith.select %eq3A_1948, %select_n3A_1915, %select_n3A_1947 : vector<8x4x128xi1>, vector<8x4x128xi32>
      %reshape3A_1950 = vector.shape_cast %select_n3A_1940 : vector<8x4x128xf32> to vector<8x2x2x128xf32>
      %reshape3A_1951 = vector.shape_cast %select_n3A_1949 : vector<8x4x128xi32> to vector<8x2x2x128xi32>
      %slice3A_1952 = vector.extract_strided_slice %reshape3A_1950 {offsets = [0, 0, 0, 0], sizes = [8, 2, 1, 128], strides = [1, 1, 1, 1]} : vector<8x2x2x128xf32> to vector<8x2x1x128xf32>
      %squeeze3A_1953 = vector.shape_cast %slice3A_1952 : vector<8x2x1x128xf32> to vector<8x2x128xf32>
      %slice3A_1954 = vector.extract_strided_slice %reshape3A_1950 {offsets = [0, 0, 1, 0], sizes = [8, 2, 1, 128], strides = [1, 1, 1, 1]} : vector<8x2x2x128xf32> to vector<8x2x1x128xf32>
      %squeeze3A_1955 = vector.shape_cast %slice3A_1954 : vector<8x2x1x128xf32> to vector<8x2x128xf32>
      %ge3A_1956 = arith.cmpf oge, %squeeze3A_1953, %squeeze3A_1955 : vector<8x2x128xf32>
      %slice3A_1957 = vector.extract_strided_slice %reshape3A_1950 {offsets = [0, 0, 0, 0], sizes = [8, 2, 1, 128], strides = [1, 1, 1, 1]} : vector<8x2x2x128xf32> to vector<8x2x1x128xf32>
      %squeeze3A_1958 = vector.shape_cast %slice3A_1957 : vector<8x2x1x128xf32> to vector<8x2x128xf32>
      %slice3A_1959 = vector.extract_strided_slice %reshape3A_1950 {offsets = [0, 0, 1, 0], sizes = [8, 2, 1, 128], strides = [1, 1, 1, 1]} : vector<8x2x2x128xf32> to vector<8x2x1x128xf32>
      %squeeze3A_1960 = vector.shape_cast %slice3A_1959 : vector<8x2x1x128xf32> to vector<8x2x128xf32>
      %select_n3A_1961 = arith.select %ge3A_1956, %squeeze3A_1958, %squeeze3A_1960 : vector<8x2x128xi1>, vector<8x2x128xf32>
      %slice3A_1962 = vector.extract_strided_slice %reshape3A_1951 {offsets = [0, 0, 0, 0], sizes = [8, 2, 1, 128], strides = [1, 1, 1, 1]} : vector<8x2x2x128xi32> to vector<8x2x1x128xi32>
      %squeeze3A_1963 = vector.shape_cast %slice3A_1962 : vector<8x2x1x128xi32> to vector<8x2x128xi32>
      %slice3A_1964 = vector.extract_strided_slice %reshape3A_1951 {offsets = [0, 0, 1, 0], sizes = [8, 2, 1, 128], strides = [1, 1, 1, 1]} : vector<8x2x2x128xi32> to vector<8x2x1x128xi32>
      %squeeze3A_1965 = vector.shape_cast %slice3A_1964 : vector<8x2x1x128xi32> to vector<8x2x128xi32>
      %select_n3A_1966 = arith.select %ge3A_1956, %squeeze3A_1963, %squeeze3A_1965 : vector<8x2x128xi1>, vector<8x2x128xi32>
      %iota3A_1967 = tpu.iota {dimensions = array<i32: 2>} : vector<8x2x128xi32>
      %and3A_1968 = arith.constant 64 : i32
      %and3A_1969 = vector.broadcast %and3A_1968 : i32 to vector<8x2x128xi32>
      %and3A_1970 = arith.andi %iota3A_1967, %and3A_1969 : vector<8x2x128xi32>
      %eq3A_1971 = arith.constant 0 : i32
      %eq3A_1972 = vector.broadcast %eq3A_1971 : i32 to vector<8x2x128xi32>
      %eq3A_1973 = arith.cmpi eq, %and3A_1970, %eq3A_1972 : vector<8x2x128xi32>
      %iota3A_1974 = tpu.iota {dimensions = array<i32: 1>} : vector<8x2x128xi32>
      %and3A_1975 = arith.constant 1 : i32
      %and3A_1976 = vector.broadcast %and3A_1975 : i32 to vector<8x2x128xi32>
      %and3A_1977 = arith.andi %iota3A_1974, %and3A_1976 : vector<8x2x128xi32>
      %eq3A_1978 = arith.constant 1 : i32
      %eq3A_1979 = vector.broadcast %eq3A_1978 : i32 to vector<8x2x128xi32>
      %eq3A_1980 = arith.cmpi eq, %and3A_1977, %eq3A_1979 : vector<8x2x128xi32>
      %xor3A_1981 = arith.xori %eq3A_1973, %eq3A_1980 : vector<8x2x128xi1>
      %slice3A_1982 = vector.extract_strided_slice %select_n3A_1961 {offsets = [0, 0, 64], sizes = [8, 2, 64], strides = [1, 1, 1]} : vector<8x2x128xf32> to vector<8x2x64xf32>
      %slice3A_1983 = vector.extract_strided_slice %select_n3A_1961 {offsets = [0, 0, 0], sizes = [8, 2, 64], strides = [1, 1, 1]} : vector<8x2x128xf32> to vector<8x2x64xf32>
      %concatenate3A_1984 = tpu.concatenate %slice3A_1982, %slice3A_1983 in 2 : vector<8x2x64xf32>, vector<8x2x64xf32> -> vector<8x2x128xf32>
      %slice3A_1985 = vector.extract_strided_slice %select_n3A_1961 {offsets = [0, 0, 64], sizes = [8, 2, 64], strides = [1, 1, 1]} : vector<8x2x128xf32> to vector<8x2x64xf32>
      %slice3A_1986 = vector.extract_strided_slice %select_n3A_1961 {offsets = [0, 0, 0], sizes = [8, 2, 64], strides = [1, 1, 1]} : vector<8x2x128xf32> to vector<8x2x64xf32>
      %concatenate3A_1987 = tpu.concatenate %slice3A_1985, %slice3A_1986 in 2 : vector<8x2x64xf32>, vector<8x2x64xf32> -> vector<8x2x128xf32>
      %select_n3A_1988 = arith.select %eq3A_1973, %concatenate3A_1984, %concatenate3A_1987 : vector<8x2x128xi1>, vector<8x2x128xf32>
      %max3A_1989 = arith.maximumf %select_n3A_1961, %select_n3A_1988 : vector<8x2x128xf32>
      %min3A_1990 = arith.minimumf %select_n3A_1961, %select_n3A_1988 : vector<8x2x128xf32>
      %select_n3A_1991 = arith.select %xor3A_1981, %max3A_1989, %min3A_1990 : vector<8x2x128xi1>, vector<8x2x128xf32>
      %slice3A_1992 = vector.extract_strided_slice %select_n3A_1966 {offsets = [0, 0, 64], sizes = [8, 2, 64], strides = [1, 1, 1]} : vector<8x2x128xi32> to vector<8x2x64xi32>
      %slice3A_1993 = vector.extract_strided_slice %select_n3A_1966 {offsets = [0, 0, 0], sizes = [8, 2, 64], strides = [1, 1, 1]} : vector<8x2x128xi32> to vector<8x2x64xi32>
      %concatenate3A_1994 = tpu.concatenate %slice3A_1992, %slice3A_1993 in 2 : vector<8x2x64xi32>, vector<8x2x64xi32> -> vector<8x2x128xi32>
      %slice3A_1995 = vector.extract_strided_slice %select_n3A_1966 {offsets = [0, 0, 64], sizes = [8, 2, 64], strides = [1, 1, 1]} : vector<8x2x128xi32> to vector<8x2x64xi32>
      %slice3A_1996 = vector.extract_strided_slice %select_n3A_1966 {offsets = [0, 0, 0], sizes = [8, 2, 64], strides = [1, 1, 1]} : vector<8x2x128xi32> to vector<8x2x64xi32>
      %concatenate3A_1997 = tpu.concatenate %slice3A_1995, %slice3A_1996 in 2 : vector<8x2x64xi32>, vector<8x2x64xi32> -> vector<8x2x128xi32>
      %select_n3A_1998 = arith.select %eq3A_1973, %concatenate3A_1994, %concatenate3A_1997 : vector<8x2x128xi1>, vector<8x2x128xi32>
      %eq3A_1999 = arith.cmpf oeq, %select_n3A_1991, %select_n3A_1961 : vector<8x2x128xf32>
      %select_n3A_2000 = arith.select %eq3A_1999, %select_n3A_1966, %select_n3A_1998 : vector<8x2x128xi1>, vector<8x2x128xi32>
      %iota3A_2001 = tpu.iota {dimensions = array<i32: 2>} : vector<8x2x128xi32>
      %and3A_2002 = arith.constant 32 : i32
      %and3A_2003 = vector.broadcast %and3A_2002 : i32 to vector<8x2x128xi32>
      %and3A_2004 = arith.andi %iota3A_2001, %and3A_2003 : vector<8x2x128xi32>
      %eq3A_2005 = arith.constant 0 : i32
      %eq3A_2006 = vector.broadcast %eq3A_2005 : i32 to vector<8x2x128xi32>
      %eq3A_2007 = arith.cmpi eq, %and3A_2004, %eq3A_2006 : vector<8x2x128xi32>
      %iota3A_2008 = tpu.iota {dimensions = array<i32: 1>} : vector<8x2x128xi32>
      %and3A_2009 = arith.constant 1 : i32
      %and3A_2010 = vector.broadcast %and3A_2009 : i32 to vector<8x2x128xi32>
      %and3A_2011 = arith.andi %iota3A_2008, %and3A_2010 : vector<8x2x128xi32>
      %eq3A_2012 = arith.constant 1 : i32
      %eq3A_2013 = vector.broadcast %eq3A_2012 : i32 to vector<8x2x128xi32>
      %eq3A_2014 = arith.cmpi eq, %and3A_2011, %eq3A_2013 : vector<8x2x128xi32>
      %xor3A_2015 = arith.xori %eq3A_2007, %eq3A_2014 : vector<8x2x128xi1>
      %slice3A_2016 = vector.extract_strided_slice %select_n3A_1991 {offsets = [0, 0, 32], sizes = [8, 2, 96], strides = [1, 1, 1]} : vector<8x2x128xf32> to vector<8x2x96xf32>
      %slice3A_2017 = vector.extract_strided_slice %select_n3A_1991 {offsets = [0, 0, 0], sizes = [8, 2, 32], strides = [1, 1, 1]} : vector<8x2x128xf32> to vector<8x2x32xf32>
      %concatenate3A_2018 = tpu.concatenate %slice3A_2016, %slice3A_2017 in 2 : vector<8x2x96xf32>, vector<8x2x32xf32> -> vector<8x2x128xf32>
      %slice3A_2019 = vector.extract_strided_slice %select_n3A_1991 {offsets = [0, 0, 96], sizes = [8, 2, 32], strides = [1, 1, 1]} : vector<8x2x128xf32> to vector<8x2x32xf32>
      %slice3A_2020 = vector.extract_strided_slice %select_n3A_1991 {offsets = [0, 0, 0], sizes = [8, 2, 96], strides = [1, 1, 1]} : vector<8x2x128xf32> to vector<8x2x96xf32>
      %concatenate3A_2021 = tpu.concatenate %slice3A_2019, %slice3A_2020 in 2 : vector<8x2x32xf32>, vector<8x2x96xf32> -> vector<8x2x128xf32>
      %select_n3A_2022 = arith.select %eq3A_2007, %concatenate3A_2018, %concatenate3A_2021 : vector<8x2x128xi1>, vector<8x2x128xf32>
      %max3A_2023 = arith.maximumf %select_n3A_1991, %select_n3A_2022 : vector<8x2x128xf32>
      %min3A_2024 = arith.minimumf %select_n3A_1991, %select_n3A_2022 : vector<8x2x128xf32>
      %select_n3A_2025 = arith.select %xor3A_2015, %max3A_2023, %min3A_2024 : vector<8x2x128xi1>, vector<8x2x128xf32>
      %slice3A_2026 = vector.extract_strided_slice %select_n3A_2000 {offsets = [0, 0, 32], sizes = [8, 2, 96], strides = [1, 1, 1]} : vector<8x2x128xi32> to vector<8x2x96xi32>
      %slice3A_2027 = vector.extract_strided_slice %select_n3A_2000 {offsets = [0, 0, 0], sizes = [8, 2, 32], strides = [1, 1, 1]} : vector<8x2x128xi32> to vector<8x2x32xi32>
      %concatenate3A_2028 = tpu.concatenate %slice3A_2026, %slice3A_2027 in 2 : vector<8x2x96xi32>, vector<8x2x32xi32> -> vector<8x2x128xi32>
      %slice3A_2029 = vector.extract_strided_slice %select_n3A_2000 {offsets = [0, 0, 96], sizes = [8, 2, 32], strides = [1, 1, 1]} : vector<8x2x128xi32> to vector<8x2x32xi32>
      %slice3A_2030 = vector.extract_strided_slice %select_n3A_2000 {offsets = [0, 0, 0], sizes = [8, 2, 96], strides = [1, 1, 1]} : vector<8x2x128xi32> to vector<8x2x96xi32>
      %concatenate3A_2031 = tpu.concatenate %slice3A_2029, %slice3A_2030 in 2 : vector<8x2x32xi32>, vector<8x2x96xi32> -> vector<8x2x128xi32>
      %select_n3A_2032 = arith.select %eq3A_2007, %concatenate3A_2028, %concatenate3A_2031 : vector<8x2x128xi1>, vector<8x2x128xi32>
      %eq3A_2033 = arith.cmpf oeq, %select_n3A_2025, %select_n3A_1991 : vector<8x2x128xf32>
      %select_n3A_2034 = arith.select %eq3A_2033, %select_n3A_2000, %select_n3A_2032 : vector<8x2x128xi1>, vector<8x2x128xi32>
      %iota3A_2035 = tpu.iota {dimensions = array<i32: 2>} : vector<8x2x128xi32>
      %and3A_2036 = arith.constant 16 : i32
      %and3A_2037 = vector.broadcast %and3A_2036 : i32 to vector<8x2x128xi32>
      %and3A_2038 = arith.andi %iota3A_2035, %and3A_2037 : vector<8x2x128xi32>
      %eq3A_2039 = arith.constant 0 : i32
      %eq3A_2040 = vector.broadcast %eq3A_2039 : i32 to vector<8x2x128xi32>
      %eq3A_2041 = arith.cmpi eq, %and3A_2038, %eq3A_2040 : vector<8x2x128xi32>
      %iota3A_2042 = tpu.iota {dimensions = array<i32: 1>} : vector<8x2x128xi32>
      %and3A_2043 = arith.constant 1 : i32
      %and3A_2044 = vector.broadcast %and3A_2043 : i32 to vector<8x2x128xi32>
      %and3A_2045 = arith.andi %iota3A_2042, %and3A_2044 : vector<8x2x128xi32>
      %eq3A_2046 = arith.constant 1 : i32
      %eq3A_2047 = vector.broadcast %eq3A_2046 : i32 to vector<8x2x128xi32>
      %eq3A_2048 = arith.cmpi eq, %and3A_2045, %eq3A_2047 : vector<8x2x128xi32>
      %xor3A_2049 = arith.xori %eq3A_2041, %eq3A_2048 : vector<8x2x128xi1>
      %slice3A_2050 = vector.extract_strided_slice %select_n3A_2025 {offsets = [0, 0, 16], sizes = [8, 2, 112], strides = [1, 1, 1]} : vector<8x2x128xf32> to vector<8x2x112xf32>
      %slice3A_2051 = vector.extract_strided_slice %select_n3A_2025 {offsets = [0, 0, 0], sizes = [8, 2, 16], strides = [1, 1, 1]} : vector<8x2x128xf32> to vector<8x2x16xf32>
      %concatenate3A_2052 = tpu.concatenate %slice3A_2050, %slice3A_2051 in 2 : vector<8x2x112xf32>, vector<8x2x16xf32> -> vector<8x2x128xf32>
      %slice3A_2053 = vector.extract_strided_slice %select_n3A_2025 {offsets = [0, 0, 112], sizes = [8, 2, 16], strides = [1, 1, 1]} : vector<8x2x128xf32> to vector<8x2x16xf32>
      %slice3A_2054 = vector.extract_strided_slice %select_n3A_2025 {offsets = [0, 0, 0], sizes = [8, 2, 112], strides = [1, 1, 1]} : vector<8x2x128xf32> to vector<8x2x112xf32>
      %concatenate3A_2055 = tpu.concatenate %slice3A_2053, %slice3A_2054 in 2 : vector<8x2x16xf32>, vector<8x2x112xf32> -> vector<8x2x128xf32>
      %select_n3A_2056 = arith.select %eq3A_2041, %concatenate3A_2052, %concatenate3A_2055 : vector<8x2x128xi1>, vector<8x2x128xf32>
      %max3A_2057 = arith.maximumf %select_n3A_2025, %select_n3A_2056 : vector<8x2x128xf32>
      %min3A_2058 = arith.minimumf %select_n3A_2025, %select_n3A_2056 : vector<8x2x128xf32>
      %select_n3A_2059 = arith.select %xor3A_2049, %max3A_2057, %min3A_2058 : vector<8x2x128xi1>, vector<8x2x128xf32>
      %slice3A_2060 = vector.extract_strided_slice %select_n3A_2034 {offsets = [0, 0, 16], sizes = [8, 2, 112], strides = [1, 1, 1]} : vector<8x2x128xi32> to vector<8x2x112xi32>
      %slice3A_2061 = vector.extract_strided_slice %select_n3A_2034 {offsets = [0, 0, 0], sizes = [8, 2, 16], strides = [1, 1, 1]} : vector<8x2x128xi32> to vector<8x2x16xi32>
      %concatenate3A_2062 = tpu.concatenate %slice3A_2060, %slice3A_2061 in 2 : vector<8x2x112xi32>, vector<8x2x16xi32> -> vector<8x2x128xi32>
      %slice3A_2063 = vector.extract_strided_slice %select_n3A_2034 {offsets = [0, 0, 112], sizes = [8, 2, 16], strides = [1, 1, 1]} : vector<8x2x128xi32> to vector<8x2x16xi32>
      %slice3A_2064 = vector.extract_strided_slice %select_n3A_2034 {offsets = [0, 0, 0], sizes = [8, 2, 112], strides = [1, 1, 1]} : vector<8x2x128xi32> to vector<8x2x112xi32>
      %concatenate3A_2065 = tpu.concatenate %slice3A_2063, %slice3A_2064 in 2 : vector<8x2x16xi32>, vector<8x2x112xi32> -> vector<8x2x128xi32>
      %select_n3A_2066 = arith.select %eq3A_2041, %concatenate3A_2062, %concatenate3A_2065 : vector<8x2x128xi1>, vector<8x2x128xi32>
      %eq3A_2067 = arith.cmpf oeq, %select_n3A_2059, %select_n3A_2025 : vector<8x2x128xf32>
      %select_n3A_2068 = arith.select %eq3A_2067, %select_n3A_2034, %select_n3A_2066 : vector<8x2x128xi1>, vector<8x2x128xi32>
      %iota3A_2069 = tpu.iota {dimensions = array<i32: 2>} : vector<8x2x128xi32>
      %and3A_2070 = arith.constant 8 : i32
      %and3A_2071 = vector.broadcast %and3A_2070 : i32 to vector<8x2x128xi32>
      %and3A_2072 = arith.andi %iota3A_2069, %and3A_2071 : vector<8x2x128xi32>
      %eq3A_2073 = arith.constant 0 : i32
      %eq3A_2074 = vector.broadcast %eq3A_2073 : i32 to vector<8x2x128xi32>
      %eq3A_2075 = arith.cmpi eq, %and3A_2072, %eq3A_2074 : vector<8x2x128xi32>
      %iota3A_2076 = tpu.iota {dimensions = array<i32: 1>} : vector<8x2x128xi32>
      %and3A_2077 = arith.constant 1 : i32
      %and3A_2078 = vector.broadcast %and3A_2077 : i32 to vector<8x2x128xi32>
      %and3A_2079 = arith.andi %iota3A_2076, %and3A_2078 : vector<8x2x128xi32>
      %eq3A_2080 = arith.constant 1 : i32
      %eq3A_2081 = vector.broadcast %eq3A_2080 : i32 to vector<8x2x128xi32>
      %eq3A_2082 = arith.cmpi eq, %and3A_2079, %eq3A_2081 : vector<8x2x128xi32>
      %xor3A_2083 = arith.xori %eq3A_2075, %eq3A_2082 : vector<8x2x128xi1>
      %slice3A_2084 = vector.extract_strided_slice %select_n3A_2059 {offsets = [0, 0, 8], sizes = [8, 2, 120], strides = [1, 1, 1]} : vector<8x2x128xf32> to vector<8x2x120xf32>
      %slice3A_2085 = vector.extract_strided_slice %select_n3A_2059 {offsets = [0, 0, 0], sizes = [8, 2, 8], strides = [1, 1, 1]} : vector<8x2x128xf32> to vector<8x2x8xf32>
      %concatenate3A_2086 = tpu.concatenate %slice3A_2084, %slice3A_2085 in 2 : vector<8x2x120xf32>, vector<8x2x8xf32> -> vector<8x2x128xf32>
      %slice3A_2087 = vector.extract_strided_slice %select_n3A_2059 {offsets = [0, 0, 120], sizes = [8, 2, 8], strides = [1, 1, 1]} : vector<8x2x128xf32> to vector<8x2x8xf32>
      %slice3A_2088 = vector.extract_strided_slice %select_n3A_2059 {offsets = [0, 0, 0], sizes = [8, 2, 120], strides = [1, 1, 1]} : vector<8x2x128xf32> to vector<8x2x120xf32>
      %concatenate3A_2089 = tpu.concatenate %slice3A_2087, %slice3A_2088 in 2 : vector<8x2x8xf32>, vector<8x2x120xf32> -> vector<8x2x128xf32>
      %select_n3A_2090 = arith.select %eq3A_2075, %concatenate3A_2086, %concatenate3A_2089 : vector<8x2x128xi1>, vector<8x2x128xf32>
      %max3A_2091 = arith.maximumf %select_n3A_2059, %select_n3A_2090 : vector<8x2x128xf32>
      %min3A_2092 = arith.minimumf %select_n3A_2059, %select_n3A_2090 : vector<8x2x128xf32>
      %select_n3A_2093 = arith.select %xor3A_2083, %max3A_2091, %min3A_2092 : vector<8x2x128xi1>, vector<8x2x128xf32>
      %slice3A_2094 = vector.extract_strided_slice %select_n3A_2068 {offsets = [0, 0, 8], sizes = [8, 2, 120], strides = [1, 1, 1]} : vector<8x2x128xi32> to vector<8x2x120xi32>
      %slice3A_2095 = vector.extract_strided_slice %select_n3A_2068 {offsets = [0, 0, 0], sizes = [8, 2, 8], strides = [1, 1, 1]} : vector<8x2x128xi32> to vector<8x2x8xi32>
      %concatenate3A_2096 = tpu.concatenate %slice3A_2094, %slice3A_2095 in 2 : vector<8x2x120xi32>, vector<8x2x8xi32> -> vector<8x2x128xi32>
      %slice3A_2097 = vector.extract_strided_slice %select_n3A_2068 {offsets = [0, 0, 120], sizes = [8, 2, 8], strides = [1, 1, 1]} : vector<8x2x128xi32> to vector<8x2x8xi32>
      %slice3A_2098 = vector.extract_strided_slice %select_n3A_2068 {offsets = [0, 0, 0], sizes = [8, 2, 120], strides = [1, 1, 1]} : vector<8x2x128xi32> to vector<8x2x120xi32>
      %concatenate3A_2099 = tpu.concatenate %slice3A_2097, %slice3A_2098 in 2 : vector<8x2x8xi32>, vector<8x2x120xi32> -> vector<8x2x128xi32>
      %select_n3A_2100 = arith.select %eq3A_2075, %concatenate3A_2096, %concatenate3A_2099 : vector<8x2x128xi1>, vector<8x2x128xi32>
      %eq3A_2101 = arith.cmpf oeq, %select_n3A_2093, %select_n3A_2059 : vector<8x2x128xf32>
      %select_n3A_2102 = arith.select %eq3A_2101, %select_n3A_2068, %select_n3A_2100 : vector<8x2x128xi1>, vector<8x2x128xi32>
      %iota3A_2103 = tpu.iota {dimensions = array<i32: 2>} : vector<8x2x128xi32>
      %and3A_2104 = arith.constant 4 : i32
      %and3A_2105 = vector.broadcast %and3A_2104 : i32 to vector<8x2x128xi32>
      %and3A_2106 = arith.andi %iota3A_2103, %and3A_2105 : vector<8x2x128xi32>
      %eq3A_2107 = arith.constant 0 : i32
      %eq3A_2108 = vector.broadcast %eq3A_2107 : i32 to vector<8x2x128xi32>
      %eq3A_2109 = arith.cmpi eq, %and3A_2106, %eq3A_2108 : vector<8x2x128xi32>
      %iota3A_2110 = tpu.iota {dimensions = array<i32: 1>} : vector<8x2x128xi32>
      %and3A_2111 = arith.constant 1 : i32
      %and3A_2112 = vector.broadcast %and3A_2111 : i32 to vector<8x2x128xi32>
      %and3A_2113 = arith.andi %iota3A_2110, %and3A_2112 : vector<8x2x128xi32>
      %eq3A_2114 = arith.constant 1 : i32
      %eq3A_2115 = vector.broadcast %eq3A_2114 : i32 to vector<8x2x128xi32>
      %eq3A_2116 = arith.cmpi eq, %and3A_2113, %eq3A_2115 : vector<8x2x128xi32>
      %xor3A_2117 = arith.xori %eq3A_2109, %eq3A_2116 : vector<8x2x128xi1>
      %slice3A_2118 = vector.extract_strided_slice %select_n3A_2093 {offsets = [0, 0, 4], sizes = [8, 2, 124], strides = [1, 1, 1]} : vector<8x2x128xf32> to vector<8x2x124xf32>
      %slice3A_2119 = vector.extract_strided_slice %select_n3A_2093 {offsets = [0, 0, 0], sizes = [8, 2, 4], strides = [1, 1, 1]} : vector<8x2x128xf32> to vector<8x2x4xf32>
      %concatenate3A_2120 = tpu.concatenate %slice3A_2118, %slice3A_2119 in 2 : vector<8x2x124xf32>, vector<8x2x4xf32> -> vector<8x2x128xf32>
      %slice3A_2121 = vector.extract_strided_slice %select_n3A_2093 {offsets = [0, 0, 124], sizes = [8, 2, 4], strides = [1, 1, 1]} : vector<8x2x128xf32> to vector<8x2x4xf32>
      %slice3A_2122 = vector.extract_strided_slice %select_n3A_2093 {offsets = [0, 0, 0], sizes = [8, 2, 124], strides = [1, 1, 1]} : vector<8x2x128xf32> to vector<8x2x124xf32>
      %concatenate3A_2123 = tpu.concatenate %slice3A_2121, %slice3A_2122 in 2 : vector<8x2x4xf32>, vector<8x2x124xf32> -> vector<8x2x128xf32>
      %select_n3A_2124 = arith.select %eq3A_2109, %concatenate3A_2120, %concatenate3A_2123 : vector<8x2x128xi1>, vector<8x2x128xf32>
      %max3A_2125 = arith.maximumf %select_n3A_2093, %select_n3A_2124 : vector<8x2x128xf32>
      %min3A_2126 = arith.minimumf %select_n3A_2093, %select_n3A_2124 : vector<8x2x128xf32>
      %select_n3A_2127 = arith.select %xor3A_2117, %max3A_2125, %min3A_2126 : vector<8x2x128xi1>, vector<8x2x128xf32>
      %slice3A_2128 = vector.extract_strided_slice %select_n3A_2102 {offsets = [0, 0, 4], sizes = [8, 2, 124], strides = [1, 1, 1]} : vector<8x2x128xi32> to vector<8x2x124xi32>
      %slice3A_2129 = vector.extract_strided_slice %select_n3A_2102 {offsets = [0, 0, 0], sizes = [8, 2, 4], strides = [1, 1, 1]} : vector<8x2x128xi32> to vector<8x2x4xi32>
      %concatenate3A_2130 = tpu.concatenate %slice3A_2128, %slice3A_2129 in 2 : vector<8x2x124xi32>, vector<8x2x4xi32> -> vector<8x2x128xi32>
      %slice3A_2131 = vector.extract_strided_slice %select_n3A_2102 {offsets = [0, 0, 124], sizes = [8, 2, 4], strides = [1, 1, 1]} : vector<8x2x128xi32> to vector<8x2x4xi32>
      %slice3A_2132 = vector.extract_strided_slice %select_n3A_2102 {offsets = [0, 0, 0], sizes = [8, 2, 124], strides = [1, 1, 1]} : vector<8x2x128xi32> to vector<8x2x124xi32>
      %concatenate3A_2133 = tpu.concatenate %slice3A_2131, %slice3A_2132 in 2 : vector<8x2x4xi32>, vector<8x2x124xi32> -> vector<8x2x128xi32>
      %select_n3A_2134 = arith.select %eq3A_2109, %concatenate3A_2130, %concatenate3A_2133 : vector<8x2x128xi1>, vector<8x2x128xi32>
      %eq3A_2135 = arith.cmpf oeq, %select_n3A_2127, %select_n3A_2093 : vector<8x2x128xf32>
      %select_n3A_2136 = arith.select %eq3A_2135, %select_n3A_2102, %select_n3A_2134 : vector<8x2x128xi1>, vector<8x2x128xi32>
      %iota3A_2137 = tpu.iota {dimensions = array<i32: 2>} : vector<8x2x128xi32>
      %and3A_2138 = arith.constant 2 : i32
      %and3A_2139 = vector.broadcast %and3A_2138 : i32 to vector<8x2x128xi32>
      %and3A_2140 = arith.andi %iota3A_2137, %and3A_2139 : vector<8x2x128xi32>
      %eq3A_2141 = arith.constant 0 : i32
      %eq3A_2142 = vector.broadcast %eq3A_2141 : i32 to vector<8x2x128xi32>
      %eq3A_2143 = arith.cmpi eq, %and3A_2140, %eq3A_2142 : vector<8x2x128xi32>
      %iota3A_2144 = tpu.iota {dimensions = array<i32: 1>} : vector<8x2x128xi32>
      %and3A_2145 = arith.constant 1 : i32
      %and3A_2146 = vector.broadcast %and3A_2145 : i32 to vector<8x2x128xi32>
      %and3A_2147 = arith.andi %iota3A_2144, %and3A_2146 : vector<8x2x128xi32>
      %eq3A_2148 = arith.constant 1 : i32
      %eq3A_2149 = vector.broadcast %eq3A_2148 : i32 to vector<8x2x128xi32>
      %eq3A_2150 = arith.cmpi eq, %and3A_2147, %eq3A_2149 : vector<8x2x128xi32>
      %xor3A_2151 = arith.xori %eq3A_2143, %eq3A_2150 : vector<8x2x128xi1>
      %slice3A_2152 = vector.extract_strided_slice %select_n3A_2127 {offsets = [0, 0, 2], sizes = [8, 2, 126], strides = [1, 1, 1]} : vector<8x2x128xf32> to vector<8x2x126xf32>
      %slice3A_2153 = vector.extract_strided_slice %select_n3A_2127 {offsets = [0, 0, 0], sizes = [8, 2, 2], strides = [1, 1, 1]} : vector<8x2x128xf32> to vector<8x2x2xf32>
      %concatenate3A_2154 = tpu.concatenate %slice3A_2152, %slice3A_2153 in 2 : vector<8x2x126xf32>, vector<8x2x2xf32> -> vector<8x2x128xf32>
      %slice3A_2155 = vector.extract_strided_slice %select_n3A_2127 {offsets = [0, 0, 126], sizes = [8, 2, 2], strides = [1, 1, 1]} : vector<8x2x128xf32> to vector<8x2x2xf32>
      %slice3A_2156 = vector.extract_strided_slice %select_n3A_2127 {offsets = [0, 0, 0], sizes = [8, 2, 126], strides = [1, 1, 1]} : vector<8x2x128xf32> to vector<8x2x126xf32>
      %concatenate3A_2157 = tpu.concatenate %slice3A_2155, %slice3A_2156 in 2 : vector<8x2x2xf32>, vector<8x2x126xf32> -> vector<8x2x128xf32>
      %select_n3A_2158 = arith.select %eq3A_2143, %concatenate3A_2154, %concatenate3A_2157 : vector<8x2x128xi1>, vector<8x2x128xf32>
      %max3A_2159 = arith.maximumf %select_n3A_2127, %select_n3A_2158 : vector<8x2x128xf32>
      %min3A_2160 = arith.minimumf %select_n3A_2127, %select_n3A_2158 : vector<8x2x128xf32>
      %select_n3A_2161 = arith.select %xor3A_2151, %max3A_2159, %min3A_2160 : vector<8x2x128xi1>, vector<8x2x128xf32>
      %slice3A_2162 = vector.extract_strided_slice %select_n3A_2136 {offsets = [0, 0, 2], sizes = [8, 2, 126], strides = [1, 1, 1]} : vector<8x2x128xi32> to vector<8x2x126xi32>
      %slice3A_2163 = vector.extract_strided_slice %select_n3A_2136 {offsets = [0, 0, 0], sizes = [8, 2, 2], strides = [1, 1, 1]} : vector<8x2x128xi32> to vector<8x2x2xi32>
      %concatenate3A_2164 = tpu.concatenate %slice3A_2162, %slice3A_2163 in 2 : vector<8x2x126xi32>, vector<8x2x2xi32> -> vector<8x2x128xi32>
      %slice3A_2165 = vector.extract_strided_slice %select_n3A_2136 {offsets = [0, 0, 126], sizes = [8, 2, 2], strides = [1, 1, 1]} : vector<8x2x128xi32> to vector<8x2x2xi32>
      %slice3A_2166 = vector.extract_strided_slice %select_n3A_2136 {offsets = [0, 0, 0], sizes = [8, 2, 126], strides = [1, 1, 1]} : vector<8x2x128xi32> to vector<8x2x126xi32>
      %concatenate3A_2167 = tpu.concatenate %slice3A_2165, %slice3A_2166 in 2 : vector<8x2x2xi32>, vector<8x2x126xi32> -> vector<8x2x128xi32>
      %select_n3A_2168 = arith.select %eq3A_2143, %concatenate3A_2164, %concatenate3A_2167 : vector<8x2x128xi1>, vector<8x2x128xi32>
      %eq3A_2169 = arith.cmpf oeq, %select_n3A_2161, %select_n3A_2127 : vector<8x2x128xf32>
      %select_n3A_2170 = arith.select %eq3A_2169, %select_n3A_2136, %select_n3A_2168 : vector<8x2x128xi1>, vector<8x2x128xi32>
      %iota3A_2171 = tpu.iota {dimensions = array<i32: 2>} : vector<8x2x128xi32>
      %and3A_2172 = arith.constant 1 : i32
      %and3A_2173 = vector.broadcast %and3A_2172 : i32 to vector<8x2x128xi32>
      %and3A_2174 = arith.andi %iota3A_2171, %and3A_2173 : vector<8x2x128xi32>
      %eq3A_2175 = arith.constant 0 : i32
      %eq3A_2176 = vector.broadcast %eq3A_2175 : i32 to vector<8x2x128xi32>
      %eq3A_2177 = arith.cmpi eq, %and3A_2174, %eq3A_2176 : vector<8x2x128xi32>
      %iota3A_2178 = tpu.iota {dimensions = array<i32: 1>} : vector<8x2x128xi32>
      %and3A_2179 = arith.constant 1 : i32
      %and3A_2180 = vector.broadcast %and3A_2179 : i32 to vector<8x2x128xi32>
      %and3A_2181 = arith.andi %iota3A_2178, %and3A_2180 : vector<8x2x128xi32>
      %eq3A_2182 = arith.constant 1 : i32
      %eq3A_2183 = vector.broadcast %eq3A_2182 : i32 to vector<8x2x128xi32>
      %eq3A_2184 = arith.cmpi eq, %and3A_2181, %eq3A_2183 : vector<8x2x128xi32>
      %xor3A_2185 = arith.xori %eq3A_2177, %eq3A_2184 : vector<8x2x128xi1>
      %slice3A_2186 = vector.extract_strided_slice %select_n3A_2161 {offsets = [0, 0, 1], sizes = [8, 2, 127], strides = [1, 1, 1]} : vector<8x2x128xf32> to vector<8x2x127xf32>
      %slice3A_2187 = vector.extract_strided_slice %select_n3A_2161 {offsets = [0, 0, 0], sizes = [8, 2, 1], strides = [1, 1, 1]} : vector<8x2x128xf32> to vector<8x2x1xf32>
      %concatenate3A_2188 = tpu.concatenate %slice3A_2186, %slice3A_2187 in 2 : vector<8x2x127xf32>, vector<8x2x1xf32> -> vector<8x2x128xf32>
      %slice3A_2189 = vector.extract_strided_slice %select_n3A_2161 {offsets = [0, 0, 127], sizes = [8, 2, 1], strides = [1, 1, 1]} : vector<8x2x128xf32> to vector<8x2x1xf32>
      %slice3A_2190 = vector.extract_strided_slice %select_n3A_2161 {offsets = [0, 0, 0], sizes = [8, 2, 127], strides = [1, 1, 1]} : vector<8x2x128xf32> to vector<8x2x127xf32>
      %concatenate3A_2191 = tpu.concatenate %slice3A_2189, %slice3A_2190 in 2 : vector<8x2x1xf32>, vector<8x2x127xf32> -> vector<8x2x128xf32>
      %select_n3A_2192 = arith.select %eq3A_2177, %concatenate3A_2188, %concatenate3A_2191 : vector<8x2x128xi1>, vector<8x2x128xf32>
      %max3A_2193 = arith.maximumf %select_n3A_2161, %select_n3A_2192 : vector<8x2x128xf32>
      %min3A_2194 = arith.minimumf %select_n3A_2161, %select_n3A_2192 : vector<8x2x128xf32>
      %select_n3A_2195 = arith.select %xor3A_2185, %max3A_2193, %min3A_2194 : vector<8x2x128xi1>, vector<8x2x128xf32>
      %slice3A_2196 = vector.extract_strided_slice %select_n3A_2170 {offsets = [0, 0, 1], sizes = [8, 2, 127], strides = [1, 1, 1]} : vector<8x2x128xi32> to vector<8x2x127xi32>
      %slice3A_2197 = vector.extract_strided_slice %select_n3A_2170 {offsets = [0, 0, 0], sizes = [8, 2, 1], strides = [1, 1, 1]} : vector<8x2x128xi32> to vector<8x2x1xi32>
      %concatenate3A_2198 = tpu.concatenate %slice3A_2196, %slice3A_2197 in 2 : vector<8x2x127xi32>, vector<8x2x1xi32> -> vector<8x2x128xi32>
      %slice3A_2199 = vector.extract_strided_slice %select_n3A_2170 {offsets = [0, 0, 127], sizes = [8, 2, 1], strides = [1, 1, 1]} : vector<8x2x128xi32> to vector<8x2x1xi32>
      %slice3A_2200 = vector.extract_strided_slice %select_n3A_2170 {offsets = [0, 0, 0], sizes = [8, 2, 127], strides = [1, 1, 1]} : vector<8x2x128xi32> to vector<8x2x127xi32>
      %concatenate3A_2201 = tpu.concatenate %slice3A_2199, %slice3A_2200 in 2 : vector<8x2x1xi32>, vector<8x2x127xi32> -> vector<8x2x128xi32>
      %select_n3A_2202 = arith.select %eq3A_2177, %concatenate3A_2198, %concatenate3A_2201 : vector<8x2x128xi1>, vector<8x2x128xi32>
      %eq3A_2203 = arith.cmpf oeq, %select_n3A_2195, %select_n3A_2161 : vector<8x2x128xf32>
      %select_n3A_2204 = arith.select %eq3A_2203, %select_n3A_2170, %select_n3A_2202 : vector<8x2x128xi1>, vector<8x2x128xi32>
      %reshape3A_2205 = vector.shape_cast %select_n3A_2195 : vector<8x2x128xf32> to vector<8x1x2x128xf32>
      %reshape3A_2206 = vector.shape_cast %select_n3A_2204 : vector<8x2x128xi32> to vector<8x1x2x128xi32>
      %slice3A_2207 = vector.extract_strided_slice %reshape3A_2205 {offsets = [0, 0, 0, 0], sizes = [8, 1, 1, 128], strides = [1, 1, 1, 1]} : vector<8x1x2x128xf32> to vector<8x1x1x128xf32>
      %squeeze3A_2208 = vector.shape_cast %slice3A_2207 : vector<8x1x1x128xf32> to vector<8x1x128xf32>
      %slice3A_2209 = vector.extract_strided_slice %reshape3A_2205 {offsets = [0, 0, 1, 0], sizes = [8, 1, 1, 128], strides = [1, 1, 1, 1]} : vector<8x1x2x128xf32> to vector<8x1x1x128xf32>
      %squeeze3A_2210 = vector.shape_cast %slice3A_2209 : vector<8x1x1x128xf32> to vector<8x1x128xf32>
      %ge3A_2211 = arith.cmpf oge, %squeeze3A_2208, %squeeze3A_2210 : vector<8x1x128xf32>
      %slice3A_2212 = vector.extract_strided_slice %reshape3A_2205 {offsets = [0, 0, 0, 0], sizes = [8, 1, 1, 128], strides = [1, 1, 1, 1]} : vector<8x1x2x128xf32> to vector<8x1x1x128xf32>
      %squeeze3A_2213 = vector.shape_cast %slice3A_2212 : vector<8x1x1x128xf32> to vector<8x1x128xf32>
      %slice3A_2214 = vector.extract_strided_slice %reshape3A_2205 {offsets = [0, 0, 1, 0], sizes = [8, 1, 1, 128], strides = [1, 1, 1, 1]} : vector<8x1x2x128xf32> to vector<8x1x1x128xf32>
      %squeeze3A_2215 = vector.shape_cast %slice3A_2214 : vector<8x1x1x128xf32> to vector<8x1x128xf32>
      %select_n3A_2216 = arith.select %ge3A_2211, %squeeze3A_2213, %squeeze3A_2215 : vector<8x1x128xi1>, vector<8x1x128xf32>
      %slice3A_2217 = vector.extract_strided_slice %reshape3A_2206 {offsets = [0, 0, 0, 0], sizes = [8, 1, 1, 128], strides = [1, 1, 1, 1]} : vector<8x1x2x128xi32> to vector<8x1x1x128xi32>
      %squeeze3A_2218 = vector.shape_cast %slice3A_2217 : vector<8x1x1x128xi32> to vector<8x1x128xi32>
      %slice3A_2219 = vector.extract_strided_slice %reshape3A_2206 {offsets = [0, 0, 1, 0], sizes = [8, 1, 1, 128], strides = [1, 1, 1, 1]} : vector<8x1x2x128xi32> to vector<8x1x1x128xi32>
      %squeeze3A_2220 = vector.shape_cast %slice3A_2219 : vector<8x1x1x128xi32> to vector<8x1x128xi32>
      %select_n3A_2221 = arith.select %ge3A_2211, %squeeze3A_2218, %squeeze3A_2220 : vector<8x1x128xi1>, vector<8x1x128xi32>
      %iota3A_2222 = tpu.iota {dimensions = array<i32: 2>} : vector<8x1x128xi32>
      %and3A_2223 = arith.constant 64 : i32
      %and3A_2224 = vector.broadcast %and3A_2223 : i32 to vector<8x1x128xi32>
      %and3A_2225 = arith.andi %iota3A_2222, %and3A_2224 : vector<8x1x128xi32>
      %eq3A_2226 = arith.constant 0 : i32
      %eq3A_2227 = vector.broadcast %eq3A_2226 : i32 to vector<8x1x128xi32>
      %eq3A_2228 = arith.cmpi eq, %and3A_2225, %eq3A_2227 : vector<8x1x128xi32>
      %not3A = arith.constant dense<true> : vector<8x1x128xi1>
      %not3A_2229 = arith.xori %eq3A_2228, %not3A : vector<8x1x128xi1>
      %slice3A_2230 = vector.extract_strided_slice %select_n3A_2216 {offsets = [0, 0, 64], sizes = [8, 1, 64], strides = [1, 1, 1]} : vector<8x1x128xf32> to vector<8x1x64xf32>
      %slice3A_2231 = vector.extract_strided_slice %select_n3A_2216 {offsets = [0, 0, 0], sizes = [8, 1, 64], strides = [1, 1, 1]} : vector<8x1x128xf32> to vector<8x1x64xf32>
      %concatenate3A_2232 = tpu.concatenate %slice3A_2230, %slice3A_2231 in 2 : vector<8x1x64xf32>, vector<8x1x64xf32> -> vector<8x1x128xf32>
      %slice3A_2233 = vector.extract_strided_slice %select_n3A_2216 {offsets = [0, 0, 64], sizes = [8, 1, 64], strides = [1, 1, 1]} : vector<8x1x128xf32> to vector<8x1x64xf32>
      %slice3A_2234 = vector.extract_strided_slice %select_n3A_2216 {offsets = [0, 0, 0], sizes = [8, 1, 64], strides = [1, 1, 1]} : vector<8x1x128xf32> to vector<8x1x64xf32>
      %concatenate3A_2235 = tpu.concatenate %slice3A_2233, %slice3A_2234 in 2 : vector<8x1x64xf32>, vector<8x1x64xf32> -> vector<8x1x128xf32>
      %select_n3A_2236 = arith.select %eq3A_2228, %concatenate3A_2232, %concatenate3A_2235 : vector<8x1x128xi1>, vector<8x1x128xf32>
      %max3A_2237 = arith.maximumf %select_n3A_2216, %select_n3A_2236 : vector<8x1x128xf32>
      %min3A_2238 = arith.minimumf %select_n3A_2216, %select_n3A_2236 : vector<8x1x128xf32>
      %select_n3A_2239 = arith.select %not3A_2229, %max3A_2237, %min3A_2238 : vector<8x1x128xi1>, vector<8x1x128xf32>
      %slice3A_2240 = vector.extract_strided_slice %select_n3A_2221 {offsets = [0, 0, 64], sizes = [8, 1, 64], strides = [1, 1, 1]} : vector<8x1x128xi32> to vector<8x1x64xi32>
      %slice3A_2241 = vector.extract_strided_slice %select_n3A_2221 {offsets = [0, 0, 0], sizes = [8, 1, 64], strides = [1, 1, 1]} : vector<8x1x128xi32> to vector<8x1x64xi32>
      %concatenate3A_2242 = tpu.concatenate %slice3A_2240, %slice3A_2241 in 2 : vector<8x1x64xi32>, vector<8x1x64xi32> -> vector<8x1x128xi32>
      %slice3A_2243 = vector.extract_strided_slice %select_n3A_2221 {offsets = [0, 0, 64], sizes = [8, 1, 64], strides = [1, 1, 1]} : vector<8x1x128xi32> to vector<8x1x64xi32>
      %slice3A_2244 = vector.extract_strided_slice %select_n3A_2221 {offsets = [0, 0, 0], sizes = [8, 1, 64], strides = [1, 1, 1]} : vector<8x1x128xi32> to vector<8x1x64xi32>
      %concatenate3A_2245 = tpu.concatenate %slice3A_2243, %slice3A_2244 in 2 : vector<8x1x64xi32>, vector<8x1x64xi32> -> vector<8x1x128xi32>
      %select_n3A_2246 = arith.select %eq3A_2228, %concatenate3A_2242, %concatenate3A_2245 : vector<8x1x128xi1>, vector<8x1x128xi32>
      %eq3A_2247 = arith.cmpf oeq, %select_n3A_2239, %select_n3A_2216 : vector<8x1x128xf32>
      %select_n3A_2248 = arith.select %eq3A_2247, %select_n3A_2221, %select_n3A_2246 : vector<8x1x128xi1>, vector<8x1x128xi32>
      %iota3A_2249 = tpu.iota {dimensions = array<i32: 2>} : vector<8x1x128xi32>
      %and3A_2250 = arith.constant 32 : i32
      %and3A_2251 = vector.broadcast %and3A_2250 : i32 to vector<8x1x128xi32>
      %and3A_2252 = arith.andi %iota3A_2249, %and3A_2251 : vector<8x1x128xi32>
      %eq3A_2253 = arith.constant 0 : i32
      %eq3A_2254 = vector.broadcast %eq3A_2253 : i32 to vector<8x1x128xi32>
      %eq3A_2255 = arith.cmpi eq, %and3A_2252, %eq3A_2254 : vector<8x1x128xi32>
      %not3A_2256 = arith.constant dense<true> : vector<8x1x128xi1>
      %not3A_2257 = arith.xori %eq3A_2255, %not3A_2256 : vector<8x1x128xi1>
      %slice3A_2258 = vector.extract_strided_slice %select_n3A_2239 {offsets = [0, 0, 32], sizes = [8, 1, 96], strides = [1, 1, 1]} : vector<8x1x128xf32> to vector<8x1x96xf32>
      %slice3A_2259 = vector.extract_strided_slice %select_n3A_2239 {offsets = [0, 0, 0], sizes = [8, 1, 32], strides = [1, 1, 1]} : vector<8x1x128xf32> to vector<8x1x32xf32>
      %concatenate3A_2260 = tpu.concatenate %slice3A_2258, %slice3A_2259 in 2 : vector<8x1x96xf32>, vector<8x1x32xf32> -> vector<8x1x128xf32>
      %slice3A_2261 = vector.extract_strided_slice %select_n3A_2239 {offsets = [0, 0, 96], sizes = [8, 1, 32], strides = [1, 1, 1]} : vector<8x1x128xf32> to vector<8x1x32xf32>
      %slice3A_2262 = vector.extract_strided_slice %select_n3A_2239 {offsets = [0, 0, 0], sizes = [8, 1, 96], strides = [1, 1, 1]} : vector<8x1x128xf32> to vector<8x1x96xf32>
      %concatenate3A_2263 = tpu.concatenate %slice3A_2261, %slice3A_2262 in 2 : vector<8x1x32xf32>, vector<8x1x96xf32> -> vector<8x1x128xf32>
      %select_n3A_2264 = arith.select %eq3A_2255, %concatenate3A_2260, %concatenate3A_2263 : vector<8x1x128xi1>, vector<8x1x128xf32>
      %max3A_2265 = arith.maximumf %select_n3A_2239, %select_n3A_2264 : vector<8x1x128xf32>
      %min3A_2266 = arith.minimumf %select_n3A_2239, %select_n3A_2264 : vector<8x1x128xf32>
      %select_n3A_2267 = arith.select %not3A_2257, %max3A_2265, %min3A_2266 : vector<8x1x128xi1>, vector<8x1x128xf32>
      %slice3A_2268 = vector.extract_strided_slice %select_n3A_2248 {offsets = [0, 0, 32], sizes = [8, 1, 96], strides = [1, 1, 1]} : vector<8x1x128xi32> to vector<8x1x96xi32>
      %slice3A_2269 = vector.extract_strided_slice %select_n3A_2248 {offsets = [0, 0, 0], sizes = [8, 1, 32], strides = [1, 1, 1]} : vector<8x1x128xi32> to vector<8x1x32xi32>
      %concatenate3A_2270 = tpu.concatenate %slice3A_2268, %slice3A_2269 in 2 : vector<8x1x96xi32>, vector<8x1x32xi32> -> vector<8x1x128xi32>
      %slice3A_2271 = vector.extract_strided_slice %select_n3A_2248 {offsets = [0, 0, 96], sizes = [8, 1, 32], strides = [1, 1, 1]} : vector<8x1x128xi32> to vector<8x1x32xi32>
      %slice3A_2272 = vector.extract_strided_slice %select_n3A_2248 {offsets = [0, 0, 0], sizes = [8, 1, 96], strides = [1, 1, 1]} : vector<8x1x128xi32> to vector<8x1x96xi32>
      %concatenate3A_2273 = tpu.concatenate %slice3A_2271, %slice3A_2272 in 2 : vector<8x1x32xi32>, vector<8x1x96xi32> -> vector<8x1x128xi32>
      %select_n3A_2274 = arith.select %eq3A_2255, %concatenate3A_2270, %concatenate3A_2273 : vector<8x1x128xi1>, vector<8x1x128xi32>
      %eq3A_2275 = arith.cmpf oeq, %select_n3A_2267, %select_n3A_2239 : vector<8x1x128xf32>
      %select_n3A_2276 = arith.select %eq3A_2275, %select_n3A_2248, %select_n3A_2274 : vector<8x1x128xi1>, vector<8x1x128xi32>
      %iota3A_2277 = tpu.iota {dimensions = array<i32: 2>} : vector<8x1x128xi32>
      %and3A_2278 = arith.constant 16 : i32
      %and3A_2279 = vector.broadcast %and3A_2278 : i32 to vector<8x1x128xi32>
      %and3A_2280 = arith.andi %iota3A_2277, %and3A_2279 : vector<8x1x128xi32>
      %eq3A_2281 = arith.constant 0 : i32
      %eq3A_2282 = vector.broadcast %eq3A_2281 : i32 to vector<8x1x128xi32>
      %eq3A_2283 = arith.cmpi eq, %and3A_2280, %eq3A_2282 : vector<8x1x128xi32>
      %not3A_2284 = arith.constant dense<true> : vector<8x1x128xi1>
      %not3A_2285 = arith.xori %eq3A_2283, %not3A_2284 : vector<8x1x128xi1>
      %slice3A_2286 = vector.extract_strided_slice %select_n3A_2267 {offsets = [0, 0, 16], sizes = [8, 1, 112], strides = [1, 1, 1]} : vector<8x1x128xf32> to vector<8x1x112xf32>
      %slice3A_2287 = vector.extract_strided_slice %select_n3A_2267 {offsets = [0, 0, 0], sizes = [8, 1, 16], strides = [1, 1, 1]} : vector<8x1x128xf32> to vector<8x1x16xf32>
      %concatenate3A_2288 = tpu.concatenate %slice3A_2286, %slice3A_2287 in 2 : vector<8x1x112xf32>, vector<8x1x16xf32> -> vector<8x1x128xf32>
      %slice3A_2289 = vector.extract_strided_slice %select_n3A_2267 {offsets = [0, 0, 112], sizes = [8, 1, 16], strides = [1, 1, 1]} : vector<8x1x128xf32> to vector<8x1x16xf32>
      %slice3A_2290 = vector.extract_strided_slice %select_n3A_2267 {offsets = [0, 0, 0], sizes = [8, 1, 112], strides = [1, 1, 1]} : vector<8x1x128xf32> to vector<8x1x112xf32>
      %concatenate3A_2291 = tpu.concatenate %slice3A_2289, %slice3A_2290 in 2 : vector<8x1x16xf32>, vector<8x1x112xf32> -> vector<8x1x128xf32>
      %select_n3A_2292 = arith.select %eq3A_2283, %concatenate3A_2288, %concatenate3A_2291 : vector<8x1x128xi1>, vector<8x1x128xf32>
      %max3A_2293 = arith.maximumf %select_n3A_2267, %select_n3A_2292 : vector<8x1x128xf32>
      %min3A_2294 = arith.minimumf %select_n3A_2267, %select_n3A_2292 : vector<8x1x128xf32>
      %select_n3A_2295 = arith.select %not3A_2285, %max3A_2293, %min3A_2294 : vector<8x1x128xi1>, vector<8x1x128xf32>
      %slice3A_2296 = vector.extract_strided_slice %select_n3A_2276 {offsets = [0, 0, 16], sizes = [8, 1, 112], strides = [1, 1, 1]} : vector<8x1x128xi32> to vector<8x1x112xi32>
      %slice3A_2297 = vector.extract_strided_slice %select_n3A_2276 {offsets = [0, 0, 0], sizes = [8, 1, 16], strides = [1, 1, 1]} : vector<8x1x128xi32> to vector<8x1x16xi32>
      %concatenate3A_2298 = tpu.concatenate %slice3A_2296, %slice3A_2297 in 2 : vector<8x1x112xi32>, vector<8x1x16xi32> -> vector<8x1x128xi32>
      %slice3A_2299 = vector.extract_strided_slice %select_n3A_2276 {offsets = [0, 0, 112], sizes = [8, 1, 16], strides = [1, 1, 1]} : vector<8x1x128xi32> to vector<8x1x16xi32>
      %slice3A_2300 = vector.extract_strided_slice %select_n3A_2276 {offsets = [0, 0, 0], sizes = [8, 1, 112], strides = [1, 1, 1]} : vector<8x1x128xi32> to vector<8x1x112xi32>
      %concatenate3A_2301 = tpu.concatenate %slice3A_2299, %slice3A_2300 in 2 : vector<8x1x16xi32>, vector<8x1x112xi32> -> vector<8x1x128xi32>
      %select_n3A_2302 = arith.select %eq3A_2283, %concatenate3A_2298, %concatenate3A_2301 : vector<8x1x128xi1>, vector<8x1x128xi32>
      %eq3A_2303 = arith.cmpf oeq, %select_n3A_2295, %select_n3A_2267 : vector<8x1x128xf32>
      %select_n3A_2304 = arith.select %eq3A_2303, %select_n3A_2276, %select_n3A_2302 : vector<8x1x128xi1>, vector<8x1x128xi32>
      %iota3A_2305 = tpu.iota {dimensions = array<i32: 2>} : vector<8x1x128xi32>
      %and3A_2306 = arith.constant 8 : i32
      %and3A_2307 = vector.broadcast %and3A_2306 : i32 to vector<8x1x128xi32>
      %and3A_2308 = arith.andi %iota3A_2305, %and3A_2307 : vector<8x1x128xi32>
      %eq3A_2309 = arith.constant 0 : i32
      %eq3A_2310 = vector.broadcast %eq3A_2309 : i32 to vector<8x1x128xi32>
      %eq3A_2311 = arith.cmpi eq, %and3A_2308, %eq3A_2310 : vector<8x1x128xi32>
      %not3A_2312 = arith.constant dense<true> : vector<8x1x128xi1>
      %not3A_2313 = arith.xori %eq3A_2311, %not3A_2312 : vector<8x1x128xi1>
      %slice3A_2314 = vector.extract_strided_slice %select_n3A_2295 {offsets = [0, 0, 8], sizes = [8, 1, 120], strides = [1, 1, 1]} : vector<8x1x128xf32> to vector<8x1x120xf32>
      %slice3A_2315 = vector.extract_strided_slice %select_n3A_2295 {offsets = [0, 0, 0], sizes = [8, 1, 8], strides = [1, 1, 1]} : vector<8x1x128xf32> to vector<8x1x8xf32>
      %concatenate3A_2316 = tpu.concatenate %slice3A_2314, %slice3A_2315 in 2 : vector<8x1x120xf32>, vector<8x1x8xf32> -> vector<8x1x128xf32>
      %slice3A_2317 = vector.extract_strided_slice %select_n3A_2295 {offsets = [0, 0, 120], sizes = [8, 1, 8], strides = [1, 1, 1]} : vector<8x1x128xf32> to vector<8x1x8xf32>
      %slice3A_2318 = vector.extract_strided_slice %select_n3A_2295 {offsets = [0, 0, 0], sizes = [8, 1, 120], strides = [1, 1, 1]} : vector<8x1x128xf32> to vector<8x1x120xf32>
      %concatenate3A_2319 = tpu.concatenate %slice3A_2317, %slice3A_2318 in 2 : vector<8x1x8xf32>, vector<8x1x120xf32> -> vector<8x1x128xf32>
      %select_n3A_2320 = arith.select %eq3A_2311, %concatenate3A_2316, %concatenate3A_2319 : vector<8x1x128xi1>, vector<8x1x128xf32>
      %max3A_2321 = arith.maximumf %select_n3A_2295, %select_n3A_2320 : vector<8x1x128xf32>
      %min3A_2322 = arith.minimumf %select_n3A_2295, %select_n3A_2320 : vector<8x1x128xf32>
      %select_n3A_2323 = arith.select %not3A_2313, %max3A_2321, %min3A_2322 : vector<8x1x128xi1>, vector<8x1x128xf32>
      %slice3A_2324 = vector.extract_strided_slice %select_n3A_2304 {offsets = [0, 0, 8], sizes = [8, 1, 120], strides = [1, 1, 1]} : vector<8x1x128xi32> to vector<8x1x120xi32>
      %slice3A_2325 = vector.extract_strided_slice %select_n3A_2304 {offsets = [0, 0, 0], sizes = [8, 1, 8], strides = [1, 1, 1]} : vector<8x1x128xi32> to vector<8x1x8xi32>
      %concatenate3A_2326 = tpu.concatenate %slice3A_2324, %slice3A_2325 in 2 : vector<8x1x120xi32>, vector<8x1x8xi32> -> vector<8x1x128xi32>
      %slice3A_2327 = vector.extract_strided_slice %select_n3A_2304 {offsets = [0, 0, 120], sizes = [8, 1, 8], strides = [1, 1, 1]} : vector<8x1x128xi32> to vector<8x1x8xi32>
      %slice3A_2328 = vector.extract_strided_slice %select_n3A_2304 {offsets = [0, 0, 0], sizes = [8, 1, 120], strides = [1, 1, 1]} : vector<8x1x128xi32> to vector<8x1x120xi32>
      %concatenate3A_2329 = tpu.concatenate %slice3A_2327, %slice3A_2328 in 2 : vector<8x1x8xi32>, vector<8x1x120xi32> -> vector<8x1x128xi32>
      %select_n3A_2330 = arith.select %eq3A_2311, %concatenate3A_2326, %concatenate3A_2329 : vector<8x1x128xi1>, vector<8x1x128xi32>
      %eq3A_2331 = arith.cmpf oeq, %select_n3A_2323, %select_n3A_2295 : vector<8x1x128xf32>
      %select_n3A_2332 = arith.select %eq3A_2331, %select_n3A_2304, %select_n3A_2330 : vector<8x1x128xi1>, vector<8x1x128xi32>
      %iota3A_2333 = tpu.iota {dimensions = array<i32: 2>} : vector<8x1x128xi32>
      %and3A_2334 = arith.constant 4 : i32
      %and3A_2335 = vector.broadcast %and3A_2334 : i32 to vector<8x1x128xi32>
      %and3A_2336 = arith.andi %iota3A_2333, %and3A_2335 : vector<8x1x128xi32>
      %eq3A_2337 = arith.constant 0 : i32
      %eq3A_2338 = vector.broadcast %eq3A_2337 : i32 to vector<8x1x128xi32>
      %eq3A_2339 = arith.cmpi eq, %and3A_2336, %eq3A_2338 : vector<8x1x128xi32>
      %not3A_2340 = arith.constant dense<true> : vector<8x1x128xi1>
      %not3A_2341 = arith.xori %eq3A_2339, %not3A_2340 : vector<8x1x128xi1>
      %slice3A_2342 = vector.extract_strided_slice %select_n3A_2323 {offsets = [0, 0, 4], sizes = [8, 1, 124], strides = [1, 1, 1]} : vector<8x1x128xf32> to vector<8x1x124xf32>
      %slice3A_2343 = vector.extract_strided_slice %select_n3A_2323 {offsets = [0, 0, 0], sizes = [8, 1, 4], strides = [1, 1, 1]} : vector<8x1x128xf32> to vector<8x1x4xf32>
      %concatenate3A_2344 = tpu.concatenate %slice3A_2342, %slice3A_2343 in 2 : vector<8x1x124xf32>, vector<8x1x4xf32> -> vector<8x1x128xf32>
      %slice3A_2345 = vector.extract_strided_slice %select_n3A_2323 {offsets = [0, 0, 124], sizes = [8, 1, 4], strides = [1, 1, 1]} : vector<8x1x128xf32> to vector<8x1x4xf32>
      %slice3A_2346 = vector.extract_strided_slice %select_n3A_2323 {offsets = [0, 0, 0], sizes = [8, 1, 124], strides = [1, 1, 1]} : vector<8x1x128xf32> to vector<8x1x124xf32>
      %concatenate3A_2347 = tpu.concatenate %slice3A_2345, %slice3A_2346 in 2 : vector<8x1x4xf32>, vector<8x1x124xf32> -> vector<8x1x128xf32>
      %select_n3A_2348 = arith.select %eq3A_2339, %concatenate3A_2344, %concatenate3A_2347 : vector<8x1x128xi1>, vector<8x1x128xf32>
      %max3A_2349 = arith.maximumf %select_n3A_2323, %select_n3A_2348 : vector<8x1x128xf32>
      %min3A_2350 = arith.minimumf %select_n3A_2323, %select_n3A_2348 : vector<8x1x128xf32>
      %select_n3A_2351 = arith.select %not3A_2341, %max3A_2349, %min3A_2350 : vector<8x1x128xi1>, vector<8x1x128xf32>
      %slice3A_2352 = vector.extract_strided_slice %select_n3A_2332 {offsets = [0, 0, 4], sizes = [8, 1, 124], strides = [1, 1, 1]} : vector<8x1x128xi32> to vector<8x1x124xi32>
      %slice3A_2353 = vector.extract_strided_slice %select_n3A_2332 {offsets = [0, 0, 0], sizes = [8, 1, 4], strides = [1, 1, 1]} : vector<8x1x128xi32> to vector<8x1x4xi32>
      %concatenate3A_2354 = tpu.concatenate %slice3A_2352, %slice3A_2353 in 2 : vector<8x1x124xi32>, vector<8x1x4xi32> -> vector<8x1x128xi32>
      %slice3A_2355 = vector.extract_strided_slice %select_n3A_2332 {offsets = [0, 0, 124], sizes = [8, 1, 4], strides = [1, 1, 1]} : vector<8x1x128xi32> to vector<8x1x4xi32>
      %slice3A_2356 = vector.extract_strided_slice %select_n3A_2332 {offsets = [0, 0, 0], sizes = [8, 1, 124], strides = [1, 1, 1]} : vector<8x1x128xi32> to vector<8x1x124xi32>
      %concatenate3A_2357 = tpu.concatenate %slice3A_2355, %slice3A_2356 in 2 : vector<8x1x4xi32>, vector<8x1x124xi32> -> vector<8x1x128xi32>
      %select_n3A_2358 = arith.select %eq3A_2339, %concatenate3A_2354, %concatenate3A_2357 : vector<8x1x128xi1>, vector<8x1x128xi32>
      %eq3A_2359 = arith.cmpf oeq, %select_n3A_2351, %select_n3A_2323 : vector<8x1x128xf32>
      %select_n3A_2360 = arith.select %eq3A_2359, %select_n3A_2332, %select_n3A_2358 : vector<8x1x128xi1>, vector<8x1x128xi32>
      %iota3A_2361 = tpu.iota {dimensions = array<i32: 2>} : vector<8x1x128xi32>
      %and3A_2362 = arith.constant 2 : i32
      %and3A_2363 = vector.broadcast %and3A_2362 : i32 to vector<8x1x128xi32>
      %and3A_2364 = arith.andi %iota3A_2361, %and3A_2363 : vector<8x1x128xi32>
      %eq3A_2365 = arith.constant 0 : i32
      %eq3A_2366 = vector.broadcast %eq3A_2365 : i32 to vector<8x1x128xi32>
      %eq3A_2367 = arith.cmpi eq, %and3A_2364, %eq3A_2366 : vector<8x1x128xi32>
      %not3A_2368 = arith.constant dense<true> : vector<8x1x128xi1>
      %not3A_2369 = arith.xori %eq3A_2367, %not3A_2368 : vector<8x1x128xi1>
      %slice3A_2370 = vector.extract_strided_slice %select_n3A_2351 {offsets = [0, 0, 2], sizes = [8, 1, 126], strides = [1, 1, 1]} : vector<8x1x128xf32> to vector<8x1x126xf32>
      %slice3A_2371 = vector.extract_strided_slice %select_n3A_2351 {offsets = [0, 0, 0], sizes = [8, 1, 2], strides = [1, 1, 1]} : vector<8x1x128xf32> to vector<8x1x2xf32>
      %concatenate3A_2372 = tpu.concatenate %slice3A_2370, %slice3A_2371 in 2 : vector<8x1x126xf32>, vector<8x1x2xf32> -> vector<8x1x128xf32>
      %slice3A_2373 = vector.extract_strided_slice %select_n3A_2351 {offsets = [0, 0, 126], sizes = [8, 1, 2], strides = [1, 1, 1]} : vector<8x1x128xf32> to vector<8x1x2xf32>
      %slice3A_2374 = vector.extract_strided_slice %select_n3A_2351 {offsets = [0, 0, 0], sizes = [8, 1, 126], strides = [1, 1, 1]} : vector<8x1x128xf32> to vector<8x1x126xf32>
      %concatenate3A_2375 = tpu.concatenate %slice3A_2373, %slice3A_2374 in 2 : vector<8x1x2xf32>, vector<8x1x126xf32> -> vector<8x1x128xf32>
      %select_n3A_2376 = arith.select %eq3A_2367, %concatenate3A_2372, %concatenate3A_2375 : vector<8x1x128xi1>, vector<8x1x128xf32>
      %max3A_2377 = arith.maximumf %select_n3A_2351, %select_n3A_2376 : vector<8x1x128xf32>
      %min3A_2378 = arith.minimumf %select_n3A_2351, %select_n3A_2376 : vector<8x1x128xf32>
      %select_n3A_2379 = arith.select %not3A_2369, %max3A_2377, %min3A_2378 : vector<8x1x128xi1>, vector<8x1x128xf32>
      %slice3A_2380 = vector.extract_strided_slice %select_n3A_2360 {offsets = [0, 0, 2], sizes = [8, 1, 126], strides = [1, 1, 1]} : vector<8x1x128xi32> to vector<8x1x126xi32>
      %slice3A_2381 = vector.extract_strided_slice %select_n3A_2360 {offsets = [0, 0, 0], sizes = [8, 1, 2], strides = [1, 1, 1]} : vector<8x1x128xi32> to vector<8x1x2xi32>
      %concatenate3A_2382 = tpu.concatenate %slice3A_2380, %slice3A_2381 in 2 : vector<8x1x126xi32>, vector<8x1x2xi32> -> vector<8x1x128xi32>
      %slice3A_2383 = vector.extract_strided_slice %select_n3A_2360 {offsets = [0, 0, 126], sizes = [8, 1, 2], strides = [1, 1, 1]} : vector<8x1x128xi32> to vector<8x1x2xi32>
      %slice3A_2384 = vector.extract_strided_slice %select_n3A_2360 {offsets = [0, 0, 0], sizes = [8, 1, 126], strides = [1, 1, 1]} : vector<8x1x128xi32> to vector<8x1x126xi32>
      %concatenate3A_2385 = tpu.concatenate %slice3A_2383, %slice3A_2384 in 2 : vector<8x1x2xi32>, vector<8x1x126xi32> -> vector<8x1x128xi32>
      %select_n3A_2386 = arith.select %eq3A_2367, %concatenate3A_2382, %concatenate3A_2385 : vector<8x1x128xi1>, vector<8x1x128xi32>
      %eq3A_2387 = arith.cmpf oeq, %select_n3A_2379, %select_n3A_2351 : vector<8x1x128xf32>
      %select_n3A_2388 = arith.select %eq3A_2387, %select_n3A_2360, %select_n3A_2386 : vector<8x1x128xi1>, vector<8x1x128xi32>
      %iota3A_2389 = tpu.iota {dimensions = array<i32: 2>} : vector<8x1x128xi32>
      %and3A_2390 = arith.constant 1 : i32
      %and3A_2391 = vector.broadcast %and3A_2390 : i32 to vector<8x1x128xi32>
      %and3A_2392 = arith.andi %iota3A_2389, %and3A_2391 : vector<8x1x128xi32>
      %eq3A_2393 = arith.constant 0 : i32
      %eq3A_2394 = vector.broadcast %eq3A_2393 : i32 to vector<8x1x128xi32>
      %eq3A_2395 = arith.cmpi eq, %and3A_2392, %eq3A_2394 : vector<8x1x128xi32>
      %not3A_2396 = arith.constant dense<true> : vector<8x1x128xi1>
      %not3A_2397 = arith.xori %eq3A_2395, %not3A_2396 : vector<8x1x128xi1>
      %slice3A_2398 = vector.extract_strided_slice %select_n3A_2379 {offsets = [0, 0, 1], sizes = [8, 1, 127], strides = [1, 1, 1]} : vector<8x1x128xf32> to vector<8x1x127xf32>
      %slice3A_2399 = vector.extract_strided_slice %select_n3A_2379 {offsets = [0, 0, 0], sizes = [8, 1, 1], strides = [1, 1, 1]} : vector<8x1x128xf32> to vector<8x1x1xf32>
      %concatenate3A_2400 = tpu.concatenate %slice3A_2398, %slice3A_2399 in 2 : vector<8x1x127xf32>, vector<8x1x1xf32> -> vector<8x1x128xf32>
      %slice3A_2401 = vector.extract_strided_slice %select_n3A_2379 {offsets = [0, 0, 127], sizes = [8, 1, 1], strides = [1, 1, 1]} : vector<8x1x128xf32> to vector<8x1x1xf32>
      %slice3A_2402 = vector.extract_strided_slice %select_n3A_2379 {offsets = [0, 0, 0], sizes = [8, 1, 127], strides = [1, 1, 1]} : vector<8x1x128xf32> to vector<8x1x127xf32>
      %concatenate3A_2403 = tpu.concatenate %slice3A_2401, %slice3A_2402 in 2 : vector<8x1x1xf32>, vector<8x1x127xf32> -> vector<8x1x128xf32>
      %select_n3A_2404 = arith.select %eq3A_2395, %concatenate3A_2400, %concatenate3A_2403 : vector<8x1x128xi1>, vector<8x1x128xf32>
      %max3A_2405 = arith.maximumf %select_n3A_2379, %select_n3A_2404 : vector<8x1x128xf32>
      %min3A_2406 = arith.minimumf %select_n3A_2379, %select_n3A_2404 : vector<8x1x128xf32>
      %select_n3A_2407 = arith.select %not3A_2397, %max3A_2405, %min3A_2406 : vector<8x1x128xi1>, vector<8x1x128xf32>
      %slice3A_2408 = vector.extract_strided_slice %select_n3A_2388 {offsets = [0, 0, 1], sizes = [8, 1, 127], strides = [1, 1, 1]} : vector<8x1x128xi32> to vector<8x1x127xi32>
      %slice3A_2409 = vector.extract_strided_slice %select_n3A_2388 {offsets = [0, 0, 0], sizes = [8, 1, 1], strides = [1, 1, 1]} : vector<8x1x128xi32> to vector<8x1x1xi32>
      %concatenate3A_2410 = tpu.concatenate %slice3A_2408, %slice3A_2409 in 2 : vector<8x1x127xi32>, vector<8x1x1xi32> -> vector<8x1x128xi32>
      %slice3A_2411 = vector.extract_strided_slice %select_n3A_2388 {offsets = [0, 0, 127], sizes = [8, 1, 1], strides = [1, 1, 1]} : vector<8x1x128xi32> to vector<8x1x1xi32>
      %slice3A_2412 = vector.extract_strided_slice %select_n3A_2388 {offsets = [0, 0, 0], sizes = [8, 1, 127], strides = [1, 1, 1]} : vector<8x1x128xi32> to vector<8x1x127xi32>
      %concatenate3A_2413 = tpu.concatenate %slice3A_2411, %slice3A_2412 in 2 : vector<8x1x1xi32>, vector<8x1x127xi32> -> vector<8x1x128xi32>
      %select_n3A_2414 = arith.select %eq3A_2395, %concatenate3A_2410, %concatenate3A_2413 : vector<8x1x128xi1>, vector<8x1x128xi32>
      %eq3A_2415 = arith.cmpf oeq, %select_n3A_2407, %select_n3A_2379 : vector<8x1x128xf32>
      %select_n3A_2416 = arith.select %eq3A_2415, %select_n3A_2388, %select_n3A_2414 : vector<8x1x128xi1>, vector<8x1x128xi32>
      %slice3A_2417 = vector.extract_strided_slice %select_n3A_2416 {offsets = [0, 0, 28], sizes = [8, 1, 100], strides = [1, 1, 1]} : vector<8x1x128xi32> to vector<8x1x100xi32>
      %squeeze3A_2418 = vector.shape_cast %slice3A_2417 : vector<8x1x100xi32> to vector<8x100xi32>
      %mul3A_2419 = arith.constant 2048 : i32
      %mul3A_2420 = arith.muli %mul3A_2419, %select_n3A : i32
      %add3A_2421 = vector.broadcast %mul3A_2420 : i32 to vector<8x100xi32>
      %add3A_2422 = arith.addi %squeeze3A_2418, %add3A_2421 : vector<8x100xi32>
      %swap3A_2423 = arith.index_cast %select_n3A : i32 to index
      %swap3A_2424 = arith.index_cast %mul3A_288 : i32 to index
      %swap3A_2425 = arith.constant 0 : index
      %swap3A_2426 = vector.load %arg3[%swap3A_2423, %swap3A_2424, %swap3A_2425] : memref<12x64x100xi32, #tpu.memory_space<vmem>>, vector<1x8x100xi32>
      %swap3A_2427 = vector.shape_cast %swap3A_2426 : vector<1x8x100xi32> to vector<8x100xi32>
      %swap3A_2428 = vector.shape_cast %add3A_2422 : vector<8x100xi32> to vector<1x8x100xi32>
      tpu.vector_store %arg3[%swap3A_2423, %swap3A_2424, %swap3A_2425], %swap3A_2428 {strides = array<i32>} : memref<12x64x100xi32, #tpu.memory_space<vmem>>, vector<1x8x100xi32>,
    }
    %scan3A_256 = arith.constant 96 : i32
    return
  }
  func.func @transform_0(%arg0: i32) -> (i32, i32, i32) {
    %c0_i32 = arith.constant 0 : i32
    %c0_i32_0 = arith.constant 0 : i32
    %c0_i32_1 = arith.constant 0 : i32
    return %c0_i32, %arg0, %c0_i32_0 : i32, i32, i32
  }
  func.func @transform_1(%arg0: i32) -> (i32, i32, i32) {
    %c0_i32 = arith.constant 0 : i32
    %c0_i32_0 = arith.constant 0 : i32
    %c0_i32_1 = arith.constant 0 : i32
    %c0_i32_2 = arith.constant 0 : i32
    return %c0_i32, %c0_i32_0, %c0_i32_1 : i32, i32, i32
  }
  func.func @transform_2(%arg0: i32) -> (i32, i32, i32) {
    %c0_i32 = arith.constant 0 : i32
    %c0_i32_0 = arith.constant 0 : i32
    %c0_i32_1 = arith.constant 0 : i32
    return %c0_i32, %arg0, %c0_i32_0 : i32, i32, i32
  }
}

module attributes {stable_mosaic.version = 14 : i64} {
  func.func @_pad_body(%arg0: memref<24576x64xf32, #tpu.memory_space<vmem>>, %arg1: memref<24576x128xf32, #tpu.memory_space<vmem>>) attributes {dimension_semantics = [], scalar_prefetch = 0 : i64, scratch_operands = 0 : i64, tpu.core_type = #tpu.core_type<tc>} {
    %get3A = arith.constant 0 : index
    %get3A_0 = arith.constant 0 : index
    %get3A_1 = vector.load %arg0[%get3A, %get3A_0] : memref<24576x64xf32, #tpu.memory_space<vmem>>, vector<24576x64xf32>
    %swap3A = arith.constant 0 : index
    %swap3A_2 = arith.constant 0 : index
    %swap3A_3 = vector.load %arg1[%swap3A, %swap3A_2] : memref<24576x128xf32, #tpu.memory_space<vmem>>, vector<24576x64xf32>
    tpu.vector_store %arg1[%swap3A, %swap3A_2], %get3A_1 {strides = array<i32>} : memref<24576x128xf32, #tpu.memory_space<vmem>>, vector<24576x64xf32>,
    %broadcast_in_dim3A = arith.constant 0.000000e+00 : f32
    %broadcast_in_dim3A_4 = vector.broadcast %broadcast_in_dim3A : f32 to vector<24576x64xf32>
    %swap3A_5 = arith.constant 0 : index
    %swap3A_6 = arith.constant 64 : index
    %swap3A_7 = vector.load %arg1[%swap3A_5, %swap3A_6] : memref<24576x128xf32, #tpu.memory_space<vmem>>, vector<24576x64xf32>
    tpu.vector_store %arg1[%swap3A_5, %swap3A_6], %broadcast_in_dim3A_4 {strides = array<i32>} : memref<24576x128xf32, #tpu.memory_space<vmem>>, vector<24576x64xf32>,
    return
  }
}

module attributes {stable_mosaic.version = 14 : i64} {
  func.func @_out_body(%arg0: i32, %arg1: memref<1024x12x128xf32, #tpu.memory_space<vmem>>, %arg2: memref<12x64x768xf32, #tpu.memory_space<vmem>>, %arg3: memref<1x768xf32, #tpu.memory_space<vmem>>, %arg4: memref<1024x768xf32, #tpu.memory_space<vmem>>) attributes {dimension_semantics = [#tpu.dimension_semantics<arbitrary>], iteration_bounds = array<i64: 200>, scalar_prefetch = 0 : i64, scratch_operands = 0 : i64, tpu.core_type = #tpu.core_type<tc>, window_params = [{transform_indices = @transform_0, window_bounds = array<i64: 1024, 12, 128>}, {pipeline_mode = #tpu.pipeline_mode<synchronous>, transform_indices = @transform_1, window_bounds = array<i64: 12, 64, 768>}, {pipeline_mode = #tpu.pipeline_mode<synchronous>, transform_indices = @transform_2, window_bounds = array<i64: 1, 768>}, {transform_indices = @transform_3, window_bounds = array<i64: 1024, 768>}]} {
    %get3A = arith.constant 0 : index
    %get3A_0 = arith.constant 0 : index
    %get3A_1 = arith.constant 0 : index
    %get3A_2 = vector.load %arg1[%get3A, %get3A_0, %get3A_1] : memref<1024x12x128xf32, #tpu.memory_space<vmem>>, vector<1024x12x128xf32>
    %get3A_3 = arith.constant 0 : index
    %get3A_4 = arith.constant 0 : index
    %get3A_5 = vector.load %arg3[%get3A_3, %get3A_4] : memref<1x768xf32, #tpu.memory_space<vmem>>, vector<1x768xf32>
    %broadcast_in_dim3A = vector.shape_cast %get3A_5 : vector<1x768xf32> to vector<1x768xf32>
    %broadcast_in_dim3A_6 = vector.broadcast %broadcast_in_dim3A : vector<1x768xf32> to vector<1024x768xf32>
    %slice3A = vector.extract_strided_slice %get3A_2 {offsets = [0, 0, 0], sizes = [1024, 1, 64], strides = [1, 1, 1]} : vector<1024x12x128xf32> to vector<1024x1x64xf32>
    %squeeze3A = vector.shape_cast %slice3A : vector<1024x1x64xf32> to vector<1024x64xf32>
    %get3A_7 = arith.constant 0 : index
    %get3A_8 = arith.constant 0 : index
    %get3A_9 = arith.constant 0 : index
    %get3A_10 = vector.load %arg2[%get3A_7, %get3A_8, %get3A_9] : memref<12x64x768xf32, #tpu.memory_space<vmem>>, vector<1x64x768xf32>
    %get3A_11 = vector.shape_cast %get3A_10 : vector<1x64x768xf32> to vector<64x768xf32>
    %dot_general3A = arith.constant dense<0.000000e+00> : vector<1024x768xf32>
    %dot_general3A_12 = tpu.matmul %squeeze3A, %get3A_11, %dot_general3A {dimension_numbers = #tpu.dot_dimension_numbers<[1], [0], [0], [1], [0, 0, 1, 1], [], []>, transpose_lhs_hint = false} : vector<1024x64xf32>, vector<64x768xf32>, vector<1024x768xf32> -> vector<1024x768xf32>
    %add3A = arith.addf %broadcast_in_dim3A_6, %dot_general3A_12 : vector<1024x768xf32>
    %slice3A_13 = vector.extract_strided_slice %get3A_2 {offsets = [0, 1, 0], sizes = [1024, 1, 64], strides = [1, 1, 1]} : vector<1024x12x128xf32> to vector<1024x1x64xf32>
    %squeeze3A_14 = vector.shape_cast %slice3A_13 : vector<1024x1x64xf32> to vector<1024x64xf32>
    %get3A_15 = arith.constant 1 : index
    %get3A_16 = arith.constant 0 : index
    %get3A_17 = arith.constant 0 : index
    %get3A_18 = vector.load %arg2[%get3A_15, %get3A_16, %get3A_17] : memref<12x64x768xf32, #tpu.memory_space<vmem>>, vector<1x64x768xf32>
    %get3A_19 = vector.shape_cast %get3A_18 : vector<1x64x768xf32> to vector<64x768xf32>
    %dot_general3A_20 = arith.constant dense<0.000000e+00> : vector<1024x768xf32>
    %dot_general3A_21 = tpu.matmul %squeeze3A_14, %get3A_19, %dot_general3A_20 {dimension_numbers = #tpu.dot_dimension_numbers<[1], [0], [0], [1], [0, 0, 1, 1], [], []>, transpose_lhs_hint = false} : vector<1024x64xf32>, vector<64x768xf32>, vector<1024x768xf32> -> vector<1024x768xf32>
    %add3A_22 = arith.addf %add3A, %dot_general3A_21 : vector<1024x768xf32>
    %slice3A_23 = vector.extract_strided_slice %get3A_2 {offsets = [0, 2, 0], sizes = [1024, 1, 64], strides = [1, 1, 1]} : vector<1024x12x128xf32> to vector<1024x1x64xf32>
    %squeeze3A_24 = vector.shape_cast %slice3A_23 : vector<1024x1x64xf32> to vector<1024x64xf32>
    %get3A_25 = arith.constant 2 : index
    %get3A_26 = arith.constant 0 : index
    %get3A_27 = arith.constant 0 : index
    %get3A_28 = vector.load %arg2[%get3A_25, %get3A_26, %get3A_27] : memref<12x64x768xf32, #tpu.memory_space<vmem>>, vector<1x64x768xf32>
    %get3A_29 = vector.shape_cast %get3A_28 : vector<1x64x768xf32> to vector<64x768xf32>
    %dot_general3A_30 = arith.constant dense<0.000000e+00> : vector<1024x768xf32>
    %dot_general3A_31 = tpu.matmul %squeeze3A_24, %get3A_29, %dot_general3A_30 {dimension_numbers = #tpu.dot_dimension_numbers<[1], [0], [0], [1], [0, 0, 1, 1], [], []>, transpose_lhs_hint = false} : vector<1024x64xf32>, vector<64x768xf32>, vector<1024x768xf32> -> vector<1024x768xf32>
    %add3A_32 = arith.addf %add3A_22, %dot_general3A_31 : vector<1024x768xf32>
    %slice3A_33 = vector.extract_strided_slice %get3A_2 {offsets = [0, 3, 0], sizes = [1024, 1, 64], strides = [1, 1, 1]} : vector<1024x12x128xf32> to vector<1024x1x64xf32>
    %squeeze3A_34 = vector.shape_cast %slice3A_33 : vector<1024x1x64xf32> to vector<1024x64xf32>
    %get3A_35 = arith.constant 3 : index
    %get3A_36 = arith.constant 0 : index
    %get3A_37 = arith.constant 0 : index
    %get3A_38 = vector.load %arg2[%get3A_35, %get3A_36, %get3A_37] : memref<12x64x768xf32, #tpu.memory_space<vmem>>, vector<1x64x768xf32>
    %get3A_39 = vector.shape_cast %get3A_38 : vector<1x64x768xf32> to vector<64x768xf32>
    %dot_general3A_40 = arith.constant dense<0.000000e+00> : vector<1024x768xf32>
    %dot_general3A_41 = tpu.matmul %squeeze3A_34, %get3A_39, %dot_general3A_40 {dimension_numbers = #tpu.dot_dimension_numbers<[1], [0], [0], [1], [0, 0, 1, 1], [], []>, transpose_lhs_hint = false} : vector<1024x64xf32>, vector<64x768xf32>, vector<1024x768xf32> -> vector<1024x768xf32>
    %add3A_42 = arith.addf %add3A_32, %dot_general3A_41 : vector<1024x768xf32>
    %slice3A_43 = vector.extract_strided_slice %get3A_2 {offsets = [0, 4, 0], sizes = [1024, 1, 64], strides = [1, 1, 1]} : vector<1024x12x128xf32> to vector<1024x1x64xf32>
    %squeeze3A_44 = vector.shape_cast %slice3A_43 : vector<1024x1x64xf32> to vector<1024x64xf32>
    %get3A_45 = arith.constant 4 : index
    %get3A_46 = arith.constant 0 : index
    %get3A_47 = arith.constant 0 : index
    %get3A_48 = vector.load %arg2[%get3A_45, %get3A_46, %get3A_47] : memref<12x64x768xf32, #tpu.memory_space<vmem>>, vector<1x64x768xf32>
    %get3A_49 = vector.shape_cast %get3A_48 : vector<1x64x768xf32> to vector<64x768xf32>
    %dot_general3A_50 = arith.constant dense<0.000000e+00> : vector<1024x768xf32>
    %dot_general3A_51 = tpu.matmul %squeeze3A_44, %get3A_49, %dot_general3A_50 {dimension_numbers = #tpu.dot_dimension_numbers<[1], [0], [0], [1], [0, 0, 1, 1], [], []>, transpose_lhs_hint = false} : vector<1024x64xf32>, vector<64x768xf32>, vector<1024x768xf32> -> vector<1024x768xf32>
    %add3A_52 = arith.addf %add3A_42, %dot_general3A_51 : vector<1024x768xf32>
    %slice3A_53 = vector.extract_strided_slice %get3A_2 {offsets = [0, 5, 0], sizes = [1024, 1, 64], strides = [1, 1, 1]} : vector<1024x12x128xf32> to vector<1024x1x64xf32>
    %squeeze3A_54 = vector.shape_cast %slice3A_53 : vector<1024x1x64xf32> to vector<1024x64xf32>
    %get3A_55 = arith.constant 5 : index
    %get3A_56 = arith.constant 0 : index
    %get3A_57 = arith.constant 0 : index
    %get3A_58 = vector.load %arg2[%get3A_55, %get3A_56, %get3A_57] : memref<12x64x768xf32, #tpu.memory_space<vmem>>, vector<1x64x768xf32>
    %get3A_59 = vector.shape_cast %get3A_58 : vector<1x64x768xf32> to vector<64x768xf32>
    %dot_general3A_60 = arith.constant dense<0.000000e+00> : vector<1024x768xf32>
    %dot_general3A_61 = tpu.matmul %squeeze3A_54, %get3A_59, %dot_general3A_60 {dimension_numbers = #tpu.dot_dimension_numbers<[1], [0], [0], [1], [0, 0, 1, 1], [], []>, transpose_lhs_hint = false} : vector<1024x64xf32>, vector<64x768xf32>, vector<1024x768xf32> -> vector<1024x768xf32>
    %add3A_62 = arith.addf %add3A_52, %dot_general3A_61 : vector<1024x768xf32>
    %slice3A_63 = vector.extract_strided_slice %get3A_2 {offsets = [0, 6, 0], sizes = [1024, 1, 64], strides = [1, 1, 1]} : vector<1024x12x128xf32> to vector<1024x1x64xf32>
    %squeeze3A_64 = vector.shape_cast %slice3A_63 : vector<1024x1x64xf32> to vector<1024x64xf32>
    %get3A_65 = arith.constant 6 : index
    %get3A_66 = arith.constant 0 : index
    %get3A_67 = arith.constant 0 : index
    %get3A_68 = vector.load %arg2[%get3A_65, %get3A_66, %get3A_67] : memref<12x64x768xf32, #tpu.memory_space<vmem>>, vector<1x64x768xf32>
    %get3A_69 = vector.shape_cast %get3A_68 : vector<1x64x768xf32> to vector<64x768xf32>
    %dot_general3A_70 = arith.constant dense<0.000000e+00> : vector<1024x768xf32>
    %dot_general3A_71 = tpu.matmul %squeeze3A_64, %get3A_69, %dot_general3A_70 {dimension_numbers = #tpu.dot_dimension_numbers<[1], [0], [0], [1], [0, 0, 1, 1], [], []>, transpose_lhs_hint = false} : vector<1024x64xf32>, vector<64x768xf32>, vector<1024x768xf32> -> vector<1024x768xf32>
    %add3A_72 = arith.addf %add3A_62, %dot_general3A_71 : vector<1024x768xf32>
    %slice3A_73 = vector.extract_strided_slice %get3A_2 {offsets = [0, 7, 0], sizes = [1024, 1, 64], strides = [1, 1, 1]} : vector<1024x12x128xf32> to vector<1024x1x64xf32>
    %squeeze3A_74 = vector.shape_cast %slice3A_73 : vector<1024x1x64xf32> to vector<1024x64xf32>
    %get3A_75 = arith.constant 7 : index
    %get3A_76 = arith.constant 0 : index
    %get3A_77 = arith.constant 0 : index
    %get3A_78 = vector.load %arg2[%get3A_75, %get3A_76, %get3A_77] : memref<12x64x768xf32, #tpu.memory_space<vmem>>, vector<1x64x768xf32>
    %get3A_79 = vector.shape_cast %get3A_78 : vector<1x64x768xf32> to vector<64x768xf32>
    %dot_general3A_80 = arith.constant dense<0.000000e+00> : vector<1024x768xf32>
    %dot_general3A_81 = tpu.matmul %squeeze3A_74, %get3A_79, %dot_general3A_80 {dimension_numbers = #tpu.dot_dimension_numbers<[1], [0], [0], [1], [0, 0, 1, 1], [], []>, transpose_lhs_hint = false} : vector<1024x64xf32>, vector<64x768xf32>, vector<1024x768xf32> -> vector<1024x768xf32>
    %add3A_82 = arith.addf %add3A_72, %dot_general3A_81 : vector<1024x768xf32>
    %slice3A_83 = vector.extract_strided_slice %get3A_2 {offsets = [0, 8, 0], sizes = [1024, 1, 64], strides = [1, 1, 1]} : vector<1024x12x128xf32> to vector<1024x1x64xf32>
    %squeeze3A_84 = vector.shape_cast %slice3A_83 : vector<1024x1x64xf32> to vector<1024x64xf32>
    %get3A_85 = arith.constant 8 : index
    %get3A_86 = arith.constant 0 : index
    %get3A_87 = arith.constant 0 : index
    %get3A_88 = vector.load %arg2[%get3A_85, %get3A_86, %get3A_87] : memref<12x64x768xf32, #tpu.memory_space<vmem>>, vector<1x64x768xf32>
    %get3A_89 = vector.shape_cast %get3A_88 : vector<1x64x768xf32> to vector<64x768xf32>
    %dot_general3A_90 = arith.constant dense<0.000000e+00> : vector<1024x768xf32>
    %dot_general3A_91 = tpu.matmul %squeeze3A_84, %get3A_89, %dot_general3A_90 {dimension_numbers = #tpu.dot_dimension_numbers<[1], [0], [0], [1], [0, 0, 1, 1], [], []>, transpose_lhs_hint = false} : vector<1024x64xf32>, vector<64x768xf32>, vector<1024x768xf32> -> vector<1024x768xf32>
    %add3A_92 = arith.addf %add3A_82, %dot_general3A_91 : vector<1024x768xf32>
    %slice3A_93 = vector.extract_strided_slice %get3A_2 {offsets = [0, 9, 0], sizes = [1024, 1, 64], strides = [1, 1, 1]} : vector<1024x12x128xf32> to vector<1024x1x64xf32>
    %squeeze3A_94 = vector.shape_cast %slice3A_93 : vector<1024x1x64xf32> to vector<1024x64xf32>
    %get3A_95 = arith.constant 9 : index
    %get3A_96 = arith.constant 0 : index
    %get3A_97 = arith.constant 0 : index
    %get3A_98 = vector.load %arg2[%get3A_95, %get3A_96, %get3A_97] : memref<12x64x768xf32, #tpu.memory_space<vmem>>, vector<1x64x768xf32>
    %get3A_99 = vector.shape_cast %get3A_98 : vector<1x64x768xf32> to vector<64x768xf32>
    %dot_general3A_100 = arith.constant dense<0.000000e+00> : vector<1024x768xf32>
    %dot_general3A_101 = tpu.matmul %squeeze3A_94, %get3A_99, %dot_general3A_100 {dimension_numbers = #tpu.dot_dimension_numbers<[1], [0], [0], [1], [0, 0, 1, 1], [], []>, transpose_lhs_hint = false} : vector<1024x64xf32>, vector<64x768xf32>, vector<1024x768xf32> -> vector<1024x768xf32>
    %add3A_102 = arith.addf %add3A_92, %dot_general3A_101 : vector<1024x768xf32>
    %slice3A_103 = vector.extract_strided_slice %get3A_2 {offsets = [0, 10, 0], sizes = [1024, 1, 64], strides = [1, 1, 1]} : vector<1024x12x128xf32> to vector<1024x1x64xf32>
    %squeeze3A_104 = vector.shape_cast %slice3A_103 : vector<1024x1x64xf32> to vector<1024x64xf32>
    %get3A_105 = arith.constant 10 : index
    %get3A_106 = arith.constant 0 : index
    %get3A_107 = arith.constant 0 : index
    %get3A_108 = vector.load %arg2[%get3A_105, %get3A_106, %get3A_107] : memref<12x64x768xf32, #tpu.memory_space<vmem>>, vector<1x64x768xf32>
    %get3A_109 = vector.shape_cast %get3A_108 : vector<1x64x768xf32> to vector<64x768xf32>
    %dot_general3A_110 = arith.constant dense<0.000000e+00> : vector<1024x768xf32>
    %dot_general3A_111 = tpu.matmul %squeeze3A_104, %get3A_109, %dot_general3A_110 {dimension_numbers = #tpu.dot_dimension_numbers<[1], [0], [0], [1], [0, 0, 1, 1], [], []>, transpose_lhs_hint = false} : vector<1024x64xf32>, vector<64x768xf32>, vector<1024x768xf32> -> vector<1024x768xf32>
    %add3A_112 = arith.addf %add3A_102, %dot_general3A_111 : vector<1024x768xf32>
    %slice3A_113 = vector.extract_strided_slice %get3A_2 {offsets = [0, 11, 0], sizes = [1024, 1, 64], strides = [1, 1, 1]} : vector<1024x12x128xf32> to vector<1024x1x64xf32>
    %squeeze3A_114 = vector.shape_cast %slice3A_113 : vector<1024x1x64xf32> to vector<1024x64xf32>
    %get3A_115 = arith.constant 11 : index
    %get3A_116 = arith.constant 0 : index
    %get3A_117 = arith.constant 0 : index
    %get3A_118 = vector.load %arg2[%get3A_115, %get3A_116, %get3A_117] : memref<12x64x768xf32, #tpu.memory_space<vmem>>, vector<1x64x768xf32>
    %get3A_119 = vector.shape_cast %get3A_118 : vector<1x64x768xf32> to vector<64x768xf32>
    %dot_general3A_120 = arith.constant dense<0.000000e+00> : vector<1024x768xf32>
    %dot_general3A_121 = tpu.matmul %squeeze3A_114, %get3A_119, %dot_general3A_120 {dimension_numbers = #tpu.dot_dimension_numbers<[1], [0], [0], [1], [0, 0, 1, 1], [], []>, transpose_lhs_hint = false} : vector<1024x64xf32>, vector<64x768xf32>, vector<1024x768xf32> -> vector<1024x768xf32>
    %add3A_122 = arith.addf %add3A_112, %dot_general3A_121 : vector<1024x768xf32>
    %swap3A = arith.constant 0 : index
    %swap3A_123 = arith.constant 0 : index
    %swap3A_124 = vector.load %arg4[%swap3A, %swap3A_123] : memref<1024x768xf32, #tpu.memory_space<vmem>>, vector<1024x768xf32>
    tpu.vector_store %arg4[%swap3A, %swap3A_123], %add3A_122 {strides = array<i32>} : memref<1024x768xf32, #tpu.memory_space<vmem>>, vector<1024x768xf32>,
    return
  }
  func.func @transform_0(%arg0: i32) -> (i32, i32, i32) {
    %c0_i32 = arith.constant 0 : i32
    %c0_i32_0 = arith.constant 0 : i32
    %c0_i32_1 = arith.constant 0 : i32
    return %arg0, %c0_i32, %c0_i32_0 : i32, i32, i32
  }
  func.func @transform_1(%arg0: i32) -> (i32, i32, i32) {
    %c0_i32 = arith.constant 0 : i32
    %c0_i32_0 = arith.constant 0 : i32
    %c0_i32_1 = arith.constant 0 : i32
    %c0_i32_2 = arith.constant 0 : i32
    return %c0_i32, %c0_i32_0, %c0_i32_1 : i32, i32, i32
  }
  func.func @transform_2(%arg0: i32) -> (i32, i32) {
    %c0_i32 = arith.constant 0 : i32
    %c0_i32_0 = arith.constant 0 : i32
    %c0_i32_1 = arith.constant 0 : i32
    return %c0_i32, %c0_i32_0 : i32, i32
  }
  func.func @transform_3(%arg0: i32) -> (i32, i32) {
    %c0_i32 = arith.constant 0 : i32
    %c0_i32_0 = arith.constant 0 : i32
    return %arg0, %c0_i32 : i32, i32
  }
}

</mosaic_0001>

<sc_bundles>
// kernel: kernel.9.cloned.1.call-start
scs
__scs_entry_jumppad:
0x0: {  	(pc) =	sbr.rel $0x88, $3  }
0x1: {  	(tag) =	ssettag $0x0;
	lr =	simm.s32 $0x1  }
0x2: {  	[smem:$0x3F96] =	sst lr;
	_ =	strace $0xD0000000  }
0x3: {  	_ = 	snop  }
0x4: {  	_ = 	snop  }
0x5: {  	_ = 	snop  }
0x6: {  	_ = 	snop  }
0x7: {  	_ = 	snop  }
__scs_overlays_trampoline_lowered:
0x8: {  	[smem:$0x3FA5] =	sst s0  }
0x9: {  	[smem:$0x3FA6] =	sst s1  }
0xa: {  	[smem:$0x3FA7] =	sst s2  }
0xb: {  	[smem:$0x3FA8] =	sst s3  }
0xc: {  	[smem:$0x3FA9] =	sst s4  }
0xd: {  	[smem:$0x3FAA] =	sst s5  }
0xe: {  	[smem:$0x3FAB] =	sst s6  }
0xf: {  	[smem:$0x3FAC] =	sst s7  }
0x10: {  	[smem:$0x3FAD] =	sst s8  }
0x11: {  	[smem:$0x3FAE] =	sst s9;
	s0 =	simm.s32 @!p0 $0x0  }
0x12: {  	s1 =	sld [smem:$0x3F94];
	s0 =	simm.s32 @p0 $0x1  }
0x13: {  	[smem:$0x3FAF] =	sst s0;
	s0 =	simm.s32 @!p1 $0x0  }
0x14: {  	s2 =	sld [smem:$0x3F93];
	s0 =	simm.s32 @p1 $0x1  }
0x15: {  	[smem:$0x3FB0] =	sst s0;
	s0 =	simm.s32 @!p2 $0x0  }
0x16: {  	s3 =	sld [smem:$0x3FDB];
	s0 =	simm.s32 @p2 $0x1  }
0x17: {  	s4 =	simm.s32 $0x1BF5;
	[smem:$0x3FB2] =	sst s0  }
0x18: {  	s0 =	sld [smem:$0x3F95];
	_ =	swait.ge [sflag:s4], $0x0  }
0x19: {  	s7 =	sld [smem:$0x3F96]  }
0x1a: {  	s8 =	sadd.s32 $0xFFFFE003, lr  }
0x1b: {  	s9 =	sadd.s32 $0xFFFFFEF7, lr;
	s5 =	simm.s32 $0xFFFFFFFF;
	p2 =	slt.u32 s8, $0xFFFFF086  }
0x1c: {  	p1 =	slt.u32 s9, $0xF7A;
	s5 =	simm.s32 @!p2 $0x0  }
0x1d: {  	s5 =	simm.s32 @p1 $0x1;
	p0 =	seq.s32 s7, s2  }
0x1e: {  	s7 =	smul.u32 @!p0 $0xF7A, s2;
	p2 =	seq.s32 @!p0 s5, $0x0  }
0x1f: {  	s9 =	smul.u32 $0xF7A, s1;
	s8 =	simm.s32 @!p0 $0x1BF5;
	p2 =	por !p2, p0  }
0x20: {  	[sflag:s8] =	ssyncset.s32 @!p0 $0xFFFFF086;
	s6 =	sadd.s32 @!p0 s3, s7;
	s7 =	simm.s32 @!p0 $0x108  }
0x21: {  	s3 =	sadd.s32 s3, s9;
	s6 =	sadd.s32 @!p0 $0x88, s6;
	s7 =	simm.s32 @p2 $0x1082  }
0x22: {  	[simem:s7], [sflag:s8] =	dma.local @!p0 [hbm:s6], $0xF7A  }
0x23: {  	s9 =	sor.u32 $0xD0000000, s2;
	s6 =	simm.s32 $0x108;
	_ =	swait.ge @!p0 [sflag:s8], $0x0  }
0x24: {  	s3 =	sadd.s32 $0x88, s3;
	s6 =	simm.s32 @!p1 $0x1082;
	[sflag:s4] =	ssyncset.s32 $0xFFFFF086  }
0x25: {  	[simem:s6], [sflag:s4] =	dma.local [hbm:s3], $0xF7A  }
0x26: {  	[smem:$0x3F96] =	sst s1;
	(tag) =	ssettag s2;
	_ =	strace s9  }
0x27: {  	s1 =	sld [smem:$0x3FA6]  }
0x28: {  	s2 =	sld [smem:$0x3FA7]  }
0x29: {  	s4 =	sld [smem:$0x3FA9]  }
0x2a: {  	p0 =	seq.s32 s5, $0x0;
	s5 =	sld [smem:$0x3FAA]  }
0x2b: {  	s6 =	sld [smem:$0x3FAB]  }
0x2c: {  	s7 =	sld [smem:$0x3FAC]  }
0x2d: {  	s3 =	simm.s32 $0x108;
	s8 =	sld [smem:$0x3FAD]  }
0x2e: {  	s3 =	simm.s32 @!p0 $0x1082;
	s9 =	sld [smem:$0x3FAE]  }
0x2f: {  	lr =	sadd.s32 s0, s3;
	s0 =	sld [smem:$0x3FA5]  }
0x30: {  	s3 =	sld [smem:$0x3FA8]  }
0x31: {  	[smem:$0x3FB1] =	sst s10  }
0x32: {  	s10 =	sld [smem:$0x3FAF];
	_ =	sdelay $0x3  }
0x33: {  	p0 =	seq.s32 s10, $0x1;
	s10 =	sld [smem:$0x3FB1];
	_ =	sdelay $0x3  }
0x34: {  	[smem:$0x3FB1] =	sst s10  }
0x35: {  	s10 =	sld [smem:$0x3FB0];
	_ =	sdelay $0x3  }
0x36: {  	p1 =	seq.s32 s10, $0x1;
	s10 =	sld [smem:$0x3FB1];
	_ =	sdelay $0x3  }
0x37: {  	[smem:$0x3FB1] =	sst s10  }
0x38: {  	s10 =	sld [smem:$0x3FB2]  }
0x39: {  	_ = 	snop;
	(pc) =	sbr.ind lr, $3  }
0x3a: {  	_ = 	snop  }
0x3b: {  	_ = 	snop  }
0x3c: {  	p2 =	seq.s32 s10, $0x1;
	s10 =	sld [smem:$0x3FB1]  }
0x3d: {  	_ =	shalt  }
0x3e: {  	_ =	shalt  }
0x3f: {  	_ =	shalt  }
0x40: {  	_ =	shalt  }
0x41: {  	_ =	shalt  }
0x42: {  	_ =	shalt  }
0x43: {  	_ =	shalt  }
0x44: {  	_ =	shalt  }
0x45: {  	_ =	shalt  }
0x46: {  	_ =	shalt  }
0x47: {  	_ =	shalt  }
0x48: {  	_ =	shalt  }
0x49: {  	_ =	shalt  }
0x4a: {  	_ =	shalt  }
0x4b: {  	_ =	shalt  }
0x4c: {  	_ =	shalt  }
0x4d: {  	_ =	shalt  }
0x4e: {  	_ =	shalt  }
0x4f: {  	_ =	shalt  }
0x50: {  	_ =	shalt  }
0x51: {  	_ =	shalt  }
0x52: {  	_ =	shalt  }
0x53: {  	_ =	shalt  }
0x54: {  	_ =	shalt  }
0x55: {  	_ =	shalt  }
0x56: {  	_ =	shalt  }
0x57: {  	_ =	shalt  }
0x58: {  	_ =	shalt  }
0x59: {  	_ =	shalt  }
0x5a: {  	_ =	shalt  }
0x5b: {  	_ =	shalt  }
0x5c: {  	_ =	shalt  }
0x5d: {  	_ =	shalt  }
0x5e: {  	_ =	shalt  }
0x5f: {  	_ =	shalt  }
0x60: {  	_ =	shalt  }
0x61: {  	_ =	shalt  }
0x62: {  	_ =	shalt  }
0x63: {  	_ =	shalt  }
0x64: {  	_ =	shalt  }
0x65: {  	_ =	shalt  }
0x66: {  	_ =	shalt  }
0x67: {  	_ =	shalt  }
0x68: {  	_ =	shalt  }
0x69: {  	_ =	shalt  }
0x6a: {  	_ =	shalt  }
0x6b: {  	_ =	shalt  }
0x6c: {  	_ =	shalt  }
0x6d: {  	_ =	shalt  }
0x6e: {  	_ =	shalt  }
0x6f: {  	_ =	shalt  }
0x70: {  	_ =	shalt  }
0x71: {  	_ =	shalt  }
0x72: {  	_ =	shalt  }
0x73: {  	_ =	shalt  }
0x74: {  	_ =	shalt  }
0x75: {  	_ =	shalt  }
0x76: {  	_ =	shalt  }
0x77: {  	_ =	shalt  }
0x78: {  	_ =	shalt  }
0x79: {  	_ =	shalt  }
0x7a: {  	_ =	shalt  }
0x7b: {  	_ =	shalt  }
0x7c: {  	_ =	shalt  }
0x7d: {  	_ =	shalt  }
0x7e: {  	_ =	shalt  }
0x7f: {  	_ =	shalt  }
0x80: {  	_ =	shalt  }
0x81: {  	_ =	shalt  }
0x82: {  	_ =	shalt  }
0x83: {  	_ =	shalt  }
0x84: {  	_ =	shalt  }
0x85: {  	_ =	shalt  }
0x86: {  	_ =	shalt  }
0x87: {  	_ =	shalt  }
.Lfunc_end0:
.L_simem_size_0:
called_computation.1_lowered:
.L_overlay_start_0:
0x88: {  	s2 =	sld [smem:$0x3FD9]  }
0x89: {  	s3 =	sld [smem:$0x3FFE];
	_ =	sdelay $0x1  }
0x8a: {  	s1 =	srdreg.scid  }
0x8b: {  	s0 =	sand.u32 $0x1, s1  }
0x8c: {  	s17 =	sshll.u32 s0, $0xA;
	s2 =	sadd.s32 s3, s2  }
0x8d: {  	s2 =	sadd.s32 s2, s17  }
0x8e: {  	[smem:$0x3FBD] =	sst s2  }
0x8f: {  	_ = 	snop  }
0x90: {  	s2 =	sld [smem:$0x3FD0];
	(tm) =	ssettm $0x1  }
0x91: {  	s18 =	sld [smem:$0x3FFB];
	_ =	sdelay $0x3  }
0x92: {  	_ =	strace s18  }
0x93: {  	s3 =	sld [smem:$0x3FFC];
	_ =	sdelay $0x3  }
0x94: {  	_ =	strace s3  }
0x95: {  	s3 =	sld [smem:$0x3FFD];
	_ =	sdelay $0x3  }
0x96: {  	_ =	strace s3  }
0x97: {  	_ =	strace $0x8FFFFFFF  }
0x98: {  	s19 =	sld [smem:$0x3FDB];
	_ =	sdelay $0x1  }
0x99: {  	s4 =	simm.s32 $_scs_section_size  }
0x9a: {  	s5 =	simm.s32 $_size__tile_overlayer_lowered;
	s6 =	simm.s32 $_tile_overlayer_lowered  }
0x9b: {  	s22 =	simm.s32 $0x1BFF;
	s21 =	sshll.u32 s6, $0x1;
	s3 =	sadd.s32 s4, s19  }
0x9c: {  	s7 =	simm.s32 $0x0;
	s20 =	sshll.u32 s5, $0x1;
	s5 =	sadd.s32 s21, s3  }
0x9d: {  	[timem:s7], [sflag:s22] =	dma.local [hbm:s5], s20  }
0x9e: {  	_ =	swait.ge [sflag:s22], s20  }
0x9f: {  	s4 =	ssub.s32 $0x0, s20;
	[sflag:s22] =	ssyncset.done $0x0  }
0xa0: {  	[sflag:s22] =	ssyncadd.s32 s4;
	_ =	sdelay $0x1  }
0xa1: {  	s23 =	simm.s32 $0x1B8B  }
0xa2: {  	_ =	swait.ge [sflag:s23], $0x1  }
0xa3: {  	[sflag:s23] =	ssyncset.done $0x0  }
0xa4: {  	s25 =	simm.s32 $0x1B8E;
	s24 =	sld [smem:$0x3FFE];
	[sflag:s23] =	ssyncadd.s32 $0xFFFFFFFF  }
0xa5: {  	s26 =	simm.s32 $execute0_lowered;
	[smem:$0x3FD2] =	sst s25  }
0xa6: {  	s5 =	sshll.u32 s26, $0x1;
	_ =	strace $0x80000046;
	[dreg:$0x1] =	wrdreg $0xFFFFFFFF  }
0xa7: {  	s28 =	simm.s32 $_size_execute0_lowered;
	s3 =	sadd.s32 s3, s5;
	[dreg:$0x0] =	wrdreg $0x0  }
0xa8: {  	s5 =	sshll.u32 s28, $0x1;
	[dreg:$0x2] =	wrdreg s3  }
0xa9: {  	[dreg:$0x3] =	wrdreg s5  }
0xaa: {  	[dreg:$0x4] =	wrdreg $0xC0  }
0xab: {  	_ =	task [dreg:s7], $0x5FFFF  }
0xac: {  	[dreg:$0x1] =	wrdreg $0xFFFFFFFF  }
0xad: {  	[dreg:$0x0] =	wrdreg $0x60  }
0xae: {  	[dreg:$0x2] =	wrdreg s2  }
0xaf: {  	[dreg:$0x3] =	wrdreg s24  }
0xb0: {  	[dreg:$0x4] =	wrdreg $0x9  }
0xb1: {  	_ =	task.clear_ibuf [dreg:s7], $0x5FFFF;
	_ =	strace $0x90000046  }
0xb2: {  	s29 =	simm.s32 $0x9;
	_ =	strace $0x80000048  }
0xb3: {  	_ =	swait.ge [sflag:s29], $0x1  }
0xb4: {  	[sflag:s29] =	ssyncadd.s32 $0xFFFFFFFF  }
0xb5: {  	_ =	strace $0x90000048  }
0xb6: {  	_ =	sfence  }
0xb7: {  	s30 =	sld [smem:$0x0];
	_ =	sdelay $0x2  }
0xb8: {  	s31 =	sshll.u32 s1, $0xD;
	s1 =	sshrl.u32 s1, $0x2  }
0xb9: {  	s3 =	sand.u32 $0x4000, s31;
	s1 =	sadd.s32 s1, s30  }
0xba: {  	s0 =	sor.u32 s3, s0;
	s1 =	sshll.u32 s1, $0x11  }
0xbb: {  	s0 =	sor.u32 s1, s0  }
0xbc: {  	s0 =	sadd.s32 $0x8F2B, s0  }
0xbd: {  	[sflag:s0] =	ssyncadd.remote.s32 $0x1  }
0xbe: {  	_ =	sfence.sel $0xFFFF  }
0xbf: {  	[dreg:$0x0] =	wrdreg $0xFFFFFFFF;
	(pc) =	sbr.abs _section_cstart, $3  }
0xc0: {  	[dreg:$0x1] =	wrdreg $0xFFFFFFFF  }
0xc1: {  	_ =	task.clear_ibuf [dreg:s7], $0x2FFFF;
	_ =	strace $0x9FFFFFFF  }
0xc2: {  	(tm) =	ssettm $0x7FFFFFFF  }
0xc3: {  	_ =	shalt  }
tec
execute0_lowered:
.L_overlay_start_1:
0x0: {  	(tag) =	ssettag $0x1  }
0x1: {  	s2 =	rddreg [dreg:$0x0]  }
0x2: {  	s4 =	rddreg [dreg:$0x1]  }
0x3: {  	s0 =	rddreg [dreg:$0x2]  }
0x4: {  	s1 =	stileid.u32;
	s5 =	srdreg.scid  }
0x5: {  	s3 =	simm.s32 $0x0;
	s11 =	simm.s32 $0x4200;
	s12 =	simm.s32 $0x100  }
0x6: {  	s13 =	simm.s32 $0x8200;
	s14 =	simm.s32 $0x180;
	s15 =	simm.s32 $0xC200  }
0x7: {  	s16 =	simm.s32 $0x1;
	s17 =	simm.s32 $0x0;
	s6 =	smul.u32 $0x258000, s1  }
0x8: {  	s5 =	sand.u32 $0x1, s5;
	[smem:$0x7FF] =	sst s3;
	s10 =	smul.u32 $0x4B00, s1  }
0x9: {  	s7 =	ssub.s32 $0x2, s5;
	s8 =	smul.u32 $0x12C000, s5;
	_ =	strace $0x80000047  }
0xa: {  	s31 =	smul.u32 $0x2580, s5;
	s9 =	sshrl.u32 s7, $0x1;
	s6 =	sadd.s32 s6, s4  }
0xb: {  	s4 =	sadd.s32 $0x2E00, s4;
	s7 =	ssub.s32 s7, s9;
	s6 =	sadd.s32 s8, s6  }
0xc: {  	s8 =	simm.s32 $0x2;
	s9 =	simm.s32 $0x80;
	s5 =	smax.u32 s7, $0x1  }
0xd: {  	s6 =	sadd.s32 $0x4DE00, s6;
	s7 =	sadd.s32 s31, s10;
	s10 =	simm.s32 $0x200  }
.LBB2_1:
0xe: {  	s18 =	sadd.s32 $0x0, s7;
	s19 =	sand.u32 $0x40, s3  }
0xf: {  	s18 =	sand.u32 $0xFFFFF80, s18;
	s19 =	sadd.s32 s4, s19  }
0x10: {  	s18 =	sadd.s32 s18, s19  }
0x11: {  	[tilespmem:s3], [sflag:$0x2] =	stream.linear.gather [hbm4b:s18+s3], $0x200, $0x38;
	[tilespmem:$0x10200] =	vst v63  }
0x12: {  	_ =	swait.ge [sflag:s8], $0x200  }
0x13: {  	[sflag:s8] =	ssyncset.done $0x0  }
0x14: {  	[sflag:s8] =	ssyncadd.s32 $0xFFFFFE00  }
0x15: {  	[tilespmem:s10], [sflag:$0x1] =	stream.indirect.gather [hbm4b:s2+s9], $0x80, s3, s9, $0xb8;
	[tilespmem:$0x10200] =	vst v63  }
0x16: {  	_ = 	snop  }
0x17: {  	[tilespmem:s11], [sflag:$0x1] =	stream.indirect.gather [hbm4b:s2+s9], $0x80, s9, s9, $0xb8;
	[tilespmem:$0x10200] =	vst v63  }
0x18: {  	_ = 	snop  }
0x19: {  	[tilespmem:s13], [sflag:$0x1] =	stream.indirect.gather [hbm4b:s2+s9], $0x80, s12, s9, $0xb8;
	[tilespmem:$0x10200] =	vst v63  }
0x1a: {  	_ = 	snop  }
0x1b: {  	[tilespmem:s15], [sflag:$0x1] =	stream.indirect.gather [hbm4b:s2+s9], $0x80, s14, s9, $0xb8;
	[tilespmem:$0x10200] =	vst v63  }
0x1c: {  	_ =	swait.ge [sflag:s16], $0x4000  }
0x1d: {  	[sflag:s16] =	ssyncset.done $0x0  }
0x1e: {  	[sflag:s16] =	ssyncadd.s32 $0xFFFFC000  }
0x1f: {  	_ =	swait.ge [sflag:s16], $0x4000  }
0x20: {  	[sflag:s16] =	ssyncset.done $0x0  }
0x21: {  	[sflag:s16] =	ssyncadd.s32 $0xFFFFC000  }
0x22: {  	_ =	swait.ge [sflag:s16], $0x4000  }
0x23: {  	[sflag:s16] =	ssyncset.done $0x0  }
0x24: {  	[sflag:s16] =	ssyncadd.s32 $0xFFFFC000  }
0x25: {  	_ =	swait.ge [sflag:s16], $0x4000  }
0x26: {  	s20 =	simm.s32 $0x40;
	[sflag:s16] =	ssyncset.done $0x0  }
0x27: {  	s21 =	sadd.s32 $0x40, s7;
	s22 =	sand.u32 $0x40, s20;
	[sflag:s16] =	ssyncadd.s32 $0xFFFFC000  }
0x28: {  	[hbm4b:s6+s3] =	stream.linear.scatter [tilespmem:s10], [sflag:$0x2], $0x10000, $0x38;
	[tilespmem:$0x10200] =	vst v63  }
0x29: {  	s20 =	sand.u32 $0xFFFFF80, s21;
	s19 =	simm.s32 $0x80;
	_ =	swait.ge [sflag:s8], $0x10000  }
0x2a: {  	s21 =	sadd.s32 s4, s22;
	s18 =	sadd.s32 $0x2000, s6;
	[sflag:s8] =	ssyncset.done $0x0  }
.LBB2_2:
0x2b: {  	s20 =	sadd.s32 s20, s21;
	[sflag:s8] =	ssyncadd.s32 $0xFFFF0000  }
0x2c: {  	s21 =	smov.u32 s19;
	s22 =	sadd.s32 $0x40, s19;
	s23 =	smov.u32 s18  }
0x2d: {  	[tilespmem:s3], [sflag:$0x2] =	stream.linear.gather [hbm4b:s20+s3], $0x200, $0x38;
	[tilespmem:$0x10200] =	vst v63  }
0x2e: {  	p0 =	sne.s32 s19, $0x2540;
	_ =	swait.ge [sflag:s8], $0x200  }
0x2f: {  	[sflag:s8] =	ssyncset.done $0x0  }
0x30: {  	[sflag:s8] =	ssyncadd.s32 $0xFFFFFE00  }
0x31: {  	[tilespmem:s10], [sflag:$0x1] =	stream.indirect.gather [hbm4b:s2+s9], $0x80, s3, s9, $0xb8;
	[tilespmem:$0x10200] =	vst v63  }
0x32: {  	_ = 	snop  }
0x33: {  	[tilespmem:s11], [sflag:$0x1] =	stream.indirect.gather [hbm4b:s2+s9], $0x80, s9, s9, $0xb8;
	[tilespmem:$0x10200] =	vst v63  }
0x34: {  	_ = 	snop  }
0x35: {  	[tilespmem:s13], [sflag:$0x1] =	stream.indirect.gather [hbm4b:s2+s9], $0x80, s12, s9, $0xb8;
	[tilespmem:$0x10200] =	vst v63  }
0x36: {  	_ = 	snop  }
0x37: {  	[tilespmem:s15], [sflag:$0x1] =	stream.indirect.gather [hbm4b:s2+s9], $0x80, s14, s9, $0xb8;
	[tilespmem:$0x10200] =	vst v63  }
0x38: {  	_ =	swait.ge [sflag:s16], $0x4000  }
0x39: {  	[sflag:s16] =	ssyncset.done $0x0  }
0x3a: {  	[sflag:s16] =	ssyncadd.s32 $0xFFFFC000  }
0x3b: {  	_ =	swait.ge [sflag:s16], $0x4000  }
0x3c: {  	[sflag:s16] =	ssyncset.done $0x0  }
0x3d: {  	[sflag:s16] =	ssyncadd.s32 $0xFFFFC000  }
0x3e: {  	_ =	swait.ge [sflag:s16], $0x4000  }
0x3f: {  	[sflag:s16] =	ssyncset.done $0x0  }
0x40: {  	[sflag:s16] =	ssyncadd.s32 $0xFFFFC000  }
0x41: {  	_ =	swait.ge [sflag:s16], $0x4000  }
.Ltmp0:
0x42: {  	[sflag:s16] =	ssyncset.done $0x0;
	(pc) =	sbr.rel @p0 .LBB2_2-.Ltmp0, $4  }
0x43: {  	s18 =	sadd.s32 $0x2000, s18;
	s19 =	sadd.s32 s21, s7;
	[sflag:s16] =	ssyncadd.s32 $0xFFFFC000  }
0x44: {  	[hbm4b:s23+s3] =	stream.linear.scatter [tilespmem:s10], [sflag:$0x2], $0x10000, $0x38;
	[tilespmem:$0x10200] =	vst v63  }
0x45: {  	s21 =	sand.u32 $0x40, s21;
	s20 =	sand.u32 $0xFFFFF80, s19;
	_ =	swait.ge [sflag:s8], $0x10000  }
0x46: {  	s21 =	sadd.s32 s4, s21;
	s19 =	smov.u32 s22;
	[sflag:s8] =	ssyncset.done $0x0  }
0x47: {  	s19 =	sadd.s32 s20, s21;
	[sflag:s8] =	ssyncadd.s32 $0xFFFF0000  }
0x48: {  	[tilespmem:s3], [sflag:$0x2] =	stream.linear.gather [hbm4b:s19+s3], $0x200, $0x38;
	[tilespmem:$0x10200] =	vst v63  }
0x49: {  	_ =	swait.ge [sflag:s8], $0x200  }
0x4a: {  	[sflag:s8] =	ssyncset.done $0x0  }
0x4b: {  	[sflag:s8] =	ssyncadd.s32 $0xFFFFFE00  }
0x4c: {  	[tilespmem:s10], [sflag:$0x1] =	stream.indirect.gather [hbm4b:s2+s9], $0x80, s3, s9, $0xb8;
	[tilespmem:$0x10200] =	vst v63  }
0x4d: {  	_ = 	snop  }
0x4e: {  	[tilespmem:s11], [sflag:$0x1] =	stream.indirect.gather [hbm4b:s2+s9], $0x80, s9, s9, $0xb8;
	[tilespmem:$0x10200] =	vst v63  }
0x4f: {  	_ = 	snop  }
0x50: {  	[tilespmem:s13], [sflag:$0x1] =	stream.indirect.gather [hbm4b:s2+s9], $0x80, s12, s9, $0xb8;
	[tilespmem:$0x10200] =	vst v63  }
0x51: {  	_ = 	snop  }
0x52: {  	[tilespmem:s15], [sflag:$0x1] =	stream.indirect.gather [hbm4b:s2+s9], $0x80, s14, s9, $0xb8;
	[tilespmem:$0x10200] =	vst v63  }
0x53: {  	_ =	swait.ge [sflag:s16], $0x4000  }
0x54: {  	[sflag:s16] =	ssyncset.done $0x0  }
0x55: {  	[sflag:s16] =	ssyncadd.s32 $0xFFFFC000  }
0x56: {  	_ =	swait.ge [sflag:s16], $0x4000  }
0x57: {  	[sflag:s16] =	ssyncset.done $0x0  }
0x58: {  	[sflag:s16] =	ssyncadd.s32 $0xFFFFC000  }
0x59: {  	_ =	swait.ge [sflag:s16], $0x4000  }
0x5a: {  	[sflag:s16] =	ssyncset.done $0x0  }
0x5b: {  	[sflag:s16] =	ssyncadd.s32 $0xFFFFC000  }
0x5c: {  	s17 =	sadd.s32 $0x1, s17;
	_ =	swait.ge [sflag:s16], $0x4000  }
0x5d: {  	p0 =	sne.s32 s17, s5;
	[sflag:s16] =	ssyncset.done $0x0  }
.Ltmp1:
0x5e: {  	[sflag:s16] =	ssyncadd.s32 $0xFFFFC000;
	(pc) =	sbr.rel @p0 .LBB2_1-.Ltmp1, $4  }
0x5f: {  	[hbm4b:s18+s3] =	stream.linear.scatter [tilespmem:s10], [sflag:$0x2], $0x10000, $0x38;
	[tilespmem:$0x10200] =	vst v63  }
0x60: {  	_ =	swait.ge [sflag:s8], $0x10000  }
0x61: {  	[sflag:s8] =	ssyncset.done $0x0  }
0x62: {  	[sflag:s8] =	ssyncadd.s32 $0xFFFF0000  }
0x63: {  	_ =	sfence.sel $0x180000  }
0x64: {  	[bflag:$0x0] =	sbarrier.arrive $0xFFFF  }
0x65: {  	p0 =	sne.s32 s1, $0x0;
	_ =	strace $0x90000047  }
0x66: {  	s0 =	sadd.s32 @!p0 $0x100000, s0;
	[bflag:$0x2] =	sbarrier.arrive $0xFFFF  }
0x67: {  	[sflag:s0] =	ssyncadd.tile.s32 @!p0 $0x1;
	_ =	shalt  }
.Lfunc_end2:
_tile_overlayer_lowered:
.L_overlay_start_2:
0x68: {  	(tag) =	ssettag $0x2  }
0x69: {  	s0 =	rddreg [dreg:$0x0];
	s2 =	stileid.u32  }
0x6a: {  	s1 =	rddreg [dreg:$0x1];
	p0 =	sne.s32 s2, $0x0  }
0x6b: {  	s3 =	rddreg [dreg:$0x2];
	[bflag:$0x3] =	sbarrier.arrive $0xFFFF;
	s2 =	simm.s32 @!p0 $0x1C02  }
0x6c: {  	[timem:s3], [sflag:s2] =	dma.local @!p0 [hbm:s0], s1  }
0x6d: {  	s0 =	simm.s32 @!p0 $0x2  }
0x6e: {  	_ =	swait.ge @!p0 [sflag:s0], s1  }
0x6f: {  	s1 =	ssub.s32 @!p0 $0x0, s1;
	[sflag:s0] =	ssyncset.done @!p0 $0x0  }
0x70: {  	[sflag:s0] =	ssyncadd.s32 @!p0 s1  }
0x71: {  	[bflag:$0x3] =	sbarrier.arrive $0xFFFF  }
0x72: {  	_ =	shalt  }

// kernel: sparse-core-data-format-call.cloned.1.call-start
scs
called_computation_lowered:
.L_overlay_start_0:
0x0: {  	s2 =	sld [smem:$0x3FD9]  }
0x1: {  	s3 =	sld [smem:$0x3FFE];
	_ =	sdelay $0x1  }
0x2: {  	s1 =	srdreg.scid  }
0x3: {  	s0 =	sand.u32 $0x1, s1  }
0x4: {  	s18 =	sshll.u32 s0, $0xA;
	s2 =	sadd.s32 s3, s2  }
0x5: {  	s2 =	sadd.s32 s2, s18  }
0x6: {  	[smem:$0x3FBD] =	sst s2  }
0x7: {  	_ = 	snop  }
0x8: {  	s2 =	sld [smem:$0x3FD0];
	(tm) =	ssettm $0x1  }
0x9: {  	s19 =	sld [smem:$0x3FFB];
	_ =	sdelay $0x3  }
0xa: {  	_ =	strace s19  }
0xb: {  	s3 =	sld [smem:$0x3FFC];
	_ =	sdelay $0x3  }
0xc: {  	_ =	strace s3  }
0xd: {  	s3 =	sld [smem:$0x3FFD];
	_ =	sdelay $0x3  }
0xe: {  	_ =	strace s3  }
0xf: {  	_ =	strace $0x8FFFFFFF  }
0x10: {  	s20 =	sld [smem:$0x3FDB];
	_ =	sdelay $0x1  }
0x11: {  	s4 =	simm.s32 $_scs_section_size  }
0x12: {  	s5 =	simm.s32 $_size__tile_overlayer_lowered;
	s6 =	simm.s32 $_tile_overlayer_lowered  }
0x13: {  	s23 =	simm.s32 $0x1BFF;
	s22 =	sshll.u32 s6, $0x1;
	s3 =	sadd.s32 s4, s20  }
0x14: {  	s7 =	simm.s32 $0x0;
	s21 =	sshll.u32 s5, $0x1;
	s5 =	sadd.s32 s22, s3  }
0x15: {  	[timem:s7], [sflag:s23] =	dma.local [hbm:s5], s21  }
0x16: {  	_ =	swait.ge [sflag:s23], s21  }
0x17: {  	s4 =	ssub.s32 $0x0, s21;
	[sflag:s23] =	ssyncset.done $0x0  }
0x18: {  	[sflag:s23] =	ssyncadd.s32 s4;
	_ =	sdelay $0x1  }
0x19: {  	s24 =	simm.s32 $0x1B8B  }
0x1a: {  	_ =	swait.ge [sflag:s24], $0x1  }
0x1b: {  	[sflag:s24] =	ssyncset.done $0x0  }
0x1c: {  	s26 =	simm.s32 $0x1B8E;
	s25 =	sld [smem:$0x3FFE];
	[sflag:s24] =	ssyncadd.s32 $0xFFFFFFFF  }
0x1d: {  	s27 =	simm.s32 $execute0_lowered;
	[smem:$0x3FD2] =	sst s26  }
0x1e: {  	s5 =	sshll.u32 s27, $0x1;
	_ =	strace $0x80000049;
	[dreg:$0x1] =	wrdreg $0xFFFFFFFF  }
0x1f: {  	s28 =	simm.s32 $_size_execute0_lowered;
	s3 =	sadd.s32 s3, s5;
	[dreg:$0x0] =	wrdreg $0x0  }
0x20: {  	s5 =	sshll.u32 s28, $0x1;
	[dreg:$0x2] =	wrdreg s3  }
0x21: {  	[dreg:$0x3] =	wrdreg s5  }
0x22: {  	[dreg:$0x4] =	wrdreg $0xC0  }
0x23: {  	_ =	task [dreg:s7], $0x5FFFF  }
0x24: {  	[dreg:$0x1] =	wrdreg $0xFFFFFFFF  }
0x25: {  	[dreg:$0x0] =	wrdreg $0x60  }
0x26: {  	[dreg:$0x2] =	wrdreg s25  }
0x27: {  	[dreg:$0x3] =	wrdreg s2  }
0x28: {  	[dreg:$0x4] =	wrdreg $0x9  }
0x29: {  	_ =	task.clear_ibuf [dreg:s7], $0x5FFFF;
	_ =	strace $0x90000049  }
0x2a: {  	s29 =	simm.s32 $0x9;
	_ =	strace $0x8000004B  }
0x2b: {  	_ =	swait.ge [sflag:s29], $0x1  }
0x2c: {  	[sflag:s29] =	ssyncadd.s32 $0xFFFFFFFF  }
0x2d: {  	_ =	strace $0x9000004B  }
0x2e: {  	_ =	sfence  }
0x2f: {  	s30 =	sld [smem:$0x0];
	_ =	sdelay $0x2  }
0x30: {  	s31 =	sshll.u32 s1, $0xD;
	s1 =	sshrl.u32 s1, $0x2  }
0x31: {  	s3 =	sand.u32 $0x4000, s31;
	s1 =	sadd.s32 s1, s30  }
0x32: {  	s0 =	sor.u32 s3, s0;
	s1 =	sshll.u32 s1, $0x11  }
0x33: {  	s0 =	sor.u32 s1, s0  }
0x34: {  	s0 =	sadd.s32 $0x8F2B, s0  }
0x35: {  	[sflag:s0] =	ssyncadd.remote.s32 $0x1  }
0x36: {  	_ =	sfence.sel $0xFFFF  }
0x37: {  	[dreg:$0x0] =	wrdreg $0xFFFFFFFF;
	(pc) =	sbr.abs _section_cstart, $3  }
0x38: {  	[dreg:$0x1] =	wrdreg $0xFFFFFFFF  }
0x39: {  	_ =	task.clear_ibuf [dreg:s7], $0x2FFFF;
	_ =	strace $0x9FFFFFFF  }
0x3a: {  	(tm) =	ssettm $0x7FFFFFFF  }
0x3b: {  	_ =	shalt  }
tec
execute0_lowered:
.L_overlay_start_1:
0x0: {  	(tag) =	ssettag $0x1  }
0x1: {  	s0 =	stileid.u32  }
0x2: {  	s2 =	srdreg.scid;
	s1 =	sshll.u32 s0, $0x7  }
0x3: {  	s7 =	rddreg [dreg:$0x0];
	s8 =	simm.s32 $0x2;
	s3 =	ssub.s32 $0x800, s1  }
0x4: {  	s16 =	simm.s32 $0x0;
	s2 =	sand.u32 $0x1, s2;
	s4 =	sand.u32 $0x780, s3  }
0x5: {  	s5 =	ssub.s32 $0x64, s2;
	p0 =	sne.s32 s4, $0x0;
	s4 =	simm.s32 $0x1  }
0x6: {  	s3 =	sshrl.u32 s3, $0xB;
	s6 =	sshrl.u32 s5, $0x1;
	s4 =	simm.s32 @!p0 $0x0  }
0x7: {  	s9 =	simm.s32 $0x1800;
	s5 =	ssub.s32 s5, s6;
	s3 =	sadd.s32 s4, s3  }
0x8: {  	s10 =	simm.s32 $0x0;
	s15 =	simm.s32 $0x0;
	s6 =	smul.u32 s3, s5  }
.Ltmp0:
0x9: {  	s17 =	simm.s32 $0x0;
	s4 =	rddreg [dreg:$0x1];
	(pc) =	sbr.rel .LBB1_1-.Ltmp0, $4  }
0xa: {  	s11 =	simm.s32 $0x0;
	s14 =	simm.s32 $0x0;
	s3 =	rddreg [dreg:$0x2]  }
0xb: {  	_ =	strace $0x8000004A;
	s5 =	simm.s32 $0x1;
	s6 =	smul.u32 $0x6, s6  }
0xc: {  	s7 =	sadd.s32 $0x2E00, s7;
	s12 =	smov.u32 s2;
	[sflag:s5] =	ssyncpa.u1 $0x0  }
0xd: {  	s13 =	smov.u32 s1;
	[sflag:s8] =	ssyncpa.u1 $0x0;
	s8 =	sor.u32 $0x1, s6  }
.LBB1_4:
0xe: {  	_ =	sdelay $0x2  }
0xf: {  	s21 =	sshrl.u32 s17, $0x3  }
0x10: {  	[tilespmem:v0+s20+$0xFFFFFFD0 ss:$0x1] =	vst.idx.msk $0xffff, v7;
	s22 =	sshll.u32 s16, $0x3;
	s21 =	smul.u32 $0x1800, s21  }
0x11: {  	v56 =	vld.idx.msk [tilespmem:v1+s19+$0x0 ss:$0x1], $0xffff;
	[tilespmem:v0+s20+$0xFFFFFFE0 ss:$0x1] =	vst.idx.msk $0xffff, v5;
	s27 =	sshll.u32 s17, $0x7;
	s22 =	sand.u32 $0xFFFFFC00, s22  }
0x12: {  	v57 =	vld.idx.msk [tilespmem:v1+s19+$0xFFFFFF90 ss:$0x1], $0xffff;
	[tilespmem:v0+s20+$0xFFFFFFF0 ss:$0x1] =	vst.idx.msk $0xffff, v4;
	s17 =	sand.u32 $0x380, s27;
	s21 =	sadd.s32 s21, s22  }
0x13: {  	v58 =	vld.idx.msk [tilespmem:v1+s19+$0xFFFFFFA0 ss:$0x1], $0xffff;
	[tilespmem:v0+s20+$0x0 ss:$0x1] =	vst.idx.msk $0xffff, v2;
	s28 =	sand.u32 $0x7F, s16;
	s17 =	sor.u32 s17, s21  }
0x14: {  	v59 =	vld.idx.msk [tilespmem:v1+s19+$0xFFFFFFB0 ss:$0x1], $0xffff;
	[tilespmem:v0+s20+$0x10 ss:$0x1] =	vst.idx.msk $0xffff, v3;
	s16 =	sor.u32 s28, s17  }
0x15: {  	v60 =	vld.idx.msk [tilespmem:v1+s19+$0xFFFFFFC0 ss:$0x1], $0xffff;
	[tilespmem:v0+s20+$0x20 ss:$0x1] =	vst.idx.msk $0xffff, v6;
	s29 =	smulhi.u32 $0xAAAAAAAB, s16  }
0x16: {  	v61 =	vld.idx.msk [tilespmem:v1+s19+$0xFFFFFFD0 ss:$0x1], $0xffff;
	[tilespmem:v0+s19+$0x30 ss:$0x1] =	vst.idx.msk $0xffff, v56;
	s17 =	smulhi.u32 $0xAAAAAAAB, s17  }
0x17: {  	v62 =	vld.idx.msk [tilespmem:v1+s19+$0xFFFFFFE0 ss:$0x1], $0xffff;
	[tilespmem:v0+s19+$0xFFFFFFC0 ss:$0x1] =	vst.idx.msk $0xffff, v57;
	s20 =	sshrl.u32 s29, $0x9  }
0x18: {  	v63 =	vld.idx.msk [tilespmem:v1+s19+$0xFFFFFFF0 ss:$0x1], $0xffff;
	[tilespmem:v0+s19+$0xFFFFFFD0 ss:$0x1] =	vst.idx.msk $0xffff, v58;
	s17 =	sshrl.u32 s17, $0x9;
	s20 =	smul.u32 $0x300, s20  }
0x19: {  	s15 =	smul.u32 $0x30000, s15;
	[tilespmem:v0+s19+$0xFFFFFFE0 ss:$0x1] =	vst.idx.msk $0xffff, v59;
	s17 =	sand.u32 $0x7FF, s17  }
0x1a: {  	[tilespmem:v0+s19+$0xFFFFFFF0 ss:$0x1] =	vst.idx.msk $0xffff, v60;
	s17 =	smul.u32 $0x60, s17;
	s16 =	ssub.s32 s16, s20  }
0x1b: {  	s15 =	sadd.s32 s4, s15;
	[tilespmem:v0+s19+$0x0 ss:$0x1] =	vst.idx.msk $0xffff, v61;
	s20 =	sand.u32 $0x7, s16  }
0x1c: {  	[tilespmem:v0+s19+$0x10 ss:$0x1] =	vst.idx.msk $0xffff, v62;
	s15 =	sadd.s32 s17, s15;
	s16 =	sshrl.u32 s16, $0x3;
	s30 =	sshll.u32 s20, $0x12  }
0x1d: {  	[tilespmem:v0+s19+$0x20 ss:$0x1] =	vst.idx.msk $0xffff, v63;
	s15 =	sadd.s32 s16, s15;
	s31 =	sor.u32 $0x400, s30  }
0x1e: {  	[hbm4b:s15+s31] =	stream.strided.scatter [tilespmem:s18], [sflag:$0x2], $0x4000, s9, s31, $0x38;
	[tilespmem:$0x10000] =	vst v63  }
.LBB1_5:
0x1f: {  	s18 =	sadd.s32 $0x80, s11  }
0x20: {  	s15 =	sadd.s32 $0x2, s12;
	s19 =	smov.u32 s12;
	p1 =	sgt.s32 s18, $0x2FF  }
0x21: {  	s19 =	smov.u32 @p1 s15  }
0x22: {  	s21 =	smov.u32 s13;
	s15 =	sadd.s32 $0x800, s13;
	p2 =	sgt.s32 s19, $0x63  }
0x23: {  	s21 =	smov.u32 @p2 s15  }
0x24: {  	s18 =	simm.s32 @p1 $0x0;
	p1 =	sgt.s32 s21, $0x7FF  }
0x25: {  	p0 =	slt.u32 s14, $0x2;
	s21 =	smov.u32 @p1 s1;
	p1 =	sne.s32 s14, s8  }
.Ltmp1:
0x26: {  	s20 =	simm.s32 @!p0 $0x2;
	(pc) =	sbr.rel @!p1 .LBB1_6-.Ltmp1, $4  }
0x27: {  	s16 =	smov.u32 s11;
	s17 =	smov.u32 s13;
	_ =	swait.ge @!p0 [sflag:s20], $0x4000  }
0x28: {  	s10 =	sadd.s32 $0x4000, s10;
	[sflag:s20] =	ssyncset.done @!p0 $0x0;
	s11 =	smov.u32 s18  }
0x29: {  	s19 =	smov.u32 @p2 s2;
	s15 =	smov.u32 s12;
	[sflag:s20] =	ssyncadd.s32 @!p0 $0xFFFFC000  }
0x2a: {  	s12 =	smov.u32 s19;
	s14 =	sadd.s32 $0x1, s14;
	s13 =	smov.u32 s21  }
.LBB1_1:
0x2b: {  	p0 =	sge.u32 s14, s6  }
0x2c: {  	s18 =	sshrl.u32 @!p0 s12, $0x3  }
0x2d: {  	s19 =	sshll.u32 @!p0 s11, $0x3;
	s18 =	smul.u32 @!p0 $0x1800, s18  }
0x2e: {  	s20 =	sshll.u32 @!p0 s12, $0x7;
	s19 =	sand.u32 @!p0 $0xFFFFFC00, s19  }
0x2f: {  	s18 =	sadd.s32 @!p0 s18, s19;
	s19 =	sand.u32 @!p0 $0x380, s20  }
0x30: {  	s18 =	sor.u32 @!p0 s19, s18  }
0x31: {  	s19 =	sand.u32 @!p0 $0x7F, s11;
	s20 =	smulhi.u32 @!p0 $0xAAAAAAAB, s18  }
0x32: {  	s18 =	sor.u32 @!p0 s19, s18  }
0x33: {  	s19 =	smulhi.u32 @!p0 $0xAAAAAAAB, s18;
	s20 =	sshrl.u32 @!p0 s20, $0x9  }
0x34: {  	s21 =	smulhi.u32 @!p0 $0x2762763, s20;
	_ =	sdelay $0x1  }
0x35: {  	s19 =	sshrl.u32 @!p0 s19, $0x9;
	s21 =	smul.u32 @!p0 $0x68, s21  }
0x36: {  	s31 =	sadd.s32 $0xFFFFFFFF, s14;
	s19 =	smul.u32 @!p0 $0x300, s19  }
0x37: {  	s22 =	sxor.u32 @!p0 $0xFFFFFFFF, s14;
	s20 =	ssub.s32 @!p0 s20, s21;
	s21 =	smul.u32 @!p0 $0x2700, s13  }
0x38: {  	s22 =	sshll.u32 @!p0 s22, $0xE;
	s18 =	ssub.s32 @!p0 s18, s19;
	s19 =	smul.u32 @!p0 $0x60, s20  }
0x39: {  	s20 =	sand.u32 @!p0 $0x4000, s22;
	s22 =	sand.u32 @!p0 $0x7, s18;
	s21 =	sadd.s32 @!p0 s7, s21  }
0x3a: {  	s18 =	sshrl.u32 @!p0 s18, $0x3;
	s19 =	sadd.s32 @!p0 s19, s21;
	s21 =	sshll.u32 @!p0 s22, $0x12  }
0x3b: {  	s18 =	sadd.s32 @!p0 s18, s19;
	s19 =	sor.u32 @!p0 $0x80, s21;
	s21 =	simm.s32 @!p0 $0x13800  }
0x3c: {  	[tilespmem:s20], [sflag:$0x1] =	stream.strided.gather @!p0 [hbm4b:s18+s19], $0x4000, s21, s19, $0x38;
	[tilespmem:$0x10000] =	vst v63  }
0x3d: {  	p0 =	sge.u32 s31, s6  }
.Ltmp2:
0x3e: {  	_ = 	snop;
	(pc) =	sbr.rel @p0 .LBB1_5-.Ltmp2, $1  }
0x3f: {  	_ =	sdelay $0x3  }
0x40: {  	s18 =	sand.u32 $0x4000, s10  }
0x41: {  	s19 =	sor.u32 $0x70, s18  }
0x42: {  	v1 =	vmov s19;
	_ =	sdelay $0x1  }
0x43: {  	_ =	swait.ge [sflag:s5], $0x4000  }
0x44: {  	[sflag:s5] =	ssyncset.done $0x0  }
0x45: {  	s20 =	simm.s32 $0x0;
	[sflag:s5] =	ssyncadd.s32 $0xFFFFC000  }
0x46: {  	s18 =	sor.u32 $0x8040, s18;
	v6 =	vld.idx.msk [tilespmem:v1+s20+$0x0 ss:$0x1], $0xffff  }
0x47: {  	v0 =	vmov s18;
	v8 =	vld.idx.msk [tilespmem:v1+s20+$0xFFFFFF90 ss:$0x1], $0xffff  }
0x48: {  	v7 =	vld.idx.msk [tilespmem:v1+s20+$0xFFFFFFA0 ss:$0x1], $0xffff  }
0x49: {  	v5 =	vld.idx.msk [tilespmem:v1+s20+$0xFFFFFFB0 ss:$0x1], $0xffff  }
0x4a: {  	v4 =	vld.idx.msk [tilespmem:v1+s20+$0xFFFFFFC0 ss:$0x1], $0xffff  }
0x4b: {  	s31 =	sshll.u32 s14, $0xE;
	v2 =	vld.idx.msk [tilespmem:v1+s20+$0xFFFFFFD0 ss:$0x1], $0xffff  }
0x4c: {  	s18 =	sand.u32 $0x4000, s31;
	v3 =	vld.idx.msk [tilespmem:v1+s20+$0xFFFFFFE0 ss:$0x1], $0xffff;
	[tilespmem:v0+s20+$0x30 ss:$0x1] =	vst.idx.msk $0xffff, v6  }
0x4d: {  	s21 =	simm.s32 $0x400;
	s19 =	simm.s32 $0x80;
	s18 =	sor.u32 $0x8000, s18;
	[tilespmem:v0+s20+$0xFFFFFFC0 ss:$0x1] =	vst.idx.msk $0xffff, v8;
	v6 =	vld.idx.msk [tilespmem:v1+s20+$0xFFFFFFF0 ss:$0x1], $0xffff  }
.LBB1_3:
0x4e: {  	p0 =	sne.s32 s21, $0xFE00;
	v8 =	vld.idx.msk [tilespmem:v1+s19+$0x0 ss:$0x1], $0xffff;
	[tilespmem:v0+s20+$0xFFFFFFD0 ss:$0x1] =	vst.idx.msk $0xffff, v7  }
0x4f: {  	v9 =	vld.idx.msk [tilespmem:v1+s19+$0xFFFFFF90 ss:$0x1], $0xffff;
	[tilespmem:v0+s20+$0xFFFFFFE0 ss:$0x1] =	vst.idx.msk $0xffff, v5  }
0x50: {  	v7 =	vld.idx.msk [tilespmem:v1+s19+$0xFFFFFFA0 ss:$0x1], $0xffff;
	[tilespmem:v0+s20+$0xFFFFFFF0 ss:$0x1] =	vst.idx.msk $0xffff, v4  }
.Ltmp3:
0x51: {  	v5 =	vld.idx.msk [tilespmem:v1+s19+$0xFFFFFFB0 ss:$0x1], $0xffff;
	[tilespmem:v0+s20+$0x0 ss:$0x1] =	vst.idx.msk $0xffff, v2;
	(pc) =	sbr.rel @p0 .LBB1_3-.Ltmp3, $4  }
0x52: {  	v4 =	vld.idx.msk [tilespmem:v1+s19+$0xFFFFFFC0 ss:$0x1], $0xffff;
	[tilespmem:v0+s20+$0x10 ss:$0x1] =	vst.idx.msk $0xffff, v3  }
0x53: {  	v2 =	vld.idx.msk [tilespmem:v1+s19+$0xFFFFFFD0 ss:$0x1], $0xffff;
	[tilespmem:v0+s20+$0x20 ss:$0x1] =	vst.idx.msk $0xffff, v6;
	s20 =	smov.u32 s19  }
0x54: {  	v3 =	vld.idx.msk [tilespmem:v1+s20+$0xFFFFFFE0 ss:$0x1], $0xffff;
	[tilespmem:v0+s20+$0x30 ss:$0x1] =	vst.idx.msk $0xffff, v8  }
0x55: {  	s19 =	sshra.s32 s21, $0x2;
	s21 =	sadd.s32 $0x200, s21;
	[tilespmem:v0+s20+$0xFFFFFFC0 ss:$0x1] =	vst.idx.msk $0xffff, v9;
	v6 =	vld.idx.msk [tilespmem:v1+s20+$0xFFFFFFF0 ss:$0x1], $0xffff  }
.Ltmp4:
0x56: {  	_ = 	snop;
	(pc) =	sbr.rel .LBB1_4-.Ltmp4, $1  }
0x57: {  	_ =	sdelay $0x3  }
.LBB1_6:
0x58: {  	_ =	sfence.sel $0x180000  }
0x59: {  	s1 =	simm.s32 $0x1;
	[bflag:$0x0] =	sbarrier.arrive $0xFFFF  }
0x5a: {  	s31 =	simm.s32 $0x2;
	[sflag:s1] =	ssyncpa.u1 $0x1  }
0x5b: {  	[sflag:s31] =	ssyncpa.u1 $0x1  }
0x5c: {  	p0 =	sne.s32 s0, $0x0;
	_ =	strace $0x9000004A  }
0x5d: {  	s0 =	sadd.s32 @!p0 $0x100000, s3;
	[bflag:$0x2] =	sbarrier.arrive $0xFFFF  }
0x5e: {  	[sflag:s0] =	ssyncadd.tile.s32 @!p0 $0x1;
	_ =	shalt  }
.Lfunc_end1:
_tile_overlayer_lowered:
.L_overlay_start_2:
0x5f: {  	(tag) =	ssettag $0x2  }
0x60: {  	s0 =	rddreg [dreg:$0x0];
	s2 =	stileid.u32  }
0x61: {  	s1 =	rddreg [dreg:$0x1];
	p0 =	sne.s32 s2, $0x0  }
0x62: {  	s3 =	rddreg [dreg:$0x2];
	[bflag:$0x3] =	sbarrier.arrive $0xFFFF;
	s2 =	simm.s32 @!p0 $0x1C01  }
0x63: {  	[timem:s3], [sflag:s2] =	dma.local @!p0 [hbm:s0], s1  }
0x64: {  	s0 =	simm.s32 @!p0 $0x1  }
0x65: {  	_ =	swait.ge @!p0 [sflag:s0], s1  }
0x66: {  	s1 =	ssub.s32 @!p0 $0x0, s1;
	[sflag:s0] =	ssyncset.done @!p0 $0x0  }
0x67: {  	[sflag:s0] =	ssyncadd.s32 @!p0 s1  }
0x68: {  	[bflag:$0x3] =	sbarrier.arrive $0xFFFF  }
0x69: {  	_ =	shalt  }

</sc_bundles>
